<compile_context>
chip_gen: v7x
topology: tpu7x:2x2x1
jax: 0.10.2.dev20260603
libtpu: 0.0.44.dev20260713+nightly
codegen_flags: <defaults>
</compile_context>

<pallas_src>
import functools

import jax
import jax.numpy as jnp
from jax import lax
from jax.experimental import pallas as pl
from jax.experimental.pallas import tpu as pltpu
from jax.experimental.pallas import tpu_sc as plsc

_N = 10000
_E = 320000
_D = 128
_G = 32
_NCONV = 3
_CUTOFF = 5.0
_LN2 = 0.6931471805599453

_NC = 2
_NS = 16
_NW = _NC * _NS
_EPW = _E // _NW
_CH = 80
_NCH = _EPW // _CH
_RPS = _N // _NS
_ZR = 25
_LANES = 16

_BE = 6400
_NEB = _E // _BE
_BN = 1000
_NNB = _N // _BN

_PERM = tuple(
    (p // 32) * 16 + (p % 32) // 2 + 64 * (p % 2) for p in range(128))
_sc_params = pltpu.CompilerParams(needs_layout_passes=False,
                                  use_tc_tiling_on_sc=False)


@functools.cache
def _sc_mesh():
    return plsc.VectorSubcoreMesh(core_axis_name="c", subcore_axis_name="s",
                                  num_cores=_NC, num_subcores=_NS)


def _d2_body(xyz_hbm, a0_hbm, a1_hbm, d2_hbm, xyz_v, a0_v, a1_v, d2_v):
    c = lax.axis_index("c")
    s = lax.axis_index("s")
    w = s * _NC + c
    base = w * _EPW
    pltpu.sync_copy(xyz_hbm, xyz_v)
    pltpu.sync_copy(a0_hbm.at[pl.ds(base, _EPW)], a0_v)
    pltpu.sync_copy(a1_hbm.at[pl.ds(base, _EPW)], a1_v)

    def body(i, carry):
        sl = pl.ds(i * _LANES, _LANES)
        i0 = a0_v[sl] * 3
        i1 = a1_v[sl] * 3
        acc = jnp.zeros((_LANES,), jnp.float32)
        for comp in range(3):
            x0 = plsc.load_gather(xyz_v, [i0 + comp])
            x1 = plsc.load_gather(xyz_v, [i1 + comp])
            dx = x0 - x1
            acc = acc + dx * dx
        d2_v[sl] = acc
        return carry

    lax.fori_loop(0, _EPW // _LANES, body, 0)
    pltpu.sync_copy(d2_v, d2_hbm.at[pl.ds(base, _EPW)])


@functools.cache
def _d2_call():
    return pl.kernel(
        _d2_body,
        out_type=jax.ShapeDtypeStruct((_E,), jnp.float32),
        mesh=_sc_mesh(),
        scratch_types=[
            pltpu.VMEM((_N * 3,), jnp.float32),
            pltpu.VMEM((_EPW,), jnp.int32),
            pltpu.VMEM((_EPW,), jnp.int32),
            pltpu.VMEM((_EPW,), jnp.float32),
        ],
        compiler_params=_sc_params,
    )


def _scat_body(m_hbm, filt_hbm, a0_hbm, a1_hbm, out_hbm,
               agg_sp, a0_v, a1_v, grow0, grow1, fil0, fil1, prod0, prod1,
               sg0, sg1, sf0, sf1, ss0, ss1):
    c = lax.axis_index("c")
    s = lax.axis_index("s")
    w = s * _NC + c
    grows = (grow0, grow1)
    fils = (fil0, fil1)
    prods = (prod0, prod1)
    sgs = (sg0, sg1)
    sfs = (sf0, sf1)
    sss = (ss0, ss1)

    def zrow(j, carry):
        for k in range(_D // 32):
            prod0[j, pl.ds(k * 32, 32)] = jnp.zeros((32,), jnp.bfloat16)
        return carry

    lax.fori_loop(0, _ZR, zrow, 0)

    def zcopy(t, carry):
        pltpu.sync_copy(prod0.at[pl.ds(0, _ZR)],
                        agg_sp.at[pl.ds(s * _RPS + t * _ZR, _ZR)])
        return carry

    lax.fori_loop(0, _RPS // _ZR, zcopy, 0)

    pltpu.sync_copy(a0_hbm.at[pl.ds(w * _NCH, _NCH)], a0_v)
    pltpu.sync_copy(a1_hbm.at[pl.ds(w * _NCH, _NCH)], a1_v)
    plsc.subcore_barrier()

    def issue_gather(g, b):
        pltpu.async_copy(m_hbm.at[a1_v.at[g]], grows[b], sgs[b])

    half = s // (_NS // 2)
    rbase = w * _EPW - (_E // 2) * half

    def issue_filt(g, b):
        rows = pl.ds(rbase + g * _CH, _CH)

        @pl.when(half == 0)
        def _():
            pltpu.async_copy(filt_hbm.at[rows, pl.ds(0, 64)], fils[b], sfs[b])

        @pl.when(half == 1)
        def _():
            pltpu.async_copy(filt_hbm.at[rows, pl.ds(64, 64)], fils[b], sfs[b])

    for b in range(2):
        issue_gather(b, b)
        issue_filt(b, b)

    def pair(p, carry):
        for b in range(2):
            g = 2 * p + b
            pltpu.make_async_copy(m_hbm.at[a1_v.at[g]], grows[b], sgs[b]).wait()
            pltpu.make_async_copy(
                filt_hbm.at[pl.ds(rbase + g * _CH, _CH), pl.ds(0, 64)],
                fils[b], sfs[b]).wait()

            @pl.when(g >= 2)
            def _():
                pltpu.make_async_copy(
                    prods[b], agg_sp.at[a0_v.at[g - 2]], sss[b]).wait()

            @plsc.parallel_loop(0, _CH, 1, unroll=4)
            def mrow(j):
                for k in range(_D // 32):
                    sl = pl.ds(k * _LANES, _LANES)
                    gv = plsc.bitcast(grows[b][j, sl], jnp.bfloat16)
                    fv = plsc.bitcast(fils[b][j, sl], jnp.bfloat16)
                    prods[b][j, pl.ds(k * 32, 32)] = gv * fv

            @pl.when(g + 2 < _NCH)
            def _():
                issue_gather(g + 2, b)
                issue_filt(g + 2, b)

            pltpu.async_copy(prods[b], agg_sp.at[a0_v.at[g]], sss[b],
                             add=True)
        return carry

    lax.fori_loop(0, _NCH // 2, pair, 0)

    gt = _NCH - 1
    pltpu.make_async_copy(m_hbm.at[a1_v.at[gt]], grows[0], sgs[0]).wait()
    pltpu.make_async_copy(
        filt_hbm.at[pl.ds(rbase + gt * _CH, _CH), pl.ds(0, 64)],
        fils[0], sfs[0]).wait()
    pltpu.make_async_copy(prods[0], agg_sp.at[a0_v.at[gt - 2]], sss[0]).wait()

    @plsc.parallel_loop(0, _CH, 1, unroll=4)
    def mrow_tail(j):
        for k in range(_D // 32):
            sl = pl.ds(k * _LANES, _LANES)
            gv = plsc.bitcast(grows[0][j, sl], jnp.bfloat16)
            fv = plsc.bitcast(fils[0][j, sl], jnp.bfloat16)
            prods[0][j, pl.ds(k * 32, 32)] = gv * fv

    pltpu.async_copy(prods[0], agg_sp.at[a0_v.at[gt]], sss[0], add=True)
    pltpu.make_async_copy(prods[1], agg_sp.at[a0_v.at[gt - 1]], sss[1]).wait()
    pltpu.make_async_copy(prods[0], agg_sp.at[a0_v.at[gt]], sss[0]).wait()
    plsc.subcore_barrier()

    def drain(t, carry):
        ro = s * _RPS + t * _ZR
        pltpu.sync_copy(agg_sp.at[pl.ds(ro, _ZR)], prod0.at[pl.ds(0, _ZR)])
        pltpu.sync_copy(prod0.at[pl.ds(0, _ZR)], out_hbm.at[c, pl.ds(ro, _ZR)])
        return carry

    lax.fori_loop(0, _RPS // _ZR, drain, 0)


@functools.cache
def _scatter_call():
    return pl.kernel(
        _scat_body,
        out_type=jax.ShapeDtypeStruct((_NC, _N, _D), jnp.bfloat16),
        mesh=_sc_mesh(),
        scratch_types=[
            pltpu.VMEM_SHARED((_N, _D), jnp.bfloat16),
            pltpu.VMEM((_NCH, _CH), jnp.int32),
            pltpu.VMEM((_NCH, _CH), jnp.int32),
            pltpu.VMEM((_CH, _D // 2), jnp.uint32),
            pltpu.VMEM((_CH, _D // 2), jnp.uint32),
            pltpu.VMEM((_CH, _D // 2), jnp.uint32),
            pltpu.VMEM((_CH, _D // 2), jnp.uint32),
            pltpu.VMEM((_CH, _D), jnp.bfloat16),
            pltpu.VMEM((_CH, _D), jnp.bfloat16),
            pltpu.SemaphoreType.DMA,
            pltpu.SemaphoreType.DMA,
            pltpu.SemaphoreType.DMA,
            pltpu.SemaphoreType.DMA,
            pltpu.SemaphoreType.DMA,
            pltpu.SemaphoreType.DMA,
        ],
        compiler_params=_sc_params,
    )


def _pack_bf16_pairs(f):
    lo = jax.lax.bitcast_convert_type(
        f[:, :64].astype(jnp.bfloat16), jnp.uint16).astype(jnp.uint32)
    hi = jax.lax.bitcast_convert_type(
        f[:, 64:].astype(jnp.bfloat16), jnp.uint16).astype(jnp.uint32)
    return lo | (hi << 16)


def _filt_half(d2_blk, wf1_ref, bf1_ref, wf2_ref, bf2_ref):
    width = _CUTOFF / (_G - 1)
    offs = lax.broadcasted_iota(jnp.int32, (1, _G), 1).astype(jnp.float32) * width
    inv_w = 1.0 / width
    d = jnp.sqrt(d2_blk + 1e-12)[:, None]
    x = (d - offs) * inv_w
    gauss = jnp.exp(-0.5 * x * x)
    h = jnp.dot(gauss, wf1_ref[...], preferred_element_type=jnp.float32)
    h = h + bf1_ref[0, :][None, :]
    h = jnp.log(jnp.exp(h) + 1.0) - _LN2
    f = (jnp.dot(h, wf2_ref[...], preferred_element_type=jnp.float32)
         + bf2_ref[0, :][None, :])
    return _pack_bf16_pairs(f)


def _filt_body(d2a_ref, d2b_ref, wf1_ref, bf1_ref, wf2_ref, bf2_ref, out_ref):
    pa = _filt_half(d2a_ref[0, 0, :], wf1_ref, bf1_ref, wf2_ref, bf2_ref)
    pb = _filt_half(d2b_ref[0, 0, :], wf1_ref, bf1_ref, wf2_ref, bf2_ref)
    out_ref[...] = jnp.concatenate([pa, pb], axis=1)


_filt_call = pl.pallas_call(
    _filt_body,
    grid=(_NEB,),
    in_specs=[
        pl.BlockSpec((1, 1, _BE // 2), lambda e: (e, 0, 0)),
        pl.BlockSpec((1, 1, _BE // 2), lambda e: (e + _NEB, 0, 0)),
        pl.BlockSpec((_G, _D), lambda e: (0, 0)),
        pl.BlockSpec((1, _D), lambda e: (0, 0)),
        pl.BlockSpec((_D, _D), lambda e: (0, 0)),
        pl.BlockSpec((1, _D), lambda e: (0, 0)),
    ],
    out_specs=pl.BlockSpec((_BE // 2, _D), lambda e: (e, 0)),
    out_shape=jax.ShapeDtypeStruct((_E // 2, _D), jnp.uint32),
)


def _embed_body(z_ref, tab_ref, wm_ref, bm_ref, r_ref, m_ref):
    z = z_ref[0, 0, :]
    oh = (z[:, None] == lax.broadcasted_iota(jnp.int32, (1, 128), 1)
          ).astype(jnp.float32)
    r = jnp.dot(oh, tab_ref[...], preferred_element_type=jnp.float32)
    r_ref[...] = r
    m_ref[...] = _pack_bf16_pairs(
        jnp.dot(r, wm_ref[...], preferred_element_type=jnp.float32)
        + bm_ref[0, :][None, :])


_embed_call = pl.pallas_call(
    _embed_body,
    grid=(_NNB,),
    in_specs=[
        pl.BlockSpec((1, 1, _BN), lambda i: (i, 0, 0)),
        pl.BlockSpec((128, _D), lambda i: (0, 0)),
        pl.BlockSpec((_D, _D), lambda i: (0, 0)),
        pl.BlockSpec((1, _D), lambda i: (0, 0)),
    ],
    out_specs=[
        pl.BlockSpec((_BN, _D), lambda i: (i, 0)),
        pl.BlockSpec((_BN, _D // 2), lambda i: (i, 0)),
    ],
    out_shape=[
        jax.ShapeDtypeStruct((_N, _D), jnp.float32),
        jax.ShapeDtypeStruct((_N, _D // 2), jnp.uint32),
    ],
)


def _upd_core(r_ref, p_ref, wu_ref, bu_ref):
    agg = (p_ref[0].astype(jnp.float32) + p_ref[1].astype(jnp.float32))
    h = jax.nn.softplus(agg) - _LN2
    return (r_ref[...] + jnp.dot(h, wu_ref[...], preferred_element_type=jnp.float32)
            + bu_ref[0, :][None, :])


def _updmsg_body(r_ref, p_ref, wu_ref, bu_ref, wm_ref, bm_ref, rout_ref, mout_ref):
    rn = _upd_core(r_ref, p_ref, wu_ref, bu_ref)
    rout_ref[...] = rn
    mout_ref[...] = _pack_bf16_pairs(
        jnp.dot(rn, wm_ref[...], preferred_element_type=jnp.float32)
        + bm_ref[0, :][None, :])


def _upd_body(r_ref, p_ref, wu_ref, bu_ref, rout_ref):
    rout_ref[...] = _upd_core(r_ref, p_ref, wu_ref, bu_ref)


_updmsg_call = pl.pallas_call(
    _updmsg_body,
    grid=(_NNB,),
    in_specs=[
        pl.BlockSpec((_BN, _D), lambda i: (i, 0)),
        pl.BlockSpec((_NC, _BN, _D), lambda i: (0, i, 0)),
        pl.BlockSpec((_D, _D), lambda i: (0, 0)),
        pl.BlockSpec((1, _D), lambda i: (0, 0)),
        pl.BlockSpec((_D, _D), lambda i: (0, 0)),
        pl.BlockSpec((1, _D), lambda i: (0, 0)),
    ],
    out_specs=[
        pl.BlockSpec((_BN, _D), lambda i: (i, 0)),
        pl.BlockSpec((_BN, _D // 2), lambda i: (i, 0)),
    ],
    out_shape=[
        jax.ShapeDtypeStruct((_N, _D), jnp.float32),
        jax.ShapeDtypeStruct((_N, _D // 2), jnp.uint32),
    ],
)

_upd_call = pl.pallas_call(
    _upd_body,
    grid=(_NNB,),
    in_specs=[
        pl.BlockSpec((_BN, _D), lambda i: (i, 0)),
        pl.BlockSpec((_NC, _BN, _D), lambda i: (0, i, 0)),
        pl.BlockSpec((_D, _D), lambda i: (0, 0)),
        pl.BlockSpec((1, _D), lambda i: (0, 0)),
    ],
    out_specs=pl.BlockSpec((_BN, _D), lambda i: (i, 0)),
    out_shape=jax.ShapeDtypeStruct((_N, _D), jnp.float32),
)


def _readout_body(r_ref, bw_ref, wm1_ref, bm1_ref, wm2_ref, bm2_ref,
                  wr1_ref, br1_ref, wr2_ref, br2_ref, out_ref):
    ci = lax.broadcasted_iota(jnp.int32, (25 * _D, _D), 0)
    di = lax.broadcasted_iota(jnp.int32, (25 * _D, _D), 1)
    eye25 = (jnp.bitwise_and(ci, _D - 1) == di).astype(jnp.float32)
    conf = jnp.dot(r_ref[...], eye25, preferred_element_type=jnp.float32)
    h = jax.nn.softplus(
        jnp.dot(conf, wm1_ref[...], preferred_element_type=jnp.float32)
        + bm1_ref[0, :][None, :]) - _LN2
    mol = (jnp.dot(h, wm2_ref[...], preferred_element_type=jnp.float32)
           + bm2_ref[0, :][None, :])
    mi = lax.broadcasted_iota(jnp.int32, (40, 400), 0)
    ji = lax.broadcasted_iota(jnp.int32, (40, 400), 1)
    dd = ji - 10 * mi
    pool = jnp.where((dd >= 0) & (dd < 10), bw_ref[...], 0.0)
    pooled = jnp.dot(pool, mol, preferred_element_type=jnp.float32)
    h2 = jax.nn.softplus(
        jnp.dot(pooled, wr1_ref[...], preferred_element_type=jnp.float32)
        + br1_ref[0, :][None, :]) - _LN2
    logit = (jnp.dot(h2, wr2_ref[...], preferred_element_type=jnp.float32)
             + br2_ref[0, :][None, :])
    out_ref[...] = jax.nn.sigmoid(logit)


_readout_call = pl.pallas_call(
    _readout_body,
    out_shape=jax.ShapeDtypeStruct((40, 1), jnp.float32),
)


def kernel(z, xyz, nbr_list, boltzmannweights, atom_table, w_msg, b_msg,
           w_f1, b_f1, w_f2, b_f2, w_upd, b_upd, w_m1, b_m1, w_m2, b_m2,
           w_r1, b_r1, w_r2, b_r2):
    z = z.astype(jnp.int32)
    a0 = nbr_list[:, 0].astype(jnp.int32)
    a1 = nbr_list[:, 1].astype(jnp.int32)

    d2 = _d2_call()(xyz.reshape(-1), a0, a1)
    d2r = d2.reshape(2 * _NEB, 1, _BE // 2)
    filts = [_filt_call(d2r, d2r, w_f1[i], b_f1[i].reshape(1, _D), w_f2[i],
                        b_f2[i].reshape(1, _D)) for i in range(_NCONV)]

    a0r = a0.reshape(_E // _CH, _CH)
    a1r = a1.reshape(_E // _CH, _CH)
    tab = jnp.pad(atom_table, ((0, 28), (0, 0)))
    r, m = _embed_call(z.reshape(_NNB, 1, _BN), tab, w_msg[0],
                       b_msg[0].reshape(1, _D))
    perm = jnp.asarray(_PERM)
    for i in range(_NCONV):
        parts = _scatter_call()(m, filts[i], a0r, a1r)
        wu = w_upd[i][perm, :]
        if i < _NCONV - 1:
            r, m = _updmsg_call(r, parts, wu, b_upd[i].reshape(1, _D),
                                w_msg[i + 1], b_msg[i + 1].reshape(1, _D))
        else:
            r = _upd_call(r, parts, wu, b_upd[i].reshape(1, _D))

    return _readout_call(r.reshape(400, 25 * _D), boltzmannweights.reshape(1, 400), w_m1,
                         b_m1.reshape(1, -1), w_m2, b_m2.reshape(1, -1),
                         w_r1, b_r1.reshape(1, -1), w_r2, b_r2.reshape(1, 1))

# --- scband reference (transcript-rebuilt; emitter-appended) ---
"""Pipeline reference for scband-weighted-conformers-16973710754126 (READ-ONLY COPY).

The authoritative reference and input builder live on the scoring server;
editing this copy changes nothing except your own understanding.
"""

import jax, jax.numpy as jnp
import numpy as np

N = 10000
E = 320000
D = 128
G = 32
NCONV = 3
MOL_SIZE = 25
NUM_CONFS = 10
NUM_MOLS = 40
MOLB = 256
HID = 192
CUTOFF = 5.0


def ssp(x):
    return jax.nn.softplus(x) - jnp.log(2.0)


def setup_inputs(seed: int = 0):
    key = jax.random.key(seed)
    ks = jax.random.split(key, 16)
    s = 0.05
    inp = {}
    inp["z"] = jax.random.randint(ks[0], (N,), 0, 100)
    inp["xyz"] = jax.random.uniform(ks[1], (N, 3), dtype=jnp.float32) * 10.0
    inp["nbr_list"] = jax.random.randint(ks[2], (E, 2), 0, N)
    inp["boltzmannweights"] = jax.random.uniform(ks[3], (NUM_MOLS * NUM_CONFS,), dtype=jnp.float32)
    inp["atom_table"] = jax.random.normal(ks[4], (100, D), dtype=jnp.float32) * s
    inp["w_msg"] = jax.random.normal(ks[5], (NCONV, D, D), dtype=jnp.float32) * s
    inp["b_msg"] = jnp.zeros((NCONV, D), dtype=jnp.float32)
    inp["w_f1"] = jax.random.normal(ks[6], (NCONV, G, D), dtype=jnp.float32) * s
    inp["b_f1"] = jnp.zeros((NCONV, D), dtype=jnp.float32)
    inp["w_f2"] = jax.random.normal(ks[7], (NCONV, D, D), dtype=jnp.float32) * s
    inp["b_f2"] = jnp.zeros((NCONV, D), dtype=jnp.float32)
    inp["w_upd"] = jax.random.normal(ks[8], (NCONV, D, D), dtype=jnp.float32) * s
    inp["b_upd"] = jnp.zeros((NCONV, D), dtype=jnp.float32)
    inp["w_m1"] = jax.random.normal(ks[9], (D, HID), dtype=jnp.float32) * s
    inp["b_m1"] = jnp.zeros((HID,), dtype=jnp.float32)
    inp["w_m2"] = jax.random.normal(ks[10], (HID, MOLB), dtype=jnp.float32) * s
    inp["b_m2"] = jnp.zeros((MOLB,), dtype=jnp.float32)
    inp["w_r1"] = jax.random.normal(ks[11], (MOLB, D), dtype=jnp.float32) * s
    inp["b_r1"] = jnp.zeros((D,), dtype=jnp.float32)
    inp["w_r2"] = jax.random.normal(ks[12], (D, 1), dtype=jnp.float32) * s
    inp["b_r2"] = jnp.zeros((1,), dtype=jnp.float32)
    return inp


def reference(z, xyz, nbr_list, boltzmannweights, atom_table, w_msg, b_msg, w_f1, b_f1, w_f2, b_f2, w_upd, b_upd, w_m1, b_m1, w_m2, b_m2, w_r1, b_r1, w_r2, b_r2):
    offs = jnp.linspace(0.0, CUTOFF, G)
    width = offs[1] - offs[0]
    a0 = nbr_list[:, 0]
    a1 = nbr_list[:, 1]
    # edge distances (convolve): e = |xyz[a0] - xyz[a1]|
    d = jnp.sqrt(jnp.sum((xyz[a0] - xyz[a1]) ** 2, axis=1) + 1e-12)[:, None]
    gauss = jnp.exp(-0.5 * ((d - offs[None, :]) / width) ** 2)
    # atom embedding
    r = jnp.take(atom_table, z, axis=0)
    # SchNet convolutions with residual: r = r + conv(r, e, a)
    for i in range(NCONV):
        filt = ssp(gauss @ w_f1[i] + b_f1[i]) @ w_f2[i] + b_f2[i]
        msg = (r @ w_msg[i] + b_msg[i])[a1] * filt
        agg = jnp.zeros((N, D), dtype=r.dtype).at[a0].add(msg)
        r = r + ssp(agg) @ w_upd[i] + b_upd[i]
    # conformer fingerprints: sum atomic fps per conformer, then mol_fp_nn
    conf = r.reshape(NUM_MOLS * NUM_CONFS, MOL_SIZE, D).sum(axis=1)
    mol_fp = ssp(conf @ w_m1 + b_m1) @ w_m2 + b_m2
    # boltzmann_dict type 'multiply': weight conformer fps and pool per molecule
    weighted = mol_fp * boltzmannweights[:, None]
    pooled = weighted.reshape(NUM_MOLS, NUM_CONFS, MOLB).sum(axis=1)
    # readout head ('covid'): linear -> ssp -> linear -> sigmoid
    out = jax.nn.sigmoid(ssp(pooled @ w_r1 + b_r1) @ w_r2 + b_r2)
    return out

if __name__ == "__main__":
    import jax
    _d = setup_inputs()
    print(jax.jit(kernel)(*tuple(_d.values())))

</pallas_src>

<mosaic_0001>
#map = affine_map<(d0, d1) -> (0)>
module attributes {stable_mosaic.version = 14 : i64} {
  func.func @_d2_body(%arg0: i32, %arg1: i32, %arg2: memref<30000xf32, #tpu.memory_space<hbm>>, %arg3: memref<320000xi32, #tpu.memory_space<hbm>>, %arg4: memref<320000xi32, #tpu.memory_space<hbm>>, %arg5: memref<320000xf32, #tpu.memory_space<hbm>>, %arg6: memref<30000xf32, #tpu.memory_space<vmem>>, %arg7: memref<10000xi32, #tpu.memory_space<vmem>>, %arg8: memref<10000xi32, #tpu.memory_space<vmem>>, %arg9: memref<10000xf32, #tpu.memory_space<vmem>>) attributes {dimension_semantics = [#tpu.dimension_semantics<core_parallel>, #tpu.dimension_semantics<subcore_parallel>], iteration_bounds = array<i64: 2, 16>, scalar_prefetch = 0 : i64, scratch_operands = 4 : i64, tpu.core_type = #tpu.core_type<sc_vector_subcore>, window_params = [{transform_indices = #map}, {transform_indices = #map}, {transform_indices = #map}, {transform_indices = #map}]} {
    %mul3A = arith.constant 2 : i32
    %mul3A_0 = arith.muli %arg1, %mul3A : i32
    %add3A = arith.addi %mul3A_0, %arg0 : i32
    %mul3A_1 = arith.constant 10000 : i32
    %mul3A_2 = arith.muli %add3A, %mul3A_1 : i32
    "tpu.region"() ({
      %run_scoped3A = tpu.sem_alloc : memref<!tpu.dma_semaphore, #tpu.memory_space<semaphore_mem>>
      tpu.enqueue_dma source(%arg2 : memref<30000xf32, #tpu.memory_space<hbm>>) target(%arg6 : memref<30000xf32, #tpu.memory_space<vmem>>) target_semaphore(%run_scoped3A : memref<!tpu.dma_semaphore, #tpu.memory_space<semaphore_mem>>)
      tpu.wait_dma2 semaphore(%run_scoped3A : memref<!tpu.dma_semaphore, #tpu.memory_space<semaphore_mem>>) src(%arg2 : memref<30000xf32, #tpu.memory_space<hbm>>) dst(%arg6 : memref<30000xf32, #tpu.memory_space<vmem>>)
      tpu.yield
    }) : () -> ()
    "tpu.region"() ({
      %run_scoped3A = tpu.sem_alloc : memref<!tpu.dma_semaphore, #tpu.memory_space<semaphore_mem>>
      %dma_start3A = tpu.memref_slice %arg3[%mul3A_2] : memref<320000xi32, #tpu.memory_space<hbm>> -> memref<10000xi32, #tpu.memory_space<hbm>>
      %dma_start3A_8 = tpu.memref_slice %arg3[%mul3A_2] : memref<320000xi32, #tpu.memory_space<hbm>> -> memref<10000xi32, #tpu.memory_space<hbm>>
      tpu.enqueue_dma source(%dma_start3A_8 : memref<10000xi32, #tpu.memory_space<hbm>>) target(%arg7 : memref<10000xi32, #tpu.memory_space<vmem>>) target_semaphore(%run_scoped3A : memref<!tpu.dma_semaphore, #tpu.memory_space<semaphore_mem>>)
      %dma_wait3A = tpu.memref_slice %arg3[%mul3A_2] : memref<320000xi32, #tpu.memory_space<hbm>> -> memref<10000xi32, #tpu.memory_space<hbm>>
      %dma_wait3A_9 = tpu.memref_slice %arg3[%mul3A_2] : memref<320000xi32, #tpu.memory_space<hbm>> -> memref<10000xi32, #tpu.memory_space<hbm>>
      tpu.wait_dma2 semaphore(%run_scoped3A : memref<!tpu.dma_semaphore, #tpu.memory_space<semaphore_mem>>) src(%dma_wait3A_9 : memref<10000xi32, #tpu.memory_space<hbm>>) dst(%arg7 : memref<10000xi32, #tpu.memory_space<vmem>>)
      tpu.yield
    }) : () -> ()
    "tpu.region"() ({
      %run_scoped3A = tpu.sem_alloc : memref<!tpu.dma_semaphore, #tpu.memory_space<semaphore_mem>>
      %dma_start3A = tpu.memref_slice %arg4[%mul3A_2] : memref<320000xi32, #tpu.memory_space<hbm>> -> memref<10000xi32, #tpu.memory_space<hbm>>
      %dma_start3A_8 = tpu.memref_slice %arg4[%mul3A_2] : memref<320000xi32, #tpu.memory_space<hbm>> -> memref<10000xi32, #tpu.memory_space<hbm>>
      tpu.enqueue_dma source(%dma_start3A_8 : memref<10000xi32, #tpu.memory_space<hbm>>) target(%arg8 : memref<10000xi32, #tpu.memory_space<vmem>>) target_semaphore(%run_scoped3A : memref<!tpu.dma_semaphore, #tpu.memory_space<semaphore_mem>>)
      %dma_wait3A = tpu.memref_slice %arg4[%mul3A_2] : memref<320000xi32, #tpu.memory_space<hbm>> -> memref<10000xi32, #tpu.memory_space<hbm>>
      %dma_wait3A_9 = tpu.memref_slice %arg4[%mul3A_2] : memref<320000xi32, #tpu.memory_space<hbm>> -> memref<10000xi32, #tpu.memory_space<hbm>>
      tpu.wait_dma2 semaphore(%run_scoped3A : memref<!tpu.dma_semaphore, #tpu.memory_space<semaphore_mem>>) src(%dma_wait3A_9 : memref<10000xi32, #tpu.memory_space<hbm>>) dst(%arg8 : memref<10000xi32, #tpu.memory_space<vmem>>)
      tpu.yield
    }) : () -> ()
    %scan3A = arith.constant 0 : i32
    %scan3A_3 = arith.constant 0 : i32
    %scan3A_4 = arith.constant 625 : i32
    %scan3A_5 = arith.addi %scan3A_3, %scan3A_4 : i32
    %scan3A_6 = arith.constant 1 : i32
    scf.for %scan3A_8 = %scan3A_3 to %scan3A_5 step %scan3A_6  : i32 {
      %mul3A_9 = arith.constant 16 : i32
      %mul3A_10 = arith.muli %scan3A_8, %mul3A_9 : i32
      %get3A = arith.index_cast %mul3A_10 : i32 to index
      %get3A_11 = tpu.vector_load %arg7[%get3A] {strides = array<i32>} : memref<10000xi32, #tpu.memory_space<vmem>>, vector<16xi32>,
      %mul3A_12 = arith.constant 3 : i32
      %mul3A_13 = vector.broadcast %mul3A_12 : i32 to vector<16xi32>
      %mul3A_14 = arith.muli %get3A_11, %mul3A_13 : vector<16xi32>
      %get3A_15 = arith.index_cast %mul3A_10 : i32 to index
      %get3A_16 = tpu.vector_load %arg8[%get3A_15] {strides = array<i32>} : memref<10000xi32, #tpu.memory_space<vmem>>, vector<16xi32>,
      %mul3A_17 = arith.constant 3 : i32
      %mul3A_18 = vector.broadcast %mul3A_17 : i32 to vector<16xi32>
      %mul3A_19 = arith.muli %get3A_16, %mul3A_18 : vector<16xi32>
      %broadcast_in_dim3A = arith.constant 0.000000e+00 : f32
      %broadcast_in_dim3A_20 = vector.broadcast %broadcast_in_dim3A : f32 to vector<16xf32>
      %add3A_21 = arith.constant 0 : i32
      %add3A_22 = vector.broadcast %add3A_21 : i32 to vector<16xi32>
      %add3A_23 = arith.addi %mul3A_14, %add3A_22 : vector<16xi32>
      %gather3A = tpu.vector_load_idx %arg6[%add3A_23] : memref<30000xf32, #tpu.memory_space<vmem>>[vector<16xi32>], vector<16xf32>,
      %add3A_24 = arith.constant 0 : i32
      %add3A_25 = vector.broadcast %add3A_24 : i32 to vector<16xi32>
      %add3A_26 = arith.addi %mul3A_19, %add3A_25 : vector<16xi32>
      %gather3A_27 = tpu.vector_load_idx %arg6[%add3A_26] : memref<30000xf32, #tpu.memory_space<vmem>>[vector<16xi32>], vector<16xf32>,
      %sub3A = arith.subf %gather3A, %gather3A_27 : vector<16xf32>
      %mul3A_28 = arith.mulf %sub3A, %sub3A : vector<16xf32>
      %add3A_29 = arith.addf %broadcast_in_dim3A_20, %mul3A_28 : vector<16xf32>
      %add3A_30 = arith.constant 1 : i32
      %add3A_31 = vector.broadcast %add3A_30 : i32 to vector<16xi32>
      %add3A_32 = arith.addi %mul3A_14, %add3A_31 : vector<16xi32>
      %gather3A_33 = tpu.vector_load_idx %arg6[%add3A_32] : memref<30000xf32, #tpu.memory_space<vmem>>[vector<16xi32>], vector<16xf32>,
      %add3A_34 = arith.constant 1 : i32
      %add3A_35 = vector.broadcast %add3A_34 : i32 to vector<16xi32>
      %add3A_36 = arith.addi %mul3A_19, %add3A_35 : vector<16xi32>
      %gather3A_37 = tpu.vector_load_idx %arg6[%add3A_36] : memref<30000xf32, #tpu.memory_space<vmem>>[vector<16xi32>], vector<16xf32>,
      %sub3A_38 = arith.subf %gather3A_33, %gather3A_37 : vector<16xf32>
      %mul3A_39 = arith.mulf %sub3A_38, %sub3A_38 : vector<16xf32>
      %add3A_40 = arith.addf %add3A_29, %mul3A_39 : vector<16xf32>
      %add3A_41 = arith.constant 2 : i32
      %add3A_42 = vector.broadcast %add3A_41 : i32 to vector<16xi32>
      %add3A_43 = arith.addi %mul3A_14, %add3A_42 : vector<16xi32>
      %gather3A_44 = tpu.vector_load_idx %arg6[%add3A_43] : memref<30000xf32, #tpu.memory_space<vmem>>[vector<16xi32>], vector<16xf32>,
      %add3A_45 = arith.constant 2 : i32
      %add3A_46 = vector.broadcast %add3A_45 : i32 to vector<16xi32>
      %add3A_47 = arith.addi %mul3A_19, %add3A_46 : vector<16xi32>
      %gather3A_48 = tpu.vector_load_idx %arg6[%add3A_47] : memref<30000xf32, #tpu.memory_space<vmem>>[vector<16xi32>], vector<16xf32>,
      %sub3A_49 = arith.subf %gather3A_44, %gather3A_48 : vector<16xf32>
      %mul3A_50 = arith.mulf %sub3A_49, %sub3A_49 : vector<16xf32>
      %add3A_51 = arith.addf %add3A_40, %mul3A_50 : vector<16xf32>
      %swap3A = arith.index_cast %mul3A_10 : i32 to index
      %swap3A_52 = tpu.vector_load %arg9[%swap3A] {strides = array<i32>} : memref<10000xf32, #tpu.memory_space<vmem>>, vector<16xf32>,
      tpu.vector_store %arg9[%swap3A], %add3A_51 {strides = array<i32>} : memref<10000xf32, #tpu.memory_space<vmem>>, vector<16xf32>,
    }
    %scan3A_7 = arith.constant 625 : i32
    "tpu.region"() ({
      %run_scoped3A = tpu.sem_alloc : memref<!tpu.dma_semaphore, #tpu.memory_space<semaphore_mem>>
      %dma_start3A = tpu.memref_slice %arg5[%mul3A_2] : memref<320000xf32, #tpu.memory_space<hbm>> -> memref<10000xf32, #tpu.memory_space<hbm>>
      %dma_start3A_8 = tpu.memref_slice %arg5[%mul3A_2] : memref<320000xf32, #tpu.memory_space<hbm>> -> memref<10000xf32, #tpu.memory_space<hbm>>
      tpu.enqueue_dma source(%arg9 : memref<10000xf32, #tpu.memory_space<vmem>>) target(%dma_start3A_8 : memref<10000xf32, #tpu.memory_space<hbm>>) target_semaphore(%run_scoped3A : memref<!tpu.dma_semaphore, #tpu.memory_space<semaphore_mem>>)
      %dma_wait3A = tpu.memref_slice %arg5[%mul3A_2] : memref<320000xf32, #tpu.memory_space<hbm>> -> memref<10000xf32, #tpu.memory_space<hbm>>
      %dma_wait3A_9 = tpu.memref_slice %arg5[%mul3A_2] : memref<320000xf32, #tpu.memory_space<hbm>> -> memref<10000xf32, #tpu.memory_space<hbm>>
      tpu.wait_dma2 semaphore(%run_scoped3A : memref<!tpu.dma_semaphore, #tpu.memory_space<semaphore_mem>>) src(%arg9 : memref<10000xf32, #tpu.memory_space<vmem>>) dst(%dma_wait3A_9 : memref<10000xf32, #tpu.memory_space<hbm>>)
      tpu.yield
    }) : () -> ()
    return
  }
}

#map = affine_map<(d0, d1) -> (0, 0)>
#map1 = affine_map<(d0, d1) -> (0, 0, 0)>
module attributes {stable_mosaic.version = 14 : i64} {
  func.func @_scat_body(%arg0: i32, %arg1: i32, %arg2: memref<10000x64xi32, #tpu.memory_space<hbm>>, %arg3: memref<160000x128xi32, #tpu.memory_space<hbm>>, %arg4: memref<4000x80xi32, #tpu.memory_space<hbm>>, %arg5: memref<4000x80xi32, #tpu.memory_space<hbm>>, %arg6: memref<2x10000x128xbf16, #tpu.memory_space<hbm>>, %arg7: memref<10000x128xbf16, #tpu.memory_space<vmem_shared>>, %arg8: memref<125x80xi32, #tpu.memory_space<vmem>>, %arg9: memref<125x80xi32, #tpu.memory_space<vmem>>, %arg10: memref<80x64xi32, #tpu.memory_space<vmem>>, %arg11: memref<80x64xi32, #tpu.memory_space<vmem>>, %arg12: memref<80x64xi32, #tpu.memory_space<vmem>>, %arg13: memref<80x64xi32, #tpu.memory_space<vmem>>, %arg14: memref<80x128xbf16, #tpu.memory_space<vmem>>, %arg15: memref<80x128xbf16, #tpu.memory_space<vmem>>, %arg16: memref<!tpu.dma_semaphore, #tpu.memory_space<semaphore_mem>>, %arg17: memref<!tpu.dma_semaphore, #tpu.memory_space<semaphore_mem>>, %arg18: memref<!tpu.dma_semaphore, #tpu.memory_space<semaphore_mem>>, %arg19: memref<!tpu.dma_semaphore, #tpu.memory_space<semaphore_mem>>, %arg20: memref<!tpu.dma_semaphore, #tpu.memory_space<semaphore_mem>>, %arg21: memref<!tpu.dma_semaphore, #tpu.memory_space<semaphore_mem>>) attributes {dimension_semantics = [#tpu.dimension_semantics<core_parallel>, #tpu.dimension_semantics<subcore_parallel>], iteration_bounds = array<i64: 2, 16>, scalar_prefetch = 0 : i64, scratch_operands = 15 : i64, tpu.core_type = #tpu.core_type<sc_vector_subcore>, window_params = [{transform_indices = #map}, {transform_indices = #map}, {transform_indices = #map}, {transform_indices = #map}, {transform_indices = #map1}]} {
    %mul3A = arith.constant 2 : i32
    %mul3A_0 = arith.muli %arg1, %mul3A : i32
    %add3A = arith.addi %mul3A_0, %arg0 : i32
    %scan3A = arith.constant 0 : i32
    %scan3A_1 = arith.constant 0 : i32
    %scan3A_2 = arith.constant 25 : i32
    %scan3A_3 = arith.addi %scan3A_1, %scan3A_2 : i32
    %scan3A_4 = arith.constant 1 : i32
    scf.for %scan3A_126 = %scan3A_1 to %scan3A_3 step %scan3A_4  : i32 {
      %broadcast_in_dim3A = arith.constant 0.000000e+00 : bf16
      %broadcast_in_dim3A_127 = vector.broadcast %broadcast_in_dim3A : bf16 to vector<32xbf16>
      %swap3A = arith.index_cast %scan3A_126 : i32 to index
      %swap3A_128 = arith.constant 0 : index
      %swap3A_129 = tpu.vector_load %arg14[%swap3A, %swap3A_128] {strides = array<i32>} : memref<80x128xbf16, #tpu.memory_space<vmem>>, vector<32xbf16>,
      tpu.vector_store %arg14[%swap3A, %swap3A_128], %broadcast_in_dim3A_127 {strides = array<i32>} : memref<80x128xbf16, #tpu.memory_space<vmem>>, vector<32xbf16>,
      %broadcast_in_dim3A_130 = arith.constant 0.000000e+00 : bf16
      %broadcast_in_dim3A_131 = vector.broadcast %broadcast_in_dim3A_130 : bf16 to vector<32xbf16>
      %swap3A_132 = arith.index_cast %scan3A_126 : i32 to index
      %swap3A_133 = arith.constant 32 : index
      %swap3A_134 = tpu.vector_load %arg14[%swap3A_132, %swap3A_133] {strides = array<i32>} : memref<80x128xbf16, #tpu.memory_space<vmem>>, vector<32xbf16>,
      tpu.vector_store %arg14[%swap3A_132, %swap3A_133], %broadcast_in_dim3A_131 {strides = array<i32>} : memref<80x128xbf16, #tpu.memory_space<vmem>>, vector<32xbf16>,
      %broadcast_in_dim3A_135 = arith.constant 0.000000e+00 : bf16
      %broadcast_in_dim3A_136 = vector.broadcast %broadcast_in_dim3A_135 : bf16 to vector<32xbf16>
      %swap3A_137 = arith.index_cast %scan3A_126 : i32 to index
      %swap3A_138 = arith.constant 64 : index
      %swap3A_139 = tpu.vector_load %arg14[%swap3A_137, %swap3A_138] {strides = array<i32>} : memref<80x128xbf16, #tpu.memory_space<vmem>>, vector<32xbf16>,
      tpu.vector_store %arg14[%swap3A_137, %swap3A_138], %broadcast_in_dim3A_136 {strides = array<i32>} : memref<80x128xbf16, #tpu.memory_space<vmem>>, vector<32xbf16>,
      %broadcast_in_dim3A_140 = arith.constant 0.000000e+00 : bf16
      %broadcast_in_dim3A_141 = vector.broadcast %broadcast_in_dim3A_140 : bf16 to vector<32xbf16>
      %swap3A_142 = arith.index_cast %scan3A_126 : i32 to index
      %swap3A_143 = arith.constant 96 : index
      %swap3A_144 = tpu.vector_load %arg14[%swap3A_142, %swap3A_143] {strides = array<i32>} : memref<80x128xbf16, #tpu.memory_space<vmem>>, vector<32xbf16>,
      tpu.vector_store %arg14[%swap3A_142, %swap3A_143], %broadcast_in_dim3A_141 {strides = array<i32>} : memref<80x128xbf16, #tpu.memory_space<vmem>>, vector<32xbf16>,
    }
    %scan3A_5 = arith.constant 25 : i32
    %scan3A_6 = arith.constant 0 : i32
    %scan3A_7 = arith.constant 0 : i32
    %scan3A_8 = arith.constant 25 : i32
    %scan3A_9 = arith.addi %scan3A_7, %scan3A_8 : i32
    %scan3A_10 = arith.constant 1 : i32
    scf.for %scan3A_126 = %scan3A_7 to %scan3A_9 step %scan3A_10  : i32 {
      %mul3A_127 = arith.constant 625 : i32
      %mul3A_128 = arith.muli %arg1, %mul3A_127 : i32
      %mul3A_129 = arith.constant 25 : i32
      %mul3A_130 = arith.muli %scan3A_126, %mul3A_129 : i32
      %add3A_131 = arith.addi %mul3A_128, %mul3A_130 : i32
      "tpu.region"() ({
        %run_scoped3A = tpu.sem_alloc : memref<!tpu.dma_semaphore, #tpu.memory_space<semaphore_mem>>
        %dma_start3A_132 = arith.constant 0 : i32
        %dma_start3A_133 = arith.constant 0 : i32
        %dma_start3A_134 = tpu.memref_slice %arg14[%dma_start3A_132, %dma_start3A_133] : memref<80x128xbf16, #tpu.memory_space<vmem>> -> memref<25x128xbf16, #tpu.memory_space<vmem>>
        %dma_start3A_135 = arith.constant 0 : i32
        %dma_start3A_136 = tpu.memref_slice %arg7[%add3A_131, %dma_start3A_135] : memref<10000x128xbf16, #tpu.memory_space<vmem_shared>> -> memref<25x128xbf16, #tpu.memory_space<vmem_shared>>
        %dma_start3A_137 = arith.constant 0 : i32
        %dma_start3A_138 = tpu.memref_slice %arg7[%add3A_131, %dma_start3A_137] : memref<10000x128xbf16, #tpu.memory_space<vmem_shared>> -> memref<25x128xbf16, #tpu.memory_space<vmem_shared>>
        %dma_start3A_139 = arith.constant 0 : i32
        %dma_start3A_140 = arith.constant 0 : i32
        %dma_start3A_141 = tpu.memref_slice %arg14[%dma_start3A_139, %dma_start3A_140] : memref<80x128xbf16, #tpu.memory_space<vmem>> -> memref<25x128xbf16, #tpu.memory_space<vmem>>
        tpu.enqueue_dma source(%dma_start3A_141 : memref<25x128xbf16, #tpu.memory_space<vmem>>) target(%dma_start3A_138 : memref<25x128xbf16, #tpu.memory_space<vmem_shared>>) target_semaphore(%run_scoped3A : memref<!tpu.dma_semaphore, #tpu.memory_space<semaphore_mem>>)
        %dma_wait3A_142 = arith.constant 0 : i32
        %dma_wait3A_143 = arith.constant 0 : i32
        %dma_wait3A_144 = tpu.memref_slice %arg14[%dma_wait3A_142, %dma_wait3A_143] : memref<80x128xbf16, #tpu.memory_space<vmem>> -> memref<25x128xbf16, #tpu.memory_space<vmem>>
        %dma_wait3A_145 = arith.constant 0 : i32
        %dma_wait3A_146 = tpu.memref_slice %arg7[%add3A_131, %dma_wait3A_145] : memref<10000x128xbf16, #tpu.memory_space<vmem_shared>> -> memref<25x128xbf16, #tpu.memory_space<vmem_shared>>
        %dma_wait3A_147 = arith.constant 0 : i32
        %dma_wait3A_148 = tpu.memref_slice %arg7[%add3A_131, %dma_wait3A_147] : memref<10000x128xbf16, #tpu.memory_space<vmem_shared>> -> memref<25x128xbf16, #tpu.memory_space<vmem_shared>>
        %dma_wait3A_149 = arith.constant 0 : i32
        %dma_wait3A_150 = arith.constant 0 : i32
        %dma_wait3A_151 = tpu.memref_slice %arg14[%dma_wait3A_149, %dma_wait3A_150] : memref<80x128xbf16, #tpu.memory_space<vmem>> -> memref<25x128xbf16, #tpu.memory_space<vmem>>
        tpu.wait_dma2 semaphore(%run_scoped3A : memref<!tpu.dma_semaphore, #tpu.memory_space<semaphore_mem>>) src(%dma_wait3A_151 : memref<25x128xbf16, #tpu.memory_space<vmem>>) dst(%dma_wait3A_148 : memref<25x128xbf16, #tpu.memory_space<vmem_shared>>)
        tpu.yield
      }) : () -> ()
    }
    %scan3A_11 = arith.constant 25 : i32
    %mul3A_12 = arith.constant 125 : i32
    %mul3A_13 = arith.muli %add3A, %mul3A_12 : i32
    "tpu.region"() ({
      %run_scoped3A = tpu.sem_alloc : memref<!tpu.dma_semaphore, #tpu.memory_space<semaphore_mem>>
      %dma_start3A_126 = arith.constant 0 : i32
      %dma_start3A_127 = tpu.memref_slice %arg4[%mul3A_13, %dma_start3A_126] : memref<4000x80xi32, #tpu.memory_space<hbm>> -> memref<125x80xi32, #tpu.memory_space<hbm>>
      %dma_start3A_128 = arith.constant 0 : i32
      %dma_start3A_129 = tpu.memref_slice %arg4[%mul3A_13, %dma_start3A_128] : memref<4000x80xi32, #tpu.memory_space<hbm>> -> memref<125x80xi32, #tpu.memory_space<hbm>>
      tpu.enqueue_dma source(%dma_start3A_129 : memref<125x80xi32, #tpu.memory_space<hbm>>) target(%arg8 : memref<125x80xi32, #tpu.memory_space<vmem>>) target_semaphore(%run_scoped3A : memref<!tpu.dma_semaphore, #tpu.memory_space<semaphore_mem>>)
      %dma_wait3A_130 = arith.constant 0 : i32
      %dma_wait3A_131 = tpu.memref_slice %arg4[%mul3A_13, %dma_wait3A_130] : memref<4000x80xi32, #tpu.memory_space<hbm>> -> memref<125x80xi32, #tpu.memory_space<hbm>>
      %dma_wait3A_132 = arith.constant 0 : i32
      %dma_wait3A_133 = tpu.memref_slice %arg4[%mul3A_13, %dma_wait3A_132] : memref<4000x80xi32, #tpu.memory_space<hbm>> -> memref<125x80xi32, #tpu.memory_space<hbm>>
      tpu.wait_dma2 semaphore(%run_scoped3A : memref<!tpu.dma_semaphore, #tpu.memory_space<semaphore_mem>>) src(%dma_wait3A_133 : memref<125x80xi32, #tpu.memory_space<hbm>>) dst(%arg8 : memref<125x80xi32, #tpu.memory_space<vmem>>)
      tpu.yield
    }) : () -> ()
    %mul3A_14 = arith.constant 125 : i32
    %mul3A_15 = arith.muli %add3A, %mul3A_14 : i32
    "tpu.region"() ({
      %run_scoped3A = tpu.sem_alloc : memref<!tpu.dma_semaphore, #tpu.memory_space<semaphore_mem>>
      %dma_start3A_126 = arith.constant 0 : i32
      %dma_start3A_127 = tpu.memref_slice %arg5[%mul3A_15, %dma_start3A_126] : memref<4000x80xi32, #tpu.memory_space<hbm>> -> memref<125x80xi32, #tpu.memory_space<hbm>>
      %dma_start3A_128 = arith.constant 0 : i32
      %dma_start3A_129 = tpu.memref_slice %arg5[%mul3A_15, %dma_start3A_128] : memref<4000x80xi32, #tpu.memory_space<hbm>> -> memref<125x80xi32, #tpu.memory_space<hbm>>
      tpu.enqueue_dma source(%dma_start3A_129 : memref<125x80xi32, #tpu.memory_space<hbm>>) target(%arg9 : memref<125x80xi32, #tpu.memory_space<vmem>>) target_semaphore(%run_scoped3A : memref<!tpu.dma_semaphore, #tpu.memory_space<semaphore_mem>>)
      %dma_wait3A_130 = arith.constant 0 : i32
      %dma_wait3A_131 = tpu.memref_slice %arg5[%mul3A_15, %dma_wait3A_130] : memref<4000x80xi32, #tpu.memory_space<hbm>> -> memref<125x80xi32, #tpu.memory_space<hbm>>
      %dma_wait3A_132 = arith.constant 0 : i32
      %dma_wait3A_133 = tpu.memref_slice %arg5[%mul3A_15, %dma_wait3A_132] : memref<4000x80xi32, #tpu.memory_space<hbm>> -> memref<125x80xi32, #tpu.memory_space<hbm>>
      tpu.wait_dma2 semaphore(%run_scoped3A : memref<!tpu.dma_semaphore, #tpu.memory_space<semaphore_mem>>) src(%dma_wait3A_133 : memref<125x80xi32, #tpu.memory_space<hbm>>) dst(%arg9 : memref<125x80xi32, #tpu.memory_space<vmem>>)
      tpu.yield
    }) : () -> ()
    %barrier3A = arith.constant 0 : index
    tpu.barrier barrier_id(%barrier3A)
    %jit3A = arith.constant 8 : i32
    %div3A = arith.divsi %arg1, %jit3A : i32
    %sign3A = arith.constant 0 : i32
    %sign3A_16 = arith.cmpi sgt, %arg1, %sign3A : i32
    %sign3A_17 = arith.extui %sign3A_16 : i1 to i32
    %sign3A_18 = arith.constant 0 : i32
    %sign3A_19 = arith.cmpi slt, %arg1, %sign3A_18 : i32
    %sign3A_20 = arith.extui %sign3A_19 : i1 to i32
    %sign3A_21 = arith.subi %sign3A_17, %sign3A_20 : i32
    %sign3A_22 = arith.constant 0 : i32
    %sign3A_23 = arith.cmpi sgt, %jit3A, %sign3A_22 : i32
    %sign3A_24 = arith.extui %sign3A_23 : i1 to i32
    %sign3A_25 = arith.constant 0 : i32
    %sign3A_26 = arith.cmpi slt, %jit3A, %sign3A_25 : i32
    %sign3A_27 = arith.extui %sign3A_26 : i1 to i32
    %sign3A_28 = arith.subi %sign3A_24, %sign3A_27 : i32
    %ne3A = arith.cmpi ne, %sign3A_21, %sign3A_28 : i32
    %rem3A = arith.remsi %arg1, %jit3A : i32
    %ne3A_29 = arith.constant 0 : i32
    %ne3A_30 = arith.cmpi ne, %rem3A, %ne3A_29 : i32
    %and3A = arith.andi %ne3A, %ne3A_30 : i1
    %sub3A = arith.constant 1 : i32
    %sub3A_31 = arith.subi %div3A, %sub3A : i32
    %select_n3A = arith.select %and3A, %sub3A_31, %div3A : i32
    %mul3A_32 = arith.constant 10000 : i32
    %mul3A_33 = arith.muli %add3A, %mul3A_32 : i32
    %mul3A_34 = arith.constant 160000 : i32
    %mul3A_35 = arith.muli %mul3A_34, %select_n3A : i32
    %sub3A_36 = arith.subi %mul3A_33, %mul3A_35 : i32
    %dma_start3A = arith.constant 0 : i32
    %dma_start3A_37 = arith.constant 0 : i32
    %dma_start3A_38 = tpu.memref_slice %arg9[%dma_start3A, %dma_start3A_37] : memref<125x80xi32, #tpu.memory_space<vmem>> -> memref<1x80xi32, #tpu.memory_space<vmem>>
    %dma_start3A_39 = tpu.memref_squeeze %dma_start3A_38 : memref<1x80xi32, #tpu.memory_space<vmem>> -> memref<80xi32, #tpu.memory_space<vmem>>
    %dma_start3A_40 = arith.constant 0 : i32
    %dma_start3A_41 = arith.constant 0 : i32
    %dma_start3A_42 = tpu.memref_slice %arg2[%dma_start3A_40, %dma_start3A_41] : memref<10000x64xi32, #tpu.memory_space<hbm>> -> memref<10000x64xi32, #tpu.memory_space<hbm>>
    tpu.enqueue_indirect_dma source(%dma_start3A_42 : memref<10000x64xi32, #tpu.memory_space<hbm>>) target(%arg10 : memref<80x64xi32, #tpu.memory_space<vmem>>) offsets(%dma_start3A_39 : memref<80xi32, #tpu.memory_space<vmem>>) semaphore(%arg16 : memref<!tpu.dma_semaphore, #tpu.memory_space<semaphore_mem>>)
    %add3A_43 = arith.constant 0 : i32
    %add3A_44 = arith.addi %sub3A_36, %add3A_43 : i32
    %eq3A = arith.constant 0 : i32
    %eq3A_45 = arith.cmpi eq, %select_n3A, %eq3A : i32
    %convert_element_type3A = arith.extui %eq3A_45 : i1 to i32
    %cond3A = arith.constant 0 : i32
    %cond3A_46 = arith.cmpi ne, %convert_element_type3A, %cond3A : i32
    scf.if %cond3A_46 {
      %dma_start3A_126 = arith.constant 0 : i32
      %dma_start3A_127 = tpu.memref_slice %arg3[%add3A_44, %dma_start3A_126] : memref<160000x128xi32, #tpu.memory_space<hbm>> -> memref<80x64xi32, #tpu.memory_space<hbm>>
      %dma_start3A_128 = arith.constant 0 : i32
      %dma_start3A_129 = tpu.memref_slice %arg3[%add3A_44, %dma_start3A_128] : memref<160000x128xi32, #tpu.memory_space<hbm>> -> memref<80x64xi32, #tpu.memory_space<hbm>>
      tpu.enqueue_dma source(%dma_start3A_129 : memref<80x64xi32, #tpu.memory_space<hbm>>) target(%arg12 : memref<80x64xi32, #tpu.memory_space<vmem>>) target_semaphore(%arg18 : memref<!tpu.dma_semaphore, #tpu.memory_space<semaphore_mem>>)
    } else {
    }
    %eq3A_47 = arith.constant 1 : i32
    %eq3A_48 = arith.cmpi eq, %select_n3A, %eq3A_47 : i32
    %convert_element_type3A_49 = arith.extui %eq3A_48 : i1 to i32
    %cond3A_50 = arith.constant 0 : i32
    %cond3A_51 = arith.cmpi ne, %convert_element_type3A_49, %cond3A_50 : i32
    scf.if %cond3A_51 {
      %dma_start3A_126 = arith.constant 64 : i32
      %dma_start3A_127 = tpu.memref_slice %arg3[%add3A_44, %dma_start3A_126] : memref<160000x128xi32, #tpu.memory_space<hbm>> -> memref<80x64xi32, #tpu.memory_space<hbm>>
      %dma_start3A_128 = arith.constant 64 : i32
      %dma_start3A_129 = tpu.memref_slice %arg3[%add3A_44, %dma_start3A_128] : memref<160000x128xi32, #tpu.memory_space<hbm>> -> memref<80x64xi32, #tpu.memory_space<hbm>>
      tpu.enqueue_dma source(%dma_start3A_129 : memref<80x64xi32, #tpu.memory_space<hbm>>) target(%arg12 : memref<80x64xi32, #tpu.memory_space<vmem>>) target_semaphore(%arg18 : memref<!tpu.dma_semaphore, #tpu.memory_space<semaphore_mem>>)
    } else {
    }
    %dma_start3A_52 = arith.constant 1 : i32
    %dma_start3A_53 = arith.constant 0 : i32
    %dma_start3A_54 = tpu.memref_slice %arg9[%dma_start3A_52, %dma_start3A_53] : memref<125x80xi32, #tpu.memory_space<vmem>> -> memref<1x80xi32, #tpu.memory_space<vmem>>
    %dma_start3A_55 = tpu.memref_squeeze %dma_start3A_54 : memref<1x80xi32, #tpu.memory_space<vmem>> -> memref<80xi32, #tpu.memory_space<vmem>>
    %dma_start3A_56 = arith.constant 0 : i32
    %dma_start3A_57 = arith.constant 0 : i32
    %dma_start3A_58 = tpu.memref_slice %arg2[%dma_start3A_56, %dma_start3A_57] : memref<10000x64xi32, #tpu.memory_space<hbm>> -> memref<10000x64xi32, #tpu.memory_space<hbm>>
    tpu.enqueue_indirect_dma source(%dma_start3A_58 : memref<10000x64xi32, #tpu.memory_space<hbm>>) target(%arg11 : memref<80x64xi32, #tpu.memory_space<vmem>>) offsets(%dma_start3A_55 : memref<80xi32, #tpu.memory_space<vmem>>) semaphore(%arg17 : memref<!tpu.dma_semaphore, #tpu.memory_space<semaphore_mem>>)
    %add3A_59 = arith.constant 80 : i32
    %add3A_60 = arith.addi %sub3A_36, %add3A_59 : i32
    %eq3A_61 = arith.constant 0 : i32
    %eq3A_62 = arith.cmpi eq, %select_n3A, %eq3A_61 : i32
    %convert_element_type3A_63 = arith.extui %eq3A_62 : i1 to i32
    %cond3A_64 = arith.constant 0 : i32
    %cond3A_65 = arith.cmpi ne, %convert_element_type3A_63, %cond3A_64 : i32
    scf.if %cond3A_65 {
      %dma_start3A_126 = arith.constant 0 : i32
      %dma_start3A_127 = tpu.memref_slice %arg3[%add3A_60, %dma_start3A_126] : memref<160000x128xi32, #tpu.memory_space<hbm>> -> memref<80x64xi32, #tpu.memory_space<hbm>>
      %dma_start3A_128 = arith.constant 0 : i32
      %dma_start3A_129 = tpu.memref_slice %arg3[%add3A_60, %dma_start3A_128] : memref<160000x128xi32, #tpu.memory_space<hbm>> -> memref<80x64xi32, #tpu.memory_space<hbm>>
      tpu.enqueue_dma source(%dma_start3A_129 : memref<80x64xi32, #tpu.memory_space<hbm>>) target(%arg13 : memref<80x64xi32, #tpu.memory_space<vmem>>) target_semaphore(%arg19 : memref<!tpu.dma_semaphore, #tpu.memory_space<semaphore_mem>>)
    } else {
    }
    %eq3A_66 = arith.constant 1 : i32
    %eq3A_67 = arith.cmpi eq, %select_n3A, %eq3A_66 : i32
    %convert_element_type3A_68 = arith.extui %eq3A_67 : i1 to i32
    %cond3A_69 = arith.constant 0 : i32
    %cond3A_70 = arith.cmpi ne, %convert_element_type3A_68, %cond3A_69 : i32
    scf.if %cond3A_70 {
      %dma_start3A_126 = arith.constant 64 : i32
      %dma_start3A_127 = tpu.memref_slice %arg3[%add3A_60, %dma_start3A_126] : memref<160000x128xi32, #tpu.memory_space<hbm>> -> memref<80x64xi32, #tpu.memory_space<hbm>>
      %dma_start3A_128 = arith.constant 64 : i32
      %dma_start3A_129 = tpu.memref_slice %arg3[%add3A_60, %dma_start3A_128] : memref<160000x128xi32, #tpu.memory_space<hbm>> -> memref<80x64xi32, #tpu.memory_space<hbm>>
      tpu.enqueue_dma source(%dma_start3A_129 : memref<80x64xi32, #tpu.memory_space<hbm>>) target(%arg13 : memref<80x64xi32, #tpu.memory_space<vmem>>) target_semaphore(%arg19 : memref<!tpu.dma_semaphore, #tpu.memory_space<semaphore_mem>>)
    } else {
    }
    %scan3A_71 = arith.constant 0 : i32
    %scan3A_72 = arith.constant 0 : i32
    %scan3A_73 = arith.constant 62 : i32
    %scan3A_74 = arith.addi %scan3A_72, %scan3A_73 : i32
    %scan3A_75 = arith.constant 1 : i32
    scf.for %scan3A_126 = %scan3A_72 to %scan3A_74 step %scan3A_75  : i32 {
      %mul3A_127 = arith.constant 2 : i32
      %mul3A_128 = arith.muli %mul3A_127, %scan3A_126 : i32
      %add3A_129 = arith.constant 0 : i32
      %add3A_130 = arith.addi %mul3A_128, %add3A_129 : i32
      %dma_wait3A_131 = arith.constant 0 : i32
      %dma_wait3A_132 = tpu.memref_slice %arg9[%add3A_130, %dma_wait3A_131] : memref<125x80xi32, #tpu.memory_space<vmem>> -> memref<1x80xi32, #tpu.memory_space<vmem>>
      %dma_wait3A_133 = tpu.memref_squeeze %dma_wait3A_132 : memref<1x80xi32, #tpu.memory_space<vmem>> -> memref<80xi32, #tpu.memory_space<vmem>>
      %dma_wait3A_134 = arith.constant 0 : i32
      %dma_wait3A_135 = arith.constant 0 : i32
      %dma_wait3A_136 = tpu.memref_slice %arg2[%dma_wait3A_134, %dma_wait3A_135] : memref<10000x64xi32, #tpu.memory_space<hbm>> -> memref<10000x64xi32, #tpu.memory_space<hbm>>
      tpu.wait_indirect_dma semaphore(%arg16 : memref<!tpu.dma_semaphore, #tpu.memory_space<semaphore_mem>>) src(%dma_wait3A_136 : memref<10000x64xi32, #tpu.memory_space<hbm>>) dst(%arg10 : memref<80x64xi32, #tpu.memory_space<vmem>>)
      %mul3A_137 = arith.constant 80 : i32
      %mul3A_138 = arith.muli %add3A_130, %mul3A_137 : i32
      %add3A_139 = arith.addi %sub3A_36, %mul3A_138 : i32
      %dma_wait3A_140 = arith.constant 0 : i32
      %dma_wait3A_141 = tpu.memref_slice %arg3[%add3A_139, %dma_wait3A_140] : memref<160000x128xi32, #tpu.memory_space<hbm>> -> memref<80x64xi32, #tpu.memory_space<hbm>>
      %dma_wait3A_142 = arith.constant 0 : i32
      %dma_wait3A_143 = tpu.memref_slice %arg3[%add3A_139, %dma_wait3A_142] : memref<160000x128xi32, #tpu.memory_space<hbm>> -> memref<80x64xi32, #tpu.memory_space<hbm>>
      tpu.wait_dma2 semaphore(%arg18 : memref<!tpu.dma_semaphore, #tpu.memory_space<semaphore_mem>>) src(%dma_wait3A_143 : memref<80x64xi32, #tpu.memory_space<hbm>>) dst(%arg12 : memref<80x64xi32, #tpu.memory_space<vmem>>)
      %ge3A = arith.constant 2 : i32
      %ge3A_144 = arith.cmpi sge, %add3A_130, %ge3A : i32
      %convert_element_type3A_145 = arith.extui %ge3A_144 : i1 to i32
      %cond3A_146 = arith.constant 0 : i32
      %cond3A_147 = arith.cmpi ne, %convert_element_type3A_145, %cond3A_146 : i32
      scf.if %cond3A_147 {
        %sub3A_201 = arith.constant 2 : i32
        %sub3A_202 = arith.subi %add3A_130, %sub3A_201 : i32
        %dma_wait3A_203 = arith.constant 0 : i32
        %dma_wait3A_204 = tpu.memref_slice %arg8[%sub3A_202, %dma_wait3A_203] : memref<125x80xi32, #tpu.memory_space<vmem>> -> memref<1x80xi32, #tpu.memory_space<vmem>>
        %dma_wait3A_205 = tpu.memref_squeeze %dma_wait3A_204 : memref<1x80xi32, #tpu.memory_space<vmem>> -> memref<80xi32, #tpu.memory_space<vmem>>
        %dma_wait3A_206 = arith.constant 0 : i32
        %dma_wait3A_207 = arith.constant 0 : i32
        %dma_wait3A_208 = tpu.memref_slice %arg7[%dma_wait3A_206, %dma_wait3A_207] : memref<10000x128xbf16, #tpu.memory_space<vmem_shared>> -> memref<10000x128xbf16, #tpu.memory_space<vmem_shared>>
        tpu.wait_indirect_dma semaphore(%arg20 : memref<!tpu.dma_semaphore, #tpu.memory_space<semaphore_mem>>) src(%arg14 : memref<80x128xbf16, #tpu.memory_space<vmem>>) dst(%dma_wait3A_208 : memref<10000x128xbf16, #tpu.memory_space<vmem_shared>>)
      } else {
      }
      %parallel_loop3A_148 = arith.constant 0 : i32
      %parallel_loop3A_149 = arith.constant 80 : i32
      %parallel_loop3A_150 = arith.constant 1 : i32
      scf.for %parallel_loop3A_201 = %parallel_loop3A_148 to %parallel_loop3A_149 step %parallel_loop3A_150  : i32 {
        %parallel_loop3A_202 = arith.index_cast %parallel_loop3A_201 : i32 to index
        %parallel_loop3A_203 = arith.constant 0 : index
        %parallel_loop3A_204 = tpu.vector_load %arg10[%parallel_loop3A_202, %parallel_loop3A_203] {strides = array<i32>} : memref<80x64xi32, #tpu.memory_space<vmem>>, vector<16xi32>,
        %parallel_loop3A_205 = vector.bitcast %parallel_loop3A_204 : vector<16xi32> to vector<32xbf16>
        %parallel_loop3A_206 = arith.index_cast %parallel_loop3A_201 : i32 to index
        %parallel_loop3A_207 = arith.constant 0 : index
        %parallel_loop3A_208 = tpu.vector_load %arg12[%parallel_loop3A_206, %parallel_loop3A_207] {strides = array<i32>} : memref<80x64xi32, #tpu.memory_space<vmem>>, vector<16xi32>,
        %parallel_loop3A_209 = vector.bitcast %parallel_loop3A_208 : vector<16xi32> to vector<32xbf16>
        %parallel_loop3A_210 = arith.mulf %parallel_loop3A_205, %parallel_loop3A_209 : vector<32xbf16>
        %parallel_loop3A_211 = arith.index_cast %parallel_loop3A_201 : i32 to index
        %parallel_loop3A_212 = arith.constant 0 : index
        %parallel_loop3A_213 = tpu.vector_load %arg14[%parallel_loop3A_211, %parallel_loop3A_212] {strides = array<i32>} : memref<80x128xbf16, #tpu.memory_space<vmem>>, vector<32xbf16>,
        tpu.vector_store %arg14[%parallel_loop3A_211, %parallel_loop3A_212], %parallel_loop3A_210 {strides = array<i32>} : memref<80x128xbf16, #tpu.memory_space<vmem>>, vector<32xbf16>,
        %parallel_loop3A_214 = arith.index_cast %parallel_loop3A_201 : i32 to index
        %parallel_loop3A_215 = arith.constant 16 : index
        %parallel_loop3A_216 = tpu.vector_load %arg10[%parallel_loop3A_214, %parallel_loop3A_215] {strides = array<i32>} : memref<80x64xi32, #tpu.memory_space<vmem>>, vector<16xi32>,
        %parallel_loop3A_217 = vector.bitcast %parallel_loop3A_216 : vector<16xi32> to vector<32xbf16>
        %parallel_loop3A_218 = arith.index_cast %parallel_loop3A_201 : i32 to index
        %parallel_loop3A_219 = arith.constant 16 : index
        %parallel_loop3A_220 = tpu.vector_load %arg12[%parallel_loop3A_218, %parallel_loop3A_219] {strides = array<i32>} : memref<80x64xi32, #tpu.memory_space<vmem>>, vector<16xi32>,
        %parallel_loop3A_221 = vector.bitcast %parallel_loop3A_220 : vector<16xi32> to vector<32xbf16>
        %parallel_loop3A_222 = arith.mulf %parallel_loop3A_217, %parallel_loop3A_221 : vector<32xbf16>
        %parallel_loop3A_223 = arith.index_cast %parallel_loop3A_201 : i32 to index
        %parallel_loop3A_224 = arith.constant 32 : index
        %parallel_loop3A_225 = tpu.vector_load %arg14[%parallel_loop3A_223, %parallel_loop3A_224] {strides = array<i32>} : memref<80x128xbf16, #tpu.memory_space<vmem>>, vector<32xbf16>,
        tpu.vector_store %arg14[%parallel_loop3A_223, %parallel_loop3A_224], %parallel_loop3A_222 {strides = array<i32>} : memref<80x128xbf16, #tpu.memory_space<vmem>>, vector<32xbf16>,
        %parallel_loop3A_226 = arith.index_cast %parallel_loop3A_201 : i32 to index
        %parallel_loop3A_227 = arith.constant 32 : index
        %parallel_loop3A_228 = tpu.vector_load %arg10[%parallel_loop3A_226, %parallel_loop3A_227] {strides = array<i32>} : memref<80x64xi32, #tpu.memory_space<vmem>>, vector<16xi32>,
        %parallel_loop3A_229 = vector.bitcast %parallel_loop3A_228 : vector<16xi32> to vector<32xbf16>
        %parallel_loop3A_230 = arith.index_cast %parallel_loop3A_201 : i32 to index
        %parallel_loop3A_231 = arith.constant 32 : index
        %parallel_loop3A_232 = tpu.vector_load %arg12[%parallel_loop3A_230, %parallel_loop3A_231] {strides = array<i32>} : memref<80x64xi32, #tpu.memory_space<vmem>>, vector<16xi32>,
        %parallel_loop3A_233 = vector.bitcast %parallel_loop3A_232 : vector<16xi32> to vector<32xbf16>
        %parallel_loop3A_234 = arith.mulf %parallel_loop3A_229, %parallel_loop3A_233 : vector<32xbf16>
        %parallel_loop3A_235 = arith.index_cast %parallel_loop3A_201 : i32 to index
        %parallel_loop3A_236 = arith.constant 64 : index
        %parallel_loop3A_237 = tpu.vector_load %arg14[%parallel_loop3A_235, %parallel_loop3A_236] {strides = array<i32>} : memref<80x128xbf16, #tpu.memory_space<vmem>>, vector<32xbf16>,
        tpu.vector_store %arg14[%parallel_loop3A_235, %parallel_loop3A_236], %parallel_loop3A_234 {strides = array<i32>} : memref<80x128xbf16, #tpu.memory_space<vmem>>, vector<32xbf16>,
        %parallel_loop3A_238 = arith.index_cast %parallel_loop3A_201 : i32 to index
        %parallel_loop3A_239 = arith.constant 48 : index
        %parallel_loop3A_240 = tpu.vector_load %arg10[%parallel_loop3A_238, %parallel_loop3A_239] {strides = array<i32>} : memref<80x64xi32, #tpu.memory_space<vmem>>, vector<16xi32>,
        %parallel_loop3A_241 = vector.bitcast %parallel_loop3A_240 : vector<16xi32> to vector<32xbf16>
        %parallel_loop3A_242 = arith.index_cast %parallel_loop3A_201 : i32 to index
        %parallel_loop3A_243 = arith.constant 48 : index
        %parallel_loop3A_244 = tpu.vector_load %arg12[%parallel_loop3A_242, %parallel_loop3A_243] {strides = array<i32>} : memref<80x64xi32, #tpu.memory_space<vmem>>, vector<16xi32>,
        %parallel_loop3A_245 = vector.bitcast %parallel_loop3A_244 : vector<16xi32> to vector<32xbf16>
        %parallel_loop3A_246 = arith.mulf %parallel_loop3A_241, %parallel_loop3A_245 : vector<32xbf16>
        %parallel_loop3A_247 = arith.index_cast %parallel_loop3A_201 : i32 to index
        %parallel_loop3A_248 = arith.constant 96 : index
        %parallel_loop3A_249 = tpu.vector_load %arg14[%parallel_loop3A_247, %parallel_loop3A_248] {strides = array<i32>} : memref<80x128xbf16, #tpu.memory_space<vmem>>, vector<32xbf16>,
        tpu.vector_store %arg14[%parallel_loop3A_247, %parallel_loop3A_248], %parallel_loop3A_246 {strides = array<i32>} : memref<80x128xbf16, #tpu.memory_space<vmem>>, vector<32xbf16>,
      } {sc.loop_unroll_factor = 4 : i64, sc.parallel_access}
      %add3A_151 = arith.constant 2 : i32
      %add3A_152 = arith.addi %add3A_130, %add3A_151 : i32
      %lt3A = arith.constant 125 : i32
      %lt3A_153 = arith.cmpi slt, %add3A_152, %lt3A : i32
      %convert_element_type3A_154 = arith.extui %lt3A_153 : i1 to i32
      %cond3A_155 = arith.constant 0 : i32
      %cond3A_156 = arith.cmpi ne, %convert_element_type3A_154, %cond3A_155 : i32
      scf.if %cond3A_156 {
        %add3A_201 = arith.constant 2 : i32
        %add3A_202 = arith.addi %add3A_130, %add3A_201 : i32
        %dma_start3A_203 = arith.constant 0 : i32
        %dma_start3A_204 = tpu.memref_slice %arg9[%add3A_202, %dma_start3A_203] : memref<125x80xi32, #tpu.memory_space<vmem>> -> memref<1x80xi32, #tpu.memory_space<vmem>>
        %dma_start3A_205 = tpu.memref_squeeze %dma_start3A_204 : memref<1x80xi32, #tpu.memory_space<vmem>> -> memref<80xi32, #tpu.memory_space<vmem>>
        %dma_start3A_206 = arith.constant 0 : i32
        %dma_start3A_207 = arith.constant 0 : i32
        %dma_start3A_208 = tpu.memref_slice %arg2[%dma_start3A_206, %dma_start3A_207] : memref<10000x64xi32, #tpu.memory_space<hbm>> -> memref<10000x64xi32, #tpu.memory_space<hbm>>
        tpu.enqueue_indirect_dma source(%dma_start3A_208 : memref<10000x64xi32, #tpu.memory_space<hbm>>) target(%arg10 : memref<80x64xi32, #tpu.memory_space<vmem>>) offsets(%dma_start3A_205 : memref<80xi32, #tpu.memory_space<vmem>>) semaphore(%arg16 : memref<!tpu.dma_semaphore, #tpu.memory_space<semaphore_mem>>)
        %add3A_209 = arith.constant 2 : i32
        %add3A_210 = arith.addi %add3A_130, %add3A_209 : i32
        %mul3A_211 = arith.constant 80 : i32
        %mul3A_212 = arith.muli %add3A_210, %mul3A_211 : i32
        %add3A_213 = arith.addi %sub3A_36, %mul3A_212 : i32
        %eq3A_214 = arith.constant 0 : i32
        %eq3A_215 = arith.cmpi eq, %select_n3A, %eq3A_214 : i32
        %convert_element_type3A_216 = arith.extui %eq3A_215 : i1 to i32
        %cond3A_217 = arith.constant 0 : i32
        %cond3A_218 = arith.cmpi ne, %convert_element_type3A_216, %cond3A_217 : i32
        scf.if %cond3A_218 {
          %dma_start3A_224 = arith.constant 0 : i32
          %dma_start3A_225 = tpu.memref_slice %arg3[%add3A_213, %dma_start3A_224] : memref<160000x128xi32, #tpu.memory_space<hbm>> -> memref<80x64xi32, #tpu.memory_space<hbm>>
          %dma_start3A_226 = arith.constant 0 : i32
          %dma_start3A_227 = tpu.memref_slice %arg3[%add3A_213, %dma_start3A_226] : memref<160000x128xi32, #tpu.memory_space<hbm>> -> memref<80x64xi32, #tpu.memory_space<hbm>>
          tpu.enqueue_dma source(%dma_start3A_227 : memref<80x64xi32, #tpu.memory_space<hbm>>) target(%arg12 : memref<80x64xi32, #tpu.memory_space<vmem>>) target_semaphore(%arg18 : memref<!tpu.dma_semaphore, #tpu.memory_space<semaphore_mem>>)
        } else {
        }
        %eq3A_219 = arith.constant 1 : i32
        %eq3A_220 = arith.cmpi eq, %select_n3A, %eq3A_219 : i32
        %convert_element_type3A_221 = arith.extui %eq3A_220 : i1 to i32
        %cond3A_222 = arith.constant 0 : i32
        %cond3A_223 = arith.cmpi ne, %convert_element_type3A_221, %cond3A_222 : i32
        scf.if %cond3A_223 {
          %dma_start3A_224 = arith.constant 64 : i32
          %dma_start3A_225 = tpu.memref_slice %arg3[%add3A_213, %dma_start3A_224] : memref<160000x128xi32, #tpu.memory_space<hbm>> -> memref<80x64xi32, #tpu.memory_space<hbm>>
          %dma_start3A_226 = arith.constant 64 : i32
          %dma_start3A_227 = tpu.memref_slice %arg3[%add3A_213, %dma_start3A_226] : memref<160000x128xi32, #tpu.memory_space<hbm>> -> memref<80x64xi32, #tpu.memory_space<hbm>>
          tpu.enqueue_dma source(%dma_start3A_227 : memref<80x64xi32, #tpu.memory_space<hbm>>) target(%arg12 : memref<80x64xi32, #tpu.memory_space<vmem>>) target_semaphore(%arg18 : memref<!tpu.dma_semaphore, #tpu.memory_space<semaphore_mem>>)
        } else {
        }
      } else {
      }
      %dma_start3A_157 = arith.constant 0 : i32
      %dma_start3A_158 = tpu.memref_slice %arg8[%add3A_130, %dma_start3A_157] : memref<125x80xi32, #tpu.memory_space<vmem>> -> memref<1x80xi32, #tpu.memory_space<vmem>>
      %dma_start3A_159 = tpu.memref_squeeze %dma_start3A_158 : memref<1x80xi32, #tpu.memory_space<vmem>> -> memref<80xi32, #tpu.memory_space<vmem>>
      %dma_start3A_160 = arith.constant 0 : i32
      %dma_start3A_161 = arith.constant 0 : i32
      %dma_start3A_162 = tpu.memref_slice %arg7[%dma_start3A_160, %dma_start3A_161] : memref<10000x128xbf16, #tpu.memory_space<vmem_shared>> -> memref<10000x128xbf16, #tpu.memory_space<vmem_shared>>
      tpu.enqueue_indirect_dma source(%arg14 : memref<80x128xbf16, #tpu.memory_space<vmem>>) target(%dma_start3A_162 : memref<10000x128xbf16, #tpu.memory_space<vmem_shared>>) offsets(%dma_start3A_159 : memref<80xi32, #tpu.memory_space<vmem>>) semaphore(%arg20 : memref<!tpu.dma_semaphore, #tpu.memory_space<semaphore_mem>>) {add = true}
      %mul3A_163 = arith.constant 2 : i32
      %mul3A_164 = arith.muli %mul3A_163, %scan3A_126 : i32
      %add3A_165 = arith.constant 1 : i32
      %add3A_166 = arith.addi %mul3A_164, %add3A_165 : i32
      %dma_wait3A_167 = arith.constant 0 : i32
      %dma_wait3A_168 = tpu.memref_slice %arg9[%add3A_166, %dma_wait3A_167] : memref<125x80xi32, #tpu.memory_space<vmem>> -> memref<1x80xi32, #tpu.memory_space<vmem>>
      %dma_wait3A_169 = tpu.memref_squeeze %dma_wait3A_168 : memref<1x80xi32, #tpu.memory_space<vmem>> -> memref<80xi32, #tpu.memory_space<vmem>>
      %dma_wait3A_170 = arith.constant 0 : i32
      %dma_wait3A_171 = arith.constant 0 : i32
      %dma_wait3A_172 = tpu.memref_slice %arg2[%dma_wait3A_170, %dma_wait3A_171] : memref<10000x64xi32, #tpu.memory_space<hbm>> -> memref<10000x64xi32, #tpu.memory_space<hbm>>
      tpu.wait_indirect_dma semaphore(%arg17 : memref<!tpu.dma_semaphore, #tpu.memory_space<semaphore_mem>>) src(%dma_wait3A_172 : memref<10000x64xi32, #tpu.memory_space<hbm>>) dst(%arg11 : memref<80x64xi32, #tpu.memory_space<vmem>>)
      %mul3A_173 = arith.constant 80 : i32
      %mul3A_174 = arith.muli %add3A_166, %mul3A_173 : i32
      %add3A_175 = arith.addi %sub3A_36, %mul3A_174 : i32
      %dma_wait3A_176 = arith.constant 0 : i32
      %dma_wait3A_177 = tpu.memref_slice %arg3[%add3A_175, %dma_wait3A_176] : memref<160000x128xi32, #tpu.memory_space<hbm>> -> memref<80x64xi32, #tpu.memory_space<hbm>>
      %dma_wait3A_178 = arith.constant 0 : i32
      %dma_wait3A_179 = tpu.memref_slice %arg3[%add3A_175, %dma_wait3A_178] : memref<160000x128xi32, #tpu.memory_space<hbm>> -> memref<80x64xi32, #tpu.memory_space<hbm>>
      tpu.wait_dma2 semaphore(%arg19 : memref<!tpu.dma_semaphore, #tpu.memory_space<semaphore_mem>>) src(%dma_wait3A_179 : memref<80x64xi32, #tpu.memory_space<hbm>>) dst(%arg13 : memref<80x64xi32, #tpu.memory_space<vmem>>)
      %ge3A_180 = arith.constant 2 : i32
      %ge3A_181 = arith.cmpi sge, %add3A_166, %ge3A_180 : i32
      %convert_element_type3A_182 = arith.extui %ge3A_181 : i1 to i32
      %cond3A_183 = arith.constant 0 : i32
      %cond3A_184 = arith.cmpi ne, %convert_element_type3A_182, %cond3A_183 : i32
      scf.if %cond3A_184 {
        %sub3A_201 = arith.constant 2 : i32
        %sub3A_202 = arith.subi %add3A_166, %sub3A_201 : i32
        %dma_wait3A_203 = arith.constant 0 : i32
        %dma_wait3A_204 = tpu.memref_slice %arg8[%sub3A_202, %dma_wait3A_203] : memref<125x80xi32, #tpu.memory_space<vmem>> -> memref<1x80xi32, #tpu.memory_space<vmem>>
        %dma_wait3A_205 = tpu.memref_squeeze %dma_wait3A_204 : memref<1x80xi32, #tpu.memory_space<vmem>> -> memref<80xi32, #tpu.memory_space<vmem>>
        %dma_wait3A_206 = arith.constant 0 : i32
        %dma_wait3A_207 = arith.constant 0 : i32
        %dma_wait3A_208 = tpu.memref_slice %arg7[%dma_wait3A_206, %dma_wait3A_207] : memref<10000x128xbf16, #tpu.memory_space<vmem_shared>> -> memref<10000x128xbf16, #tpu.memory_space<vmem_shared>>
        tpu.wait_indirect_dma semaphore(%arg21 : memref<!tpu.dma_semaphore, #tpu.memory_space<semaphore_mem>>) src(%arg15 : memref<80x128xbf16, #tpu.memory_space<vmem>>) dst(%dma_wait3A_208 : memref<10000x128xbf16, #tpu.memory_space<vmem_shared>>)
      } else {
      }
      %parallel_loop3A_185 = arith.constant 0 : i32
      %parallel_loop3A_186 = arith.constant 80 : i32
      %parallel_loop3A_187 = arith.constant 1 : i32
      scf.for %parallel_loop3A_201 = %parallel_loop3A_185 to %parallel_loop3A_186 step %parallel_loop3A_187  : i32 {
        %parallel_loop3A_202 = arith.index_cast %parallel_loop3A_201 : i32 to index
        %parallel_loop3A_203 = arith.constant 0 : index
        %parallel_loop3A_204 = tpu.vector_load %arg11[%parallel_loop3A_202, %parallel_loop3A_203] {strides = array<i32>} : memref<80x64xi32, #tpu.memory_space<vmem>>, vector<16xi32>,
        %parallel_loop3A_205 = vector.bitcast %parallel_loop3A_204 : vector<16xi32> to vector<32xbf16>
        %parallel_loop3A_206 = arith.index_cast %parallel_loop3A_201 : i32 to index
        %parallel_loop3A_207 = arith.constant 0 : index
        %parallel_loop3A_208 = tpu.vector_load %arg13[%parallel_loop3A_206, %parallel_loop3A_207] {strides = array<i32>} : memref<80x64xi32, #tpu.memory_space<vmem>>, vector<16xi32>,
        %parallel_loop3A_209 = vector.bitcast %parallel_loop3A_208 : vector<16xi32> to vector<32xbf16>
        %parallel_loop3A_210 = arith.mulf %parallel_loop3A_205, %parallel_loop3A_209 : vector<32xbf16>
        %parallel_loop3A_211 = arith.index_cast %parallel_loop3A_201 : i32 to index
        %parallel_loop3A_212 = arith.constant 0 : index
        %parallel_loop3A_213 = tpu.vector_load %arg15[%parallel_loop3A_211, %parallel_loop3A_212] {strides = array<i32>} : memref<80x128xbf16, #tpu.memory_space<vmem>>, vector<32xbf16>,
        tpu.vector_store %arg15[%parallel_loop3A_211, %parallel_loop3A_212], %parallel_loop3A_210 {strides = array<i32>} : memref<80x128xbf16, #tpu.memory_space<vmem>>, vector<32xbf16>,
        %parallel_loop3A_214 = arith.index_cast %parallel_loop3A_201 : i32 to index
        %parallel_loop3A_215 = arith.constant 16 : index
        %parallel_loop3A_216 = tpu.vector_load %arg11[%parallel_loop3A_214, %parallel_loop3A_215] {strides = array<i32>} : memref<80x64xi32, #tpu.memory_space<vmem>>, vector<16xi32>,
        %parallel_loop3A_217 = vector.bitcast %parallel_loop3A_216 : vector<16xi32> to vector<32xbf16>
        %parallel_loop3A_218 = arith.index_cast %parallel_loop3A_201 : i32 to index
        %parallel_loop3A_219 = arith.constant 16 : index
        %parallel_loop3A_220 = tpu.vector_load %arg13[%parallel_loop3A_218, %parallel_loop3A_219] {strides = array<i32>} : memref<80x64xi32, #tpu.memory_space<vmem>>, vector<16xi32>,
        %parallel_loop3A_221 = vector.bitcast %parallel_loop3A_220 : vector<16xi32> to vector<32xbf16>
        %parallel_loop3A_222 = arith.mulf %parallel_loop3A_217, %parallel_loop3A_221 : vector<32xbf16>
        %parallel_loop3A_223 = arith.index_cast %parallel_loop3A_201 : i32 to index
        %parallel_loop3A_224 = arith.constant 32 : index
        %parallel_loop3A_225 = tpu.vector_load %arg15[%parallel_loop3A_223, %parallel_loop3A_224] {strides = array<i32>} : memref<80x128xbf16, #tpu.memory_space<vmem>>, vector<32xbf16>,
        tpu.vector_store %arg15[%parallel_loop3A_223, %parallel_loop3A_224], %parallel_loop3A_222 {strides = array<i32>} : memref<80x128xbf16, #tpu.memory_space<vmem>>, vector<32xbf16>,
        %parallel_loop3A_226 = arith.index_cast %parallel_loop3A_201 : i32 to index
        %parallel_loop3A_227 = arith.constant 32 : index
        %parallel_loop3A_228 = tpu.vector_load %arg11[%parallel_loop3A_226, %parallel_loop3A_227] {strides = array<i32>} : memref<80x64xi32, #tpu.memory_space<vmem>>, vector<16xi32>,
        %parallel_loop3A_229 = vector.bitcast %parallel_loop3A_228 : vector<16xi32> to vector<32xbf16>
        %parallel_loop3A_230 = arith.index_cast %parallel_loop3A_201 : i32 to index
        %parallel_loop3A_231 = arith.constant 32 : index
        %parallel_loop3A_232 = tpu.vector_load %arg13[%parallel_loop3A_230, %parallel_loop3A_231] {strides = array<i32>} : memref<80x64xi32, #tpu.memory_space<vmem>>, vector<16xi32>,
        %parallel_loop3A_233 = vector.bitcast %parallel_loop3A_232 : vector<16xi32> to vector<32xbf16>
        %parallel_loop3A_234 = arith.mulf %parallel_loop3A_229, %parallel_loop3A_233 : vector<32xbf16>
        %parallel_loop3A_235 = arith.index_cast %parallel_loop3A_201 : i32 to index
        %parallel_loop3A_236 = arith.constant 64 : index
        %parallel_loop3A_237 = tpu.vector_load %arg15[%parallel_loop3A_235, %parallel_loop3A_236] {strides = array<i32>} : memref<80x128xbf16, #tpu.memory_space<vmem>>, vector<32xbf16>,
        tpu.vector_store %arg15[%parallel_loop3A_235, %parallel_loop3A_236], %parallel_loop3A_234 {strides = array<i32>} : memref<80x128xbf16, #tpu.memory_space<vmem>>, vector<32xbf16>,
        %parallel_loop3A_238 = arith.index_cast %parallel_loop3A_201 : i32 to index
        %parallel_loop3A_239 = arith.constant 48 : index
        %parallel_loop3A_240 = tpu.vector_load %arg11[%parallel_loop3A_238, %parallel_loop3A_239] {strides = array<i32>} : memref<80x64xi32, #tpu.memory_space<vmem>>, vector<16xi32>,
        %parallel_loop3A_241 = vector.bitcast %parallel_loop3A_240 : vector<16xi32> to vector<32xbf16>
        %parallel_loop3A_242 = arith.index_cast %parallel_loop3A_201 : i32 to index
        %parallel_loop3A_243 = arith.constant 48 : index
        %parallel_loop3A_244 = tpu.vector_load %arg13[%parallel_loop3A_242, %parallel_loop3A_243] {strides = array<i32>} : memref<80x64xi32, #tpu.memory_space<vmem>>, vector<16xi32>,
        %parallel_loop3A_245 = vector.bitcast %parallel_loop3A_244 : vector<16xi32> to vector<32xbf16>
        %parallel_loop3A_246 = arith.mulf %parallel_loop3A_241, %parallel_loop3A_245 : vector<32xbf16>
        %parallel_loop3A_247 = arith.index_cast %parallel_loop3A_201 : i32 to index
        %parallel_loop3A_248 = arith.constant 96 : index
        %parallel_loop3A_249 = tpu.vector_load %arg15[%parallel_loop3A_247, %parallel_loop3A_248] {strides = array<i32>} : memref<80x128xbf16, #tpu.memory_space<vmem>>, vector<32xbf16>,
        tpu.vector_store %arg15[%parallel_loop3A_247, %parallel_loop3A_248], %parallel_loop3A_246 {strides = array<i32>} : memref<80x128xbf16, #tpu.memory_space<vmem>>, vector<32xbf16>,
      } {sc.loop_unroll_factor = 4 : i64, sc.parallel_access}
      %add3A_188 = arith.constant 2 : i32
      %add3A_189 = arith.addi %add3A_166, %add3A_188 : i32
      %lt3A_190 = arith.constant 125 : i32
      %lt3A_191 = arith.cmpi slt, %add3A_189, %lt3A_190 : i32
      %convert_element_type3A_192 = arith.extui %lt3A_191 : i1 to i32
      %cond3A_193 = arith.constant 0 : i32
      %cond3A_194 = arith.cmpi ne, %convert_element_type3A_192, %cond3A_193 : i32
      scf.if %cond3A_194 {
        %add3A_201 = arith.constant 2 : i32
        %add3A_202 = arith.addi %add3A_166, %add3A_201 : i32
        %dma_start3A_203 = arith.constant 0 : i32
        %dma_start3A_204 = tpu.memref_slice %arg9[%add3A_202, %dma_start3A_203] : memref<125x80xi32, #tpu.memory_space<vmem>> -> memref<1x80xi32, #tpu.memory_space<vmem>>
        %dma_start3A_205 = tpu.memref_squeeze %dma_start3A_204 : memref<1x80xi32, #tpu.memory_space<vmem>> -> memref<80xi32, #tpu.memory_space<vmem>>
        %dma_start3A_206 = arith.constant 0 : i32
        %dma_start3A_207 = arith.constant 0 : i32
        %dma_start3A_208 = tpu.memref_slice %arg2[%dma_start3A_206, %dma_start3A_207] : memref<10000x64xi32, #tpu.memory_space<hbm>> -> memref<10000x64xi32, #tpu.memory_space<hbm>>
        tpu.enqueue_indirect_dma source(%dma_start3A_208 : memref<10000x64xi32, #tpu.memory_space<hbm>>) target(%arg11 : memref<80x64xi32, #tpu.memory_space<vmem>>) offsets(%dma_start3A_205 : memref<80xi32, #tpu.memory_space<vmem>>) semaphore(%arg17 : memref<!tpu.dma_semaphore, #tpu.memory_space<semaphore_mem>>)
        %add3A_209 = arith.constant 2 : i32
        %add3A_210 = arith.addi %add3A_166, %add3A_209 : i32
        %mul3A_211 = arith.constant 80 : i32
        %mul3A_212 = arith.muli %add3A_210, %mul3A_211 : i32
        %add3A_213 = arith.addi %sub3A_36, %mul3A_212 : i32
        %eq3A_214 = arith.constant 0 : i32
        %eq3A_215 = arith.cmpi eq, %select_n3A, %eq3A_214 : i32
        %convert_element_type3A_216 = arith.extui %eq3A_215 : i1 to i32
        %cond3A_217 = arith.constant 0 : i32
        %cond3A_218 = arith.cmpi ne, %convert_element_type3A_216, %cond3A_217 : i32
        scf.if %cond3A_218 {
          %dma_start3A_224 = arith.constant 0 : i32
          %dma_start3A_225 = tpu.memref_slice %arg3[%add3A_213, %dma_start3A_224] : memref<160000x128xi32, #tpu.memory_space<hbm>> -> memref<80x64xi32, #tpu.memory_space<hbm>>
          %dma_start3A_226 = arith.constant 0 : i32
          %dma_start3A_227 = tpu.memref_slice %arg3[%add3A_213, %dma_start3A_226] : memref<160000x128xi32, #tpu.memory_space<hbm>> -> memref<80x64xi32, #tpu.memory_space<hbm>>
          tpu.enqueue_dma source(%dma_start3A_227 : memref<80x64xi32, #tpu.memory_space<hbm>>) target(%arg13 : memref<80x64xi32, #tpu.memory_space<vmem>>) target_semaphore(%arg19 : memref<!tpu.dma_semaphore, #tpu.memory_space<semaphore_mem>>)
        } else {
        }
        %eq3A_219 = arith.constant 1 : i32
        %eq3A_220 = arith.cmpi eq, %select_n3A, %eq3A_219 : i32
        %convert_element_type3A_221 = arith.extui %eq3A_220 : i1 to i32
        %cond3A_222 = arith.constant 0 : i32
        %cond3A_223 = arith.cmpi ne, %convert_element_type3A_221, %cond3A_222 : i32
        scf.if %cond3A_223 {
          %dma_start3A_224 = arith.constant 64 : i32
          %dma_start3A_225 = tpu.memref_slice %arg3[%add3A_213, %dma_start3A_224] : memref<160000x128xi32, #tpu.memory_space<hbm>> -> memref<80x64xi32, #tpu.memory_space<hbm>>
          %dma_start3A_226 = arith.constant 64 : i32
          %dma_start3A_227 = tpu.memref_slice %arg3[%add3A_213, %dma_start3A_226] : memref<160000x128xi32, #tpu.memory_space<hbm>> -> memref<80x64xi32, #tpu.memory_space<hbm>>
          tpu.enqueue_dma source(%dma_start3A_227 : memref<80x64xi32, #tpu.memory_space<hbm>>) target(%arg13 : memref<80x64xi32, #tpu.memory_space<vmem>>) target_semaphore(%arg19 : memref<!tpu.dma_semaphore, #tpu.memory_space<semaphore_mem>>)
        } else {
        }
      } else {
      }
      %dma_start3A_195 = arith.constant 0 : i32
      %dma_start3A_196 = tpu.memref_slice %arg8[%add3A_166, %dma_start3A_195] : memref<125x80xi32, #tpu.memory_space<vmem>> -> memref<1x80xi32, #tpu.memory_space<vmem>>
      %dma_start3A_197 = tpu.memref_squeeze %dma_start3A_196 : memref<1x80xi32, #tpu.memory_space<vmem>> -> memref<80xi32, #tpu.memory_space<vmem>>
      %dma_start3A_198 = arith.constant 0 : i32
      %dma_start3A_199 = arith.constant 0 : i32
      %dma_start3A_200 = tpu.memref_slice %arg7[%dma_start3A_198, %dma_start3A_199] : memref<10000x128xbf16, #tpu.memory_space<vmem_shared>> -> memref<10000x128xbf16, #tpu.memory_space<vmem_shared>>
      tpu.enqueue_indirect_dma source(%arg15 : memref<80x128xbf16, #tpu.memory_space<vmem>>) target(%dma_start3A_200 : memref<10000x128xbf16, #tpu.memory_space<vmem_shared>>) offsets(%dma_start3A_197 : memref<80xi32, #tpu.memory_space<vmem>>) semaphore(%arg21 : memref<!tpu.dma_semaphore, #tpu.memory_space<semaphore_mem>>) {add = true}
    }
    %scan3A_76 = arith.constant 62 : i32
    %dma_wait3A = arith.constant 124 : i32
    %dma_wait3A_77 = arith.constant 0 : i32
    %dma_wait3A_78 = tpu.memref_slice %arg9[%dma_wait3A, %dma_wait3A_77] : memref<125x80xi32, #tpu.memory_space<vmem>> -> memref<1x80xi32, #tpu.memory_space<vmem>>
    %dma_wait3A_79 = tpu.memref_squeeze %dma_wait3A_78 : memref<1x80xi32, #tpu.memory_space<vmem>> -> memref<80xi32, #tpu.memory_space<vmem>>
    %dma_wait3A_80 = arith.constant 0 : i32
    %dma_wait3A_81 = arith.constant 0 : i32
    %dma_wait3A_82 = tpu.memref_slice %arg2[%dma_wait3A_80, %dma_wait3A_81] : memref<10000x64xi32, #tpu.memory_space<hbm>> -> memref<10000x64xi32, #tpu.memory_space<hbm>>
    tpu.wait_indirect_dma semaphore(%arg16 : memref<!tpu.dma_semaphore, #tpu.memory_space<semaphore_mem>>) src(%dma_wait3A_82 : memref<10000x64xi32, #tpu.memory_space<hbm>>) dst(%arg10 : memref<80x64xi32, #tpu.memory_space<vmem>>)
    %add3A_83 = arith.constant 9920 : i32
    %add3A_84 = arith.addi %sub3A_36, %add3A_83 : i32
    %dma_wait3A_85 = arith.constant 0 : i32
    %dma_wait3A_86 = tpu.memref_slice %arg3[%add3A_84, %dma_wait3A_85] : memref<160000x128xi32, #tpu.memory_space<hbm>> -> memref<80x64xi32, #tpu.memory_space<hbm>>
    %dma_wait3A_87 = arith.constant 0 : i32
    %dma_wait3A_88 = tpu.memref_slice %arg3[%add3A_84, %dma_wait3A_87] : memref<160000x128xi32, #tpu.memory_space<hbm>> -> memref<80x64xi32, #tpu.memory_space<hbm>>
    tpu.wait_dma2 semaphore(%arg18 : memref<!tpu.dma_semaphore, #tpu.memory_space<semaphore_mem>>) src(%dma_wait3A_88 : memref<80x64xi32, #tpu.memory_space<hbm>>) dst(%arg12 : memref<80x64xi32, #tpu.memory_space<vmem>>)
    %dma_wait3A_89 = arith.constant 122 : i32
    %dma_wait3A_90 = arith.constant 0 : i32
    %dma_wait3A_91 = tpu.memref_slice %arg8[%dma_wait3A_89, %dma_wait3A_90] : memref<125x80xi32, #tpu.memory_space<vmem>> -> memref<1x80xi32, #tpu.memory_space<vmem>>
    %dma_wait3A_92 = tpu.memref_squeeze %dma_wait3A_91 : memref<1x80xi32, #tpu.memory_space<vmem>> -> memref<80xi32, #tpu.memory_space<vmem>>
    %dma_wait3A_93 = arith.constant 0 : i32
    %dma_wait3A_94 = arith.constant 0 : i32
    %dma_wait3A_95 = tpu.memref_slice %arg7[%dma_wait3A_93, %dma_wait3A_94] : memref<10000x128xbf16, #tpu.memory_space<vmem_shared>> -> memref<10000x128xbf16, #tpu.memory_space<vmem_shared>>
    tpu.wait_indirect_dma semaphore(%arg20 : memref<!tpu.dma_semaphore, #tpu.memory_space<semaphore_mem>>) src(%arg14 : memref<80x128xbf16, #tpu.memory_space<vmem>>) dst(%dma_wait3A_95 : memref<10000x128xbf16, #tpu.memory_space<vmem_shared>>)
    %parallel_loop3A = arith.constant 0 : i32
    %parallel_loop3A_96 = arith.constant 80 : i32
    %parallel_loop3A_97 = arith.constant 1 : i32
    scf.for %parallel_loop3A_126 = %parallel_loop3A to %parallel_loop3A_96 step %parallel_loop3A_97  : i32 {
      %parallel_loop3A_127 = arith.index_cast %parallel_loop3A_126 : i32 to index
      %parallel_loop3A_128 = arith.constant 0 : index
      %parallel_loop3A_129 = tpu.vector_load %arg10[%parallel_loop3A_127, %parallel_loop3A_128] {strides = array<i32>} : memref<80x64xi32, #tpu.memory_space<vmem>>, vector<16xi32>,
      %parallel_loop3A_130 = vector.bitcast %parallel_loop3A_129 : vector<16xi32> to vector<32xbf16>
      %parallel_loop3A_131 = arith.index_cast %parallel_loop3A_126 : i32 to index
      %parallel_loop3A_132 = arith.constant 0 : index
      %parallel_loop3A_133 = tpu.vector_load %arg12[%parallel_loop3A_131, %parallel_loop3A_132] {strides = array<i32>} : memref<80x64xi32, #tpu.memory_space<vmem>>, vector<16xi32>,
      %parallel_loop3A_134 = vector.bitcast %parallel_loop3A_133 : vector<16xi32> to vector<32xbf16>
      %parallel_loop3A_135 = arith.mulf %parallel_loop3A_130, %parallel_loop3A_134 : vector<32xbf16>
      %parallel_loop3A_136 = arith.index_cast %parallel_loop3A_126 : i32 to index
      %parallel_loop3A_137 = arith.constant 0 : index
      %parallel_loop3A_138 = tpu.vector_load %arg14[%parallel_loop3A_136, %parallel_loop3A_137] {strides = array<i32>} : memref<80x128xbf16, #tpu.memory_space<vmem>>, vector<32xbf16>,
      tpu.vector_store %arg14[%parallel_loop3A_136, %parallel_loop3A_137], %parallel_loop3A_135 {strides = array<i32>} : memref<80x128xbf16, #tpu.memory_space<vmem>>, vector<32xbf16>,
      %parallel_loop3A_139 = arith.index_cast %parallel_loop3A_126 : i32 to index
      %parallel_loop3A_140 = arith.constant 16 : index
      %parallel_loop3A_141 = tpu.vector_load %arg10[%parallel_loop3A_139, %parallel_loop3A_140] {strides = array<i32>} : memref<80x64xi32, #tpu.memory_space<vmem>>, vector<16xi32>,
      %parallel_loop3A_142 = vector.bitcast %parallel_loop3A_141 : vector<16xi32> to vector<32xbf16>
      %parallel_loop3A_143 = arith.index_cast %parallel_loop3A_126 : i32 to index
      %parallel_loop3A_144 = arith.constant 16 : index
      %parallel_loop3A_145 = tpu.vector_load %arg12[%parallel_loop3A_143, %parallel_loop3A_144] {strides = array<i32>} : memref<80x64xi32, #tpu.memory_space<vmem>>, vector<16xi32>,
      %parallel_loop3A_146 = vector.bitcast %parallel_loop3A_145 : vector<16xi32> to vector<32xbf16>
      %parallel_loop3A_147 = arith.mulf %parallel_loop3A_142, %parallel_loop3A_146 : vector<32xbf16>
      %parallel_loop3A_148 = arith.index_cast %parallel_loop3A_126 : i32 to index
      %parallel_loop3A_149 = arith.constant 32 : index
      %parallel_loop3A_150 = tpu.vector_load %arg14[%parallel_loop3A_148, %parallel_loop3A_149] {strides = array<i32>} : memref<80x128xbf16, #tpu.memory_space<vmem>>, vector<32xbf16>,
      tpu.vector_store %arg14[%parallel_loop3A_148, %parallel_loop3A_149], %parallel_loop3A_147 {strides = array<i32>} : memref<80x128xbf16, #tpu.memory_space<vmem>>, vector<32xbf16>,
      %parallel_loop3A_151 = arith.index_cast %parallel_loop3A_126 : i32 to index
      %parallel_loop3A_152 = arith.constant 32 : index
      %parallel_loop3A_153 = tpu.vector_load %arg10[%parallel_loop3A_151, %parallel_loop3A_152] {strides = array<i32>} : memref<80x64xi32, #tpu.memory_space<vmem>>, vector<16xi32>,
      %parallel_loop3A_154 = vector.bitcast %parallel_loop3A_153 : vector<16xi32> to vector<32xbf16>
      %parallel_loop3A_155 = arith.index_cast %parallel_loop3A_126 : i32 to index
      %parallel_loop3A_156 = arith.constant 32 : index
      %parallel_loop3A_157 = tpu.vector_load %arg12[%parallel_loop3A_155, %parallel_loop3A_156] {strides = array<i32>} : memref<80x64xi32, #tpu.memory_space<vmem>>, vector<16xi32>,
      %parallel_loop3A_158 = vector.bitcast %parallel_loop3A_157 : vector<16xi32> to vector<32xbf16>
      %parallel_loop3A_159 = arith.mulf %parallel_loop3A_154, %parallel_loop3A_158 : vector<32xbf16>
      %parallel_loop3A_160 = arith.index_cast %parallel_loop3A_126 : i32 to index
      %parallel_loop3A_161 = arith.constant 64 : index
      %parallel_loop3A_162 = tpu.vector_load %arg14[%parallel_loop3A_160, %parallel_loop3A_161] {strides = array<i32>} : memref<80x128xbf16, #tpu.memory_space<vmem>>, vector<32xbf16>,
      tpu.vector_store %arg14[%parallel_loop3A_160, %parallel_loop3A_161], %parallel_loop3A_159 {strides = array<i32>} : memref<80x128xbf16, #tpu.memory_space<vmem>>, vector<32xbf16>,
      %parallel_loop3A_163 = arith.index_cast %parallel_loop3A_126 : i32 to index
      %parallel_loop3A_164 = arith.constant 48 : index
      %parallel_loop3A_165 = tpu.vector_load %arg10[%parallel_loop3A_163, %parallel_loop3A_164] {strides = array<i32>} : memref<80x64xi32, #tpu.memory_space<vmem>>, vector<16xi32>,
      %parallel_loop3A_166 = vector.bitcast %parallel_loop3A_165 : vector<16xi32> to vector<32xbf16>
      %parallel_loop3A_167 = arith.index_cast %parallel_loop3A_126 : i32 to index
      %parallel_loop3A_168 = arith.constant 48 : index
      %parallel_loop3A_169 = tpu.vector_load %arg12[%parallel_loop3A_167, %parallel_loop3A_168] {strides = array<i32>} : memref<80x64xi32, #tpu.memory_space<vmem>>, vector<16xi32>,
      %parallel_loop3A_170 = vector.bitcast %parallel_loop3A_169 : vector<16xi32> to vector<32xbf16>
      %parallel_loop3A_171 = arith.mulf %parallel_loop3A_166, %parallel_loop3A_170 : vector<32xbf16>
      %parallel_loop3A_172 = arith.index_cast %parallel_loop3A_126 : i32 to index
      %parallel_loop3A_173 = arith.constant 96 : index
      %parallel_loop3A_174 = tpu.vector_load %arg14[%parallel_loop3A_172, %parallel_loop3A_173] {strides = array<i32>} : memref<80x128xbf16, #tpu.memory_space<vmem>>, vector<32xbf16>,
      tpu.vector_store %arg14[%parallel_loop3A_172, %parallel_loop3A_173], %parallel_loop3A_171 {strides = array<i32>} : memref<80x128xbf16, #tpu.memory_space<vmem>>, vector<32xbf16>,
    } {sc.loop_unroll_factor = 4 : i64, sc.parallel_access}
    %dma_start3A_98 = arith.constant 124 : i32
    %dma_start3A_99 = arith.constant 0 : i32
    %dma_start3A_100 = tpu.memref_slice %arg8[%dma_start3A_98, %dma_start3A_99] : memref<125x80xi32, #tpu.memory_space<vmem>> -> memref<1x80xi32, #tpu.memory_space<vmem>>
    %dma_start3A_101 = tpu.memref_squeeze %dma_start3A_100 : memref<1x80xi32, #tpu.memory_space<vmem>> -> memref<80xi32, #tpu.memory_space<vmem>>
    %dma_start3A_102 = arith.constant 0 : i32
    %dma_start3A_103 = arith.constant 0 : i32
    %dma_start3A_104 = tpu.memref_slice %arg7[%dma_start3A_102, %dma_start3A_103] : memref<10000x128xbf16, #tpu.memory_space<vmem_shared>> -> memref<10000x128xbf16, #tpu.memory_space<vmem_shared>>
    tpu.enqueue_indirect_dma source(%arg14 : memref<80x128xbf16, #tpu.memory_space<vmem>>) target(%dma_start3A_104 : memref<10000x128xbf16, #tpu.memory_space<vmem_shared>>) offsets(%dma_start3A_101 : memref<80xi32, #tpu.memory_space<vmem>>) semaphore(%arg20 : memref<!tpu.dma_semaphore, #tpu.memory_space<semaphore_mem>>) {add = true}
    %dma_wait3A_105 = arith.constant 123 : i32
    %dma_wait3A_106 = arith.constant 0 : i32
    %dma_wait3A_107 = tpu.memref_slice %arg8[%dma_wait3A_105, %dma_wait3A_106] : memref<125x80xi32, #tpu.memory_space<vmem>> -> memref<1x80xi32, #tpu.memory_space<vmem>>
    %dma_wait3A_108 = tpu.memref_squeeze %dma_wait3A_107 : memref<1x80xi32, #tpu.memory_space<vmem>> -> memref<80xi32, #tpu.memory_space<vmem>>
    %dma_wait3A_109 = arith.constant 0 : i32
    %dma_wait3A_110 = arith.constant 0 : i32
    %dma_wait3A_111 = tpu.memref_slice %arg7[%dma_wait3A_109, %dma_wait3A_110] : memref<10000x128xbf16, #tpu.memory_space<vmem_shared>> -> memref<10000x128xbf16, #tpu.memory_space<vmem_shared>>
    tpu.wait_indirect_dma semaphore(%arg21 : memref<!tpu.dma_semaphore, #tpu.memory_space<semaphore_mem>>) src(%arg15 : memref<80x128xbf16, #tpu.memory_space<vmem>>) dst(%dma_wait3A_111 : memref<10000x128xbf16, #tpu.memory_space<vmem_shared>>)
    %dma_wait3A_112 = arith.constant 124 : i32
    %dma_wait3A_113 = arith.constant 0 : i32
    %dma_wait3A_114 = tpu.memref_slice %arg8[%dma_wait3A_112, %dma_wait3A_113] : memref<125x80xi32, #tpu.memory_space<vmem>> -> memref<1x80xi32, #tpu.memory_space<vmem>>
    %dma_wait3A_115 = tpu.memref_squeeze %dma_wait3A_114 : memref<1x80xi32, #tpu.memory_space<vmem>> -> memref<80xi32, #tpu.memory_space<vmem>>
    %dma_wait3A_116 = arith.constant 0 : i32
    %dma_wait3A_117 = arith.constant 0 : i32
    %dma_wait3A_118 = tpu.memref_slice %arg7[%dma_wait3A_116, %dma_wait3A_117] : memref<10000x128xbf16, #tpu.memory_space<vmem_shared>> -> memref<10000x128xbf16, #tpu.memory_space<vmem_shared>>
    tpu.wait_indirect_dma semaphore(%arg20 : memref<!tpu.dma_semaphore, #tpu.memory_space<semaphore_mem>>) src(%arg14 : memref<80x128xbf16, #tpu.memory_space<vmem>>) dst(%dma_wait3A_118 : memref<10000x128xbf16, #tpu.memory_space<vmem_shared>>)
    %barrier3A_119 = arith.constant 0 : index
    tpu.barrier barrier_id(%barrier3A_119)
    %scan3A_120 = arith.constant 0 : i32
    %scan3A_121 = arith.constant 0 : i32
    %scan3A_122 = arith.constant 25 : i32
    %scan3A_123 = arith.addi %scan3A_121, %scan3A_122 : i32
    %scan3A_124 = arith.constant 1 : i32
    scf.for %scan3A_126 = %scan3A_121 to %scan3A_123 step %scan3A_124  : i32 {
      %mul3A_127 = arith.constant 625 : i32
      %mul3A_128 = arith.muli %arg1, %mul3A_127 : i32
      %mul3A_129 = arith.constant 25 : i32
      %mul3A_130 = arith.muli %scan3A_126, %mul3A_129 : i32
      %add3A_131 = arith.addi %mul3A_128, %mul3A_130 : i32
      "tpu.region"() ({
        %run_scoped3A = tpu.sem_alloc : memref<!tpu.dma_semaphore, #tpu.memory_space<semaphore_mem>>
        %dma_start3A_132 = arith.constant 0 : i32
        %dma_start3A_133 = arith.constant 0 : i32
        %dma_start3A_134 = tpu.memref_slice %arg14[%dma_start3A_132, %dma_start3A_133] : memref<80x128xbf16, #tpu.memory_space<vmem>> -> memref<25x128xbf16, #tpu.memory_space<vmem>>
        %dma_start3A_135 = arith.constant 0 : i32
        %dma_start3A_136 = tpu.memref_slice %arg7[%add3A_131, %dma_start3A_135] : memref<10000x128xbf16, #tpu.memory_space<vmem_shared>> -> memref<25x128xbf16, #tpu.memory_space<vmem_shared>>
        %dma_start3A_137 = arith.constant 0 : i32
        %dma_start3A_138 = arith.constant 0 : i32
        %dma_start3A_139 = tpu.memref_slice %arg14[%dma_start3A_137, %dma_start3A_138] : memref<80x128xbf16, #tpu.memory_space<vmem>> -> memref<25x128xbf16, #tpu.memory_space<vmem>>
        %dma_start3A_140 = arith.constant 0 : i32
        %dma_start3A_141 = tpu.memref_slice %arg7[%add3A_131, %dma_start3A_140] : memref<10000x128xbf16, #tpu.memory_space<vmem_shared>> -> memref<25x128xbf16, #tpu.memory_space<vmem_shared>>
        tpu.enqueue_dma source(%dma_start3A_141 : memref<25x128xbf16, #tpu.memory_space<vmem_shared>>) target(%dma_start3A_139 : memref<25x128xbf16, #tpu.memory_space<vmem>>) target_semaphore(%run_scoped3A : memref<!tpu.dma_semaphore, #tpu.memory_space<semaphore_mem>>)
        %dma_wait3A_142 = arith.constant 0 : i32
        %dma_wait3A_143 = arith.constant 0 : i32
        %dma_wait3A_144 = tpu.memref_slice %arg14[%dma_wait3A_142, %dma_wait3A_143] : memref<80x128xbf16, #tpu.memory_space<vmem>> -> memref<25x128xbf16, #tpu.memory_space<vmem>>
        %dma_wait3A_145 = arith.constant 0 : i32
        %dma_wait3A_146 = tpu.memref_slice %arg7[%add3A_131, %dma_wait3A_145] : memref<10000x128xbf16, #tpu.memory_space<vmem_shared>> -> memref<25x128xbf16, #tpu.memory_space<vmem_shared>>
        %dma_wait3A_147 = arith.constant 0 : i32
        %dma_wait3A_148 = arith.constant 0 : i32
        %dma_wait3A_149 = tpu.memref_slice %arg14[%dma_wait3A_147, %dma_wait3A_148] : memref<80x128xbf16, #tpu.memory_space<vmem>> -> memref<25x128xbf16, #tpu.memory_space<vmem>>
        %dma_wait3A_150 = arith.constant 0 : i32
        %dma_wait3A_151 = tpu.memref_slice %arg7[%add3A_131, %dma_wait3A_150] : memref<10000x128xbf16, #tpu.memory_space<vmem_shared>> -> memref<25x128xbf16, #tpu.memory_space<vmem_shared>>
        tpu.wait_dma2 semaphore(%run_scoped3A : memref<!tpu.dma_semaphore, #tpu.memory_space<semaphore_mem>>) src(%dma_wait3A_151 : memref<25x128xbf16, #tpu.memory_space<vmem_shared>>) dst(%dma_wait3A_149 : memref<25x128xbf16, #tpu.memory_space<vmem>>)
        tpu.yield
      }) : () -> ()
      "tpu.region"() ({
        %run_scoped3A = tpu.sem_alloc : memref<!tpu.dma_semaphore, #tpu.memory_space<semaphore_mem>>
        %dma_start3A_132 = arith.constant 0 : i32
        %dma_start3A_133 = arith.constant 0 : i32
        %dma_start3A_134 = tpu.memref_slice %arg14[%dma_start3A_132, %dma_start3A_133] : memref<80x128xbf16, #tpu.memory_space<vmem>> -> memref<25x128xbf16, #tpu.memory_space<vmem>>
        %dma_start3A_135 = arith.constant 0 : i32
        %dma_start3A_136 = tpu.memref_slice %arg6[%arg0, %add3A_131, %dma_start3A_135] : memref<2x10000x128xbf16, #tpu.memory_space<hbm>> -> memref<1x25x128xbf16, #tpu.memory_space<hbm>>
        %dma_start3A_137 = tpu.memref_squeeze %dma_start3A_136 : memref<1x25x128xbf16, #tpu.memory_space<hbm>> -> memref<25x128xbf16, #tpu.memory_space<hbm>>
        %dma_start3A_138 = arith.constant 0 : i32
        %dma_start3A_139 = tpu.memref_slice %arg6[%arg0, %add3A_131, %dma_start3A_138] : memref<2x10000x128xbf16, #tpu.memory_space<hbm>> -> memref<1x25x128xbf16, #tpu.memory_space<hbm>>
        %dma_start3A_140 = tpu.memref_squeeze %dma_start3A_139 : memref<1x25x128xbf16, #tpu.memory_space<hbm>> -> memref<25x128xbf16, #tpu.memory_space<hbm>>
        %dma_start3A_141 = arith.constant 0 : i32
        %dma_start3A_142 = arith.constant 0 : i32
        %dma_start3A_143 = tpu.memref_slice %arg14[%dma_start3A_141, %dma_start3A_142] : memref<80x128xbf16, #tpu.memory_space<vmem>> -> memref<25x128xbf16, #tpu.memory_space<vmem>>
        tpu.enqueue_dma source(%dma_start3A_143 : memref<25x128xbf16, #tpu.memory_space<vmem>>) target(%dma_start3A_140 : memref<25x128xbf16, #tpu.memory_space<hbm>>) target_semaphore(%run_scoped3A : memref<!tpu.dma_semaphore, #tpu.memory_space<semaphore_mem>>)
        %dma_wait3A_144 = arith.constant 0 : i32
        %dma_wait3A_145 = arith.constant 0 : i32
        %dma_wait3A_146 = tpu.memref_slice %arg14[%dma_wait3A_144, %dma_wait3A_145] : memref<80x128xbf16, #tpu.memory_space<vmem>> -> memref<25x128xbf16, #tpu.memory_space<vmem>>
        %dma_wait3A_147 = arith.constant 0 : i32
        %dma_wait3A_148 = tpu.memref_slice %arg6[%arg0, %add3A_131, %dma_wait3A_147] : memref<2x10000x128xbf16, #tpu.memory_space<hbm>> -> memref<1x25x128xbf16, #tpu.memory_space<hbm>>
        %dma_wait3A_149 = tpu.memref_squeeze %dma_wait3A_148 : memref<1x25x128xbf16, #tpu.memory_space<hbm>> -> memref<25x128xbf16, #tpu.memory_space<hbm>>
        %dma_wait3A_150 = arith.constant 0 : i32
        %dma_wait3A_151 = tpu.memref_slice %arg6[%arg0, %add3A_131, %dma_wait3A_150] : memref<2x10000x128xbf16, #tpu.memory_space<hbm>> -> memref<1x25x128xbf16, #tpu.memory_space<hbm>>
        %dma_wait3A_152 = tpu.memref_squeeze %dma_wait3A_151 : memref<1x25x128xbf16, #tpu.memory_space<hbm>> -> memref<25x128xbf16, #tpu.memory_space<hbm>>
        %dma_wait3A_153 = arith.constant 0 : i32
        %dma_wait3A_154 = arith.constant 0 : i32
        %dma_wait3A_155 = tpu.memref_slice %arg14[%dma_wait3A_153, %dma_wait3A_154] : memref<80x128xbf16, #tpu.memory_space<vmem>> -> memref<25x128xbf16, #tpu.memory_space<vmem>>
        tpu.wait_dma2 semaphore(%run_scoped3A : memref<!tpu.dma_semaphore, #tpu.memory_space<semaphore_mem>>) src(%dma_wait3A_155 : memref<25x128xbf16, #tpu.memory_space<vmem>>) dst(%dma_wait3A_152 : memref<25x128xbf16, #tpu.memory_space<hbm>>)
        tpu.yield
      }) : () -> ()
    }
    %scan3A_125 = arith.constant 25 : i32
    return
  }
}

#map = affine_map<(d0, d1) -> (0, 0)>
#map1 = affine_map<(d0, d1) -> (0, 0, 0)>
module attributes {stable_mosaic.version = 14 : i64} {
  func.func @_scat_body(%arg0: i32, %arg1: i32, %arg2: memref<10000x64xi32, #tpu.memory_space<hbm>>, %arg3: memref<160000x128xi32, #tpu.memory_space<hbm>>, %arg4: memref<4000x80xi32, #tpu.memory_space<hbm>>, %arg5: memref<4000x80xi32, #tpu.memory_space<hbm>>, %arg6: memref<2x10000x128xbf16, #tpu.memory_space<hbm>>, %arg7: memref<10000x128xbf16, #tpu.memory_space<vmem_shared>>, %arg8: memref<125x80xi32, #tpu.memory_space<vmem>>, %arg9: memref<125x80xi32, #tpu.memory_space<vmem>>, %arg10: memref<80x64xi32, #tpu.memory_space<vmem>>, %arg11: memref<80x64xi32, #tpu.memory_space<vmem>>, %arg12: memref<80x64xi32, #tpu.memory_space<vmem>>, %arg13: memref<80x64xi32, #tpu.memory_space<vmem>>, %arg14: memref<80x128xbf16, #tpu.memory_space<vmem>>, %arg15: memref<80x128xbf16, #tpu.memory_space<vmem>>, %arg16: memref<!tpu.dma_semaphore, #tpu.memory_space<semaphore_mem>>, %arg17: memref<!tpu.dma_semaphore, #tpu.memory_space<semaphore_mem>>, %arg18: memref<!tpu.dma_semaphore, #tpu.memory_space<semaphore_mem>>, %arg19: memref<!tpu.dma_semaphore, #tpu.memory_space<semaphore_mem>>, %arg20: memref<!tpu.dma_semaphore, #tpu.memory_space<semaphore_mem>>, %arg21: memref<!tpu.dma_semaphore, #tpu.memory_space<semaphore_mem>>) attributes {dimension_semantics = [#tpu.dimension_semantics<core_parallel>, #tpu.dimension_semantics<subcore_parallel>], iteration_bounds = array<i64: 2, 16>, scalar_prefetch = 0 : i64, scratch_operands = 15 : i64, tpu.core_type = #tpu.core_type<sc_vector_subcore>, window_params = [{transform_indices = #map}, {transform_indices = #map}, {transform_indices = #map}, {transform_indices = #map}, {transform_indices = #map1}]} {
    %mul3A = arith.constant 2 : i32
    %mul3A_0 = arith.muli %arg1, %mul3A : i32
    %add3A = arith.addi %mul3A_0, %arg0 : i32
    %scan3A = arith.constant 0 : i32
    %scan3A_1 = arith.constant 0 : i32
    %scan3A_2 = arith.constant 25 : i32
    %scan3A_3 = arith.addi %scan3A_1, %scan3A_2 : i32
    %scan3A_4 = arith.constant 1 : i32
    scf.for %scan3A_126 = %scan3A_1 to %scan3A_3 step %scan3A_4  : i32 {
      %broadcast_in_dim3A = arith.constant 0.000000e+00 : bf16
      %broadcast_in_dim3A_127 = vector.broadcast %broadcast_in_dim3A : bf16 to vector<32xbf16>
      %swap3A = arith.index_cast %scan3A_126 : i32 to index
      %swap3A_128 = arith.constant 0 : index
      %swap3A_129 = tpu.vector_load %arg14[%swap3A, %swap3A_128] {strides = array<i32>} : memref<80x128xbf16, #tpu.memory_space<vmem>>, vector<32xbf16>,
      tpu.vector_store %arg14[%swap3A, %swap3A_128], %broadcast_in_dim3A_127 {strides = array<i32>} : memref<80x128xbf16, #tpu.memory_space<vmem>>, vector<32xbf16>,
      %broadcast_in_dim3A_130 = arith.constant 0.000000e+00 : bf16
      %broadcast_in_dim3A_131 = vector.broadcast %broadcast_in_dim3A_130 : bf16 to vector<32xbf16>
      %swap3A_132 = arith.index_cast %scan3A_126 : i32 to index
      %swap3A_133 = arith.constant 32 : index
      %swap3A_134 = tpu.vector_load %arg14[%swap3A_132, %swap3A_133] {strides = array<i32>} : memref<80x128xbf16, #tpu.memory_space<vmem>>, vector<32xbf16>,
      tpu.vector_store %arg14[%swap3A_132, %swap3A_133], %broadcast_in_dim3A_131 {strides = array<i32>} : memref<80x128xbf16, #tpu.memory_space<vmem>>, vector<32xbf16>,
      %broadcast_in_dim3A_135 = arith.constant 0.000000e+00 : bf16
      %broadcast_in_dim3A_136 = vector.broadcast %broadcast_in_dim3A_135 : bf16 to vector<32xbf16>
      %swap3A_137 = arith.index_cast %scan3A_126 : i32 to index
      %swap3A_138 = arith.constant 64 : index
      %swap3A_139 = tpu.vector_load %arg14[%swap3A_137, %swap3A_138] {strides = array<i32>} : memref<80x128xbf16, #tpu.memory_space<vmem>>, vector<32xbf16>,
      tpu.vector_store %arg14[%swap3A_137, %swap3A_138], %broadcast_in_dim3A_136 {strides = array<i32>} : memref<80x128xbf16, #tpu.memory_space<vmem>>, vector<32xbf16>,
      %broadcast_in_dim3A_140 = arith.constant 0.000000e+00 : bf16
      %broadcast_in_dim3A_141 = vector.broadcast %broadcast_in_dim3A_140 : bf16 to vector<32xbf16>
      %swap3A_142 = arith.index_cast %scan3A_126 : i32 to index
      %swap3A_143 = arith.constant 96 : index
      %swap3A_144 = tpu.vector_load %arg14[%swap3A_142, %swap3A_143] {strides = array<i32>} : memref<80x128xbf16, #tpu.memory_space<vmem>>, vector<32xbf16>,
      tpu.vector_store %arg14[%swap3A_142, %swap3A_143], %broadcast_in_dim3A_141 {strides = array<i32>} : memref<80x128xbf16, #tpu.memory_space<vmem>>, vector<32xbf16>,
    }
    %scan3A_5 = arith.constant 25 : i32
    %scan3A_6 = arith.constant 0 : i32
    %scan3A_7 = arith.constant 0 : i32
    %scan3A_8 = arith.constant 25 : i32
    %scan3A_9 = arith.addi %scan3A_7, %scan3A_8 : i32
    %scan3A_10 = arith.constant 1 : i32
    scf.for %scan3A_126 = %scan3A_7 to %scan3A_9 step %scan3A_10  : i32 {
      %mul3A_127 = arith.constant 625 : i32
      %mul3A_128 = arith.muli %arg1, %mul3A_127 : i32
      %mul3A_129 = arith.constant 25 : i32
      %mul3A_130 = arith.muli %scan3A_126, %mul3A_129 : i32
      %add3A_131 = arith.addi %mul3A_128, %mul3A_130 : i32
      "tpu.region"() ({
        %run_scoped3A = tpu.sem_alloc : memref<!tpu.dma_semaphore, #tpu.memory_space<semaphore_mem>>
        %dma_start3A_132 = arith.constant 0 : i32
        %dma_start3A_133 = arith.constant 0 : i32
        %dma_start3A_134 = tpu.memref_slice %arg14[%dma_start3A_132, %dma_start3A_133] : memref<80x128xbf16, #tpu.memory_space<vmem>> -> memref<25x128xbf16, #tpu.memory_space<vmem>>
        %dma_start3A_135 = arith.constant 0 : i32
        %dma_start3A_136 = tpu.memref_slice %arg7[%add3A_131, %dma_start3A_135] : memref<10000x128xbf16, #tpu.memory_space<vmem_shared>> -> memref<25x128xbf16, #tpu.memory_space<vmem_shared>>
        %dma_start3A_137 = arith.constant 0 : i32
        %dma_start3A_138 = tpu.memref_slice %arg7[%add3A_131, %dma_start3A_137] : memref<10000x128xbf16, #tpu.memory_space<vmem_shared>> -> memref<25x128xbf16, #tpu.memory_space<vmem_shared>>
        %dma_start3A_139 = arith.constant 0 : i32
        %dma_start3A_140 = arith.constant 0 : i32
        %dma_start3A_141 = tpu.memref_slice %arg14[%dma_start3A_139, %dma_start3A_140] : memref<80x128xbf16, #tpu.memory_space<vmem>> -> memref<25x128xbf16, #tpu.memory_space<vmem>>
        tpu.enqueue_dma source(%dma_start3A_141 : memref<25x128xbf16, #tpu.memory_space<vmem>>) target(%dma_start3A_138 : memref<25x128xbf16, #tpu.memory_space<vmem_shared>>) target_semaphore(%run_scoped3A : memref<!tpu.dma_semaphore, #tpu.memory_space<semaphore_mem>>)
        %dma_wait3A_142 = arith.constant 0 : i32
        %dma_wait3A_143 = arith.constant 0 : i32
        %dma_wait3A_144 = tpu.memref_slice %arg14[%dma_wait3A_142, %dma_wait3A_143] : memref<80x128xbf16, #tpu.memory_space<vmem>> -> memref<25x128xbf16, #tpu.memory_space<vmem>>
        %dma_wait3A_145 = arith.constant 0 : i32
        %dma_wait3A_146 = tpu.memref_slice %arg7[%add3A_131, %dma_wait3A_145] : memref<10000x128xbf16, #tpu.memory_space<vmem_shared>> -> memref<25x128xbf16, #tpu.memory_space<vmem_shared>>
        %dma_wait3A_147 = arith.constant 0 : i32
        %dma_wait3A_148 = tpu.memref_slice %arg7[%add3A_131, %dma_wait3A_147] : memref<10000x128xbf16, #tpu.memory_space<vmem_shared>> -> memref<25x128xbf16, #tpu.memory_space<vmem_shared>>
        %dma_wait3A_149 = arith.constant 0 : i32
        %dma_wait3A_150 = arith.constant 0 : i32
        %dma_wait3A_151 = tpu.memref_slice %arg14[%dma_wait3A_149, %dma_wait3A_150] : memref<80x128xbf16, #tpu.memory_space<vmem>> -> memref<25x128xbf16, #tpu.memory_space<vmem>>
        tpu.wait_dma2 semaphore(%run_scoped3A : memref<!tpu.dma_semaphore, #tpu.memory_space<semaphore_mem>>) src(%dma_wait3A_151 : memref<25x128xbf16, #tpu.memory_space<vmem>>) dst(%dma_wait3A_148 : memref<25x128xbf16, #tpu.memory_space<vmem_shared>>)
        tpu.yield
      }) : () -> ()
    }
    %scan3A_11 = arith.constant 25 : i32
    %mul3A_12 = arith.constant 125 : i32
    %mul3A_13 = arith.muli %add3A, %mul3A_12 : i32
    "tpu.region"() ({
      %run_scoped3A = tpu.sem_alloc : memref<!tpu.dma_semaphore, #tpu.memory_space<semaphore_mem>>
      %dma_start3A_126 = arith.constant 0 : i32
      %dma_start3A_127 = tpu.memref_slice %arg4[%mul3A_13, %dma_start3A_126] : memref<4000x80xi32, #tpu.memory_space<hbm>> -> memref<125x80xi32, #tpu.memory_space<hbm>>
      %dma_start3A_128 = arith.constant 0 : i32
      %dma_start3A_129 = tpu.memref_slice %arg4[%mul3A_13, %dma_start3A_128] : memref<4000x80xi32, #tpu.memory_space<hbm>> -> memref<125x80xi32, #tpu.memory_space<hbm>>
      tpu.enqueue_dma source(%dma_start3A_129 : memref<125x80xi32, #tpu.memory_space<hbm>>) target(%arg8 : memref<125x80xi32, #tpu.memory_space<vmem>>) target_semaphore(%run_scoped3A : memref<!tpu.dma_semaphore, #tpu.memory_space<semaphore_mem>>)
      %dma_wait3A_130 = arith.constant 0 : i32
      %dma_wait3A_131 = tpu.memref_slice %arg4[%mul3A_13, %dma_wait3A_130] : memref<4000x80xi32, #tpu.memory_space<hbm>> -> memref<125x80xi32, #tpu.memory_space<hbm>>
      %dma_wait3A_132 = arith.constant 0 : i32
      %dma_wait3A_133 = tpu.memref_slice %arg4[%mul3A_13, %dma_wait3A_132] : memref<4000x80xi32, #tpu.memory_space<hbm>> -> memref<125x80xi32, #tpu.memory_space<hbm>>
      tpu.wait_dma2 semaphore(%run_scoped3A : memref<!tpu.dma_semaphore, #tpu.memory_space<semaphore_mem>>) src(%dma_wait3A_133 : memref<125x80xi32, #tpu.memory_space<hbm>>) dst(%arg8 : memref<125x80xi32, #tpu.memory_space<vmem>>)
      tpu.yield
    }) : () -> ()
    %mul3A_14 = arith.constant 125 : i32
    %mul3A_15 = arith.muli %add3A, %mul3A_14 : i32
    "tpu.region"() ({
      %run_scoped3A = tpu.sem_alloc : memref<!tpu.dma_semaphore, #tpu.memory_space<semaphore_mem>>
      %dma_start3A_126 = arith.constant 0 : i32
      %dma_start3A_127 = tpu.memref_slice %arg5[%mul3A_15, %dma_start3A_126] : memref<4000x80xi32, #tpu.memory_space<hbm>> -> memref<125x80xi32, #tpu.memory_space<hbm>>
      %dma_start3A_128 = arith.constant 0 : i32
      %dma_start3A_129 = tpu.memref_slice %arg5[%mul3A_15, %dma_start3A_128] : memref<4000x80xi32, #tpu.memory_space<hbm>> -> memref<125x80xi32, #tpu.memory_space<hbm>>
      tpu.enqueue_dma source(%dma_start3A_129 : memref<125x80xi32, #tpu.memory_space<hbm>>) target(%arg9 : memref<125x80xi32, #tpu.memory_space<vmem>>) target_semaphore(%run_scoped3A : memref<!tpu.dma_semaphore, #tpu.memory_space<semaphore_mem>>)
      %dma_wait3A_130 = arith.constant 0 : i32
      %dma_wait3A_131 = tpu.memref_slice %arg5[%mul3A_15, %dma_wait3A_130] : memref<4000x80xi32, #tpu.memory_space<hbm>> -> memref<125x80xi32, #tpu.memory_space<hbm>>
      %dma_wait3A_132 = arith.constant 0 : i32
      %dma_wait3A_133 = tpu.memref_slice %arg5[%mul3A_15, %dma_wait3A_132] : memref<4000x80xi32, #tpu.memory_space<hbm>> -> memref<125x80xi32, #tpu.memory_space<hbm>>
      tpu.wait_dma2 semaphore(%run_scoped3A : memref<!tpu.dma_semaphore, #tpu.memory_space<semaphore_mem>>) src(%dma_wait3A_133 : memref<125x80xi32, #tpu.memory_space<hbm>>) dst(%arg9 : memref<125x80xi32, #tpu.memory_space<vmem>>)
      tpu.yield
    }) : () -> ()
    %barrier3A = arith.constant 0 : index
    tpu.barrier barrier_id(%barrier3A)
    %jit3A = arith.constant 8 : i32
    %div3A = arith.divsi %arg1, %jit3A : i32
    %sign3A = arith.constant 0 : i32
    %sign3A_16 = arith.cmpi sgt, %arg1, %sign3A : i32
    %sign3A_17 = arith.extui %sign3A_16 : i1 to i32
    %sign3A_18 = arith.constant 0 : i32
    %sign3A_19 = arith.cmpi slt, %arg1, %sign3A_18 : i32
    %sign3A_20 = arith.extui %sign3A_19 : i1 to i32
    %sign3A_21 = arith.subi %sign3A_17, %sign3A_20 : i32
    %sign3A_22 = arith.constant 0 : i32
    %sign3A_23 = arith.cmpi sgt, %jit3A, %sign3A_22 : i32
    %sign3A_24 = arith.extui %sign3A_23 : i1 to i32
    %sign3A_25 = arith.constant 0 : i32
    %sign3A_26 = arith.cmpi slt, %jit3A, %sign3A_25 : i32
    %sign3A_27 = arith.extui %sign3A_26 : i1 to i32
    %sign3A_28 = arith.subi %sign3A_24, %sign3A_27 : i32
    %ne3A = arith.cmpi ne, %sign3A_21, %sign3A_28 : i32
    %rem3A = arith.remsi %arg1, %jit3A : i32
    %ne3A_29 = arith.constant 0 : i32
    %ne3A_30 = arith.cmpi ne, %rem3A, %ne3A_29 : i32
    %and3A = arith.andi %ne3A, %ne3A_30 : i1
    %sub3A = arith.constant 1 : i32
    %sub3A_31 = arith.subi %div3A, %sub3A : i32
    %select_n3A = arith.select %and3A, %sub3A_31, %div3A : i32
    %mul3A_32 = arith.constant 10000 : i32
    %mul3A_33 = arith.muli %add3A, %mul3A_32 : i32
    %mul3A_34 = arith.constant 160000 : i32
    %mul3A_35 = arith.muli %mul3A_34, %select_n3A : i32
    %sub3A_36 = arith.subi %mul3A_33, %mul3A_35 : i32
    %dma_start3A = arith.constant 0 : i32
    %dma_start3A_37 = arith.constant 0 : i32
    %dma_start3A_38 = tpu.memref_slice %arg9[%dma_start3A, %dma_start3A_37] : memref<125x80xi32, #tpu.memory_space<vmem>> -> memref<1x80xi32, #tpu.memory_space<vmem>>
    %dma_start3A_39 = tpu.memref_squeeze %dma_start3A_38 : memref<1x80xi32, #tpu.memory_space<vmem>> -> memref<80xi32, #tpu.memory_space<vmem>>
    %dma_start3A_40 = arith.constant 0 : i32
    %dma_start3A_41 = arith.constant 0 : i32
    %dma_start3A_42 = tpu.memref_slice %arg2[%dma_start3A_40, %dma_start3A_41] : memref<10000x64xi32, #tpu.memory_space<hbm>> -> memref<10000x64xi32, #tpu.memory_space<hbm>>
    tpu.enqueue_indirect_dma source(%dma_start3A_42 : memref<10000x64xi32, #tpu.memory_space<hbm>>) target(%arg10 : memref<80x64xi32, #tpu.memory_space<vmem>>) offsets(%dma_start3A_39 : memref<80xi32, #tpu.memory_space<vmem>>) semaphore(%arg16 : memref<!tpu.dma_semaphore, #tpu.memory_space<semaphore_mem>>)
    %add3A_43 = arith.constant 0 : i32
    %add3A_44 = arith.addi %sub3A_36, %add3A_43 : i32
    %eq3A = arith.constant 0 : i32
    %eq3A_45 = arith.cmpi eq, %select_n3A, %eq3A : i32
    %convert_element_type3A = arith.extui %eq3A_45 : i1 to i32
    %cond3A = arith.constant 0 : i32
    %cond3A_46 = arith.cmpi ne, %convert_element_type3A, %cond3A : i32
    scf.if %cond3A_46 {
      %dma_start3A_126 = arith.constant 0 : i32
      %dma_start3A_127 = tpu.memref_slice %arg3[%add3A_44, %dma_start3A_126] : memref<160000x128xi32, #tpu.memory_space<hbm>> -> memref<80x64xi32, #tpu.memory_space<hbm>>
      %dma_start3A_128 = arith.constant 0 : i32
      %dma_start3A_129 = tpu.memref_slice %arg3[%add3A_44, %dma_start3A_128] : memref<160000x128xi32, #tpu.memory_space<hbm>> -> memref<80x64xi32, #tpu.memory_space<hbm>>
      tpu.enqueue_dma source(%dma_start3A_129 : memref<80x64xi32, #tpu.memory_space<hbm>>) target(%arg12 : memref<80x64xi32, #tpu.memory_space<vmem>>) target_semaphore(%arg18 : memref<!tpu.dma_semaphore, #tpu.memory_space<semaphore_mem>>)
    } else {
    }
    %eq3A_47 = arith.constant 1 : i32
    %eq3A_48 = arith.cmpi eq, %select_n3A, %eq3A_47 : i32
    %convert_element_type3A_49 = arith.extui %eq3A_48 : i1 to i32
    %cond3A_50 = arith.constant 0 : i32
    %cond3A_51 = arith.cmpi ne, %convert_element_type3A_49, %cond3A_50 : i32
    scf.if %cond3A_51 {
      %dma_start3A_126 = arith.constant 64 : i32
      %dma_start3A_127 = tpu.memref_slice %arg3[%add3A_44, %dma_start3A_126] : memref<160000x128xi32, #tpu.memory_space<hbm>> -> memref<80x64xi32, #tpu.memory_space<hbm>>
      %dma_start3A_128 = arith.constant 64 : i32
      %dma_start3A_129 = tpu.memref_slice %arg3[%add3A_44, %dma_start3A_128] : memref<160000x128xi32, #tpu.memory_space<hbm>> -> memref<80x64xi32, #tpu.memory_space<hbm>>
      tpu.enqueue_dma source(%dma_start3A_129 : memref<80x64xi32, #tpu.memory_space<hbm>>) target(%arg12 : memref<80x64xi32, #tpu.memory_space<vmem>>) target_semaphore(%arg18 : memref<!tpu.dma_semaphore, #tpu.memory_space<semaphore_mem>>)
    } else {
    }
    %dma_start3A_52 = arith.constant 1 : i32
    %dma_start3A_53 = arith.constant 0 : i32
    %dma_start3A_54 = tpu.memref_slice %arg9[%dma_start3A_52, %dma_start3A_53] : memref<125x80xi32, #tpu.memory_space<vmem>> -> memref<1x80xi32, #tpu.memory_space<vmem>>
    %dma_start3A_55 = tpu.memref_squeeze %dma_start3A_54 : memref<1x80xi32, #tpu.memory_space<vmem>> -> memref<80xi32, #tpu.memory_space<vmem>>
    %dma_start3A_56 = arith.constant 0 : i32
    %dma_start3A_57 = arith.constant 0 : i32
    %dma_start3A_58 = tpu.memref_slice %arg2[%dma_start3A_56, %dma_start3A_57] : memref<10000x64xi32, #tpu.memory_space<hbm>> -> memref<10000x64xi32, #tpu.memory_space<hbm>>
    tpu.enqueue_indirect_dma source(%dma_start3A_58 : memref<10000x64xi32, #tpu.memory_space<hbm>>) target(%arg11 : memref<80x64xi32, #tpu.memory_space<vmem>>) offsets(%dma_start3A_55 : memref<80xi32, #tpu.memory_space<vmem>>) semaphore(%arg17 : memref<!tpu.dma_semaphore, #tpu.memory_space<semaphore_mem>>)
    %add3A_59 = arith.constant 80 : i32
    %add3A_60 = arith.addi %sub3A_36, %add3A_59 : i32
    %eq3A_61 = arith.constant 0 : i32
    %eq3A_62 = arith.cmpi eq, %select_n3A, %eq3A_61 : i32
    %convert_element_type3A_63 = arith.extui %eq3A_62 : i1 to i32
    %cond3A_64 = arith.constant 0 : i32
    %cond3A_65 = arith.cmpi ne, %convert_element_type3A_63, %cond3A_64 : i32
    scf.if %cond3A_65 {
      %dma_start3A_126 = arith.constant 0 : i32
      %dma_start3A_127 = tpu.memref_slice %arg3[%add3A_60, %dma_start3A_126] : memref<160000x128xi32, #tpu.memory_space<hbm>> -> memref<80x64xi32, #tpu.memory_space<hbm>>
      %dma_start3A_128 = arith.constant 0 : i32
      %dma_start3A_129 = tpu.memref_slice %arg3[%add3A_60, %dma_start3A_128] : memref<160000x128xi32, #tpu.memory_space<hbm>> -> memref<80x64xi32, #tpu.memory_space<hbm>>
      tpu.enqueue_dma source(%dma_start3A_129 : memref<80x64xi32, #tpu.memory_space<hbm>>) target(%arg13 : memref<80x64xi32, #tpu.memory_space<vmem>>) target_semaphore(%arg19 : memref<!tpu.dma_semaphore, #tpu.memory_space<semaphore_mem>>)
    } else {
    }
    %eq3A_66 = arith.constant 1 : i32
    %eq3A_67 = arith.cmpi eq, %select_n3A, %eq3A_66 : i32
    %convert_element_type3A_68 = arith.extui %eq3A_67 : i1 to i32
    %cond3A_69 = arith.constant 0 : i32
    %cond3A_70 = arith.cmpi ne, %convert_element_type3A_68, %cond3A_69 : i32
    scf.if %cond3A_70 {
      %dma_start3A_126 = arith.constant 64 : i32
      %dma_start3A_127 = tpu.memref_slice %arg3[%add3A_60, %dma_start3A_126] : memref<160000x128xi32, #tpu.memory_space<hbm>> -> memref<80x64xi32, #tpu.memory_space<hbm>>
      %dma_start3A_128 = arith.constant 64 : i32
      %dma_start3A_129 = tpu.memref_slice %arg3[%add3A_60, %dma_start3A_128] : memref<160000x128xi32, #tpu.memory_space<hbm>> -> memref<80x64xi32, #tpu.memory_space<hbm>>
      tpu.enqueue_dma source(%dma_start3A_129 : memref<80x64xi32, #tpu.memory_space<hbm>>) target(%arg13 : memref<80x64xi32, #tpu.memory_space<vmem>>) target_semaphore(%arg19 : memref<!tpu.dma_semaphore, #tpu.memory_space<semaphore_mem>>)
    } else {
    }
    %scan3A_71 = arith.constant 0 : i32
    %scan3A_72 = arith.constant 0 : i32
    %scan3A_73 = arith.constant 62 : i32
    %scan3A_74 = arith.addi %scan3A_72, %scan3A_73 : i32
    %scan3A_75 = arith.constant 1 : i32
    scf.for %scan3A_126 = %scan3A_72 to %scan3A_74 step %scan3A_75  : i32 {
      %mul3A_127 = arith.constant 2 : i32
      %mul3A_128 = arith.muli %mul3A_127, %scan3A_126 : i32
      %add3A_129 = arith.constant 0 : i32
      %add3A_130 = arith.addi %mul3A_128, %add3A_129 : i32
      %dma_wait3A_131 = arith.constant 0 : i32
      %dma_wait3A_132 = tpu.memref_slice %arg9[%add3A_130, %dma_wait3A_131] : memref<125x80xi32, #tpu.memory_space<vmem>> -> memref<1x80xi32, #tpu.memory_space<vmem>>
      %dma_wait3A_133 = tpu.memref_squeeze %dma_wait3A_132 : memref<1x80xi32, #tpu.memory_space<vmem>> -> memref<80xi32, #tpu.memory_space<vmem>>
      %dma_wait3A_134 = arith.constant 0 : i32
      %dma_wait3A_135 = arith.constant 0 : i32
      %dma_wait3A_136 = tpu.memref_slice %arg2[%dma_wait3A_134, %dma_wait3A_135] : memref<10000x64xi32, #tpu.memory_space<hbm>> -> memref<10000x64xi32, #tpu.memory_space<hbm>>
      tpu.wait_indirect_dma semaphore(%arg16 : memref<!tpu.dma_semaphore, #tpu.memory_space<semaphore_mem>>) src(%dma_wait3A_136 : memref<10000x64xi32, #tpu.memory_space<hbm>>) dst(%arg10 : memref<80x64xi32, #tpu.memory_space<vmem>>)
      %mul3A_137 = arith.constant 80 : i32
      %mul3A_138 = arith.muli %add3A_130, %mul3A_137 : i32
      %add3A_139 = arith.addi %sub3A_36, %mul3A_138 : i32
      %dma_wait3A_140 = arith.constant 0 : i32
      %dma_wait3A_141 = tpu.memref_slice %arg3[%add3A_139, %dma_wait3A_140] : memref<160000x128xi32, #tpu.memory_space<hbm>> -> memref<80x64xi32, #tpu.memory_space<hbm>>
      %dma_wait3A_142 = arith.constant 0 : i32
      %dma_wait3A_143 = tpu.memref_slice %arg3[%add3A_139, %dma_wait3A_142] : memref<160000x128xi32, #tpu.memory_space<hbm>> -> memref<80x64xi32, #tpu.memory_space<hbm>>
      tpu.wait_dma2 semaphore(%arg18 : memref<!tpu.dma_semaphore, #tpu.memory_space<semaphore_mem>>) src(%dma_wait3A_143 : memref<80x64xi32, #tpu.memory_space<hbm>>) dst(%arg12 : memref<80x64xi32, #tpu.memory_space<vmem>>)
      %ge3A = arith.constant 2 : i32
      %ge3A_144 = arith.cmpi sge, %add3A_130, %ge3A : i32
      %convert_element_type3A_145 = arith.extui %ge3A_144 : i1 to i32
      %cond3A_146 = arith.constant 0 : i32
      %cond3A_147 = arith.cmpi ne, %convert_element_type3A_145, %cond3A_146 : i32
      scf.if %cond3A_147 {
        %sub3A_201 = arith.constant 2 : i32
        %sub3A_202 = arith.subi %add3A_130, %sub3A_201 : i32
        %dma_wait3A_203 = arith.constant 0 : i32
        %dma_wait3A_204 = tpu.memref_slice %arg8[%sub3A_202, %dma_wait3A_203] : memref<125x80xi32, #tpu.memory_space<vmem>> -> memref<1x80xi32, #tpu.memory_space<vmem>>
        %dma_wait3A_205 = tpu.memref_squeeze %dma_wait3A_204 : memref<1x80xi32, #tpu.memory_space<vmem>> -> memref<80xi32, #tpu.memory_space<vmem>>
        %dma_wait3A_206 = arith.constant 0 : i32
        %dma_wait3A_207 = arith.constant 0 : i32
        %dma_wait3A_208 = tpu.memref_slice %arg7[%dma_wait3A_206, %dma_wait3A_207] : memref<10000x128xbf16, #tpu.memory_space<vmem_shared>> -> memref<10000x128xbf16, #tpu.memory_space<vmem_shared>>
        tpu.wait_indirect_dma semaphore(%arg20 : memref<!tpu.dma_semaphore, #tpu.memory_space<semaphore_mem>>) src(%arg14 : memref<80x128xbf16, #tpu.memory_space<vmem>>) dst(%dma_wait3A_208 : memref<10000x128xbf16, #tpu.memory_space<vmem_shared>>)
      } else {
      }
      %parallel_loop3A_148 = arith.constant 0 : i32
      %parallel_loop3A_149 = arith.constant 80 : i32
      %parallel_loop3A_150 = arith.constant 1 : i32
      scf.for %parallel_loop3A_201 = %parallel_loop3A_148 to %parallel_loop3A_149 step %parallel_loop3A_150  : i32 {
        %parallel_loop3A_202 = arith.index_cast %parallel_loop3A_201 : i32 to index
        %parallel_loop3A_203 = arith.constant 0 : index
        %parallel_loop3A_204 = tpu.vector_load %arg10[%parallel_loop3A_202, %parallel_loop3A_203] {strides = array<i32>} : memref<80x64xi32, #tpu.memory_space<vmem>>, vector<16xi32>,
        %parallel_loop3A_205 = vector.bitcast %parallel_loop3A_204 : vector<16xi32> to vector<32xbf16>
        %parallel_loop3A_206 = arith.index_cast %parallel_loop3A_201 : i32 to index
        %parallel_loop3A_207 = arith.constant 0 : index
        %parallel_loop3A_208 = tpu.vector_load %arg12[%parallel_loop3A_206, %parallel_loop3A_207] {strides = array<i32>} : memref<80x64xi32, #tpu.memory_space<vmem>>, vector<16xi32>,
        %parallel_loop3A_209 = vector.bitcast %parallel_loop3A_208 : vector<16xi32> to vector<32xbf16>
        %parallel_loop3A_210 = arith.mulf %parallel_loop3A_205, %parallel_loop3A_209 : vector<32xbf16>
        %parallel_loop3A_211 = arith.index_cast %parallel_loop3A_201 : i32 to index
        %parallel_loop3A_212 = arith.constant 0 : index
        %parallel_loop3A_213 = tpu.vector_load %arg14[%parallel_loop3A_211, %parallel_loop3A_212] {strides = array<i32>} : memref<80x128xbf16, #tpu.memory_space<vmem>>, vector<32xbf16>,
        tpu.vector_store %arg14[%parallel_loop3A_211, %parallel_loop3A_212], %parallel_loop3A_210 {strides = array<i32>} : memref<80x128xbf16, #tpu.memory_space<vmem>>, vector<32xbf16>,
        %parallel_loop3A_214 = arith.index_cast %parallel_loop3A_201 : i32 to index
        %parallel_loop3A_215 = arith.constant 16 : index
        %parallel_loop3A_216 = tpu.vector_load %arg10[%parallel_loop3A_214, %parallel_loop3A_215] {strides = array<i32>} : memref<80x64xi32, #tpu.memory_space<vmem>>, vector<16xi32>,
        %parallel_loop3A_217 = vector.bitcast %parallel_loop3A_216 : vector<16xi32> to vector<32xbf16>
        %parallel_loop3A_218 = arith.index_cast %parallel_loop3A_201 : i32 to index
        %parallel_loop3A_219 = arith.constant 16 : index
        %parallel_loop3A_220 = tpu.vector_load %arg12[%parallel_loop3A_218, %parallel_loop3A_219] {strides = array<i32>} : memref<80x64xi32, #tpu.memory_space<vmem>>, vector<16xi32>,
        %parallel_loop3A_221 = vector.bitcast %parallel_loop3A_220 : vector<16xi32> to vector<32xbf16>
        %parallel_loop3A_222 = arith.mulf %parallel_loop3A_217, %parallel_loop3A_221 : vector<32xbf16>
        %parallel_loop3A_223 = arith.index_cast %parallel_loop3A_201 : i32 to index
        %parallel_loop3A_224 = arith.constant 32 : index
        %parallel_loop3A_225 = tpu.vector_load %arg14[%parallel_loop3A_223, %parallel_loop3A_224] {strides = array<i32>} : memref<80x128xbf16, #tpu.memory_space<vmem>>, vector<32xbf16>,
        tpu.vector_store %arg14[%parallel_loop3A_223, %parallel_loop3A_224], %parallel_loop3A_222 {strides = array<i32>} : memref<80x128xbf16, #tpu.memory_space<vmem>>, vector<32xbf16>,
        %parallel_loop3A_226 = arith.index_cast %parallel_loop3A_201 : i32 to index
        %parallel_loop3A_227 = arith.constant 32 : index
        %parallel_loop3A_228 = tpu.vector_load %arg10[%parallel_loop3A_226, %parallel_loop3A_227] {strides = array<i32>} : memref<80x64xi32, #tpu.memory_space<vmem>>, vector<16xi32>,
        %parallel_loop3A_229 = vector.bitcast %parallel_loop3A_228 : vector<16xi32> to vector<32xbf16>
        %parallel_loop3A_230 = arith.index_cast %parallel_loop3A_201 : i32 to index
        %parallel_loop3A_231 = arith.constant 32 : index
        %parallel_loop3A_232 = tpu.vector_load %arg12[%parallel_loop3A_230, %parallel_loop3A_231] {strides = array<i32>} : memref<80x64xi32, #tpu.memory_space<vmem>>, vector<16xi32>,
        %parallel_loop3A_233 = vector.bitcast %parallel_loop3A_232 : vector<16xi32> to vector<32xbf16>
        %parallel_loop3A_234 = arith.mulf %parallel_loop3A_229, %parallel_loop3A_233 : vector<32xbf16>
        %parallel_loop3A_235 = arith.index_cast %parallel_loop3A_201 : i32 to index
        %parallel_loop3A_236 = arith.constant 64 : index
        %parallel_loop3A_237 = tpu.vector_load %arg14[%parallel_loop3A_235, %parallel_loop3A_236] {strides = array<i32>} : memref<80x128xbf16, #tpu.memory_space<vmem>>, vector<32xbf16>,
        tpu.vector_store %arg14[%parallel_loop3A_235, %parallel_loop3A_236], %parallel_loop3A_234 {strides = array<i32>} : memref<80x128xbf16, #tpu.memory_space<vmem>>, vector<32xbf16>,
        %parallel_loop3A_238 = arith.index_cast %parallel_loop3A_201 : i32 to index
        %parallel_loop3A_239 = arith.constant 48 : index
        %parallel_loop3A_240 = tpu.vector_load %arg10[%parallel_loop3A_238, %parallel_loop3A_239] {strides = array<i32>} : memref<80x64xi32, #tpu.memory_space<vmem>>, vector<16xi32>,
        %parallel_loop3A_241 = vector.bitcast %parallel_loop3A_240 : vector<16xi32> to vector<32xbf16>
        %parallel_loop3A_242 = arith.index_cast %parallel_loop3A_201 : i32 to index
        %parallel_loop3A_243 = arith.constant 48 : index
        %parallel_loop3A_244 = tpu.vector_load %arg12[%parallel_loop3A_242, %parallel_loop3A_243] {strides = array<i32>} : memref<80x64xi32, #tpu.memory_space<vmem>>, vector<16xi32>,
        %parallel_loop3A_245 = vector.bitcast %parallel_loop3A_244 : vector<16xi32> to vector<32xbf16>
        %parallel_loop3A_246 = arith.mulf %parallel_loop3A_241, %parallel_loop3A_245 : vector<32xbf16>
        %parallel_loop3A_247 = arith.index_cast %parallel_loop3A_201 : i32 to index
        %parallel_loop3A_248 = arith.constant 96 : index
        %parallel_loop3A_249 = tpu.vector_load %arg14[%parallel_loop3A_247, %parallel_loop3A_248] {strides = array<i32>} : memref<80x128xbf16, #tpu.memory_space<vmem>>, vector<32xbf16>,
        tpu.vector_store %arg14[%parallel_loop3A_247, %parallel_loop3A_248], %parallel_loop3A_246 {strides = array<i32>} : memref<80x128xbf16, #tpu.memory_space<vmem>>, vector<32xbf16>,
      } {sc.loop_unroll_factor = 4 : i64, sc.parallel_access}
      %add3A_151 = arith.constant 2 : i32
      %add3A_152 = arith.addi %add3A_130, %add3A_151 : i32
      %lt3A = arith.constant 125 : i32
      %lt3A_153 = arith.cmpi slt, %add3A_152, %lt3A : i32
      %convert_element_type3A_154 = arith.extui %lt3A_153 : i1 to i32
      %cond3A_155 = arith.constant 0 : i32
      %cond3A_156 = arith.cmpi ne, %convert_element_type3A_154, %cond3A_155 : i32
      scf.if %cond3A_156 {
        %add3A_201 = arith.constant 2 : i32
        %add3A_202 = arith.addi %add3A_130, %add3A_201 : i32
        %dma_start3A_203 = arith.constant 0 : i32
        %dma_start3A_204 = tpu.memref_slice %arg9[%add3A_202, %dma_start3A_203] : memref<125x80xi32, #tpu.memory_space<vmem>> -> memref<1x80xi32, #tpu.memory_space<vmem>>
        %dma_start3A_205 = tpu.memref_squeeze %dma_start3A_204 : memref<1x80xi32, #tpu.memory_space<vmem>> -> memref<80xi32, #tpu.memory_space<vmem>>
        %dma_start3A_206 = arith.constant 0 : i32
        %dma_start3A_207 = arith.constant 0 : i32
        %dma_start3A_208 = tpu.memref_slice %arg2[%dma_start3A_206, %dma_start3A_207] : memref<10000x64xi32, #tpu.memory_space<hbm>> -> memref<10000x64xi32, #tpu.memory_space<hbm>>
        tpu.enqueue_indirect_dma source(%dma_start3A_208 : memref<10000x64xi32, #tpu.memory_space<hbm>>) target(%arg10 : memref<80x64xi32, #tpu.memory_space<vmem>>) offsets(%dma_start3A_205 : memref<80xi32, #tpu.memory_space<vmem>>) semaphore(%arg16 : memref<!tpu.dma_semaphore, #tpu.memory_space<semaphore_mem>>)
        %add3A_209 = arith.constant 2 : i32
        %add3A_210 = arith.addi %add3A_130, %add3A_209 : i32
        %mul3A_211 = arith.constant 80 : i32
        %mul3A_212 = arith.muli %add3A_210, %mul3A_211 : i32
        %add3A_213 = arith.addi %sub3A_36, %mul3A_212 : i32
        %eq3A_214 = arith.constant 0 : i32
        %eq3A_215 = arith.cmpi eq, %select_n3A, %eq3A_214 : i32
        %convert_element_type3A_216 = arith.extui %eq3A_215 : i1 to i32
        %cond3A_217 = arith.constant 0 : i32
        %cond3A_218 = arith.cmpi ne, %convert_element_type3A_216, %cond3A_217 : i32
        scf.if %cond3A_218 {
          %dma_start3A_224 = arith.constant 0 : i32
          %dma_start3A_225 = tpu.memref_slice %arg3[%add3A_213, %dma_start3A_224] : memref<160000x128xi32, #tpu.memory_space<hbm>> -> memref<80x64xi32, #tpu.memory_space<hbm>>
          %dma_start3A_226 = arith.constant 0 : i32
          %dma_start3A_227 = tpu.memref_slice %arg3[%add3A_213, %dma_start3A_226] : memref<160000x128xi32, #tpu.memory_space<hbm>> -> memref<80x64xi32, #tpu.memory_space<hbm>>
          tpu.enqueue_dma source(%dma_start3A_227 : memref<80x64xi32, #tpu.memory_space<hbm>>) target(%arg12 : memref<80x64xi32, #tpu.memory_space<vmem>>) target_semaphore(%arg18 : memref<!tpu.dma_semaphore, #tpu.memory_space<semaphore_mem>>)
        } else {
        }
        %eq3A_219 = arith.constant 1 : i32
        %eq3A_220 = arith.cmpi eq, %select_n3A, %eq3A_219 : i32
        %convert_element_type3A_221 = arith.extui %eq3A_220 : i1 to i32
        %cond3A_222 = arith.constant 0 : i32
        %cond3A_223 = arith.cmpi ne, %convert_element_type3A_221, %cond3A_222 : i32
        scf.if %cond3A_223 {
          %dma_start3A_224 = arith.constant 64 : i32
          %dma_start3A_225 = tpu.memref_slice %arg3[%add3A_213, %dma_start3A_224] : memref<160000x128xi32, #tpu.memory_space<hbm>> -> memref<80x64xi32, #tpu.memory_space<hbm>>
          %dma_start3A_226 = arith.constant 64 : i32
          %dma_start3A_227 = tpu.memref_slice %arg3[%add3A_213, %dma_start3A_226] : memref<160000x128xi32, #tpu.memory_space<hbm>> -> memref<80x64xi32, #tpu.memory_space<hbm>>
          tpu.enqueue_dma source(%dma_start3A_227 : memref<80x64xi32, #tpu.memory_space<hbm>>) target(%arg12 : memref<80x64xi32, #tpu.memory_space<vmem>>) target_semaphore(%arg18 : memref<!tpu.dma_semaphore, #tpu.memory_space<semaphore_mem>>)
        } else {
        }
      } else {
      }
      %dma_start3A_157 = arith.constant 0 : i32
      %dma_start3A_158 = tpu.memref_slice %arg8[%add3A_130, %dma_start3A_157] : memref<125x80xi32, #tpu.memory_space<vmem>> -> memref<1x80xi32, #tpu.memory_space<vmem>>
      %dma_start3A_159 = tpu.memref_squeeze %dma_start3A_158 : memref<1x80xi32, #tpu.memory_space<vmem>> -> memref<80xi32, #tpu.memory_space<vmem>>
      %dma_start3A_160 = arith.constant 0 : i32
      %dma_start3A_161 = arith.constant 0 : i32
      %dma_start3A_162 = tpu.memref_slice %arg7[%dma_start3A_160, %dma_start3A_161] : memref<10000x128xbf16, #tpu.memory_space<vmem_shared>> -> memref<10000x128xbf16, #tpu.memory_space<vmem_shared>>
      tpu.enqueue_indirect_dma source(%arg14 : memref<80x128xbf16, #tpu.memory_space<vmem>>) target(%dma_start3A_162 : memref<10000x128xbf16, #tpu.memory_space<vmem_shared>>) offsets(%dma_start3A_159 : memref<80xi32, #tpu.memory_space<vmem>>) semaphore(%arg20 : memref<!tpu.dma_semaphore, #tpu.memory_space<semaphore_mem>>) {add = true}
      %mul3A_163 = arith.constant 2 : i32
      %mul3A_164 = arith.muli %mul3A_163, %scan3A_126 : i32
      %add3A_165 = arith.constant 1 : i32
      %add3A_166 = arith.addi %mul3A_164, %add3A_165 : i32
      %dma_wait3A_167 = arith.constant 0 : i32
      %dma_wait3A_168 = tpu.memref_slice %arg9[%add3A_166, %dma_wait3A_167] : memref<125x80xi32, #tpu.memory_space<vmem>> -> memref<1x80xi32, #tpu.memory_space<vmem>>
      %dma_wait3A_169 = tpu.memref_squeeze %dma_wait3A_168 : memref<1x80xi32, #tpu.memory_space<vmem>> -> memref<80xi32, #tpu.memory_space<vmem>>
      %dma_wait3A_170 = arith.constant 0 : i32
      %dma_wait3A_171 = arith.constant 0 : i32
      %dma_wait3A_172 = tpu.memref_slice %arg2[%dma_wait3A_170, %dma_wait3A_171] : memref<10000x64xi32, #tpu.memory_space<hbm>> -> memref<10000x64xi32, #tpu.memory_space<hbm>>
      tpu.wait_indirect_dma semaphore(%arg17 : memref<!tpu.dma_semaphore, #tpu.memory_space<semaphore_mem>>) src(%dma_wait3A_172 : memref<10000x64xi32, #tpu.memory_space<hbm>>) dst(%arg11 : memref<80x64xi32, #tpu.memory_space<vmem>>)
      %mul3A_173 = arith.constant 80 : i32
      %mul3A_174 = arith.muli %add3A_166, %mul3A_173 : i32
      %add3A_175 = arith.addi %sub3A_36, %mul3A_174 : i32
      %dma_wait3A_176 = arith.constant 0 : i32
      %dma_wait3A_177 = tpu.memref_slice %arg3[%add3A_175, %dma_wait3A_176] : memref<160000x128xi32, #tpu.memory_space<hbm>> -> memref<80x64xi32, #tpu.memory_space<hbm>>
      %dma_wait3A_178 = arith.constant 0 : i32
      %dma_wait3A_179 = tpu.memref_slice %arg3[%add3A_175, %dma_wait3A_178] : memref<160000x128xi32, #tpu.memory_space<hbm>> -> memref<80x64xi32, #tpu.memory_space<hbm>>
      tpu.wait_dma2 semaphore(%arg19 : memref<!tpu.dma_semaphore, #tpu.memory_space<semaphore_mem>>) src(%dma_wait3A_179 : memref<80x64xi32, #tpu.memory_space<hbm>>) dst(%arg13 : memref<80x64xi32, #tpu.memory_space<vmem>>)
      %ge3A_180 = arith.constant 2 : i32
      %ge3A_181 = arith.cmpi sge, %add3A_166, %ge3A_180 : i32
      %convert_element_type3A_182 = arith.extui %ge3A_181 : i1 to i32
      %cond3A_183 = arith.constant 0 : i32
      %cond3A_184 = arith.cmpi ne, %convert_element_type3A_182, %cond3A_183 : i32
      scf.if %cond3A_184 {
        %sub3A_201 = arith.constant 2 : i32
        %sub3A_202 = arith.subi %add3A_166, %sub3A_201 : i32
        %dma_wait3A_203 = arith.constant 0 : i32
        %dma_wait3A_204 = tpu.memref_slice %arg8[%sub3A_202, %dma_wait3A_203] : memref<125x80xi32, #tpu.memory_space<vmem>> -> memref<1x80xi32, #tpu.memory_space<vmem>>
        %dma_wait3A_205 = tpu.memref_squeeze %dma_wait3A_204 : memref<1x80xi32, #tpu.memory_space<vmem>> -> memref<80xi32, #tpu.memory_space<vmem>>
        %dma_wait3A_206 = arith.constant 0 : i32
        %dma_wait3A_207 = arith.constant 0 : i32
        %dma_wait3A_208 = tpu.memref_slice %arg7[%dma_wait3A_206, %dma_wait3A_207] : memref<10000x128xbf16, #tpu.memory_space<vmem_shared>> -> memref<10000x128xbf16, #tpu.memory_space<vmem_shared>>
        tpu.wait_indirect_dma semaphore(%arg21 : memref<!tpu.dma_semaphore, #tpu.memory_space<semaphore_mem>>) src(%arg15 : memref<80x128xbf16, #tpu.memory_space<vmem>>) dst(%dma_wait3A_208 : memref<10000x128xbf16, #tpu.memory_space<vmem_shared>>)
      } else {
      }
      %parallel_loop3A_185 = arith.constant 0 : i32
      %parallel_loop3A_186 = arith.constant 80 : i32
      %parallel_loop3A_187 = arith.constant 1 : i32
      scf.for %parallel_loop3A_201 = %parallel_loop3A_185 to %parallel_loop3A_186 step %parallel_loop3A_187  : i32 {
        %parallel_loop3A_202 = arith.index_cast %parallel_loop3A_201 : i32 to index
        %parallel_loop3A_203 = arith.constant 0 : index
        %parallel_loop3A_204 = tpu.vector_load %arg11[%parallel_loop3A_202, %parallel_loop3A_203] {strides = array<i32>} : memref<80x64xi32, #tpu.memory_space<vmem>>, vector<16xi32>,
        %parallel_loop3A_205 = vector.bitcast %parallel_loop3A_204 : vector<16xi32> to vector<32xbf16>
        %parallel_loop3A_206 = arith.index_cast %parallel_loop3A_201 : i32 to index
        %parallel_loop3A_207 = arith.constant 0 : index
        %parallel_loop3A_208 = tpu.vector_load %arg13[%parallel_loop3A_206, %parallel_loop3A_207] {strides = array<i32>} : memref<80x64xi32, #tpu.memory_space<vmem>>, vector<16xi32>,
        %parallel_loop3A_209 = vector.bitcast %parallel_loop3A_208 : vector<16xi32> to vector<32xbf16>
        %parallel_loop3A_210 = arith.mulf %parallel_loop3A_205, %parallel_loop3A_209 : vector<32xbf16>
        %parallel_loop3A_211 = arith.index_cast %parallel_loop3A_201 : i32 to index
        %parallel_loop3A_212 = arith.constant 0 : index
        %parallel_loop3A_213 = tpu.vector_load %arg15[%parallel_loop3A_211, %parallel_loop3A_212] {strides = array<i32>} : memref<80x128xbf16, #tpu.memory_space<vmem>>, vector<32xbf16>,
        tpu.vector_store %arg15[%parallel_loop3A_211, %parallel_loop3A_212], %parallel_loop3A_210 {strides = array<i32>} : memref<80x128xbf16, #tpu.memory_space<vmem>>, vector<32xbf16>,
        %parallel_loop3A_214 = arith.index_cast %parallel_loop3A_201 : i32 to index
        %parallel_loop3A_215 = arith.constant 16 : index
        %parallel_loop3A_216 = tpu.vector_load %arg11[%parallel_loop3A_214, %parallel_loop3A_215] {strides = array<i32>} : memref<80x64xi32, #tpu.memory_space<vmem>>, vector<16xi32>,
        %parallel_loop3A_217 = vector.bitcast %parallel_loop3A_216 : vector<16xi32> to vector<32xbf16>
        %parallel_loop3A_218 = arith.index_cast %parallel_loop3A_201 : i32 to index
        %parallel_loop3A_219 = arith.constant 16 : index
        %parallel_loop3A_220 = tpu.vector_load %arg13[%parallel_loop3A_218, %parallel_loop3A_219] {strides = array<i32>} : memref<80x64xi32, #tpu.memory_space<vmem>>, vector<16xi32>,
        %parallel_loop3A_221 = vector.bitcast %parallel_loop3A_220 : vector<16xi32> to vector<32xbf16>
        %parallel_loop3A_222 = arith.mulf %parallel_loop3A_217, %parallel_loop3A_221 : vector<32xbf16>
        %parallel_loop3A_223 = arith.index_cast %parallel_loop3A_201 : i32 to index
        %parallel_loop3A_224 = arith.constant 32 : index
        %parallel_loop3A_225 = tpu.vector_load %arg15[%parallel_loop3A_223, %parallel_loop3A_224] {strides = array<i32>} : memref<80x128xbf16, #tpu.memory_space<vmem>>, vector<32xbf16>,
        tpu.vector_store %arg15[%parallel_loop3A_223, %parallel_loop3A_224], %parallel_loop3A_222 {strides = array<i32>} : memref<80x128xbf16, #tpu.memory_space<vmem>>, vector<32xbf16>,
        %parallel_loop3A_226 = arith.index_cast %parallel_loop3A_201 : i32 to index
        %parallel_loop3A_227 = arith.constant 32 : index
        %parallel_loop3A_228 = tpu.vector_load %arg11[%parallel_loop3A_226, %parallel_loop3A_227] {strides = array<i32>} : memref<80x64xi32, #tpu.memory_space<vmem>>, vector<16xi32>,
        %parallel_loop3A_229 = vector.bitcast %parallel_loop3A_228 : vector<16xi32> to vector<32xbf16>
        %parallel_loop3A_230 = arith.index_cast %parallel_loop3A_201 : i32 to index
        %parallel_loop3A_231 = arith.constant 32 : index
        %parallel_loop3A_232 = tpu.vector_load %arg13[%parallel_loop3A_230, %parallel_loop3A_231] {strides = array<i32>} : memref<80x64xi32, #tpu.memory_space<vmem>>, vector<16xi32>,
        %parallel_loop3A_233 = vector.bitcast %parallel_loop3A_232 : vector<16xi32> to vector<32xbf16>
        %parallel_loop3A_234 = arith.mulf %parallel_loop3A_229, %parallel_loop3A_233 : vector<32xbf16>
        %parallel_loop3A_235 = arith.index_cast %parallel_loop3A_201 : i32 to index
        %parallel_loop3A_236 = arith.constant 64 : index
        %parallel_loop3A_237 = tpu.vector_load %arg15[%parallel_loop3A_235, %parallel_loop3A_236] {strides = array<i32>} : memref<80x128xbf16, #tpu.memory_space<vmem>>, vector<32xbf16>,
        tpu.vector_store %arg15[%parallel_loop3A_235, %parallel_loop3A_236], %parallel_loop3A_234 {strides = array<i32>} : memref<80x128xbf16, #tpu.memory_space<vmem>>, vector<32xbf16>,
        %parallel_loop3A_238 = arith.index_cast %parallel_loop3A_201 : i32 to index
        %parallel_loop3A_239 = arith.constant 48 : index
        %parallel_loop3A_240 = tpu.vector_load %arg11[%parallel_loop3A_238, %parallel_loop3A_239] {strides = array<i32>} : memref<80x64xi32, #tpu.memory_space<vmem>>, vector<16xi32>,
        %parallel_loop3A_241 = vector.bitcast %parallel_loop3A_240 : vector<16xi32> to vector<32xbf16>
        %parallel_loop3A_242 = arith.index_cast %parallel_loop3A_201 : i32 to index
        %parallel_loop3A_243 = arith.constant 48 : index
        %parallel_loop3A_244 = tpu.vector_load %arg13[%parallel_loop3A_242, %parallel_loop3A_243] {strides = array<i32>} : memref<80x64xi32, #tpu.memory_space<vmem>>, vector<16xi32>,
        %parallel_loop3A_245 = vector.bitcast %parallel_loop3A_244 : vector<16xi32> to vector<32xbf16>
        %parallel_loop3A_246 = arith.mulf %parallel_loop3A_241, %parallel_loop3A_245 : vector<32xbf16>
        %parallel_loop3A_247 = arith.index_cast %parallel_loop3A_201 : i32 to index
        %parallel_loop3A_248 = arith.constant 96 : index
        %parallel_loop3A_249 = tpu.vector_load %arg15[%parallel_loop3A_247, %parallel_loop3A_248] {strides = array<i32>} : memref<80x128xbf16, #tpu.memory_space<vmem>>, vector<32xbf16>,
        tpu.vector_store %arg15[%parallel_loop3A_247, %parallel_loop3A_248], %parallel_loop3A_246 {strides = array<i32>} : memref<80x128xbf16, #tpu.memory_space<vmem>>, vector<32xbf16>,
      } {sc.loop_unroll_factor = 4 : i64, sc.parallel_access}
      %add3A_188 = arith.constant 2 : i32
      %add3A_189 = arith.addi %add3A_166, %add3A_188 : i32
      %lt3A_190 = arith.constant 125 : i32
      %lt3A_191 = arith.cmpi slt, %add3A_189, %lt3A_190 : i32
      %convert_element_type3A_192 = arith.extui %lt3A_191 : i1 to i32
      %cond3A_193 = arith.constant 0 : i32
      %cond3A_194 = arith.cmpi ne, %convert_element_type3A_192, %cond3A_193 : i32
      scf.if %cond3A_194 {
        %add3A_201 = arith.constant 2 : i32
        %add3A_202 = arith.addi %add3A_166, %add3A_201 : i32
        %dma_start3A_203 = arith.constant 0 : i32
        %dma_start3A_204 = tpu.memref_slice %arg9[%add3A_202, %dma_start3A_203] : memref<125x80xi32, #tpu.memory_space<vmem>> -> memref<1x80xi32, #tpu.memory_space<vmem>>
        %dma_start3A_205 = tpu.memref_squeeze %dma_start3A_204 : memref<1x80xi32, #tpu.memory_space<vmem>> -> memref<80xi32, #tpu.memory_space<vmem>>
        %dma_start3A_206 = arith.constant 0 : i32
        %dma_start3A_207 = arith.constant 0 : i32
        %dma_start3A_208 = tpu.memref_slice %arg2[%dma_start3A_206, %dma_start3A_207] : memref<10000x64xi32, #tpu.memory_space<hbm>> -> memref<10000x64xi32, #tpu.memory_space<hbm>>
        tpu.enqueue_indirect_dma source(%dma_start3A_208 : memref<10000x64xi32, #tpu.memory_space<hbm>>) target(%arg11 : memref<80x64xi32, #tpu.memory_space<vmem>>) offsets(%dma_start3A_205 : memref<80xi32, #tpu.memory_space<vmem>>) semaphore(%arg17 : memref<!tpu.dma_semaphore, #tpu.memory_space<semaphore_mem>>)
        %add3A_209 = arith.constant 2 : i32
        %add3A_210 = arith.addi %add3A_166, %add3A_209 : i32
        %mul3A_211 = arith.constant 80 : i32
        %mul3A_212 = arith.muli %add3A_210, %mul3A_211 : i32
        %add3A_213 = arith.addi %sub3A_36, %mul3A_212 : i32
        %eq3A_214 = arith.constant 0 : i32
        %eq3A_215 = arith.cmpi eq, %select_n3A, %eq3A_214 : i32
        %convert_element_type3A_216 = arith.extui %eq3A_215 : i1 to i32
        %cond3A_217 = arith.constant 0 : i32
        %cond3A_218 = arith.cmpi ne, %convert_element_type3A_216, %cond3A_217 : i32
        scf.if %cond3A_218 {
          %dma_start3A_224 = arith.constant 0 : i32
          %dma_start3A_225 = tpu.memref_slice %arg3[%add3A_213, %dma_start3A_224] : memref<160000x128xi32, #tpu.memory_space<hbm>> -> memref<80x64xi32, #tpu.memory_space<hbm>>
          %dma_start3A_226 = arith.constant 0 : i32
          %dma_start3A_227 = tpu.memref_slice %arg3[%add3A_213, %dma_start3A_226] : memref<160000x128xi32, #tpu.memory_space<hbm>> -> memref<80x64xi32, #tpu.memory_space<hbm>>
          tpu.enqueue_dma source(%dma_start3A_227 : memref<80x64xi32, #tpu.memory_space<hbm>>) target(%arg13 : memref<80x64xi32, #tpu.memory_space<vmem>>) target_semaphore(%arg19 : memref<!tpu.dma_semaphore, #tpu.memory_space<semaphore_mem>>)
        } else {
        }
        %eq3A_219 = arith.constant 1 : i32
        %eq3A_220 = arith.cmpi eq, %select_n3A, %eq3A_219 : i32
        %convert_element_type3A_221 = arith.extui %eq3A_220 : i1 to i32
        %cond3A_222 = arith.constant 0 : i32
        %cond3A_223 = arith.cmpi ne, %convert_element_type3A_221, %cond3A_222 : i32
        scf.if %cond3A_223 {
          %dma_start3A_224 = arith.constant 64 : i32
          %dma_start3A_225 = tpu.memref_slice %arg3[%add3A_213, %dma_start3A_224] : memref<160000x128xi32, #tpu.memory_space<hbm>> -> memref<80x64xi32, #tpu.memory_space<hbm>>
          %dma_start3A_226 = arith.constant 64 : i32
          %dma_start3A_227 = tpu.memref_slice %arg3[%add3A_213, %dma_start3A_226] : memref<160000x128xi32, #tpu.memory_space<hbm>> -> memref<80x64xi32, #tpu.memory_space<hbm>>
          tpu.enqueue_dma source(%dma_start3A_227 : memref<80x64xi32, #tpu.memory_space<hbm>>) target(%arg13 : memref<80x64xi32, #tpu.memory_space<vmem>>) target_semaphore(%arg19 : memref<!tpu.dma_semaphore, #tpu.memory_space<semaphore_mem>>)
        } else {
        }
      } else {
      }
      %dma_start3A_195 = arith.constant 0 : i32
      %dma_start3A_196 = tpu.memref_slice %arg8[%add3A_166, %dma_start3A_195] : memref<125x80xi32, #tpu.memory_space<vmem>> -> memref<1x80xi32, #tpu.memory_space<vmem>>
      %dma_start3A_197 = tpu.memref_squeeze %dma_start3A_196 : memref<1x80xi32, #tpu.memory_space<vmem>> -> memref<80xi32, #tpu.memory_space<vmem>>
      %dma_start3A_198 = arith.constant 0 : i32
      %dma_start3A_199 = arith.constant 0 : i32
      %dma_start3A_200 = tpu.memref_slice %arg7[%dma_start3A_198, %dma_start3A_199] : memref<10000x128xbf16, #tpu.memory_space<vmem_shared>> -> memref<10000x128xbf16, #tpu.memory_space<vmem_shared>>
      tpu.enqueue_indirect_dma source(%arg15 : memref<80x128xbf16, #tpu.memory_space<vmem>>) target(%dma_start3A_200 : memref<10000x128xbf16, #tpu.memory_space<vmem_shared>>) offsets(%dma_start3A_197 : memref<80xi32, #tpu.memory_space<vmem>>) semaphore(%arg21 : memref<!tpu.dma_semaphore, #tpu.memory_space<semaphore_mem>>) {add = true}
    }
    %scan3A_76 = arith.constant 62 : i32
    %dma_wait3A = arith.constant 124 : i32
    %dma_wait3A_77 = arith.constant 0 : i32
    %dma_wait3A_78 = tpu.memref_slice %arg9[%dma_wait3A, %dma_wait3A_77] : memref<125x80xi32, #tpu.memory_space<vmem>> -> memref<1x80xi32, #tpu.memory_space<vmem>>
    %dma_wait3A_79 = tpu.memref_squeeze %dma_wait3A_78 : memref<1x80xi32, #tpu.memory_space<vmem>> -> memref<80xi32, #tpu.memory_space<vmem>>
    %dma_wait3A_80 = arith.constant 0 : i32
    %dma_wait3A_81 = arith.constant 0 : i32
    %dma_wait3A_82 = tpu.memref_slice %arg2[%dma_wait3A_80, %dma_wait3A_81] : memref<10000x64xi32, #tpu.memory_space<hbm>> -> memref<10000x64xi32, #tpu.memory_space<hbm>>
    tpu.wait_indirect_dma semaphore(%arg16 : memref<!tpu.dma_semaphore, #tpu.memory_space<semaphore_mem>>) src(%dma_wait3A_82 : memref<10000x64xi32, #tpu.memory_space<hbm>>) dst(%arg10 : memref<80x64xi32, #tpu.memory_space<vmem>>)
    %add3A_83 = arith.constant 9920 : i32
    %add3A_84 = arith.addi %sub3A_36, %add3A_83 : i32
    %dma_wait3A_85 = arith.constant 0 : i32
    %dma_wait3A_86 = tpu.memref_slice %arg3[%add3A_84, %dma_wait3A_85] : memref<160000x128xi32, #tpu.memory_space<hbm>> -> memref<80x64xi32, #tpu.memory_space<hbm>>
    %dma_wait3A_87 = arith.constant 0 : i32
    %dma_wait3A_88 = tpu.memref_slice %arg3[%add3A_84, %dma_wait3A_87] : memref<160000x128xi32, #tpu.memory_space<hbm>> -> memref<80x64xi32, #tpu.memory_space<hbm>>
    tpu.wait_dma2 semaphore(%arg18 : memref<!tpu.dma_semaphore, #tpu.memory_space<semaphore_mem>>) src(%dma_wait3A_88 : memref<80x64xi32, #tpu.memory_space<hbm>>) dst(%arg12 : memref<80x64xi32, #tpu.memory_space<vmem>>)
    %dma_wait3A_89 = arith.constant 122 : i32
    %dma_wait3A_90 = arith.constant 0 : i32
    %dma_wait3A_91 = tpu.memref_slice %arg8[%dma_wait3A_89, %dma_wait3A_90] : memref<125x80xi32, #tpu.memory_space<vmem>> -> memref<1x80xi32, #tpu.memory_space<vmem>>
    %dma_wait3A_92 = tpu.memref_squeeze %dma_wait3A_91 : memref<1x80xi32, #tpu.memory_space<vmem>> -> memref<80xi32, #tpu.memory_space<vmem>>
    %dma_wait3A_93 = arith.constant 0 : i32
    %dma_wait3A_94 = arith.constant 0 : i32
    %dma_wait3A_95 = tpu.memref_slice %arg7[%dma_wait3A_93, %dma_wait3A_94] : memref<10000x128xbf16, #tpu.memory_space<vmem_shared>> -> memref<10000x128xbf16, #tpu.memory_space<vmem_shared>>
    tpu.wait_indirect_dma semaphore(%arg20 : memref<!tpu.dma_semaphore, #tpu.memory_space<semaphore_mem>>) src(%arg14 : memref<80x128xbf16, #tpu.memory_space<vmem>>) dst(%dma_wait3A_95 : memref<10000x128xbf16, #tpu.memory_space<vmem_shared>>)
    %parallel_loop3A = arith.constant 0 : i32
    %parallel_loop3A_96 = arith.constant 80 : i32
    %parallel_loop3A_97 = arith.constant 1 : i32
    scf.for %parallel_loop3A_126 = %parallel_loop3A to %parallel_loop3A_96 step %parallel_loop3A_97  : i32 {
      %parallel_loop3A_127 = arith.index_cast %parallel_loop3A_126 : i32 to index
      %parallel_loop3A_128 = arith.constant 0 : index
      %parallel_loop3A_129 = tpu.vector_load %arg10[%parallel_loop3A_127, %parallel_loop3A_128] {strides = array<i32>} : memref<80x64xi32, #tpu.memory_space<vmem>>, vector<16xi32>,
      %parallel_loop3A_130 = vector.bitcast %parallel_loop3A_129 : vector<16xi32> to vector<32xbf16>
      %parallel_loop3A_131 = arith.index_cast %parallel_loop3A_126 : i32 to index
      %parallel_loop3A_132 = arith.constant 0 : index
      %parallel_loop3A_133 = tpu.vector_load %arg12[%parallel_loop3A_131, %parallel_loop3A_132] {strides = array<i32>} : memref<80x64xi32, #tpu.memory_space<vmem>>, vector<16xi32>,
      %parallel_loop3A_134 = vector.bitcast %parallel_loop3A_133 : vector<16xi32> to vector<32xbf16>
      %parallel_loop3A_135 = arith.mulf %parallel_loop3A_130, %parallel_loop3A_134 : vector<32xbf16>
      %parallel_loop3A_136 = arith.index_cast %parallel_loop3A_126 : i32 to index
      %parallel_loop3A_137 = arith.constant 0 : index
      %parallel_loop3A_138 = tpu.vector_load %arg14[%parallel_loop3A_136, %parallel_loop3A_137] {strides = array<i32>} : memref<80x128xbf16, #tpu.memory_space<vmem>>, vector<32xbf16>,
      tpu.vector_store %arg14[%parallel_loop3A_136, %parallel_loop3A_137], %parallel_loop3A_135 {strides = array<i32>} : memref<80x128xbf16, #tpu.memory_space<vmem>>, vector<32xbf16>,
      %parallel_loop3A_139 = arith.index_cast %parallel_loop3A_126 : i32 to index
      %parallel_loop3A_140 = arith.constant 16 : index
      %parallel_loop3A_141 = tpu.vector_load %arg10[%parallel_loop3A_139, %parallel_loop3A_140] {strides = array<i32>} : memref<80x64xi32, #tpu.memory_space<vmem>>, vector<16xi32>,
      %parallel_loop3A_142 = vector.bitcast %parallel_loop3A_141 : vector<16xi32> to vector<32xbf16>
      %parallel_loop3A_143 = arith.index_cast %parallel_loop3A_126 : i32 to index
      %parallel_loop3A_144 = arith.constant 16 : index
      %parallel_loop3A_145 = tpu.vector_load %arg12[%parallel_loop3A_143, %parallel_loop3A_144] {strides = array<i32>} : memref<80x64xi32, #tpu.memory_space<vmem>>, vector<16xi32>,
      %parallel_loop3A_146 = vector.bitcast %parallel_loop3A_145 : vector<16xi32> to vector<32xbf16>
      %parallel_loop3A_147 = arith.mulf %parallel_loop3A_142, %parallel_loop3A_146 : vector<32xbf16>
      %parallel_loop3A_148 = arith.index_cast %parallel_loop3A_126 : i32 to index
      %parallel_loop3A_149 = arith.constant 32 : index
      %parallel_loop3A_150 = tpu.vector_load %arg14[%parallel_loop3A_148, %parallel_loop3A_149] {strides = array<i32>} : memref<80x128xbf16, #tpu.memory_space<vmem>>, vector<32xbf16>,
      tpu.vector_store %arg14[%parallel_loop3A_148, %parallel_loop3A_149], %parallel_loop3A_147 {strides = array<i32>} : memref<80x128xbf16, #tpu.memory_space<vmem>>, vector<32xbf16>,
      %parallel_loop3A_151 = arith.index_cast %parallel_loop3A_126 : i32 to index
      %parallel_loop3A_152 = arith.constant 32 : index
      %parallel_loop3A_153 = tpu.vector_load %arg10[%parallel_loop3A_151, %parallel_loop3A_152] {strides = array<i32>} : memref<80x64xi32, #tpu.memory_space<vmem>>, vector<16xi32>,
      %parallel_loop3A_154 = vector.bitcast %parallel_loop3A_153 : vector<16xi32> to vector<32xbf16>
      %parallel_loop3A_155 = arith.index_cast %parallel_loop3A_126 : i32 to index
      %parallel_loop3A_156 = arith.constant 32 : index
      %parallel_loop3A_157 = tpu.vector_load %arg12[%parallel_loop3A_155, %parallel_loop3A_156] {strides = array<i32>} : memref<80x64xi32, #tpu.memory_space<vmem>>, vector<16xi32>,
      %parallel_loop3A_158 = vector.bitcast %parallel_loop3A_157 : vector<16xi32> to vector<32xbf16>
      %parallel_loop3A_159 = arith.mulf %parallel_loop3A_154, %parallel_loop3A_158 : vector<32xbf16>
      %parallel_loop3A_160 = arith.index_cast %parallel_loop3A_126 : i32 to index
      %parallel_loop3A_161 = arith.constant 64 : index
      %parallel_loop3A_162 = tpu.vector_load %arg14[%parallel_loop3A_160, %parallel_loop3A_161] {strides = array<i32>} : memref<80x128xbf16, #tpu.memory_space<vmem>>, vector<32xbf16>,
      tpu.vector_store %arg14[%parallel_loop3A_160, %parallel_loop3A_161], %parallel_loop3A_159 {strides = array<i32>} : memref<80x128xbf16, #tpu.memory_space<vmem>>, vector<32xbf16>,
      %parallel_loop3A_163 = arith.index_cast %parallel_loop3A_126 : i32 to index
      %parallel_loop3A_164 = arith.constant 48 : index
      %parallel_loop3A_165 = tpu.vector_load %arg10[%parallel_loop3A_163, %parallel_loop3A_164] {strides = array<i32>} : memref<80x64xi32, #tpu.memory_space<vmem>>, vector<16xi32>,
      %parallel_loop3A_166 = vector.bitcast %parallel_loop3A_165 : vector<16xi32> to vector<32xbf16>
      %parallel_loop3A_167 = arith.index_cast %parallel_loop3A_126 : i32 to index
      %parallel_loop3A_168 = arith.constant 48 : index
      %parallel_loop3A_169 = tpu.vector_load %arg12[%parallel_loop3A_167, %parallel_loop3A_168] {strides = array<i32>} : memref<80x64xi32, #tpu.memory_space<vmem>>, vector<16xi32>,
      %parallel_loop3A_170 = vector.bitcast %parallel_loop3A_169 : vector<16xi32> to vector<32xbf16>
      %parallel_loop3A_171 = arith.mulf %parallel_loop3A_166, %parallel_loop3A_170 : vector<32xbf16>
      %parallel_loop3A_172 = arith.index_cast %parallel_loop3A_126 : i32 to index
      %parallel_loop3A_173 = arith.constant 96 : index
      %parallel_loop3A_174 = tpu.vector_load %arg14[%parallel_loop3A_172, %parallel_loop3A_173] {strides = array<i32>} : memref<80x128xbf16, #tpu.memory_space<vmem>>, vector<32xbf16>,
      tpu.vector_store %arg14[%parallel_loop3A_172, %parallel_loop3A_173], %parallel_loop3A_171 {strides = array<i32>} : memref<80x128xbf16, #tpu.memory_space<vmem>>, vector<32xbf16>,
    } {sc.loop_unroll_factor = 4 : i64, sc.parallel_access}
    %dma_start3A_98 = arith.constant 124 : i32
    %dma_start3A_99 = arith.constant 0 : i32
    %dma_start3A_100 = tpu.memref_slice %arg8[%dma_start3A_98, %dma_start3A_99] : memref<125x80xi32, #tpu.memory_space<vmem>> -> memref<1x80xi32, #tpu.memory_space<vmem>>
    %dma_start3A_101 = tpu.memref_squeeze %dma_start3A_100 : memref<1x80xi32, #tpu.memory_space<vmem>> -> memref<80xi32, #tpu.memory_space<vmem>>
    %dma_start3A_102 = arith.constant 0 : i32
    %dma_start3A_103 = arith.constant 0 : i32
    %dma_start3A_104 = tpu.memref_slice %arg7[%dma_start3A_102, %dma_start3A_103] : memref<10000x128xbf16, #tpu.memory_space<vmem_shared>> -> memref<10000x128xbf16, #tpu.memory_space<vmem_shared>>
    tpu.enqueue_indirect_dma source(%arg14 : memref<80x128xbf16, #tpu.memory_space<vmem>>) target(%dma_start3A_104 : memref<10000x128xbf16, #tpu.memory_space<vmem_shared>>) offsets(%dma_start3A_101 : memref<80xi32, #tpu.memory_space<vmem>>) semaphore(%arg20 : memref<!tpu.dma_semaphore, #tpu.memory_space<semaphore_mem>>) {add = true}
    %dma_wait3A_105 = arith.constant 123 : i32
    %dma_wait3A_106 = arith.constant 0 : i32
    %dma_wait3A_107 = tpu.memref_slice %arg8[%dma_wait3A_105, %dma_wait3A_106] : memref<125x80xi32, #tpu.memory_space<vmem>> -> memref<1x80xi32, #tpu.memory_space<vmem>>
    %dma_wait3A_108 = tpu.memref_squeeze %dma_wait3A_107 : memref<1x80xi32, #tpu.memory_space<vmem>> -> memref<80xi32, #tpu.memory_space<vmem>>
    %dma_wait3A_109 = arith.constant 0 : i32
    %dma_wait3A_110 = arith.constant 0 : i32
    %dma_wait3A_111 = tpu.memref_slice %arg7[%dma_wait3A_109, %dma_wait3A_110] : memref<10000x128xbf16, #tpu.memory_space<vmem_shared>> -> memref<10000x128xbf16, #tpu.memory_space<vmem_shared>>
    tpu.wait_indirect_dma semaphore(%arg21 : memref<!tpu.dma_semaphore, #tpu.memory_space<semaphore_mem>>) src(%arg15 : memref<80x128xbf16, #tpu.memory_space<vmem>>) dst(%dma_wait3A_111 : memref<10000x128xbf16, #tpu.memory_space<vmem_shared>>)
    %dma_wait3A_112 = arith.constant 124 : i32
    %dma_wait3A_113 = arith.constant 0 : i32
    %dma_wait3A_114 = tpu.memref_slice %arg8[%dma_wait3A_112, %dma_wait3A_113] : memref<125x80xi32, #tpu.memory_space<vmem>> -> memref<1x80xi32, #tpu.memory_space<vmem>>
    %dma_wait3A_115 = tpu.memref_squeeze %dma_wait3A_114 : memref<1x80xi32, #tpu.memory_space<vmem>> -> memref<80xi32, #tpu.memory_space<vmem>>
    %dma_wait3A_116 = arith.constant 0 : i32
    %dma_wait3A_117 = arith.constant 0 : i32
    %dma_wait3A_118 = tpu.memref_slice %arg7[%dma_wait3A_116, %dma_wait3A_117] : memref<10000x128xbf16, #tpu.memory_space<vmem_shared>> -> memref<10000x128xbf16, #tpu.memory_space<vmem_shared>>
    tpu.wait_indirect_dma semaphore(%arg20 : memref<!tpu.dma_semaphore, #tpu.memory_space<semaphore_mem>>) src(%arg14 : memref<80x128xbf16, #tpu.memory_space<vmem>>) dst(%dma_wait3A_118 : memref<10000x128xbf16, #tpu.memory_space<vmem_shared>>)
    %barrier3A_119 = arith.constant 0 : index
    tpu.barrier barrier_id(%barrier3A_119)
    %scan3A_120 = arith.constant 0 : i32
    %scan3A_121 = arith.constant 0 : i32
    %scan3A_122 = arith.constant 25 : i32
    %scan3A_123 = arith.addi %scan3A_121, %scan3A_122 : i32
    %scan3A_124 = arith.constant 1 : i32
    scf.for %scan3A_126 = %scan3A_121 to %scan3A_123 step %scan3A_124  : i32 {
      %mul3A_127 = arith.constant 625 : i32
      %mul3A_128 = arith.muli %arg1, %mul3A_127 : i32
      %mul3A_129 = arith.constant 25 : i32
      %mul3A_130 = arith.muli %scan3A_126, %mul3A_129 : i32
      %add3A_131 = arith.addi %mul3A_128, %mul3A_130 : i32
      "tpu.region"() ({
        %run_scoped3A = tpu.sem_alloc : memref<!tpu.dma_semaphore, #tpu.memory_space<semaphore_mem>>
        %dma_start3A_132 = arith.constant 0 : i32
        %dma_start3A_133 = arith.constant 0 : i32
        %dma_start3A_134 = tpu.memref_slice %arg14[%dma_start3A_132, %dma_start3A_133] : memref<80x128xbf16, #tpu.memory_space<vmem>> -> memref<25x128xbf16, #tpu.memory_space<vmem>>
        %dma_start3A_135 = arith.constant 0 : i32
        %dma_start3A_136 = tpu.memref_slice %arg7[%add3A_131, %dma_start3A_135] : memref<10000x128xbf16, #tpu.memory_space<vmem_shared>> -> memref<25x128xbf16, #tpu.memory_space<vmem_shared>>
        %dma_start3A_137 = arith.constant 0 : i32
        %dma_start3A_138 = arith.constant 0 : i32
        %dma_start3A_139 = tpu.memref_slice %arg14[%dma_start3A_137, %dma_start3A_138] : memref<80x128xbf16, #tpu.memory_space<vmem>> -> memref<25x128xbf16, #tpu.memory_space<vmem>>
        %dma_start3A_140 = arith.constant 0 : i32
        %dma_start3A_141 = tpu.memref_slice %arg7[%add3A_131, %dma_start3A_140] : memref<10000x128xbf16, #tpu.memory_space<vmem_shared>> -> memref<25x128xbf16, #tpu.memory_space<vmem_shared>>
        tpu.enqueue_dma source(%dma_start3A_141 : memref<25x128xbf16, #tpu.memory_space<vmem_shared>>) target(%dma_start3A_139 : memref<25x128xbf16, #tpu.memory_space<vmem>>) target_semaphore(%run_scoped3A : memref<!tpu.dma_semaphore, #tpu.memory_space<semaphore_mem>>)
        %dma_wait3A_142 = arith.constant 0 : i32
        %dma_wait3A_143 = arith.constant 0 : i32
        %dma_wait3A_144 = tpu.memref_slice %arg14[%dma_wait3A_142, %dma_wait3A_143] : memref<80x128xbf16, #tpu.memory_space<vmem>> -> memref<25x128xbf16, #tpu.memory_space<vmem>>
        %dma_wait3A_145 = arith.constant 0 : i32
        %dma_wait3A_146 = tpu.memref_slice %arg7[%add3A_131, %dma_wait3A_145] : memref<10000x128xbf16, #tpu.memory_space<vmem_shared>> -> memref<25x128xbf16, #tpu.memory_space<vmem_shared>>
        %dma_wait3A_147 = arith.constant 0 : i32
        %dma_wait3A_148 = arith.constant 0 : i32
        %dma_wait3A_149 = tpu.memref_slice %arg14[%dma_wait3A_147, %dma_wait3A_148] : memref<80x128xbf16, #tpu.memory_space<vmem>> -> memref<25x128xbf16, #tpu.memory_space<vmem>>
        %dma_wait3A_150 = arith.constant 0 : i32
        %dma_wait3A_151 = tpu.memref_slice %arg7[%add3A_131, %dma_wait3A_150] : memref<10000x128xbf16, #tpu.memory_space<vmem_shared>> -> memref<25x128xbf16, #tpu.memory_space<vmem_shared>>
        tpu.wait_dma2 semaphore(%run_scoped3A : memref<!tpu.dma_semaphore, #tpu.memory_space<semaphore_mem>>) src(%dma_wait3A_151 : memref<25x128xbf16, #tpu.memory_space<vmem_shared>>) dst(%dma_wait3A_149 : memref<25x128xbf16, #tpu.memory_space<vmem>>)
        tpu.yield
      }) : () -> ()
      "tpu.region"() ({
        %run_scoped3A = tpu.sem_alloc : memref<!tpu.dma_semaphore, #tpu.memory_space<semaphore_mem>>
        %dma_start3A_132 = arith.constant 0 : i32
        %dma_start3A_133 = arith.constant 0 : i32
        %dma_start3A_134 = tpu.memref_slice %arg14[%dma_start3A_132, %dma_start3A_133] : memref<80x128xbf16, #tpu.memory_space<vmem>> -> memref<25x128xbf16, #tpu.memory_space<vmem>>
        %dma_start3A_135 = arith.constant 0 : i32
        %dma_start3A_136 = tpu.memref_slice %arg6[%arg0, %add3A_131, %dma_start3A_135] : memref<2x10000x128xbf16, #tpu.memory_space<hbm>> -> memref<1x25x128xbf16, #tpu.memory_space<hbm>>
        %dma_start3A_137 = tpu.memref_squeeze %dma_start3A_136 : memref<1x25x128xbf16, #tpu.memory_space<hbm>> -> memref<25x128xbf16, #tpu.memory_space<hbm>>
        %dma_start3A_138 = arith.constant 0 : i32
        %dma_start3A_139 = tpu.memref_slice %arg6[%arg0, %add3A_131, %dma_start3A_138] : memref<2x10000x128xbf16, #tpu.memory_space<hbm>> -> memref<1x25x128xbf16, #tpu.memory_space<hbm>>
        %dma_start3A_140 = tpu.memref_squeeze %dma_start3A_139 : memref<1x25x128xbf16, #tpu.memory_space<hbm>> -> memref<25x128xbf16, #tpu.memory_space<hbm>>
        %dma_start3A_141 = arith.constant 0 : i32
        %dma_start3A_142 = arith.constant 0 : i32
        %dma_start3A_143 = tpu.memref_slice %arg14[%dma_start3A_141, %dma_start3A_142] : memref<80x128xbf16, #tpu.memory_space<vmem>> -> memref<25x128xbf16, #tpu.memory_space<vmem>>
        tpu.enqueue_dma source(%dma_start3A_143 : memref<25x128xbf16, #tpu.memory_space<vmem>>) target(%dma_start3A_140 : memref<25x128xbf16, #tpu.memory_space<hbm>>) target_semaphore(%run_scoped3A : memref<!tpu.dma_semaphore, #tpu.memory_space<semaphore_mem>>)
        %dma_wait3A_144 = arith.constant 0 : i32
        %dma_wait3A_145 = arith.constant 0 : i32
        %dma_wait3A_146 = tpu.memref_slice %arg14[%dma_wait3A_144, %dma_wait3A_145] : memref<80x128xbf16, #tpu.memory_space<vmem>> -> memref<25x128xbf16, #tpu.memory_space<vmem>>
        %dma_wait3A_147 = arith.constant 0 : i32
        %dma_wait3A_148 = tpu.memref_slice %arg6[%arg0, %add3A_131, %dma_wait3A_147] : memref<2x10000x128xbf16, #tpu.memory_space<hbm>> -> memref<1x25x128xbf16, #tpu.memory_space<hbm>>
        %dma_wait3A_149 = tpu.memref_squeeze %dma_wait3A_148 : memref<1x25x128xbf16, #tpu.memory_space<hbm>> -> memref<25x128xbf16, #tpu.memory_space<hbm>>
        %dma_wait3A_150 = arith.constant 0 : i32
        %dma_wait3A_151 = tpu.memref_slice %arg6[%arg0, %add3A_131, %dma_wait3A_150] : memref<2x10000x128xbf16, #tpu.memory_space<hbm>> -> memref<1x25x128xbf16, #tpu.memory_space<hbm>>
        %dma_wait3A_152 = tpu.memref_squeeze %dma_wait3A_151 : memref<1x25x128xbf16, #tpu.memory_space<hbm>> -> memref<25x128xbf16, #tpu.memory_space<hbm>>
        %dma_wait3A_153 = arith.constant 0 : i32
        %dma_wait3A_154 = arith.constant 0 : i32
        %dma_wait3A_155 = tpu.memref_slice %arg14[%dma_wait3A_153, %dma_wait3A_154] : memref<80x128xbf16, #tpu.memory_space<vmem>> -> memref<25x128xbf16, #tpu.memory_space<vmem>>
        tpu.wait_dma2 semaphore(%run_scoped3A : memref<!tpu.dma_semaphore, #tpu.memory_space<semaphore_mem>>) src(%dma_wait3A_155 : memref<25x128xbf16, #tpu.memory_space<vmem>>) dst(%dma_wait3A_152 : memref<25x128xbf16, #tpu.memory_space<hbm>>)
        tpu.yield
      }) : () -> ()
    }
    %scan3A_125 = arith.constant 25 : i32
    return
  }
}

#map = affine_map<(d0, d1) -> (0, 0)>
#map1 = affine_map<(d0, d1) -> (0, 0, 0)>
module attributes {stable_mosaic.version = 14 : i64} {
  func.func @_scat_body(%arg0: i32, %arg1: i32, %arg2: memref<10000x64xi32, #tpu.memory_space<hbm>>, %arg3: memref<160000x128xi32, #tpu.memory_space<hbm>>, %arg4: memref<4000x80xi32, #tpu.memory_space<hbm>>, %arg5: memref<4000x80xi32, #tpu.memory_space<hbm>>, %arg6: memref<2x10000x128xbf16, #tpu.memory_space<hbm>>, %arg7: memref<10000x128xbf16, #tpu.memory_space<vmem_shared>>, %arg8: memref<125x80xi32, #tpu.memory_space<vmem>>, %arg9: memref<125x80xi32, #tpu.memory_space<vmem>>, %arg10: memref<80x64xi32, #tpu.memory_space<vmem>>, %arg11: memref<80x64xi32, #tpu.memory_space<vmem>>, %arg12: memref<80x64xi32, #tpu.memory_space<vmem>>, %arg13: memref<80x64xi32, #tpu.memory_space<vmem>>, %arg14: memref<80x128xbf16, #tpu.memory_space<vmem>>, %arg15: memref<80x128xbf16, #tpu.memory_space<vmem>>, %arg16: memref<!tpu.dma_semaphore, #tpu.memory_space<semaphore_mem>>, %arg17: memref<!tpu.dma_semaphore, #tpu.memory_space<semaphore_mem>>, %arg18: memref<!tpu.dma_semaphore, #tpu.memory_space<semaphore_mem>>, %arg19: memref<!tpu.dma_semaphore, #tpu.memory_space<semaphore_mem>>, %arg20: memref<!tpu.dma_semaphore, #tpu.memory_space<semaphore_mem>>, %arg21: memref<!tpu.dma_semaphore, #tpu.memory_space<semaphore_mem>>) attributes {dimension_semantics = [#tpu.dimension_semantics<core_parallel>, #tpu.dimension_semantics<subcore_parallel>], iteration_bounds = array<i64: 2, 16>, scalar_prefetch = 0 : i64, scratch_operands = 15 : i64, tpu.core_type = #tpu.core_type<sc_vector_subcore>, window_params = [{transform_indices = #map}, {transform_indices = #map}, {transform_indices = #map}, {transform_indices = #map}, {transform_indices = #map1}]} {
    %mul3A = arith.constant 2 : i32
    %mul3A_0 = arith.muli %arg1, %mul3A : i32
    %add3A = arith.addi %mul3A_0, %arg0 : i32
    %scan3A = arith.constant 0 : i32
    %scan3A_1 = arith.constant 0 : i32
    %scan3A_2 = arith.constant 25 : i32
    %scan3A_3 = arith.addi %scan3A_1, %scan3A_2 : i32
    %scan3A_4 = arith.constant 1 : i32
    scf.for %scan3A_126 = %scan3A_1 to %scan3A_3 step %scan3A_4  : i32 {
      %broadcast_in_dim3A = arith.constant 0.000000e+00 : bf16
      %broadcast_in_dim3A_127 = vector.broadcast %broadcast_in_dim3A : bf16 to vector<32xbf16>
      %swap3A = arith.index_cast %scan3A_126 : i32 to index
      %swap3A_128 = arith.constant 0 : index
      %swap3A_129 = tpu.vector_load %arg14[%swap3A, %swap3A_128] {strides = array<i32>} : memref<80x128xbf16, #tpu.memory_space<vmem>>, vector<32xbf16>,
      tpu.vector_store %arg14[%swap3A, %swap3A_128], %broadcast_in_dim3A_127 {strides = array<i32>} : memref<80x128xbf16, #tpu.memory_space<vmem>>, vector<32xbf16>,
      %broadcast_in_dim3A_130 = arith.constant 0.000000e+00 : bf16
      %broadcast_in_dim3A_131 = vector.broadcast %broadcast_in_dim3A_130 : bf16 to vector<32xbf16>
      %swap3A_132 = arith.index_cast %scan3A_126 : i32 to index
      %swap3A_133 = arith.constant 32 : index
      %swap3A_134 = tpu.vector_load %arg14[%swap3A_132, %swap3A_133] {strides = array<i32>} : memref<80x128xbf16, #tpu.memory_space<vmem>>, vector<32xbf16>,
      tpu.vector_store %arg14[%swap3A_132, %swap3A_133], %broadcast_in_dim3A_131 {strides = array<i32>} : memref<80x128xbf16, #tpu.memory_space<vmem>>, vector<32xbf16>,
      %broadcast_in_dim3A_135 = arith.constant 0.000000e+00 : bf16
      %broadcast_in_dim3A_136 = vector.broadcast %broadcast_in_dim3A_135 : bf16 to vector<32xbf16>
      %swap3A_137 = arith.index_cast %scan3A_126 : i32 to index
      %swap3A_138 = arith.constant 64 : index
      %swap3A_139 = tpu.vector_load %arg14[%swap3A_137, %swap3A_138] {strides = array<i32>} : memref<80x128xbf16, #tpu.memory_space<vmem>>, vector<32xbf16>,
      tpu.vector_store %arg14[%swap3A_137, %swap3A_138], %broadcast_in_dim3A_136 {strides = array<i32>} : memref<80x128xbf16, #tpu.memory_space<vmem>>, vector<32xbf16>,
      %broadcast_in_dim3A_140 = arith.constant 0.000000e+00 : bf16
      %broadcast_in_dim3A_141 = vector.broadcast %broadcast_in_dim3A_140 : bf16 to vector<32xbf16>
      %swap3A_142 = arith.index_cast %scan3A_126 : i32 to index
      %swap3A_143 = arith.constant 96 : index
      %swap3A_144 = tpu.vector_load %arg14[%swap3A_142, %swap3A_143] {strides = array<i32>} : memref<80x128xbf16, #tpu.memory_space<vmem>>, vector<32xbf16>,
      tpu.vector_store %arg14[%swap3A_142, %swap3A_143], %broadcast_in_dim3A_141 {strides = array<i32>} : memref<80x128xbf16, #tpu.memory_space<vmem>>, vector<32xbf16>,
    }
    %scan3A_5 = arith.constant 25 : i32
    %scan3A_6 = arith.constant 0 : i32
    %scan3A_7 = arith.constant 0 : i32
    %scan3A_8 = arith.constant 25 : i32
    %scan3A_9 = arith.addi %scan3A_7, %scan3A_8 : i32
    %scan3A_10 = arith.constant 1 : i32
    scf.for %scan3A_126 = %scan3A_7 to %scan3A_9 step %scan3A_10  : i32 {
      %mul3A_127 = arith.constant 625 : i32
      %mul3A_128 = arith.muli %arg1, %mul3A_127 : i32
      %mul3A_129 = arith.constant 25 : i32
      %mul3A_130 = arith.muli %scan3A_126, %mul3A_129 : i32
      %add3A_131 = arith.addi %mul3A_128, %mul3A_130 : i32
      "tpu.region"() ({
        %run_scoped3A = tpu.sem_alloc : memref<!tpu.dma_semaphore, #tpu.memory_space<semaphore_mem>>
        %dma_start3A_132 = arith.constant 0 : i32
        %dma_start3A_133 = arith.constant 0 : i32
        %dma_start3A_134 = tpu.memref_slice %arg14[%dma_start3A_132, %dma_start3A_133] : memref<80x128xbf16, #tpu.memory_space<vmem>> -> memref<25x128xbf16, #tpu.memory_space<vmem>>
        %dma_start3A_135 = arith.constant 0 : i32
        %dma_start3A_136 = tpu.memref_slice %arg7[%add3A_131, %dma_start3A_135] : memref<10000x128xbf16, #tpu.memory_space<vmem_shared>> -> memref<25x128xbf16, #tpu.memory_space<vmem_shared>>
        %dma_start3A_137 = arith.constant 0 : i32
        %dma_start3A_138 = tpu.memref_slice %arg7[%add3A_131, %dma_start3A_137] : memref<10000x128xbf16, #tpu.memory_space<vmem_shared>> -> memref<25x128xbf16, #tpu.memory_space<vmem_shared>>
        %dma_start3A_139 = arith.constant 0 : i32
        %dma_start3A_140 = arith.constant 0 : i32
        %dma_start3A_141 = tpu.memref_slice %arg14[%dma_start3A_139, %dma_start3A_140] : memref<80x128xbf16, #tpu.memory_space<vmem>> -> memref<25x128xbf16, #tpu.memory_space<vmem>>
        tpu.enqueue_dma source(%dma_start3A_141 : memref<25x128xbf16, #tpu.memory_space<vmem>>) target(%dma_start3A_138 : memref<25x128xbf16, #tpu.memory_space<vmem_shared>>) target_semaphore(%run_scoped3A : memref<!tpu.dma_semaphore, #tpu.memory_space<semaphore_mem>>)
        %dma_wait3A_142 = arith.constant 0 : i32
        %dma_wait3A_143 = arith.constant 0 : i32
        %dma_wait3A_144 = tpu.memref_slice %arg14[%dma_wait3A_142, %dma_wait3A_143] : memref<80x128xbf16, #tpu.memory_space<vmem>> -> memref<25x128xbf16, #tpu.memory_space<vmem>>
        %dma_wait3A_145 = arith.constant 0 : i32
        %dma_wait3A_146 = tpu.memref_slice %arg7[%add3A_131, %dma_wait3A_145] : memref<10000x128xbf16, #tpu.memory_space<vmem_shared>> -> memref<25x128xbf16, #tpu.memory_space<vmem_shared>>
        %dma_wait3A_147 = arith.constant 0 : i32
        %dma_wait3A_148 = tpu.memref_slice %arg7[%add3A_131, %dma_wait3A_147] : memref<10000x128xbf16, #tpu.memory_space<vmem_shared>> -> memref<25x128xbf16, #tpu.memory_space<vmem_shared>>
        %dma_wait3A_149 = arith.constant 0 : i32
        %dma_wait3A_150 = arith.constant 0 : i32
        %dma_wait3A_151 = tpu.memref_slice %arg14[%dma_wait3A_149, %dma_wait3A_150] : memref<80x128xbf16, #tpu.memory_space<vmem>> -> memref<25x128xbf16, #tpu.memory_space<vmem>>
        tpu.wait_dma2 semaphore(%run_scoped3A : memref<!tpu.dma_semaphore, #tpu.memory_space<semaphore_mem>>) src(%dma_wait3A_151 : memref<25x128xbf16, #tpu.memory_space<vmem>>) dst(%dma_wait3A_148 : memref<25x128xbf16, #tpu.memory_space<vmem_shared>>)
        tpu.yield
      }) : () -> ()
    }
    %scan3A_11 = arith.constant 25 : i32
    %mul3A_12 = arith.constant 125 : i32
    %mul3A_13 = arith.muli %add3A, %mul3A_12 : i32
    "tpu.region"() ({
      %run_scoped3A = tpu.sem_alloc : memref<!tpu.dma_semaphore, #tpu.memory_space<semaphore_mem>>
      %dma_start3A_126 = arith.constant 0 : i32
      %dma_start3A_127 = tpu.memref_slice %arg4[%mul3A_13, %dma_start3A_126] : memref<4000x80xi32, #tpu.memory_space<hbm>> -> memref<125x80xi32, #tpu.memory_space<hbm>>
      %dma_start3A_128 = arith.constant 0 : i32
      %dma_start3A_129 = tpu.memref_slice %arg4[%mul3A_13, %dma_start3A_128] : memref<4000x80xi32, #tpu.memory_space<hbm>> -> memref<125x80xi32, #tpu.memory_space<hbm>>
      tpu.enqueue_dma source(%dma_start3A_129 : memref<125x80xi32, #tpu.memory_space<hbm>>) target(%arg8 : memref<125x80xi32, #tpu.memory_space<vmem>>) target_semaphore(%run_scoped3A : memref<!tpu.dma_semaphore, #tpu.memory_space<semaphore_mem>>)
      %dma_wait3A_130 = arith.constant 0 : i32
      %dma_wait3A_131 = tpu.memref_slice %arg4[%mul3A_13, %dma_wait3A_130] : memref<4000x80xi32, #tpu.memory_space<hbm>> -> memref<125x80xi32, #tpu.memory_space<hbm>>
      %dma_wait3A_132 = arith.constant 0 : i32
      %dma_wait3A_133 = tpu.memref_slice %arg4[%mul3A_13, %dma_wait3A_132] : memref<4000x80xi32, #tpu.memory_space<hbm>> -> memref<125x80xi32, #tpu.memory_space<hbm>>
      tpu.wait_dma2 semaphore(%run_scoped3A : memref<!tpu.dma_semaphore, #tpu.memory_space<semaphore_mem>>) src(%dma_wait3A_133 : memref<125x80xi32, #tpu.memory_space<hbm>>) dst(%arg8 : memref<125x80xi32, #tpu.memory_space<vmem>>)
      tpu.yield
    }) : () -> ()
    %mul3A_14 = arith.constant 125 : i32
    %mul3A_15 = arith.muli %add3A, %mul3A_14 : i32
    "tpu.region"() ({
      %run_scoped3A = tpu.sem_alloc : memref<!tpu.dma_semaphore, #tpu.memory_space<semaphore_mem>>
      %dma_start3A_126 = arith.constant 0 : i32
      %dma_start3A_127 = tpu.memref_slice %arg5[%mul3A_15, %dma_start3A_126] : memref<4000x80xi32, #tpu.memory_space<hbm>> -> memref<125x80xi32, #tpu.memory_space<hbm>>
      %dma_start3A_128 = arith.constant 0 : i32
      %dma_start3A_129 = tpu.memref_slice %arg5[%mul3A_15, %dma_start3A_128] : memref<4000x80xi32, #tpu.memory_space<hbm>> -> memref<125x80xi32, #tpu.memory_space<hbm>>
      tpu.enqueue_dma source(%dma_start3A_129 : memref<125x80xi32, #tpu.memory_space<hbm>>) target(%arg9 : memref<125x80xi32, #tpu.memory_space<vmem>>) target_semaphore(%run_scoped3A : memref<!tpu.dma_semaphore, #tpu.memory_space<semaphore_mem>>)
      %dma_wait3A_130 = arith.constant 0 : i32
      %dma_wait3A_131 = tpu.memref_slice %arg5[%mul3A_15, %dma_wait3A_130] : memref<4000x80xi32, #tpu.memory_space<hbm>> -> memref<125x80xi32, #tpu.memory_space<hbm>>
      %dma_wait3A_132 = arith.constant 0 : i32
      %dma_wait3A_133 = tpu.memref_slice %arg5[%mul3A_15, %dma_wait3A_132] : memref<4000x80xi32, #tpu.memory_space<hbm>> -> memref<125x80xi32, #tpu.memory_space<hbm>>
      tpu.wait_dma2 semaphore(%run_scoped3A : memref<!tpu.dma_semaphore, #tpu.memory_space<semaphore_mem>>) src(%dma_wait3A_133 : memref<125x80xi32, #tpu.memory_space<hbm>>) dst(%arg9 : memref<125x80xi32, #tpu.memory_space<vmem>>)
      tpu.yield
    }) : () -> ()
    %barrier3A = arith.constant 0 : index
    tpu.barrier barrier_id(%barrier3A)
    %jit3A = arith.constant 8 : i32
    %div3A = arith.divsi %arg1, %jit3A : i32
    %sign3A = arith.constant 0 : i32
    %sign3A_16 = arith.cmpi sgt, %arg1, %sign3A : i32
    %sign3A_17 = arith.extui %sign3A_16 : i1 to i32
    %sign3A_18 = arith.constant 0 : i32
    %sign3A_19 = arith.cmpi slt, %arg1, %sign3A_18 : i32
    %sign3A_20 = arith.extui %sign3A_19 : i1 to i32
    %sign3A_21 = arith.subi %sign3A_17, %sign3A_20 : i32
    %sign3A_22 = arith.constant 0 : i32
    %sign3A_23 = arith.cmpi sgt, %jit3A, %sign3A_22 : i32
    %sign3A_24 = arith.extui %sign3A_23 : i1 to i32
    %sign3A_25 = arith.constant 0 : i32
    %sign3A_26 = arith.cmpi slt, %jit3A, %sign3A_25 : i32
    %sign3A_27 = arith.extui %sign3A_26 : i1 to i32
    %sign3A_28 = arith.subi %sign3A_24, %sign3A_27 : i32
    %ne3A = arith.cmpi ne, %sign3A_21, %sign3A_28 : i32
    %rem3A = arith.remsi %arg1, %jit3A : i32
    %ne3A_29 = arith.constant 0 : i32
    %ne3A_30 = arith.cmpi ne, %rem3A, %ne3A_29 : i32
    %and3A = arith.andi %ne3A, %ne3A_30 : i1
    %sub3A = arith.constant 1 : i32
    %sub3A_31 = arith.subi %div3A, %sub3A : i32
    %select_n3A = arith.select %and3A, %sub3A_31, %div3A : i32
    %mul3A_32 = arith.constant 10000 : i32
    %mul3A_33 = arith.muli %add3A, %mul3A_32 : i32
    %mul3A_34 = arith.constant 160000 : i32
    %mul3A_35 = arith.muli %mul3A_34, %select_n3A : i32
    %sub3A_36 = arith.subi %mul3A_33, %mul3A_35 : i32
    %dma_start3A = arith.constant 0 : i32
    %dma_start3A_37 = arith.constant 0 : i32
    %dma_start3A_38 = tpu.memref_slice %arg9[%dma_start3A, %dma_start3A_37] : memref<125x80xi32, #tpu.memory_space<vmem>> -> memref<1x80xi32, #tpu.memory_space<vmem>>
    %dma_start3A_39 = tpu.memref_squeeze %dma_start3A_38 : memref<1x80xi32, #tpu.memory_space<vmem>> -> memref<80xi32, #tpu.memory_space<vmem>>
    %dma_start3A_40 = arith.constant 0 : i32
    %dma_start3A_41 = arith.constant 0 : i32
    %dma_start3A_42 = tpu.memref_slice %arg2[%dma_start3A_40, %dma_start3A_41] : memref<10000x64xi32, #tpu.memory_space<hbm>> -> memref<10000x64xi32, #tpu.memory_space<hbm>>
    tpu.enqueue_indirect_dma source(%dma_start3A_42 : memref<10000x64xi32, #tpu.memory_space<hbm>>) target(%arg10 : memref<80x64xi32, #tpu.memory_space<vmem>>) offsets(%dma_start3A_39 : memref<80xi32, #tpu.memory_space<vmem>>) semaphore(%arg16 : memref<!tpu.dma_semaphore, #tpu.memory_space<semaphore_mem>>)
    %add3A_43 = arith.constant 0 : i32
    %add3A_44 = arith.addi %sub3A_36, %add3A_43 : i32
    %eq3A = arith.constant 0 : i32
    %eq3A_45 = arith.cmpi eq, %select_n3A, %eq3A : i32
    %convert_element_type3A = arith.extui %eq3A_45 : i1 to i32
    %cond3A = arith.constant 0 : i32
    %cond3A_46 = arith.cmpi ne, %convert_element_type3A, %cond3A : i32
    scf.if %cond3A_46 {
      %dma_start3A_126 = arith.constant 0 : i32
      %dma_start3A_127 = tpu.memref_slice %arg3[%add3A_44, %dma_start3A_126] : memref<160000x128xi32, #tpu.memory_space<hbm>> -> memref<80x64xi32, #tpu.memory_space<hbm>>
      %dma_start3A_128 = arith.constant 0 : i32
      %dma_start3A_129 = tpu.memref_slice %arg3[%add3A_44, %dma_start3A_128] : memref<160000x128xi32, #tpu.memory_space<hbm>> -> memref<80x64xi32, #tpu.memory_space<hbm>>
      tpu.enqueue_dma source(%dma_start3A_129 : memref<80x64xi32, #tpu.memory_space<hbm>>) target(%arg12 : memref<80x64xi32, #tpu.memory_space<vmem>>) target_semaphore(%arg18 : memref<!tpu.dma_semaphore, #tpu.memory_space<semaphore_mem>>)
    } else {
    }
    %eq3A_47 = arith.constant 1 : i32
    %eq3A_48 = arith.cmpi eq, %select_n3A, %eq3A_47 : i32
    %convert_element_type3A_49 = arith.extui %eq3A_48 : i1 to i32
    %cond3A_50 = arith.constant 0 : i32
    %cond3A_51 = arith.cmpi ne, %convert_element_type3A_49, %cond3A_50 : i32
    scf.if %cond3A_51 {
      %dma_start3A_126 = arith.constant 64 : i32
      %dma_start3A_127 = tpu.memref_slice %arg3[%add3A_44, %dma_start3A_126] : memref<160000x128xi32, #tpu.memory_space<hbm>> -> memref<80x64xi32, #tpu.memory_space<hbm>>
      %dma_start3A_128 = arith.constant 64 : i32
      %dma_start3A_129 = tpu.memref_slice %arg3[%add3A_44, %dma_start3A_128] : memref<160000x128xi32, #tpu.memory_space<hbm>> -> memref<80x64xi32, #tpu.memory_space<hbm>>
      tpu.enqueue_dma source(%dma_start3A_129 : memref<80x64xi32, #tpu.memory_space<hbm>>) target(%arg12 : memref<80x64xi32, #tpu.memory_space<vmem>>) target_semaphore(%arg18 : memref<!tpu.dma_semaphore, #tpu.memory_space<semaphore_mem>>)
    } else {
    }
    %dma_start3A_52 = arith.constant 1 : i32
    %dma_start3A_53 = arith.constant 0 : i32
    %dma_start3A_54 = tpu.memref_slice %arg9[%dma_start3A_52, %dma_start3A_53] : memref<125x80xi32, #tpu.memory_space<vmem>> -> memref<1x80xi32, #tpu.memory_space<vmem>>
    %dma_start3A_55 = tpu.memref_squeeze %dma_start3A_54 : memref<1x80xi32, #tpu.memory_space<vmem>> -> memref<80xi32, #tpu.memory_space<vmem>>
    %dma_start3A_56 = arith.constant 0 : i32
    %dma_start3A_57 = arith.constant 0 : i32
    %dma_start3A_58 = tpu.memref_slice %arg2[%dma_start3A_56, %dma_start3A_57] : memref<10000x64xi32, #tpu.memory_space<hbm>> -> memref<10000x64xi32, #tpu.memory_space<hbm>>
    tpu.enqueue_indirect_dma source(%dma_start3A_58 : memref<10000x64xi32, #tpu.memory_space<hbm>>) target(%arg11 : memref<80x64xi32, #tpu.memory_space<vmem>>) offsets(%dma_start3A_55 : memref<80xi32, #tpu.memory_space<vmem>>) semaphore(%arg17 : memref<!tpu.dma_semaphore, #tpu.memory_space<semaphore_mem>>)
    %add3A_59 = arith.constant 80 : i32
    %add3A_60 = arith.addi %sub3A_36, %add3A_59 : i32
    %eq3A_61 = arith.constant 0 : i32
    %eq3A_62 = arith.cmpi eq, %select_n3A, %eq3A_61 : i32
    %convert_element_type3A_63 = arith.extui %eq3A_62 : i1 to i32
    %cond3A_64 = arith.constant 0 : i32
    %cond3A_65 = arith.cmpi ne, %convert_element_type3A_63, %cond3A_64 : i32
    scf.if %cond3A_65 {
      %dma_start3A_126 = arith.constant 0 : i32
      %dma_start3A_127 = tpu.memref_slice %arg3[%add3A_60, %dma_start3A_126] : memref<160000x128xi32, #tpu.memory_space<hbm>> -> memref<80x64xi32, #tpu.memory_space<hbm>>
      %dma_start3A_128 = arith.constant 0 : i32
      %dma_start3A_129 = tpu.memref_slice %arg3[%add3A_60, %dma_start3A_128] : memref<160000x128xi32, #tpu.memory_space<hbm>> -> memref<80x64xi32, #tpu.memory_space<hbm>>
      tpu.enqueue_dma source(%dma_start3A_129 : memref<80x64xi32, #tpu.memory_space<hbm>>) target(%arg13 : memref<80x64xi32, #tpu.memory_space<vmem>>) target_semaphore(%arg19 : memref<!tpu.dma_semaphore, #tpu.memory_space<semaphore_mem>>)
    } else {
    }
    %eq3A_66 = arith.constant 1 : i32
    %eq3A_67 = arith.cmpi eq, %select_n3A, %eq3A_66 : i32
    %convert_element_type3A_68 = arith.extui %eq3A_67 : i1 to i32
    %cond3A_69 = arith.constant 0 : i32
    %cond3A_70 = arith.cmpi ne, %convert_element_type3A_68, %cond3A_69 : i32
    scf.if %cond3A_70 {
      %dma_start3A_126 = arith.constant 64 : i32
      %dma_start3A_127 = tpu.memref_slice %arg3[%add3A_60, %dma_start3A_126] : memref<160000x128xi32, #tpu.memory_space<hbm>> -> memref<80x64xi32, #tpu.memory_space<hbm>>
      %dma_start3A_128 = arith.constant 64 : i32
      %dma_start3A_129 = tpu.memref_slice %arg3[%add3A_60, %dma_start3A_128] : memref<160000x128xi32, #tpu.memory_space<hbm>> -> memref<80x64xi32, #tpu.memory_space<hbm>>
      tpu.enqueue_dma source(%dma_start3A_129 : memref<80x64xi32, #tpu.memory_space<hbm>>) target(%arg13 : memref<80x64xi32, #tpu.memory_space<vmem>>) target_semaphore(%arg19 : memref<!tpu.dma_semaphore, #tpu.memory_space<semaphore_mem>>)
    } else {
    }
    %scan3A_71 = arith.constant 0 : i32
    %scan3A_72 = arith.constant 0 : i32
    %scan3A_73 = arith.constant 62 : i32
    %scan3A_74 = arith.addi %scan3A_72, %scan3A_73 : i32
    %scan3A_75 = arith.constant 1 : i32
    scf.for %scan3A_126 = %scan3A_72 to %scan3A_74 step %scan3A_75  : i32 {
      %mul3A_127 = arith.constant 2 : i32
      %mul3A_128 = arith.muli %mul3A_127, %scan3A_126 : i32
      %add3A_129 = arith.constant 0 : i32
      %add3A_130 = arith.addi %mul3A_128, %add3A_129 : i32
      %dma_wait3A_131 = arith.constant 0 : i32
      %dma_wait3A_132 = tpu.memref_slice %arg9[%add3A_130, %dma_wait3A_131] : memref<125x80xi32, #tpu.memory_space<vmem>> -> memref<1x80xi32, #tpu.memory_space<vmem>>
      %dma_wait3A_133 = tpu.memref_squeeze %dma_wait3A_132 : memref<1x80xi32, #tpu.memory_space<vmem>> -> memref<80xi32, #tpu.memory_space<vmem>>
      %dma_wait3A_134 = arith.constant 0 : i32
      %dma_wait3A_135 = arith.constant 0 : i32
      %dma_wait3A_136 = tpu.memref_slice %arg2[%dma_wait3A_134, %dma_wait3A_135] : memref<10000x64xi32, #tpu.memory_space<hbm>> -> memref<10000x64xi32, #tpu.memory_space<hbm>>
      tpu.wait_indirect_dma semaphore(%arg16 : memref<!tpu.dma_semaphore, #tpu.memory_space<semaphore_mem>>) src(%dma_wait3A_136 : memref<10000x64xi32, #tpu.memory_space<hbm>>) dst(%arg10 : memref<80x64xi32, #tpu.memory_space<vmem>>)
      %mul3A_137 = arith.constant 80 : i32
      %mul3A_138 = arith.muli %add3A_130, %mul3A_137 : i32
      %add3A_139 = arith.addi %sub3A_36, %mul3A_138 : i32
      %dma_wait3A_140 = arith.constant 0 : i32
      %dma_wait3A_141 = tpu.memref_slice %arg3[%add3A_139, %dma_wait3A_140] : memref<160000x128xi32, #tpu.memory_space<hbm>> -> memref<80x64xi32, #tpu.memory_space<hbm>>
      %dma_wait3A_142 = arith.constant 0 : i32
      %dma_wait3A_143 = tpu.memref_slice %arg3[%add3A_139, %dma_wait3A_142] : memref<160000x128xi32, #tpu.memory_space<hbm>> -> memref<80x64xi32, #tpu.memory_space<hbm>>
      tpu.wait_dma2 semaphore(%arg18 : memref<!tpu.dma_semaphore, #tpu.memory_space<semaphore_mem>>) src(%dma_wait3A_143 : memref<80x64xi32, #tpu.memory_space<hbm>>) dst(%arg12 : memref<80x64xi32, #tpu.memory_space<vmem>>)
      %ge3A = arith.constant 2 : i32
      %ge3A_144 = arith.cmpi sge, %add3A_130, %ge3A : i32
      %convert_element_type3A_145 = arith.extui %ge3A_144 : i1 to i32
      %cond3A_146 = arith.constant 0 : i32
      %cond3A_147 = arith.cmpi ne, %convert_element_type3A_145, %cond3A_146 : i32
      scf.if %cond3A_147 {
        %sub3A_201 = arith.constant 2 : i32
        %sub3A_202 = arith.subi %add3A_130, %sub3A_201 : i32
        %dma_wait3A_203 = arith.constant 0 : i32
        %dma_wait3A_204 = tpu.memref_slice %arg8[%sub3A_202, %dma_wait3A_203] : memref<125x80xi32, #tpu.memory_space<vmem>> -> memref<1x80xi32, #tpu.memory_space<vmem>>
        %dma_wait3A_205 = tpu.memref_squeeze %dma_wait3A_204 : memref<1x80xi32, #tpu.memory_space<vmem>> -> memref<80xi32, #tpu.memory_space<vmem>>
        %dma_wait3A_206 = arith.constant 0 : i32
        %dma_wait3A_207 = arith.constant 0 : i32
        %dma_wait3A_208 = tpu.memref_slice %arg7[%dma_wait3A_206, %dma_wait3A_207] : memref<10000x128xbf16, #tpu.memory_space<vmem_shared>> -> memref<10000x128xbf16, #tpu.memory_space<vmem_shared>>
        tpu.wait_indirect_dma semaphore(%arg20 : memref<!tpu.dma_semaphore, #tpu.memory_space<semaphore_mem>>) src(%arg14 : memref<80x128xbf16, #tpu.memory_space<vmem>>) dst(%dma_wait3A_208 : memref<10000x128xbf16, #tpu.memory_space<vmem_shared>>)
      } else {
      }
      %parallel_loop3A_148 = arith.constant 0 : i32
      %parallel_loop3A_149 = arith.constant 80 : i32
      %parallel_loop3A_150 = arith.constant 1 : i32
      scf.for %parallel_loop3A_201 = %parallel_loop3A_148 to %parallel_loop3A_149 step %parallel_loop3A_150  : i32 {
        %parallel_loop3A_202 = arith.index_cast %parallel_loop3A_201 : i32 to index
        %parallel_loop3A_203 = arith.constant 0 : index
        %parallel_loop3A_204 = tpu.vector_load %arg10[%parallel_loop3A_202, %parallel_loop3A_203] {strides = array<i32>} : memref<80x64xi32, #tpu.memory_space<vmem>>, vector<16xi32>,
        %parallel_loop3A_205 = vector.bitcast %parallel_loop3A_204 : vector<16xi32> to vector<32xbf16>
        %parallel_loop3A_206 = arith.index_cast %parallel_loop3A_201 : i32 to index
        %parallel_loop3A_207 = arith.constant 0 : index
        %parallel_loop3A_208 = tpu.vector_load %arg12[%parallel_loop3A_206, %parallel_loop3A_207] {strides = array<i32>} : memref<80x64xi32, #tpu.memory_space<vmem>>, vector<16xi32>,
        %parallel_loop3A_209 = vector.bitcast %parallel_loop3A_208 : vector<16xi32> to vector<32xbf16>
        %parallel_loop3A_210 = arith.mulf %parallel_loop3A_205, %parallel_loop3A_209 : vector<32xbf16>
        %parallel_loop3A_211 = arith.index_cast %parallel_loop3A_201 : i32 to index
        %parallel_loop3A_212 = arith.constant 0 : index
        %parallel_loop3A_213 = tpu.vector_load %arg14[%parallel_loop3A_211, %parallel_loop3A_212] {strides = array<i32>} : memref<80x128xbf16, #tpu.memory_space<vmem>>, vector<32xbf16>,
        tpu.vector_store %arg14[%parallel_loop3A_211, %parallel_loop3A_212], %parallel_loop3A_210 {strides = array<i32>} : memref<80x128xbf16, #tpu.memory_space<vmem>>, vector<32xbf16>,
        %parallel_loop3A_214 = arith.index_cast %parallel_loop3A_201 : i32 to index
        %parallel_loop3A_215 = arith.constant 16 : index
        %parallel_loop3A_216 = tpu.vector_load %arg10[%parallel_loop3A_214, %parallel_loop3A_215] {strides = array<i32>} : memref<80x64xi32, #tpu.memory_space<vmem>>, vector<16xi32>,
        %parallel_loop3A_217 = vector.bitcast %parallel_loop3A_216 : vector<16xi32> to vector<32xbf16>
        %parallel_loop3A_218 = arith.index_cast %parallel_loop3A_201 : i32 to index
        %parallel_loop3A_219 = arith.constant 16 : index
        %parallel_loop3A_220 = tpu.vector_load %arg12[%parallel_loop3A_218, %parallel_loop3A_219] {strides = array<i32>} : memref<80x64xi32, #tpu.memory_space<vmem>>, vector<16xi32>,
        %parallel_loop3A_221 = vector.bitcast %parallel_loop3A_220 : vector<16xi32> to vector<32xbf16>
        %parallel_loop3A_222 = arith.mulf %parallel_loop3A_217, %parallel_loop3A_221 : vector<32xbf16>
        %parallel_loop3A_223 = arith.index_cast %parallel_loop3A_201 : i32 to index
        %parallel_loop3A_224 = arith.constant 32 : index
        %parallel_loop3A_225 = tpu.vector_load %arg14[%parallel_loop3A_223, %parallel_loop3A_224] {strides = array<i32>} : memref<80x128xbf16, #tpu.memory_space<vmem>>, vector<32xbf16>,
        tpu.vector_store %arg14[%parallel_loop3A_223, %parallel_loop3A_224], %parallel_loop3A_222 {strides = array<i32>} : memref<80x128xbf16, #tpu.memory_space<vmem>>, vector<32xbf16>,
        %parallel_loop3A_226 = arith.index_cast %parallel_loop3A_201 : i32 to index
        %parallel_loop3A_227 = arith.constant 32 : index
        %parallel_loop3A_228 = tpu.vector_load %arg10[%parallel_loop3A_226, %parallel_loop3A_227] {strides = array<i32>} : memref<80x64xi32, #tpu.memory_space<vmem>>, vector<16xi32>,
        %parallel_loop3A_229 = vector.bitcast %parallel_loop3A_228 : vector<16xi32> to vector<32xbf16>
        %parallel_loop3A_230 = arith.index_cast %parallel_loop3A_201 : i32 to index
        %parallel_loop3A_231 = arith.constant 32 : index
        %parallel_loop3A_232 = tpu.vector_load %arg12[%parallel_loop3A_230, %parallel_loop3A_231] {strides = array<i32>} : memref<80x64xi32, #tpu.memory_space<vmem>>, vector<16xi32>,
        %parallel_loop3A_233 = vector.bitcast %parallel_loop3A_232 : vector<16xi32> to vector<32xbf16>
        %parallel_loop3A_234 = arith.mulf %parallel_loop3A_229, %parallel_loop3A_233 : vector<32xbf16>
        %parallel_loop3A_235 = arith.index_cast %parallel_loop3A_201 : i32 to index
        %parallel_loop3A_236 = arith.constant 64 : index
        %parallel_loop3A_237 = tpu.vector_load %arg14[%parallel_loop3A_235, %parallel_loop3A_236] {strides = array<i32>} : memref<80x128xbf16, #tpu.memory_space<vmem>>, vector<32xbf16>,
        tpu.vector_store %arg14[%parallel_loop3A_235, %parallel_loop3A_236], %parallel_loop3A_234 {strides = array<i32>} : memref<80x128xbf16, #tpu.memory_space<vmem>>, vector<32xbf16>,
        %parallel_loop3A_238 = arith.index_cast %parallel_loop3A_201 : i32 to index
        %parallel_loop3A_239 = arith.constant 48 : index
        %parallel_loop3A_240 = tpu.vector_load %arg10[%parallel_loop3A_238, %parallel_loop3A_239] {strides = array<i32>} : memref<80x64xi32, #tpu.memory_space<vmem>>, vector<16xi32>,
        %parallel_loop3A_241 = vector.bitcast %parallel_loop3A_240 : vector<16xi32> to vector<32xbf16>
        %parallel_loop3A_242 = arith.index_cast %parallel_loop3A_201 : i32 to index
        %parallel_loop3A_243 = arith.constant 48 : index
        %parallel_loop3A_244 = tpu.vector_load %arg12[%parallel_loop3A_242, %parallel_loop3A_243] {strides = array<i32>} : memref<80x64xi32, #tpu.memory_space<vmem>>, vector<16xi32>,
        %parallel_loop3A_245 = vector.bitcast %parallel_loop3A_244 : vector<16xi32> to vector<32xbf16>
        %parallel_loop3A_246 = arith.mulf %parallel_loop3A_241, %parallel_loop3A_245 : vector<32xbf16>
        %parallel_loop3A_247 = arith.index_cast %parallel_loop3A_201 : i32 to index
        %parallel_loop3A_248 = arith.constant 96 : index
        %parallel_loop3A_249 = tpu.vector_load %arg14[%parallel_loop3A_247, %parallel_loop3A_248] {strides = array<i32>} : memref<80x128xbf16, #tpu.memory_space<vmem>>, vector<32xbf16>,
        tpu.vector_store %arg14[%parallel_loop3A_247, %parallel_loop3A_248], %parallel_loop3A_246 {strides = array<i32>} : memref<80x128xbf16, #tpu.memory_space<vmem>>, vector<32xbf16>,
      } {sc.loop_unroll_factor = 4 : i64, sc.parallel_access}
      %add3A_151 = arith.constant 2 : i32
      %add3A_152 = arith.addi %add3A_130, %add3A_151 : i32
      %lt3A = arith.constant 125 : i32
      %lt3A_153 = arith.cmpi slt, %add3A_152, %lt3A : i32
      %convert_element_type3A_154 = arith.extui %lt3A_153 : i1 to i32
      %cond3A_155 = arith.constant 0 : i32
      %cond3A_156 = arith.cmpi ne, %convert_element_type3A_154, %cond3A_155 : i32
      scf.if %cond3A_156 {
        %add3A_201 = arith.constant 2 : i32
        %add3A_202 = arith.addi %add3A_130, %add3A_201 : i32
        %dma_start3A_203 = arith.constant 0 : i32
        %dma_start3A_204 = tpu.memref_slice %arg9[%add3A_202, %dma_start3A_203] : memref<125x80xi32, #tpu.memory_space<vmem>> -> memref<1x80xi32, #tpu.memory_space<vmem>>
        %dma_start3A_205 = tpu.memref_squeeze %dma_start3A_204 : memref<1x80xi32, #tpu.memory_space<vmem>> -> memref<80xi32, #tpu.memory_space<vmem>>
        %dma_start3A_206 = arith.constant 0 : i32
        %dma_start3A_207 = arith.constant 0 : i32
        %dma_start3A_208 = tpu.memref_slice %arg2[%dma_start3A_206, %dma_start3A_207] : memref<10000x64xi32, #tpu.memory_space<hbm>> -> memref<10000x64xi32, #tpu.memory_space<hbm>>
        tpu.enqueue_indirect_dma source(%dma_start3A_208 : memref<10000x64xi32, #tpu.memory_space<hbm>>) target(%arg10 : memref<80x64xi32, #tpu.memory_space<vmem>>) offsets(%dma_start3A_205 : memref<80xi32, #tpu.memory_space<vmem>>) semaphore(%arg16 : memref<!tpu.dma_semaphore, #tpu.memory_space<semaphore_mem>>)
        %add3A_209 = arith.constant 2 : i32
        %add3A_210 = arith.addi %add3A_130, %add3A_209 : i32
        %mul3A_211 = arith.constant 80 : i32
        %mul3A_212 = arith.muli %add3A_210, %mul3A_211 : i32
        %add3A_213 = arith.addi %sub3A_36, %mul3A_212 : i32
        %eq3A_214 = arith.constant 0 : i32
        %eq3A_215 = arith.cmpi eq, %select_n3A, %eq3A_214 : i32
        %convert_element_type3A_216 = arith.extui %eq3A_215 : i1 to i32
        %cond3A_217 = arith.constant 0 : i32
        %cond3A_218 = arith.cmpi ne, %convert_element_type3A_216, %cond3A_217 : i32
        scf.if %cond3A_218 {
          %dma_start3A_224 = arith.constant 0 : i32
          %dma_start3A_225 = tpu.memref_slice %arg3[%add3A_213, %dma_start3A_224] : memref<160000x128xi32, #tpu.memory_space<hbm>> -> memref<80x64xi32, #tpu.memory_space<hbm>>
          %dma_start3A_226 = arith.constant 0 : i32
          %dma_start3A_227 = tpu.memref_slice %arg3[%add3A_213, %dma_start3A_226] : memref<160000x128xi32, #tpu.memory_space<hbm>> -> memref<80x64xi32, #tpu.memory_space<hbm>>
          tpu.enqueue_dma source(%dma_start3A_227 : memref<80x64xi32, #tpu.memory_space<hbm>>) target(%arg12 : memref<80x64xi32, #tpu.memory_space<vmem>>) target_semaphore(%arg18 : memref<!tpu.dma_semaphore, #tpu.memory_space<semaphore_mem>>)
        } else {
        }
        %eq3A_219 = arith.constant 1 : i32
        %eq3A_220 = arith.cmpi eq, %select_n3A, %eq3A_219 : i32
        %convert_element_type3A_221 = arith.extui %eq3A_220 : i1 to i32
        %cond3A_222 = arith.constant 0 : i32
        %cond3A_223 = arith.cmpi ne, %convert_element_type3A_221, %cond3A_222 : i32
        scf.if %cond3A_223 {
          %dma_start3A_224 = arith.constant 64 : i32
          %dma_start3A_225 = tpu.memref_slice %arg3[%add3A_213, %dma_start3A_224] : memref<160000x128xi32, #tpu.memory_space<hbm>> -> memref<80x64xi32, #tpu.memory_space<hbm>>
          %dma_start3A_226 = arith.constant 64 : i32
          %dma_start3A_227 = tpu.memref_slice %arg3[%add3A_213, %dma_start3A_226] : memref<160000x128xi32, #tpu.memory_space<hbm>> -> memref<80x64xi32, #tpu.memory_space<hbm>>
          tpu.enqueue_dma source(%dma_start3A_227 : memref<80x64xi32, #tpu.memory_space<hbm>>) target(%arg12 : memref<80x64xi32, #tpu.memory_space<vmem>>) target_semaphore(%arg18 : memref<!tpu.dma_semaphore, #tpu.memory_space<semaphore_mem>>)
        } else {
        }
      } else {
      }
      %dma_start3A_157 = arith.constant 0 : i32
      %dma_start3A_158 = tpu.memref_slice %arg8[%add3A_130, %dma_start3A_157] : memref<125x80xi32, #tpu.memory_space<vmem>> -> memref<1x80xi32, #tpu.memory_space<vmem>>
      %dma_start3A_159 = tpu.memref_squeeze %dma_start3A_158 : memref<1x80xi32, #tpu.memory_space<vmem>> -> memref<80xi32, #tpu.memory_space<vmem>>
      %dma_start3A_160 = arith.constant 0 : i32
      %dma_start3A_161 = arith.constant 0 : i32
      %dma_start3A_162 = tpu.memref_slice %arg7[%dma_start3A_160, %dma_start3A_161] : memref<10000x128xbf16, #tpu.memory_space<vmem_shared>> -> memref<10000x128xbf16, #tpu.memory_space<vmem_shared>>
      tpu.enqueue_indirect_dma source(%arg14 : memref<80x128xbf16, #tpu.memory_space<vmem>>) target(%dma_start3A_162 : memref<10000x128xbf16, #tpu.memory_space<vmem_shared>>) offsets(%dma_start3A_159 : memref<80xi32, #tpu.memory_space<vmem>>) semaphore(%arg20 : memref<!tpu.dma_semaphore, #tpu.memory_space<semaphore_mem>>) {add = true}
      %mul3A_163 = arith.constant 2 : i32
      %mul3A_164 = arith.muli %mul3A_163, %scan3A_126 : i32
      %add3A_165 = arith.constant 1 : i32
      %add3A_166 = arith.addi %mul3A_164, %add3A_165 : i32
      %dma_wait3A_167 = arith.constant 0 : i32
      %dma_wait3A_168 = tpu.memref_slice %arg9[%add3A_166, %dma_wait3A_167] : memref<125x80xi32, #tpu.memory_space<vmem>> -> memref<1x80xi32, #tpu.memory_space<vmem>>
      %dma_wait3A_169 = tpu.memref_squeeze %dma_wait3A_168 : memref<1x80xi32, #tpu.memory_space<vmem>> -> memref<80xi32, #tpu.memory_space<vmem>>
      %dma_wait3A_170 = arith.constant 0 : i32
      %dma_wait3A_171 = arith.constant 0 : i32
      %dma_wait3A_172 = tpu.memref_slice %arg2[%dma_wait3A_170, %dma_wait3A_171] : memref<10000x64xi32, #tpu.memory_space<hbm>> -> memref<10000x64xi32, #tpu.memory_space<hbm>>
      tpu.wait_indirect_dma semaphore(%arg17 : memref<!tpu.dma_semaphore, #tpu.memory_space<semaphore_mem>>) src(%dma_wait3A_172 : memref<10000x64xi32, #tpu.memory_space<hbm>>) dst(%arg11 : memref<80x64xi32, #tpu.memory_space<vmem>>)
      %mul3A_173 = arith.constant 80 : i32
      %mul3A_174 = arith.muli %add3A_166, %mul3A_173 : i32
      %add3A_175 = arith.addi %sub3A_36, %mul3A_174 : i32
      %dma_wait3A_176 = arith.constant 0 : i32
      %dma_wait3A_177 = tpu.memref_slice %arg3[%add3A_175, %dma_wait3A_176] : memref<160000x128xi32, #tpu.memory_space<hbm>> -> memref<80x64xi32, #tpu.memory_space<hbm>>
      %dma_wait3A_178 = arith.constant 0 : i32
      %dma_wait3A_179 = tpu.memref_slice %arg3[%add3A_175, %dma_wait3A_178] : memref<160000x128xi32, #tpu.memory_space<hbm>> -> memref<80x64xi32, #tpu.memory_space<hbm>>
      tpu.wait_dma2 semaphore(%arg19 : memref<!tpu.dma_semaphore, #tpu.memory_space<semaphore_mem>>) src(%dma_wait3A_179 : memref<80x64xi32, #tpu.memory_space<hbm>>) dst(%arg13 : memref<80x64xi32, #tpu.memory_space<vmem>>)
      %ge3A_180 = arith.constant 2 : i32
      %ge3A_181 = arith.cmpi sge, %add3A_166, %ge3A_180 : i32
      %convert_element_type3A_182 = arith.extui %ge3A_181 : i1 to i32
      %cond3A_183 = arith.constant 0 : i32
      %cond3A_184 = arith.cmpi ne, %convert_element_type3A_182, %cond3A_183 : i32
      scf.if %cond3A_184 {
        %sub3A_201 = arith.constant 2 : i32
        %sub3A_202 = arith.subi %add3A_166, %sub3A_201 : i32
        %dma_wait3A_203 = arith.constant 0 : i32
        %dma_wait3A_204 = tpu.memref_slice %arg8[%sub3A_202, %dma_wait3A_203] : memref<125x80xi32, #tpu.memory_space<vmem>> -> memref<1x80xi32, #tpu.memory_space<vmem>>
        %dma_wait3A_205 = tpu.memref_squeeze %dma_wait3A_204 : memref<1x80xi32, #tpu.memory_space<vmem>> -> memref<80xi32, #tpu.memory_space<vmem>>
        %dma_wait3A_206 = arith.constant 0 : i32
        %dma_wait3A_207 = arith.constant 0 : i32
        %dma_wait3A_208 = tpu.memref_slice %arg7[%dma_wait3A_206, %dma_wait3A_207] : memref<10000x128xbf16, #tpu.memory_space<vmem_shared>> -> memref<10000x128xbf16, #tpu.memory_space<vmem_shared>>
        tpu.wait_indirect_dma semaphore(%arg21 : memref<!tpu.dma_semaphore, #tpu.memory_space<semaphore_mem>>) src(%arg15 : memref<80x128xbf16, #tpu.memory_space<vmem>>) dst(%dma_wait3A_208 : memref<10000x128xbf16, #tpu.memory_space<vmem_shared>>)
      } else {
      }
      %parallel_loop3A_185 = arith.constant 0 : i32
      %parallel_loop3A_186 = arith.constant 80 : i32
      %parallel_loop3A_187 = arith.constant 1 : i32
      scf.for %parallel_loop3A_201 = %parallel_loop3A_185 to %parallel_loop3A_186 step %parallel_loop3A_187  : i32 {
        %parallel_loop3A_202 = arith.index_cast %parallel_loop3A_201 : i32 to index
        %parallel_loop3A_203 = arith.constant 0 : index
        %parallel_loop3A_204 = tpu.vector_load %arg11[%parallel_loop3A_202, %parallel_loop3A_203] {strides = array<i32>} : memref<80x64xi32, #tpu.memory_space<vmem>>, vector<16xi32>,
        %parallel_loop3A_205 = vector.bitcast %parallel_loop3A_204 : vector<16xi32> to vector<32xbf16>
        %parallel_loop3A_206 = arith.index_cast %parallel_loop3A_201 : i32 to index
        %parallel_loop3A_207 = arith.constant 0 : index
        %parallel_loop3A_208 = tpu.vector_load %arg13[%parallel_loop3A_206, %parallel_loop3A_207] {strides = array<i32>} : memref<80x64xi32, #tpu.memory_space<vmem>>, vector<16xi32>,
        %parallel_loop3A_209 = vector.bitcast %parallel_loop3A_208 : vector<16xi32> to vector<32xbf16>
        %parallel_loop3A_210 = arith.mulf %parallel_loop3A_205, %parallel_loop3A_209 : vector<32xbf16>
        %parallel_loop3A_211 = arith.index_cast %parallel_loop3A_201 : i32 to index
        %parallel_loop3A_212 = arith.constant 0 : index
        %parallel_loop3A_213 = tpu.vector_load %arg15[%parallel_loop3A_211, %parallel_loop3A_212] {strides = array<i32>} : memref<80x128xbf16, #tpu.memory_space<vmem>>, vector<32xbf16>,
        tpu.vector_store %arg15[%parallel_loop3A_211, %parallel_loop3A_212], %parallel_loop3A_210 {strides = array<i32>} : memref<80x128xbf16, #tpu.memory_space<vmem>>, vector<32xbf16>,
        %parallel_loop3A_214 = arith.index_cast %parallel_loop3A_201 : i32 to index
        %parallel_loop3A_215 = arith.constant 16 : index
        %parallel_loop3A_216 = tpu.vector_load %arg11[%parallel_loop3A_214, %parallel_loop3A_215] {strides = array<i32>} : memref<80x64xi32, #tpu.memory_space<vmem>>, vector<16xi32>,
        %parallel_loop3A_217 = vector.bitcast %parallel_loop3A_216 : vector<16xi32> to vector<32xbf16>
        %parallel_loop3A_218 = arith.index_cast %parallel_loop3A_201 : i32 to index
        %parallel_loop3A_219 = arith.constant 16 : index
        %parallel_loop3A_220 = tpu.vector_load %arg13[%parallel_loop3A_218, %parallel_loop3A_219] {strides = array<i32>} : memref<80x64xi32, #tpu.memory_space<vmem>>, vector<16xi32>,
        %parallel_loop3A_221 = vector.bitcast %parallel_loop3A_220 : vector<16xi32> to vector<32xbf16>
        %parallel_loop3A_222 = arith.mulf %parallel_loop3A_217, %parallel_loop3A_221 : vector<32xbf16>
        %parallel_loop3A_223 = arith.index_cast %parallel_loop3A_201 : i32 to index
        %parallel_loop3A_224 = arith.constant 32 : index
        %parallel_loop3A_225 = tpu.vector_load %arg15[%parallel_loop3A_223, %parallel_loop3A_224] {strides = array<i32>} : memref<80x128xbf16, #tpu.memory_space<vmem>>, vector<32xbf16>,
        tpu.vector_store %arg15[%parallel_loop3A_223, %parallel_loop3A_224], %parallel_loop3A_222 {strides = array<i32>} : memref<80x128xbf16, #tpu.memory_space<vmem>>, vector<32xbf16>,
        %parallel_loop3A_226 = arith.index_cast %parallel_loop3A_201 : i32 to index
        %parallel_loop3A_227 = arith.constant 32 : index
        %parallel_loop3A_228 = tpu.vector_load %arg11[%parallel_loop3A_226, %parallel_loop3A_227] {strides = array<i32>} : memref<80x64xi32, #tpu.memory_space<vmem>>, vector<16xi32>,
        %parallel_loop3A_229 = vector.bitcast %parallel_loop3A_228 : vector<16xi32> to vector<32xbf16>
        %parallel_loop3A_230 = arith.index_cast %parallel_loop3A_201 : i32 to index
        %parallel_loop3A_231 = arith.constant 32 : index
        %parallel_loop3A_232 = tpu.vector_load %arg13[%parallel_loop3A_230, %parallel_loop3A_231] {strides = array<i32>} : memref<80x64xi32, #tpu.memory_space<vmem>>, vector<16xi32>,
        %parallel_loop3A_233 = vector.bitcast %parallel_loop3A_232 : vector<16xi32> to vector<32xbf16>
        %parallel_loop3A_234 = arith.mulf %parallel_loop3A_229, %parallel_loop3A_233 : vector<32xbf16>
        %parallel_loop3A_235 = arith.index_cast %parallel_loop3A_201 : i32 to index
        %parallel_loop3A_236 = arith.constant 64 : index
        %parallel_loop3A_237 = tpu.vector_load %arg15[%parallel_loop3A_235, %parallel_loop3A_236] {strides = array<i32>} : memref<80x128xbf16, #tpu.memory_space<vmem>>, vector<32xbf16>,
        tpu.vector_store %arg15[%parallel_loop3A_235, %parallel_loop3A_236], %parallel_loop3A_234 {strides = array<i32>} : memref<80x128xbf16, #tpu.memory_space<vmem>>, vector<32xbf16>,
        %parallel_loop3A_238 = arith.index_cast %parallel_loop3A_201 : i32 to index
        %parallel_loop3A_239 = arith.constant 48 : index
        %parallel_loop3A_240 = tpu.vector_load %arg11[%parallel_loop3A_238, %parallel_loop3A_239] {strides = array<i32>} : memref<80x64xi32, #tpu.memory_space<vmem>>, vector<16xi32>,
        %parallel_loop3A_241 = vector.bitcast %parallel_loop3A_240 : vector<16xi32> to vector<32xbf16>
        %parallel_loop3A_242 = arith.index_cast %parallel_loop3A_201 : i32 to index
        %parallel_loop3A_243 = arith.constant 48 : index
        %parallel_loop3A_244 = tpu.vector_load %arg13[%parallel_loop3A_242, %parallel_loop3A_243] {strides = array<i32>} : memref<80x64xi32, #tpu.memory_space<vmem>>, vector<16xi32>,
        %parallel_loop3A_245 = vector.bitcast %parallel_loop3A_244 : vector<16xi32> to vector<32xbf16>
        %parallel_loop3A_246 = arith.mulf %parallel_loop3A_241, %parallel_loop3A_245 : vector<32xbf16>
        %parallel_loop3A_247 = arith.index_cast %parallel_loop3A_201 : i32 to index
        %parallel_loop3A_248 = arith.constant 96 : index
        %parallel_loop3A_249 = tpu.vector_load %arg15[%parallel_loop3A_247, %parallel_loop3A_248] {strides = array<i32>} : memref<80x128xbf16, #tpu.memory_space<vmem>>, vector<32xbf16>,
        tpu.vector_store %arg15[%parallel_loop3A_247, %parallel_loop3A_248], %parallel_loop3A_246 {strides = array<i32>} : memref<80x128xbf16, #tpu.memory_space<vmem>>, vector<32xbf16>,
      } {sc.loop_unroll_factor = 4 : i64, sc.parallel_access}
      %add3A_188 = arith.constant 2 : i32
      %add3A_189 = arith.addi %add3A_166, %add3A_188 : i32
      %lt3A_190 = arith.constant 125 : i32
      %lt3A_191 = arith.cmpi slt, %add3A_189, %lt3A_190 : i32
      %convert_element_type3A_192 = arith.extui %lt3A_191 : i1 to i32
      %cond3A_193 = arith.constant 0 : i32
      %cond3A_194 = arith.cmpi ne, %convert_element_type3A_192, %cond3A_193 : i32
      scf.if %cond3A_194 {
        %add3A_201 = arith.constant 2 : i32
        %add3A_202 = arith.addi %add3A_166, %add3A_201 : i32
        %dma_start3A_203 = arith.constant 0 : i32
        %dma_start3A_204 = tpu.memref_slice %arg9[%add3A_202, %dma_start3A_203] : memref<125x80xi32, #tpu.memory_space<vmem>> -> memref<1x80xi32, #tpu.memory_space<vmem>>
        %dma_start3A_205 = tpu.memref_squeeze %dma_start3A_204 : memref<1x80xi32, #tpu.memory_space<vmem>> -> memref<80xi32, #tpu.memory_space<vmem>>
        %dma_start3A_206 = arith.constant 0 : i32
        %dma_start3A_207 = arith.constant 0 : i32
        %dma_start3A_208 = tpu.memref_slice %arg2[%dma_start3A_206, %dma_start3A_207] : memref<10000x64xi32, #tpu.memory_space<hbm>> -> memref<10000x64xi32, #tpu.memory_space<hbm>>
        tpu.enqueue_indirect_dma source(%dma_start3A_208 : memref<10000x64xi32, #tpu.memory_space<hbm>>) target(%arg11 : memref<80x64xi32, #tpu.memory_space<vmem>>) offsets(%dma_start3A_205 : memref<80xi32, #tpu.memory_space<vmem>>) semaphore(%arg17 : memref<!tpu.dma_semaphore, #tpu.memory_space<semaphore_mem>>)
        %add3A_209 = arith.constant 2 : i32
        %add3A_210 = arith.addi %add3A_166, %add3A_209 : i32
        %mul3A_211 = arith.constant 80 : i32
        %mul3A_212 = arith.muli %add3A_210, %mul3A_211 : i32
        %add3A_213 = arith.addi %sub3A_36, %mul3A_212 : i32
        %eq3A_214 = arith.constant 0 : i32
        %eq3A_215 = arith.cmpi eq, %select_n3A, %eq3A_214 : i32
        %convert_element_type3A_216 = arith.extui %eq3A_215 : i1 to i32
        %cond3A_217 = arith.constant 0 : i32
        %cond3A_218 = arith.cmpi ne, %convert_element_type3A_216, %cond3A_217 : i32
        scf.if %cond3A_218 {
          %dma_start3A_224 = arith.constant 0 : i32
          %dma_start3A_225 = tpu.memref_slice %arg3[%add3A_213, %dma_start3A_224] : memref<160000x128xi32, #tpu.memory_space<hbm>> -> memref<80x64xi32, #tpu.memory_space<hbm>>
          %dma_start3A_226 = arith.constant 0 : i32
          %dma_start3A_227 = tpu.memref_slice %arg3[%add3A_213, %dma_start3A_226] : memref<160000x128xi32, #tpu.memory_space<hbm>> -> memref<80x64xi32, #tpu.memory_space<hbm>>
          tpu.enqueue_dma source(%dma_start3A_227 : memref<80x64xi32, #tpu.memory_space<hbm>>) target(%arg13 : memref<80x64xi32, #tpu.memory_space<vmem>>) target_semaphore(%arg19 : memref<!tpu.dma_semaphore, #tpu.memory_space<semaphore_mem>>)
        } else {
        }
        %eq3A_219 = arith.constant 1 : i32
        %eq3A_220 = arith.cmpi eq, %select_n3A, %eq3A_219 : i32
        %convert_element_type3A_221 = arith.extui %eq3A_220 : i1 to i32
        %cond3A_222 = arith.constant 0 : i32
        %cond3A_223 = arith.cmpi ne, %convert_element_type3A_221, %cond3A_222 : i32
        scf.if %cond3A_223 {
          %dma_start3A_224 = arith.constant 64 : i32
          %dma_start3A_225 = tpu.memref_slice %arg3[%add3A_213, %dma_start3A_224] : memref<160000x128xi32, #tpu.memory_space<hbm>> -> memref<80x64xi32, #tpu.memory_space<hbm>>
          %dma_start3A_226 = arith.constant 64 : i32
          %dma_start3A_227 = tpu.memref_slice %arg3[%add3A_213, %dma_start3A_226] : memref<160000x128xi32, #tpu.memory_space<hbm>> -> memref<80x64xi32, #tpu.memory_space<hbm>>
          tpu.enqueue_dma source(%dma_start3A_227 : memref<80x64xi32, #tpu.memory_space<hbm>>) target(%arg13 : memref<80x64xi32, #tpu.memory_space<vmem>>) target_semaphore(%arg19 : memref<!tpu.dma_semaphore, #tpu.memory_space<semaphore_mem>>)
        } else {
        }
      } else {
      }
      %dma_start3A_195 = arith.constant 0 : i32
      %dma_start3A_196 = tpu.memref_slice %arg8[%add3A_166, %dma_start3A_195] : memref<125x80xi32, #tpu.memory_space<vmem>> -> memref<1x80xi32, #tpu.memory_space<vmem>>
      %dma_start3A_197 = tpu.memref_squeeze %dma_start3A_196 : memref<1x80xi32, #tpu.memory_space<vmem>> -> memref<80xi32, #tpu.memory_space<vmem>>
      %dma_start3A_198 = arith.constant 0 : i32
      %dma_start3A_199 = arith.constant 0 : i32
      %dma_start3A_200 = tpu.memref_slice %arg7[%dma_start3A_198, %dma_start3A_199] : memref<10000x128xbf16, #tpu.memory_space<vmem_shared>> -> memref<10000x128xbf16, #tpu.memory_space<vmem_shared>>
      tpu.enqueue_indirect_dma source(%arg15 : memref<80x128xbf16, #tpu.memory_space<vmem>>) target(%dma_start3A_200 : memref<10000x128xbf16, #tpu.memory_space<vmem_shared>>) offsets(%dma_start3A_197 : memref<80xi32, #tpu.memory_space<vmem>>) semaphore(%arg21 : memref<!tpu.dma_semaphore, #tpu.memory_space<semaphore_mem>>) {add = true}
    }
    %scan3A_76 = arith.constant 62 : i32
    %dma_wait3A = arith.constant 124 : i32
    %dma_wait3A_77 = arith.constant 0 : i32
    %dma_wait3A_78 = tpu.memref_slice %arg9[%dma_wait3A, %dma_wait3A_77] : memref<125x80xi32, #tpu.memory_space<vmem>> -> memref<1x80xi32, #tpu.memory_space<vmem>>
    %dma_wait3A_79 = tpu.memref_squeeze %dma_wait3A_78 : memref<1x80xi32, #tpu.memory_space<vmem>> -> memref<80xi32, #tpu.memory_space<vmem>>
    %dma_wait3A_80 = arith.constant 0 : i32
    %dma_wait3A_81 = arith.constant 0 : i32
    %dma_wait3A_82 = tpu.memref_slice %arg2[%dma_wait3A_80, %dma_wait3A_81] : memref<10000x64xi32, #tpu.memory_space<hbm>> -> memref<10000x64xi32, #tpu.memory_space<hbm>>
    tpu.wait_indirect_dma semaphore(%arg16 : memref<!tpu.dma_semaphore, #tpu.memory_space<semaphore_mem>>) src(%dma_wait3A_82 : memref<10000x64xi32, #tpu.memory_space<hbm>>) dst(%arg10 : memref<80x64xi32, #tpu.memory_space<vmem>>)
    %add3A_83 = arith.constant 9920 : i32
    %add3A_84 = arith.addi %sub3A_36, %add3A_83 : i32
    %dma_wait3A_85 = arith.constant 0 : i32
    %dma_wait3A_86 = tpu.memref_slice %arg3[%add3A_84, %dma_wait3A_85] : memref<160000x128xi32, #tpu.memory_space<hbm>> -> memref<80x64xi32, #tpu.memory_space<hbm>>
    %dma_wait3A_87 = arith.constant 0 : i32
    %dma_wait3A_88 = tpu.memref_slice %arg3[%add3A_84, %dma_wait3A_87] : memref<160000x128xi32, #tpu.memory_space<hbm>> -> memref<80x64xi32, #tpu.memory_space<hbm>>
    tpu.wait_dma2 semaphore(%arg18 : memref<!tpu.dma_semaphore, #tpu.memory_space<semaphore_mem>>) src(%dma_wait3A_88 : memref<80x64xi32, #tpu.memory_space<hbm>>) dst(%arg12 : memref<80x64xi32, #tpu.memory_space<vmem>>)
    %dma_wait3A_89 = arith.constant 122 : i32
    %dma_wait3A_90 = arith.constant 0 : i32
    %dma_wait3A_91 = tpu.memref_slice %arg8[%dma_wait3A_89, %dma_wait3A_90] : memref<125x80xi32, #tpu.memory_space<vmem>> -> memref<1x80xi32, #tpu.memory_space<vmem>>
    %dma_wait3A_92 = tpu.memref_squeeze %dma_wait3A_91 : memref<1x80xi32, #tpu.memory_space<vmem>> -> memref<80xi32, #tpu.memory_space<vmem>>
    %dma_wait3A_93 = arith.constant 0 : i32
    %dma_wait3A_94 = arith.constant 0 : i32
    %dma_wait3A_95 = tpu.memref_slice %arg7[%dma_wait3A_93, %dma_wait3A_94] : memref<10000x128xbf16, #tpu.memory_space<vmem_shared>> -> memref<10000x128xbf16, #tpu.memory_space<vmem_shared>>
    tpu.wait_indirect_dma semaphore(%arg20 : memref<!tpu.dma_semaphore, #tpu.memory_space<semaphore_mem>>) src(%arg14 : memref<80x128xbf16, #tpu.memory_space<vmem>>) dst(%dma_wait3A_95 : memref<10000x128xbf16, #tpu.memory_space<vmem_shared>>)
    %parallel_loop3A = arith.constant 0 : i32
    %parallel_loop3A_96 = arith.constant 80 : i32
    %parallel_loop3A_97 = arith.constant 1 : i32
    scf.for %parallel_loop3A_126 = %parallel_loop3A to %parallel_loop3A_96 step %parallel_loop3A_97  : i32 {
      %parallel_loop3A_127 = arith.index_cast %parallel_loop3A_126 : i32 to index
      %parallel_loop3A_128 = arith.constant 0 : index
      %parallel_loop3A_129 = tpu.vector_load %arg10[%parallel_loop3A_127, %parallel_loop3A_128] {strides = array<i32>} : memref<80x64xi32, #tpu.memory_space<vmem>>, vector<16xi32>,
      %parallel_loop3A_130 = vector.bitcast %parallel_loop3A_129 : vector<16xi32> to vector<32xbf16>
      %parallel_loop3A_131 = arith.index_cast %parallel_loop3A_126 : i32 to index
      %parallel_loop3A_132 = arith.constant 0 : index
      %parallel_loop3A_133 = tpu.vector_load %arg12[%parallel_loop3A_131, %parallel_loop3A_132] {strides = array<i32>} : memref<80x64xi32, #tpu.memory_space<vmem>>, vector<16xi32>,
      %parallel_loop3A_134 = vector.bitcast %parallel_loop3A_133 : vector<16xi32> to vector<32xbf16>
      %parallel_loop3A_135 = arith.mulf %parallel_loop3A_130, %parallel_loop3A_134 : vector<32xbf16>
      %parallel_loop3A_136 = arith.index_cast %parallel_loop3A_126 : i32 to index
      %parallel_loop3A_137 = arith.constant 0 : index
      %parallel_loop3A_138 = tpu.vector_load %arg14[%parallel_loop3A_136, %parallel_loop3A_137] {strides = array<i32>} : memref<80x128xbf16, #tpu.memory_space<vmem>>, vector<32xbf16>,
      tpu.vector_store %arg14[%parallel_loop3A_136, %parallel_loop3A_137], %parallel_loop3A_135 {strides = array<i32>} : memref<80x128xbf16, #tpu.memory_space<vmem>>, vector<32xbf16>,
      %parallel_loop3A_139 = arith.index_cast %parallel_loop3A_126 : i32 to index
      %parallel_loop3A_140 = arith.constant 16 : index
      %parallel_loop3A_141 = tpu.vector_load %arg10[%parallel_loop3A_139, %parallel_loop3A_140] {strides = array<i32>} : memref<80x64xi32, #tpu.memory_space<vmem>>, vector<16xi32>,
      %parallel_loop3A_142 = vector.bitcast %parallel_loop3A_141 : vector<16xi32> to vector<32xbf16>
      %parallel_loop3A_143 = arith.index_cast %parallel_loop3A_126 : i32 to index
      %parallel_loop3A_144 = arith.constant 16 : index
      %parallel_loop3A_145 = tpu.vector_load %arg12[%parallel_loop3A_143, %parallel_loop3A_144] {strides = array<i32>} : memref<80x64xi32, #tpu.memory_space<vmem>>, vector<16xi32>,
      %parallel_loop3A_146 = vector.bitcast %parallel_loop3A_145 : vector<16xi32> to vector<32xbf16>
      %parallel_loop3A_147 = arith.mulf %parallel_loop3A_142, %parallel_loop3A_146 : vector<32xbf16>
      %parallel_loop3A_148 = arith.index_cast %parallel_loop3A_126 : i32 to index
      %parallel_loop3A_149 = arith.constant 32 : index
      %parallel_loop3A_150 = tpu.vector_load %arg14[%parallel_loop3A_148, %parallel_loop3A_149] {strides = array<i32>} : memref<80x128xbf16, #tpu.memory_space<vmem>>, vector<32xbf16>,
      tpu.vector_store %arg14[%parallel_loop3A_148, %parallel_loop3A_149], %parallel_loop3A_147 {strides = array<i32>} : memref<80x128xbf16, #tpu.memory_space<vmem>>, vector<32xbf16>,
      %parallel_loop3A_151 = arith.index_cast %parallel_loop3A_126 : i32 to index
      %parallel_loop3A_152 = arith.constant 32 : index
      %parallel_loop3A_153 = tpu.vector_load %arg10[%parallel_loop3A_151, %parallel_loop3A_152] {strides = array<i32>} : memref<80x64xi32, #tpu.memory_space<vmem>>, vector<16xi32>,
      %parallel_loop3A_154 = vector.bitcast %parallel_loop3A_153 : vector<16xi32> to vector<32xbf16>
      %parallel_loop3A_155 = arith.index_cast %parallel_loop3A_126 : i32 to index
      %parallel_loop3A_156 = arith.constant 32 : index
      %parallel_loop3A_157 = tpu.vector_load %arg12[%parallel_loop3A_155, %parallel_loop3A_156] {strides = array<i32>} : memref<80x64xi32, #tpu.memory_space<vmem>>, vector<16xi32>,
      %parallel_loop3A_158 = vector.bitcast %parallel_loop3A_157 : vector<16xi32> to vector<32xbf16>
      %parallel_loop3A_159 = arith.mulf %parallel_loop3A_154, %parallel_loop3A_158 : vector<32xbf16>
      %parallel_loop3A_160 = arith.index_cast %parallel_loop3A_126 : i32 to index
      %parallel_loop3A_161 = arith.constant 64 : index
      %parallel_loop3A_162 = tpu.vector_load %arg14[%parallel_loop3A_160, %parallel_loop3A_161] {strides = array<i32>} : memref<80x128xbf16, #tpu.memory_space<vmem>>, vector<32xbf16>,
      tpu.vector_store %arg14[%parallel_loop3A_160, %parallel_loop3A_161], %parallel_loop3A_159 {strides = array<i32>} : memref<80x128xbf16, #tpu.memory_space<vmem>>, vector<32xbf16>,
      %parallel_loop3A_163 = arith.index_cast %parallel_loop3A_126 : i32 to index
      %parallel_loop3A_164 = arith.constant 48 : index
      %parallel_loop3A_165 = tpu.vector_load %arg10[%parallel_loop3A_163, %parallel_loop3A_164] {strides = array<i32>} : memref<80x64xi32, #tpu.memory_space<vmem>>, vector<16xi32>,
      %parallel_loop3A_166 = vector.bitcast %parallel_loop3A_165 : vector<16xi32> to vector<32xbf16>
      %parallel_loop3A_167 = arith.index_cast %parallel_loop3A_126 : i32 to index
      %parallel_loop3A_168 = arith.constant 48 : index
      %parallel_loop3A_169 = tpu.vector_load %arg12[%parallel_loop3A_167, %parallel_loop3A_168] {strides = array<i32>} : memref<80x64xi32, #tpu.memory_space<vmem>>, vector<16xi32>,
      %parallel_loop3A_170 = vector.bitcast %parallel_loop3A_169 : vector<16xi32> to vector<32xbf16>
      %parallel_loop3A_171 = arith.mulf %parallel_loop3A_166, %parallel_loop3A_170 : vector<32xbf16>
      %parallel_loop3A_172 = arith.index_cast %parallel_loop3A_126 : i32 to index
      %parallel_loop3A_173 = arith.constant 96 : index
      %parallel_loop3A_174 = tpu.vector_load %arg14[%parallel_loop3A_172, %parallel_loop3A_173] {strides = array<i32>} : memref<80x128xbf16, #tpu.memory_space<vmem>>, vector<32xbf16>,
      tpu.vector_store %arg14[%parallel_loop3A_172, %parallel_loop3A_173], %parallel_loop3A_171 {strides = array<i32>} : memref<80x128xbf16, #tpu.memory_space<vmem>>, vector<32xbf16>,
    } {sc.loop_unroll_factor = 4 : i64, sc.parallel_access}
    %dma_start3A_98 = arith.constant 124 : i32
    %dma_start3A_99 = arith.constant 0 : i32
    %dma_start3A_100 = tpu.memref_slice %arg8[%dma_start3A_98, %dma_start3A_99] : memref<125x80xi32, #tpu.memory_space<vmem>> -> memref<1x80xi32, #tpu.memory_space<vmem>>
    %dma_start3A_101 = tpu.memref_squeeze %dma_start3A_100 : memref<1x80xi32, #tpu.memory_space<vmem>> -> memref<80xi32, #tpu.memory_space<vmem>>
    %dma_start3A_102 = arith.constant 0 : i32
    %dma_start3A_103 = arith.constant 0 : i32
    %dma_start3A_104 = tpu.memref_slice %arg7[%dma_start3A_102, %dma_start3A_103] : memref<10000x128xbf16, #tpu.memory_space<vmem_shared>> -> memref<10000x128xbf16, #tpu.memory_space<vmem_shared>>
    tpu.enqueue_indirect_dma source(%arg14 : memref<80x128xbf16, #tpu.memory_space<vmem>>) target(%dma_start3A_104 : memref<10000x128xbf16, #tpu.memory_space<vmem_shared>>) offsets(%dma_start3A_101 : memref<80xi32, #tpu.memory_space<vmem>>) semaphore(%arg20 : memref<!tpu.dma_semaphore, #tpu.memory_space<semaphore_mem>>) {add = true}
    %dma_wait3A_105 = arith.constant 123 : i32
    %dma_wait3A_106 = arith.constant 0 : i32
    %dma_wait3A_107 = tpu.memref_slice %arg8[%dma_wait3A_105, %dma_wait3A_106] : memref<125x80xi32, #tpu.memory_space<vmem>> -> memref<1x80xi32, #tpu.memory_space<vmem>>
    %dma_wait3A_108 = tpu.memref_squeeze %dma_wait3A_107 : memref<1x80xi32, #tpu.memory_space<vmem>> -> memref<80xi32, #tpu.memory_space<vmem>>
    %dma_wait3A_109 = arith.constant 0 : i32
    %dma_wait3A_110 = arith.constant 0 : i32
    %dma_wait3A_111 = tpu.memref_slice %arg7[%dma_wait3A_109, %dma_wait3A_110] : memref<10000x128xbf16, #tpu.memory_space<vmem_shared>> -> memref<10000x128xbf16, #tpu.memory_space<vmem_shared>>
    tpu.wait_indirect_dma semaphore(%arg21 : memref<!tpu.dma_semaphore, #tpu.memory_space<semaphore_mem>>) src(%arg15 : memref<80x128xbf16, #tpu.memory_space<vmem>>) dst(%dma_wait3A_111 : memref<10000x128xbf16, #tpu.memory_space<vmem_shared>>)
    %dma_wait3A_112 = arith.constant 124 : i32
    %dma_wait3A_113 = arith.constant 0 : i32
    %dma_wait3A_114 = tpu.memref_slice %arg8[%dma_wait3A_112, %dma_wait3A_113] : memref<125x80xi32, #tpu.memory_space<vmem>> -> memref<1x80xi32, #tpu.memory_space<vmem>>
    %dma_wait3A_115 = tpu.memref_squeeze %dma_wait3A_114 : memref<1x80xi32, #tpu.memory_space<vmem>> -> memref<80xi32, #tpu.memory_space<vmem>>
    %dma_wait3A_116 = arith.constant 0 : i32
    %dma_wait3A_117 = arith.constant 0 : i32
    %dma_wait3A_118 = tpu.memref_slice %arg7[%dma_wait3A_116, %dma_wait3A_117] : memref<10000x128xbf16, #tpu.memory_space<vmem_shared>> -> memref<10000x128xbf16, #tpu.memory_space<vmem_shared>>
    tpu.wait_indirect_dma semaphore(%arg20 : memref<!tpu.dma_semaphore, #tpu.memory_space<semaphore_mem>>) src(%arg14 : memref<80x128xbf16, #tpu.memory_space<vmem>>) dst(%dma_wait3A_118 : memref<10000x128xbf16, #tpu.memory_space<vmem_shared>>)
    %barrier3A_119 = arith.constant 0 : index
    tpu.barrier barrier_id(%barrier3A_119)
    %scan3A_120 = arith.constant 0 : i32
    %scan3A_121 = arith.constant 0 : i32
    %scan3A_122 = arith.constant 25 : i32
    %scan3A_123 = arith.addi %scan3A_121, %scan3A_122 : i32
    %scan3A_124 = arith.constant 1 : i32
    scf.for %scan3A_126 = %scan3A_121 to %scan3A_123 step %scan3A_124  : i32 {
      %mul3A_127 = arith.constant 625 : i32
      %mul3A_128 = arith.muli %arg1, %mul3A_127 : i32
      %mul3A_129 = arith.constant 25 : i32
      %mul3A_130 = arith.muli %scan3A_126, %mul3A_129 : i32
      %add3A_131 = arith.addi %mul3A_128, %mul3A_130 : i32
      "tpu.region"() ({
        %run_scoped3A = tpu.sem_alloc : memref<!tpu.dma_semaphore, #tpu.memory_space<semaphore_mem>>
        %dma_start3A_132 = arith.constant 0 : i32
        %dma_start3A_133 = arith.constant 0 : i32
        %dma_start3A_134 = tpu.memref_slice %arg14[%dma_start3A_132, %dma_start3A_133] : memref<80x128xbf16, #tpu.memory_space<vmem>> -> memref<25x128xbf16, #tpu.memory_space<vmem>>
        %dma_start3A_135 = arith.constant 0 : i32
        %dma_start3A_136 = tpu.memref_slice %arg7[%add3A_131, %dma_start3A_135] : memref<10000x128xbf16, #tpu.memory_space<vmem_shared>> -> memref<25x128xbf16, #tpu.memory_space<vmem_shared>>
        %dma_start3A_137 = arith.constant 0 : i32
        %dma_start3A_138 = arith.constant 0 : i32
        %dma_start3A_139 = tpu.memref_slice %arg14[%dma_start3A_137, %dma_start3A_138] : memref<80x128xbf16, #tpu.memory_space<vmem>> -> memref<25x128xbf16, #tpu.memory_space<vmem>>
        %dma_start3A_140 = arith.constant 0 : i32
        %dma_start3A_141 = tpu.memref_slice %arg7[%add3A_131, %dma_start3A_140] : memref<10000x128xbf16, #tpu.memory_space<vmem_shared>> -> memref<25x128xbf16, #tpu.memory_space<vmem_shared>>
        tpu.enqueue_dma source(%dma_start3A_141 : memref<25x128xbf16, #tpu.memory_space<vmem_shared>>) target(%dma_start3A_139 : memref<25x128xbf16, #tpu.memory_space<vmem>>) target_semaphore(%run_scoped3A : memref<!tpu.dma_semaphore, #tpu.memory_space<semaphore_mem>>)
        %dma_wait3A_142 = arith.constant 0 : i32
        %dma_wait3A_143 = arith.constant 0 : i32
        %dma_wait3A_144 = tpu.memref_slice %arg14[%dma_wait3A_142, %dma_wait3A_143] : memref<80x128xbf16, #tpu.memory_space<vmem>> -> memref<25x128xbf16, #tpu.memory_space<vmem>>
        %dma_wait3A_145 = arith.constant 0 : i32
        %dma_wait3A_146 = tpu.memref_slice %arg7[%add3A_131, %dma_wait3A_145] : memref<10000x128xbf16, #tpu.memory_space<vmem_shared>> -> memref<25x128xbf16, #tpu.memory_space<vmem_shared>>
        %dma_wait3A_147 = arith.constant 0 : i32
        %dma_wait3A_148 = arith.constant 0 : i32
        %dma_wait3A_149 = tpu.memref_slice %arg14[%dma_wait3A_147, %dma_wait3A_148] : memref<80x128xbf16, #tpu.memory_space<vmem>> -> memref<25x128xbf16, #tpu.memory_space<vmem>>
        %dma_wait3A_150 = arith.constant 0 : i32
        %dma_wait3A_151 = tpu.memref_slice %arg7[%add3A_131, %dma_wait3A_150] : memref<10000x128xbf16, #tpu.memory_space<vmem_shared>> -> memref<25x128xbf16, #tpu.memory_space<vmem_shared>>
        tpu.wait_dma2 semaphore(%run_scoped3A : memref<!tpu.dma_semaphore, #tpu.memory_space<semaphore_mem>>) src(%dma_wait3A_151 : memref<25x128xbf16, #tpu.memory_space<vmem_shared>>) dst(%dma_wait3A_149 : memref<25x128xbf16, #tpu.memory_space<vmem>>)
        tpu.yield
      }) : () -> ()
      "tpu.region"() ({
        %run_scoped3A = tpu.sem_alloc : memref<!tpu.dma_semaphore, #tpu.memory_space<semaphore_mem>>
        %dma_start3A_132 = arith.constant 0 : i32
        %dma_start3A_133 = arith.constant 0 : i32
        %dma_start3A_134 = tpu.memref_slice %arg14[%dma_start3A_132, %dma_start3A_133] : memref<80x128xbf16, #tpu.memory_space<vmem>> -> memref<25x128xbf16, #tpu.memory_space<vmem>>
        %dma_start3A_135 = arith.constant 0 : i32
        %dma_start3A_136 = tpu.memref_slice %arg6[%arg0, %add3A_131, %dma_start3A_135] : memref<2x10000x128xbf16, #tpu.memory_space<hbm>> -> memref<1x25x128xbf16, #tpu.memory_space<hbm>>
        %dma_start3A_137 = tpu.memref_squeeze %dma_start3A_136 : memref<1x25x128xbf16, #tpu.memory_space<hbm>> -> memref<25x128xbf16, #tpu.memory_space<hbm>>
        %dma_start3A_138 = arith.constant 0 : i32
        %dma_start3A_139 = tpu.memref_slice %arg6[%arg0, %add3A_131, %dma_start3A_138] : memref<2x10000x128xbf16, #tpu.memory_space<hbm>> -> memref<1x25x128xbf16, #tpu.memory_space<hbm>>
        %dma_start3A_140 = tpu.memref_squeeze %dma_start3A_139 : memref<1x25x128xbf16, #tpu.memory_space<hbm>> -> memref<25x128xbf16, #tpu.memory_space<hbm>>
        %dma_start3A_141 = arith.constant 0 : i32
        %dma_start3A_142 = arith.constant 0 : i32
        %dma_start3A_143 = tpu.memref_slice %arg14[%dma_start3A_141, %dma_start3A_142] : memref<80x128xbf16, #tpu.memory_space<vmem>> -> memref<25x128xbf16, #tpu.memory_space<vmem>>
        tpu.enqueue_dma source(%dma_start3A_143 : memref<25x128xbf16, #tpu.memory_space<vmem>>) target(%dma_start3A_140 : memref<25x128xbf16, #tpu.memory_space<hbm>>) target_semaphore(%run_scoped3A : memref<!tpu.dma_semaphore, #tpu.memory_space<semaphore_mem>>)
        %dma_wait3A_144 = arith.constant 0 : i32
        %dma_wait3A_145 = arith.constant 0 : i32
        %dma_wait3A_146 = tpu.memref_slice %arg14[%dma_wait3A_144, %dma_wait3A_145] : memref<80x128xbf16, #tpu.memory_space<vmem>> -> memref<25x128xbf16, #tpu.memory_space<vmem>>
        %dma_wait3A_147 = arith.constant 0 : i32
        %dma_wait3A_148 = tpu.memref_slice %arg6[%arg0, %add3A_131, %dma_wait3A_147] : memref<2x10000x128xbf16, #tpu.memory_space<hbm>> -> memref<1x25x128xbf16, #tpu.memory_space<hbm>>
        %dma_wait3A_149 = tpu.memref_squeeze %dma_wait3A_148 : memref<1x25x128xbf16, #tpu.memory_space<hbm>> -> memref<25x128xbf16, #tpu.memory_space<hbm>>
        %dma_wait3A_150 = arith.constant 0 : i32
        %dma_wait3A_151 = tpu.memref_slice %arg6[%arg0, %add3A_131, %dma_wait3A_150] : memref<2x10000x128xbf16, #tpu.memory_space<hbm>> -> memref<1x25x128xbf16, #tpu.memory_space<hbm>>
        %dma_wait3A_152 = tpu.memref_squeeze %dma_wait3A_151 : memref<1x25x128xbf16, #tpu.memory_space<hbm>> -> memref<25x128xbf16, #tpu.memory_space<hbm>>
        %dma_wait3A_153 = arith.constant 0 : i32
        %dma_wait3A_154 = arith.constant 0 : i32
        %dma_wait3A_155 = tpu.memref_slice %arg14[%dma_wait3A_153, %dma_wait3A_154] : memref<80x128xbf16, #tpu.memory_space<vmem>> -> memref<25x128xbf16, #tpu.memory_space<vmem>>
        tpu.wait_dma2 semaphore(%run_scoped3A : memref<!tpu.dma_semaphore, #tpu.memory_space<semaphore_mem>>) src(%dma_wait3A_155 : memref<25x128xbf16, #tpu.memory_space<vmem>>) dst(%dma_wait3A_152 : memref<25x128xbf16, #tpu.memory_space<hbm>>)
        tpu.yield
      }) : () -> ()
    }
    %scan3A_125 = arith.constant 25 : i32
    return
  }
}

module attributes {stable_mosaic.version = 14 : i64} {
  func.func @_embed_body(%arg0: i32, %arg1: memref<1x1x1000xi32, #tpu.memory_space<vmem>>, %arg2: memref<128x128xf32, #tpu.memory_space<vmem>>, %arg3: memref<128x128xf32, #tpu.memory_space<vmem>>, %arg4: memref<1x128xf32, #tpu.memory_space<vmem>>, %arg5: memref<1000x128xf32, #tpu.memory_space<vmem>>, %arg6: memref<1000x64xi32, #tpu.memory_space<vmem>>) attributes {dimension_semantics = [#tpu.dimension_semantics<arbitrary>], iteration_bounds = array<i64: 10>, scalar_prefetch = 0 : i64, scratch_operands = 0 : i64, tpu.core_type = #tpu.core_type<tc>, window_params = [{transform_indices = @transform_0, window_bounds = array<i64: 1, 1, 1000>}, {pipeline_mode = #tpu.pipeline_mode<synchronous>, transform_indices = @transform_1, window_bounds = array<i64: 128, 128>}, {pipeline_mode = #tpu.pipeline_mode<synchronous>, transform_indices = @transform_2, window_bounds = array<i64: 128, 128>}, {pipeline_mode = #tpu.pipeline_mode<synchronous>, transform_indices = @transform_3, window_bounds = array<i64: 1, 128>}, {transform_indices = @transform_4, window_bounds = array<i64: 1000, 128>}, {transform_indices = @transform_5, window_bounds = array<i64: 1000, 64>}]} {
    %get3A = arith.constant 0 : index
    %get3A_0 = arith.constant 0 : index
    %get3A_1 = arith.constant 0 : index
    %get3A_2 = vector.load %arg1[%get3A, %get3A_0, %get3A_1] : memref<1x1x1000xi32, #tpu.memory_space<vmem>>, vector<1x1x1000xi32>
    %get3A_3 = vector.shape_cast %get3A_2 : vector<1x1x1000xi32> to vector<1000xi32>
    %broadcast_in_dim3A = vector.shape_cast %get3A_3 : vector<1000xi32> to vector<1000x1xi32>
    %iota3A = tpu.iota {dimensions = array<i32: 1>} : vector<1x128xi32>
    %eq3A = vector.broadcast %broadcast_in_dim3A : vector<1000x1xi32> to vector<1000x128xi32>
    %eq3A_4 = vector.broadcast %iota3A : vector<1x128xi32> to vector<1000x128xi32>
    %eq3A_5 = arith.cmpi eq, %eq3A, %eq3A_4 : vector<1000x128xi32>
    %convert_element_type3A = arith.extui %eq3A_5 : vector<1000x128xi1> to vector<1000x128xi32>
    %convert_element_type3A_6 = arith.sitofp %convert_element_type3A : vector<1000x128xi32> to vector<1000x128xf32>
    %get3A_7 = arith.constant 0 : index
    %get3A_8 = arith.constant 0 : index
    %get3A_9 = vector.load %arg2[%get3A_7, %get3A_8] : memref<128x128xf32, #tpu.memory_space<vmem>>, vector<128x128xf32>
    %dot_general3A = arith.constant dense<0.000000e+00> : vector<1000x128xf32>
    %dot_general3A_10 = tpu.matmul %convert_element_type3A_6, %get3A_9, %dot_general3A {dimension_numbers = #tpu.dot_dimension_numbers<[1], [0], [0], [1], [0, 0, 1, 1], [], []>, transpose_lhs_hint = false} : vector<1000x128xf32>, vector<128x128xf32>, vector<1000x128xf32> -> vector<1000x128xf32>
    %swap3A = arith.constant 0 : index
    %swap3A_11 = arith.constant 0 : index
    %swap3A_12 = vector.load %arg5[%swap3A, %swap3A_11] : memref<1000x128xf32, #tpu.memory_space<vmem>>, vector<1000x128xf32>
    tpu.vector_store %arg5[%swap3A, %swap3A_11], %dot_general3A_10 {strides = array<i32>} : memref<1000x128xf32, #tpu.memory_space<vmem>>, vector<1000x128xf32>,
    %get3A_13 = arith.constant 0 : index
    %get3A_14 = arith.constant 0 : index
    %get3A_15 = vector.load %arg3[%get3A_13, %get3A_14] : memref<128x128xf32, #tpu.memory_space<vmem>>, vector<128x128xf32>
    %dot_general3A_16 = arith.constant dense<0.000000e+00> : vector<1000x128xf32>
    %dot_general3A_17 = tpu.matmul %dot_general3A_10, %get3A_15, %dot_general3A_16 {dimension_numbers = #tpu.dot_dimension_numbers<[1], [0], [0], [1], [0, 0, 1, 1], [], []>, transpose_lhs_hint = false} : vector<1000x128xf32>, vector<128x128xf32>, vector<1000x128xf32> -> vector<1000x128xf32>
    %get3A_18 = arith.constant 0 : index
    %get3A_19 = arith.constant 0 : index
    %get3A_20 = vector.load %arg4[%get3A_18, %get3A_19] : memref<1x128xf32, #tpu.memory_space<vmem>>, vector<1x128xf32>
    %get3A_21 = vector.shape_cast %get3A_20 : vector<1x128xf32> to vector<128xf32>
    %broadcast_in_dim3A_22 = vector.shape_cast %get3A_21 : vector<128xf32> to vector<1x128xf32>
    %add3A = vector.broadcast %broadcast_in_dim3A_22 : vector<1x128xf32> to vector<1000x128xf32>
    %add3A_23 = arith.addf %dot_general3A_17, %add3A : vector<1000x128xf32>
    %slice3A = vector.extract_strided_slice %add3A_23 {offsets = [0, 0], sizes = [1000, 64], strides = [1, 1]} : vector<1000x128xf32> to vector<1000x64xf32>
    %convert_element_type3A_24 = arith.truncf %slice3A : vector<1000x64xf32> to vector<1000x64xbf16>
    %bitcast_convert_type3A = tpu.bitcast %convert_element_type3A_24 : vector<1000x64xbf16> -> vector<1000x64xi16>
    %convert_element_type3A_25 = arith.extui %bitcast_convert_type3A : vector<1000x64xi16> to vector<1000x64xi32>
    %slice3A_26 = vector.extract_strided_slice %add3A_23 {offsets = [0, 64], sizes = [1000, 64], strides = [1, 1]} : vector<1000x128xf32> to vector<1000x64xf32>
    %convert_element_type3A_27 = arith.truncf %slice3A_26 : vector<1000x64xf32> to vector<1000x64xbf16>
    %bitcast_convert_type3A_28 = tpu.bitcast %convert_element_type3A_27 : vector<1000x64xbf16> -> vector<1000x64xi16>
    %convert_element_type3A_29 = arith.extui %bitcast_convert_type3A_28 : vector<1000x64xi16> to vector<1000x64xi32>
    %shift_left3A = arith.constant 16 : i32
    %shift_left3A_30 = vector.broadcast %shift_left3A : i32 to vector<1000x64xi32>
    %shift_left3A_31 = arith.shli %convert_element_type3A_29, %shift_left3A_30 : vector<1000x64xi32>
    %or3A = arith.ori %convert_element_type3A_25, %shift_left3A_31 : vector<1000x64xi32>
    %swap3A_32 = arith.constant 0 : index
    %swap3A_33 = arith.constant 0 : index
    %swap3A_34 = vector.load %arg6[%swap3A_32, %swap3A_33] : memref<1000x64xi32, #tpu.memory_space<vmem>>, vector<1000x64xi32>
    tpu.vector_store %arg6[%swap3A_32, %swap3A_33], %or3A {strides = array<i32>} : memref<1000x64xi32, #tpu.memory_space<vmem>>, vector<1000x64xi32>,
    return
  }
  func.func @transform_0(%arg0: i32) -> (i32, i32, i32) {
    %c0_i32 = arith.constant 0 : i32
    %c0_i32_0 = arith.constant 0 : i32
    %c0_i32_1 = arith.constant 0 : i32
    return %arg0, %c0_i32, %c0_i32_0 : i32, i32, i32
  }
  func.func @transform_1(%arg0: i32) -> (i32, i32) {
    %c0_i32 = arith.constant 0 : i32
    %c0_i32_0 = arith.constant 0 : i32
    %c0_i32_1 = arith.constant 0 : i32
    return %c0_i32, %c0_i32_0 : i32, i32
  }
  func.func @transform_2(%arg0: i32) -> (i32, i32) {
    %c0_i32 = arith.constant 0 : i32
    %c0_i32_0 = arith.constant 0 : i32
    %c0_i32_1 = arith.constant 0 : i32
    return %c0_i32, %c0_i32_0 : i32, i32
  }
  func.func @transform_3(%arg0: i32) -> (i32, i32) {
    %c0_i32 = arith.constant 0 : i32
    %c0_i32_0 = arith.constant 0 : i32
    %c0_i32_1 = arith.constant 0 : i32
    return %c0_i32, %c0_i32_0 : i32, i32
  }
  func.func @transform_4(%arg0: i32) -> (i32, i32) {
    %c0_i32 = arith.constant 0 : i32
    %c0_i32_0 = arith.constant 0 : i32
    return %arg0, %c0_i32 : i32, i32
  }
  func.func @transform_5(%arg0: i32) -> (i32, i32) {
    %c0_i32 = arith.constant 0 : i32
    %c0_i32_0 = arith.constant 0 : i32
    return %arg0, %c0_i32 : i32, i32
  }
}

module attributes {stable_mosaic.version = 14 : i64} {
  func.func @_filt_body(%arg0: i32, %arg1: memref<1x1x3200xf32, #tpu.memory_space<vmem>>, %arg2: memref<1x1x3200xf32, #tpu.memory_space<vmem>>, %arg3: memref<32x128xf32, #tpu.memory_space<vmem>>, %arg4: memref<1x128xf32, #tpu.memory_space<vmem>>, %arg5: memref<128x128xf32, #tpu.memory_space<vmem>>, %arg6: memref<1x128xf32, #tpu.memory_space<vmem>>, %arg7: memref<3200x128xi32, #tpu.memory_space<vmem>>) attributes {dimension_semantics = [#tpu.dimension_semantics<arbitrary>], iteration_bounds = array<i64: 50>, scalar_prefetch = 0 : i64, scratch_operands = 0 : i64, tpu.core_type = #tpu.core_type<tc>, window_params = [{transform_indices = @transform_0, window_bounds = array<i64: 1, 1, 3200>}, {transform_indices = @transform_1, window_bounds = array<i64: 1, 1, 3200>}, {pipeline_mode = #tpu.pipeline_mode<synchronous>, transform_indices = @transform_2, window_bounds = array<i64: 32, 128>}, {pipeline_mode = #tpu.pipeline_mode<synchronous>, transform_indices = @transform_3, window_bounds = array<i64: 1, 128>}, {pipeline_mode = #tpu.pipeline_mode<synchronous>, transform_indices = @transform_4, window_bounds = array<i64: 128, 128>}, {pipeline_mode = #tpu.pipeline_mode<synchronous>, transform_indices = @transform_5, window_bounds = array<i64: 1, 128>}, {transform_indices = @transform_6, window_bounds = array<i64: 3200, 128>}]} {
    %get3A = arith.constant 0 : index
    %get3A_0 = arith.constant 0 : index
    %get3A_1 = arith.constant 0 : index
    %get3A_2 = vector.load %arg1[%get3A, %get3A_0, %get3A_1] : memref<1x1x3200xf32, #tpu.memory_space<vmem>>, vector<1x1x3200xf32>
    %get3A_3 = vector.shape_cast %get3A_2 : vector<1x1x3200xf32> to vector<3200xf32>
    %iota3A = tpu.iota {dimensions = array<i32: 1>} : vector<1x32xi32>
    %convert_element_type3A = arith.sitofp %iota3A : vector<1x32xi32> to vector<1x32xf32>
    %mul3A = arith.constant 0.161290318 : f32
    %mul3A_4 = vector.broadcast %mul3A : f32 to vector<1x32xf32>
    %mul3A_5 = arith.mulf %convert_element_type3A, %mul3A_4 : vector<1x32xf32>
    %add3A = arith.constant 9.99999996E-13 : f32
    %add3A_6 = vector.broadcast %add3A : f32 to vector<3200xf32>
    %add3A_7 = arith.addf %get3A_3, %add3A_6 : vector<3200xf32>
    %sqrt3A = math.sqrt %add3A_7 : vector<3200xf32>
    %broadcast_in_dim3A = vector.shape_cast %sqrt3A : vector<3200xf32> to vector<3200x1xf32>
    %sub3A = vector.broadcast %broadcast_in_dim3A : vector<3200x1xf32> to vector<3200x32xf32>
    %sub3A_8 = vector.broadcast %mul3A_5 : vector<1x32xf32> to vector<3200x32xf32>
    %sub3A_9 = arith.subf %sub3A, %sub3A_8 : vector<3200x32xf32>
    %mul3A_10 = arith.constant 6.1999998 : f32
    %mul3A_11 = vector.broadcast %mul3A_10 : f32 to vector<3200x32xf32>
    %mul3A_12 = arith.mulf %sub3A_9, %mul3A_11 : vector<3200x32xf32>
    %mul3A_13 = arith.constant -5.000000e-01 : f32
    %mul3A_14 = vector.broadcast %mul3A_13 : f32 to vector<3200x32xf32>
    %mul3A_15 = arith.mulf %mul3A_14, %mul3A_12 : vector<3200x32xf32>
    %mul3A_16 = arith.mulf %mul3A_15, %mul3A_12 : vector<3200x32xf32>
    %exp3A = math.exp %mul3A_16 : vector<3200x32xf32>
    %get3A_17 = arith.constant 0 : index
    %get3A_18 = arith.constant 0 : index
    %get3A_19 = vector.load %arg3[%get3A_17, %get3A_18] : memref<32x128xf32, #tpu.memory_space<vmem>>, vector<32x128xf32>
    %dot_general3A = arith.constant dense<0.000000e+00> : vector<3200x128xf32>
    %dot_general3A_20 = tpu.matmul %exp3A, %get3A_19, %dot_general3A {dimension_numbers = #tpu.dot_dimension_numbers<[1], [0], [0], [1], [0, 0, 1, 1], [], []>, transpose_lhs_hint = false} : vector<3200x32xf32>, vector<32x128xf32>, vector<3200x128xf32> -> vector<3200x128xf32>
    %get3A_21 = arith.constant 0 : index
    %get3A_22 = arith.constant 0 : index
    %get3A_23 = vector.load %arg4[%get3A_21, %get3A_22] : memref<1x128xf32, #tpu.memory_space<vmem>>, vector<1x128xf32>
    %get3A_24 = vector.shape_cast %get3A_23 : vector<1x128xf32> to vector<128xf32>
    %broadcast_in_dim3A_25 = vector.shape_cast %get3A_24 : vector<128xf32> to vector<1x128xf32>
    %add3A_26 = vector.broadcast %broadcast_in_dim3A_25 : vector<1x128xf32> to vector<3200x128xf32>
    %add3A_27 = arith.addf %dot_general3A_20, %add3A_26 : vector<3200x128xf32>
    %exp3A_28 = math.exp %add3A_27 : vector<3200x128xf32>
    %add3A_29 = arith.constant 1.000000e+00 : f32
    %add3A_30 = vector.broadcast %add3A_29 : f32 to vector<3200x128xf32>
    %add3A_31 = arith.addf %exp3A_28, %add3A_30 : vector<3200x128xf32>
    %log3A = math.log %add3A_31 : vector<3200x128xf32>
    %sub3A_32 = arith.constant 0.693147182 : f32
    %sub3A_33 = vector.broadcast %sub3A_32 : f32 to vector<3200x128xf32>
    %sub3A_34 = arith.subf %log3A, %sub3A_33 : vector<3200x128xf32>
    %get3A_35 = arith.constant 0 : index
    %get3A_36 = arith.constant 0 : index
    %get3A_37 = vector.load %arg5[%get3A_35, %get3A_36] : memref<128x128xf32, #tpu.memory_space<vmem>>, vector<128x128xf32>
    %dot_general3A_38 = arith.constant dense<0.000000e+00> : vector<3200x128xf32>
    %dot_general3A_39 = tpu.matmul %sub3A_34, %get3A_37, %dot_general3A_38 {dimension_numbers = #tpu.dot_dimension_numbers<[1], [0], [0], [1], [0, 0, 1, 1], [], []>, transpose_lhs_hint = false} : vector<3200x128xf32>, vector<128x128xf32>, vector<3200x128xf32> -> vector<3200x128xf32>
    %get3A_40 = arith.constant 0 : index
    %get3A_41 = arith.constant 0 : index
    %get3A_42 = vector.load %arg6[%get3A_40, %get3A_41] : memref<1x128xf32, #tpu.memory_space<vmem>>, vector<1x128xf32>
    %get3A_43 = vector.shape_cast %get3A_42 : vector<1x128xf32> to vector<128xf32>
    %broadcast_in_dim3A_44 = vector.shape_cast %get3A_43 : vector<128xf32> to vector<1x128xf32>
    %add3A_45 = vector.broadcast %broadcast_in_dim3A_44 : vector<1x128xf32> to vector<3200x128xf32>
    %add3A_46 = arith.addf %dot_general3A_39, %add3A_45 : vector<3200x128xf32>
    %slice3A = vector.extract_strided_slice %add3A_46 {offsets = [0, 0], sizes = [3200, 64], strides = [1, 1]} : vector<3200x128xf32> to vector<3200x64xf32>
    %convert_element_type3A_47 = arith.truncf %slice3A : vector<3200x64xf32> to vector<3200x64xbf16>
    %bitcast_convert_type3A = tpu.bitcast %convert_element_type3A_47 : vector<3200x64xbf16> -> vector<3200x64xi16>
    %convert_element_type3A_48 = arith.extui %bitcast_convert_type3A : vector<3200x64xi16> to vector<3200x64xi32>
    %slice3A_49 = vector.extract_strided_slice %add3A_46 {offsets = [0, 64], sizes = [3200, 64], strides = [1, 1]} : vector<3200x128xf32> to vector<3200x64xf32>
    %convert_element_type3A_50 = arith.truncf %slice3A_49 : vector<3200x64xf32> to vector<3200x64xbf16>
    %bitcast_convert_type3A_51 = tpu.bitcast %convert_element_type3A_50 : vector<3200x64xbf16> -> vector<3200x64xi16>
    %convert_element_type3A_52 = arith.extui %bitcast_convert_type3A_51 : vector<3200x64xi16> to vector<3200x64xi32>
    %shift_left3A = arith.constant 16 : i32
    %shift_left3A_53 = vector.broadcast %shift_left3A : i32 to vector<3200x64xi32>
    %shift_left3A_54 = arith.shli %convert_element_type3A_52, %shift_left3A_53 : vector<3200x64xi32>
    %or3A = arith.ori %convert_element_type3A_48, %shift_left3A_54 : vector<3200x64xi32>
    %get3A_55 = arith.constant 0 : index
    %get3A_56 = arith.constant 0 : index
    %get3A_57 = arith.constant 0 : index
    %get3A_58 = vector.load %arg2[%get3A_55, %get3A_56, %get3A_57] : memref<1x1x3200xf32, #tpu.memory_space<vmem>>, vector<1x1x3200xf32>
    %get3A_59 = vector.shape_cast %get3A_58 : vector<1x1x3200xf32> to vector<3200xf32>
    %iota3A_60 = tpu.iota {dimensions = array<i32: 1>} : vector<1x32xi32>
    %convert_element_type3A_61 = arith.sitofp %iota3A_60 : vector<1x32xi32> to vector<1x32xf32>
    %mul3A_62 = arith.constant 0.161290318 : f32
    %mul3A_63 = vector.broadcast %mul3A_62 : f32 to vector<1x32xf32>
    %mul3A_64 = arith.mulf %convert_element_type3A_61, %mul3A_63 : vector<1x32xf32>
    %add3A_65 = arith.constant 9.99999996E-13 : f32
    %add3A_66 = vector.broadcast %add3A_65 : f32 to vector<3200xf32>
    %add3A_67 = arith.addf %get3A_59, %add3A_66 : vector<3200xf32>
    %sqrt3A_68 = math.sqrt %add3A_67 : vector<3200xf32>
    %broadcast_in_dim3A_69 = vector.shape_cast %sqrt3A_68 : vector<3200xf32> to vector<3200x1xf32>
    %sub3A_70 = vector.broadcast %broadcast_in_dim3A_69 : vector<3200x1xf32> to vector<3200x32xf32>
    %sub3A_71 = vector.broadcast %mul3A_64 : vector<1x32xf32> to vector<3200x32xf32>
    %sub3A_72 = arith.subf %sub3A_70, %sub3A_71 : vector<3200x32xf32>
    %mul3A_73 = arith.constant 6.1999998 : f32
    %mul3A_74 = vector.broadcast %mul3A_73 : f32 to vector<3200x32xf32>
    %mul3A_75 = arith.mulf %sub3A_72, %mul3A_74 : vector<3200x32xf32>
    %mul3A_76 = arith.constant -5.000000e-01 : f32
    %mul3A_77 = vector.broadcast %mul3A_76 : f32 to vector<3200x32xf32>
    %mul3A_78 = arith.mulf %mul3A_77, %mul3A_75 : vector<3200x32xf32>
    %mul3A_79 = arith.mulf %mul3A_78, %mul3A_75 : vector<3200x32xf32>
    %exp3A_80 = math.exp %mul3A_79 : vector<3200x32xf32>
    %get3A_81 = arith.constant 0 : index
    %get3A_82 = arith.constant 0 : index
    %get3A_83 = vector.load %arg3[%get3A_81, %get3A_82] : memref<32x128xf32, #tpu.memory_space<vmem>>, vector<32x128xf32>
    %dot_general3A_84 = arith.constant dense<0.000000e+00> : vector<3200x128xf32>
    %dot_general3A_85 = tpu.matmul %exp3A_80, %get3A_83, %dot_general3A_84 {dimension_numbers = #tpu.dot_dimension_numbers<[1], [0], [0], [1], [0, 0, 1, 1], [], []>, transpose_lhs_hint = false} : vector<3200x32xf32>, vector<32x128xf32>, vector<3200x128xf32> -> vector<3200x128xf32>
    %get3A_86 = arith.constant 0 : index
    %get3A_87 = arith.constant 0 : index
    %get3A_88 = vector.load %arg4[%get3A_86, %get3A_87] : memref<1x128xf32, #tpu.memory_space<vmem>>, vector<1x128xf32>
    %get3A_89 = vector.shape_cast %get3A_88 : vector<1x128xf32> to vector<128xf32>
    %broadcast_in_dim3A_90 = vector.shape_cast %get3A_89 : vector<128xf32> to vector<1x128xf32>
    %add3A_91 = vector.broadcast %broadcast_in_dim3A_90 : vector<1x128xf32> to vector<3200x128xf32>
    %add3A_92 = arith.addf %dot_general3A_85, %add3A_91 : vector<3200x128xf32>
    %exp3A_93 = math.exp %add3A_92 : vector<3200x128xf32>
    %add3A_94 = arith.constant 1.000000e+00 : f32
    %add3A_95 = vector.broadcast %add3A_94 : f32 to vector<3200x128xf32>
    %add3A_96 = arith.addf %exp3A_93, %add3A_95 : vector<3200x128xf32>
    %log3A_97 = math.log %add3A_96 : vector<3200x128xf32>
    %sub3A_98 = arith.constant 0.693147182 : f32
    %sub3A_99 = vector.broadcast %sub3A_98 : f32 to vector<3200x128xf32>
    %sub3A_100 = arith.subf %log3A_97, %sub3A_99 : vector<3200x128xf32>
    %get3A_101 = arith.constant 0 : index
    %get3A_102 = arith.constant 0 : index
    %get3A_103 = vector.load %arg5[%get3A_101, %get3A_102] : memref<128x128xf32, #tpu.memory_space<vmem>>, vector<128x128xf32>
    %dot_general3A_104 = arith.constant dense<0.000000e+00> : vector<3200x128xf32>
    %dot_general3A_105 = tpu.matmul %sub3A_100, %get3A_103, %dot_general3A_104 {dimension_numbers = #tpu.dot_dimension_numbers<[1], [0], [0], [1], [0, 0, 1, 1], [], []>, transpose_lhs_hint = false} : vector<3200x128xf32>, vector<128x128xf32>, vector<3200x128xf32> -> vector<3200x128xf32>
    %get3A_106 = arith.constant 0 : index
    %get3A_107 = arith.constant 0 : index
    %get3A_108 = vector.load %arg6[%get3A_106, %get3A_107] : memref<1x128xf32, #tpu.memory_space<vmem>>, vector<1x128xf32>
    %get3A_109 = vector.shape_cast %get3A_108 : vector<1x128xf32> to vector<128xf32>
    %broadcast_in_dim3A_110 = vector.shape_cast %get3A_109 : vector<128xf32> to vector<1x128xf32>
    %add3A_111 = vector.broadcast %broadcast_in_dim3A_110 : vector<1x128xf32> to vector<3200x128xf32>
    %add3A_112 = arith.addf %dot_general3A_105, %add3A_111 : vector<3200x128xf32>
    %slice3A_113 = vector.extract_strided_slice %add3A_112 {offsets = [0, 0], sizes = [3200, 64], strides = [1, 1]} : vector<3200x128xf32> to vector<3200x64xf32>
    %convert_element_type3A_114 = arith.truncf %slice3A_113 : vector<3200x64xf32> to vector<3200x64xbf16>
    %bitcast_convert_type3A_115 = tpu.bitcast %convert_element_type3A_114 : vector<3200x64xbf16> -> vector<3200x64xi16>
    %convert_element_type3A_116 = arith.extui %bitcast_convert_type3A_115 : vector<3200x64xi16> to vector<3200x64xi32>
    %slice3A_117 = vector.extract_strided_slice %add3A_112 {offsets = [0, 64], sizes = [3200, 64], strides = [1, 1]} : vector<3200x128xf32> to vector<3200x64xf32>
    %convert_element_type3A_118 = arith.truncf %slice3A_117 : vector<3200x64xf32> to vector<3200x64xbf16>
    %bitcast_convert_type3A_119 = tpu.bitcast %convert_element_type3A_118 : vector<3200x64xbf16> -> vector<3200x64xi16>
    %convert_element_type3A_120 = arith.extui %bitcast_convert_type3A_119 : vector<3200x64xi16> to vector<3200x64xi32>
    %shift_left3A_121 = arith.constant 16 : i32
    %shift_left3A_122 = vector.broadcast %shift_left3A_121 : i32 to vector<3200x64xi32>
    %shift_left3A_123 = arith.shli %convert_element_type3A_120, %shift_left3A_122 : vector<3200x64xi32>
    %or3A_124 = arith.ori %convert_element_type3A_116, %shift_left3A_123 : vector<3200x64xi32>
    %concatenate3A = tpu.concatenate %or3A, %or3A_124 in 1 : vector<3200x64xi32>, vector<3200x64xi32> -> vector<3200x128xi32>
    %swap3A = arith.constant 0 : index
    %swap3A_125 = arith.constant 0 : index
    %swap3A_126 = vector.load %arg7[%swap3A, %swap3A_125] : memref<3200x128xi32, #tpu.memory_space<vmem>>, vector<3200x128xi32>
    tpu.vector_store %arg7[%swap3A, %swap3A_125], %concatenate3A {strides = array<i32>} : memref<3200x128xi32, #tpu.memory_space<vmem>>, vector<3200x128xi32>,
    return
  }
  func.func @transform_0(%arg0: i32) -> (i32, i32, i32) {
    %c0_i32 = arith.constant 0 : i32
    %c0_i32_0 = arith.constant 0 : i32
    %c0_i32_1 = arith.constant 0 : i32
    return %arg0, %c0_i32, %c0_i32_0 : i32, i32, i32
  }
  func.func @transform_1(%arg0: i32) -> (i32, i32, i32) {
    %add3A = arith.constant 50 : i32
    %add3A_0 = arith.addi %arg0, %add3A : i32
    %c0_i32 = arith.constant 0 : i32
    %c0_i32_1 = arith.constant 0 : i32
    %c0_i32_2 = arith.constant 0 : i32
    return %add3A_0, %c0_i32, %c0_i32_1 : i32, i32, i32
  }
  func.func @transform_2(%arg0: i32) -> (i32, i32) {
    %c0_i32 = arith.constant 0 : i32
    %c0_i32_0 = arith.constant 0 : i32
    %c0_i32_1 = arith.constant 0 : i32
    return %c0_i32, %c0_i32_0 : i32, i32
  }
  func.func @transform_3(%arg0: i32) -> (i32, i32) {
    %c0_i32 = arith.constant 0 : i32
    %c0_i32_0 = arith.constant 0 : i32
    %c0_i32_1 = arith.constant 0 : i32
    return %c0_i32, %c0_i32_0 : i32, i32
  }
  func.func @transform_4(%arg0: i32) -> (i32, i32) {
    %c0_i32 = arith.constant 0 : i32
    %c0_i32_0 = arith.constant 0 : i32
    %c0_i32_1 = arith.constant 0 : i32
    return %c0_i32, %c0_i32_0 : i32, i32
  }
  func.func @transform_5(%arg0: i32) -> (i32, i32) {
    %c0_i32 = arith.constant 0 : i32
    %c0_i32_0 = arith.constant 0 : i32
    %c0_i32_1 = arith.constant 0 : i32
    return %c0_i32, %c0_i32_0 : i32, i32
  }
  func.func @transform_6(%arg0: i32) -> (i32, i32) {
    %c0_i32 = arith.constant 0 : i32
    %c0_i32_0 = arith.constant 0 : i32
    return %arg0, %c0_i32 : i32, i32
  }
}

module attributes {stable_mosaic.version = 14 : i64} {
  func.func @_updmsg_body(%arg0: i32, %arg1: memref<1000x128xf32, #tpu.memory_space<vmem>>, %arg2: memref<2x1000x128xbf16, #tpu.memory_space<vmem>>, %arg3: memref<128x128xf32, #tpu.memory_space<vmem>>, %arg4: memref<1x128xf32, #tpu.memory_space<vmem>>, %arg5: memref<128x128xf32, #tpu.memory_space<vmem>>, %arg6: memref<1x128xf32, #tpu.memory_space<vmem>>, %arg7: memref<1000x128xf32, #tpu.memory_space<vmem>>, %arg8: memref<1000x64xi32, #tpu.memory_space<vmem>>) attributes {dimension_semantics = [#tpu.dimension_semantics<arbitrary>], iteration_bounds = array<i64: 10>, scalar_prefetch = 0 : i64, scratch_operands = 0 : i64, tpu.core_type = #tpu.core_type<tc>, window_params = [{transform_indices = @transform_0, window_bounds = array<i64: 1000, 128>}, {transform_indices = @transform_1, window_bounds = array<i64: 2, 1000, 128>}, {pipeline_mode = #tpu.pipeline_mode<synchronous>, transform_indices = @transform_2, window_bounds = array<i64: 128, 128>}, {pipeline_mode = #tpu.pipeline_mode<synchronous>, transform_indices = @transform_3, window_bounds = array<i64: 1, 128>}, {pipeline_mode = #tpu.pipeline_mode<synchronous>, transform_indices = @transform_4, window_bounds = array<i64: 128, 128>}, {pipeline_mode = #tpu.pipeline_mode<synchronous>, transform_indices = @transform_5, window_bounds = array<i64: 1, 128>}, {transform_indices = @transform_6, window_bounds = array<i64: 1000, 128>}, {transform_indices = @transform_7, window_bounds = array<i64: 1000, 64>}]} {
    %get3A = arith.constant 0 : index
    %get3A_0 = arith.constant 0 : index
    %get3A_1 = arith.constant 0 : index
    %get3A_2 = vector.load %arg2[%get3A, %get3A_0, %get3A_1] : memref<2x1000x128xbf16, #tpu.memory_space<vmem>>, vector<1x1000x128xbf16>
    %get3A_3 = vector.shape_cast %get3A_2 : vector<1x1000x128xbf16> to vector<1000x128xbf16>
    %convert_element_type3A = arith.extf %get3A_3 : vector<1000x128xbf16> to vector<1000x128xf32>
    %get3A_4 = arith.constant 1 : index
    %get3A_5 = arith.constant 0 : index
    %get3A_6 = arith.constant 0 : index
    %get3A_7 = vector.load %arg2[%get3A_4, %get3A_5, %get3A_6] : memref<2x1000x128xbf16, #tpu.memory_space<vmem>>, vector<1x1000x128xbf16>
    %get3A_8 = vector.shape_cast %get3A_7 : vector<1x1000x128xbf16> to vector<1000x128xbf16>
    %convert_element_type3A_9 = arith.extf %get3A_8 : vector<1000x128xbf16> to vector<1000x128xf32>
    %add3A = arith.addf %convert_element_type3A, %convert_element_type3A_9 : vector<1000x128xf32>
    %custom_jvp_call3A = arith.constant 0.000000e+00 : f32
    %max3A = vector.broadcast %custom_jvp_call3A : f32 to vector<1000x128xf32>
    %max3A_10 = arith.maximumf %add3A, %max3A : vector<1000x128xf32>
    %sub3A = vector.broadcast %custom_jvp_call3A : f32 to vector<1000x128xf32>
    %sub3A_11 = arith.subf %add3A, %sub3A : vector<1000x128xf32>
    %ne3A = arith.cmpf one, %sub3A_11, %sub3A_11 : vector<1000x128xf32>
    %add3A_12 = vector.broadcast %custom_jvp_call3A : f32 to vector<1000x128xf32>
    %add3A_13 = arith.addf %add3A, %add3A_12 : vector<1000x128xf32>
    %abs3A = math.absf %sub3A_11 : vector<1000x128xf32>
    %neg3A = arith.constant 0.000000e+00 : f32
    %neg3A_14 = vector.broadcast %neg3A : f32 to vector<1000x128xf32>
    %neg3A_15 = arith.subf %neg3A_14, %abs3A : vector<1000x128xf32>
    %exp3A = math.exp %neg3A_15 : vector<1000x128xf32>
    %log1p3A = math.log1p %exp3A : vector<1000x128xf32>
    %add3A_16 = arith.addf %max3A_10, %log1p3A : vector<1000x128xf32>
    %select_n3A = arith.select %ne3A, %add3A_13, %add3A_16 : vector<1000x128xi1>, vector<1000x128xf32>
    %sub3A_17 = arith.constant 0.693147182 : f32
    %sub3A_18 = vector.broadcast %sub3A_17 : f32 to vector<1000x128xf32>
    %sub3A_19 = arith.subf %select_n3A, %sub3A_18 : vector<1000x128xf32>
    %get3A_20 = arith.constant 0 : index
    %get3A_21 = arith.constant 0 : index
    %get3A_22 = vector.load %arg1[%get3A_20, %get3A_21] : memref<1000x128xf32, #tpu.memory_space<vmem>>, vector<1000x128xf32>
    %get3A_23 = arith.constant 0 : index
    %get3A_24 = arith.constant 0 : index
    %get3A_25 = vector.load %arg3[%get3A_23, %get3A_24] : memref<128x128xf32, #tpu.memory_space<vmem>>, vector<128x128xf32>
    %dot_general3A = arith.constant dense<0.000000e+00> : vector<1000x128xf32>
    %dot_general3A_26 = tpu.matmul %sub3A_19, %get3A_25, %dot_general3A {dimension_numbers = #tpu.dot_dimension_numbers<[1], [0], [0], [1], [0, 0, 1, 1], [], []>, transpose_lhs_hint = false} : vector<1000x128xf32>, vector<128x128xf32>, vector<1000x128xf32> -> vector<1000x128xf32>
    %add3A_27 = arith.addf %get3A_22, %dot_general3A_26 : vector<1000x128xf32>
    %get3A_28 = arith.constant 0 : index
    %get3A_29 = arith.constant 0 : index
    %get3A_30 = vector.load %arg4[%get3A_28, %get3A_29] : memref<1x128xf32, #tpu.memory_space<vmem>>, vector<1x128xf32>
    %get3A_31 = vector.shape_cast %get3A_30 : vector<1x128xf32> to vector<128xf32>
    %broadcast_in_dim3A = vector.shape_cast %get3A_31 : vector<128xf32> to vector<1x128xf32>
    %add3A_32 = vector.broadcast %broadcast_in_dim3A : vector<1x128xf32> to vector<1000x128xf32>
    %add3A_33 = arith.addf %add3A_27, %add3A_32 : vector<1000x128xf32>
    %swap3A = arith.constant 0 : index
    %swap3A_34 = arith.constant 0 : index
    %swap3A_35 = vector.load %arg7[%swap3A, %swap3A_34] : memref<1000x128xf32, #tpu.memory_space<vmem>>, vector<1000x128xf32>
    tpu.vector_store %arg7[%swap3A, %swap3A_34], %add3A_33 {strides = array<i32>} : memref<1000x128xf32, #tpu.memory_space<vmem>>, vector<1000x128xf32>,
    %get3A_36 = arith.constant 0 : index
    %get3A_37 = arith.constant 0 : index
    %get3A_38 = vector.load %arg5[%get3A_36, %get3A_37] : memref<128x128xf32, #tpu.memory_space<vmem>>, vector<128x128xf32>
    %dot_general3A_39 = arith.constant dense<0.000000e+00> : vector<1000x128xf32>
    %dot_general3A_40 = tpu.matmul %add3A_33, %get3A_38, %dot_general3A_39 {dimension_numbers = #tpu.dot_dimension_numbers<[1], [0], [0], [1], [0, 0, 1, 1], [], []>, transpose_lhs_hint = false} : vector<1000x128xf32>, vector<128x128xf32>, vector<1000x128xf32> -> vector<1000x128xf32>
    %get3A_41 = arith.constant 0 : index
    %get3A_42 = arith.constant 0 : index
    %get3A_43 = vector.load %arg6[%get3A_41, %get3A_42] : memref<1x128xf32, #tpu.memory_space<vmem>>, vector<1x128xf32>
    %get3A_44 = vector.shape_cast %get3A_43 : vector<1x128xf32> to vector<128xf32>
    %broadcast_in_dim3A_45 = vector.shape_cast %get3A_44 : vector<128xf32> to vector<1x128xf32>
    %add3A_46 = vector.broadcast %broadcast_in_dim3A_45 : vector<1x128xf32> to vector<1000x128xf32>
    %add3A_47 = arith.addf %dot_general3A_40, %add3A_46 : vector<1000x128xf32>
    %slice3A = vector.extract_strided_slice %add3A_47 {offsets = [0, 0], sizes = [1000, 64], strides = [1, 1]} : vector<1000x128xf32> to vector<1000x64xf32>
    %convert_element_type3A_48 = arith.truncf %slice3A : vector<1000x64xf32> to vector<1000x64xbf16>
    %bitcast_convert_type3A = tpu.bitcast %convert_element_type3A_48 : vector<1000x64xbf16> -> vector<1000x64xi16>
    %convert_element_type3A_49 = arith.extui %bitcast_convert_type3A : vector<1000x64xi16> to vector<1000x64xi32>
    %slice3A_50 = vector.extract_strided_slice %add3A_47 {offsets = [0, 64], sizes = [1000, 64], strides = [1, 1]} : vector<1000x128xf32> to vector<1000x64xf32>
    %convert_element_type3A_51 = arith.truncf %slice3A_50 : vector<1000x64xf32> to vector<1000x64xbf16>
    %bitcast_convert_type3A_52 = tpu.bitcast %convert_element_type3A_51 : vector<1000x64xbf16> -> vector<1000x64xi16>
    %convert_element_type3A_53 = arith.extui %bitcast_convert_type3A_52 : vector<1000x64xi16> to vector<1000x64xi32>
    %shift_left3A = arith.constant 16 : i32
    %shift_left3A_54 = vector.broadcast %shift_left3A : i32 to vector<1000x64xi32>
    %shift_left3A_55 = arith.shli %convert_element_type3A_53, %shift_left3A_54 : vector<1000x64xi32>
    %or3A = arith.ori %convert_element_type3A_49, %shift_left3A_55 : vector<1000x64xi32>
    %swap3A_56 = arith.constant 0 : index
    %swap3A_57 = arith.constant 0 : index
    %swap3A_58 = vector.load %arg8[%swap3A_56, %swap3A_57] : memref<1000x64xi32, #tpu.memory_space<vmem>>, vector<1000x64xi32>
    tpu.vector_store %arg8[%swap3A_56, %swap3A_57], %or3A {strides = array<i32>} : memref<1000x64xi32, #tpu.memory_space<vmem>>, vector<1000x64xi32>,
    return
  }
  func.func @transform_0(%arg0: i32) -> (i32, i32) {
    %c0_i32 = arith.constant 0 : i32
    %c0_i32_0 = arith.constant 0 : i32
    return %arg0, %c0_i32 : i32, i32
  }
  func.func @transform_1(%arg0: i32) -> (i32, i32, i32) {
    %c0_i32 = arith.constant 0 : i32
    %c0_i32_0 = arith.constant 0 : i32
    %c0_i32_1 = arith.constant 0 : i32
    return %c0_i32, %arg0, %c0_i32_0 : i32, i32, i32
  }
  func.func @transform_2(%arg0: i32) -> (i32, i32) {
    %c0_i32 = arith.constant 0 : i32
    %c0_i32_0 = arith.constant 0 : i32
    %c0_i32_1 = arith.constant 0 : i32
    return %c0_i32, %c0_i32_0 : i32, i32
  }
  func.func @transform_3(%arg0: i32) -> (i32, i32) {
    %c0_i32 = arith.constant 0 : i32
    %c0_i32_0 = arith.constant 0 : i32
    %c0_i32_1 = arith.constant 0 : i32
    return %c0_i32, %c0_i32_0 : i32, i32
  }
  func.func @transform_4(%arg0: i32) -> (i32, i32) {
    %c0_i32 = arith.constant 0 : i32
    %c0_i32_0 = arith.constant 0 : i32
    %c0_i32_1 = arith.constant 0 : i32
    return %c0_i32, %c0_i32_0 : i32, i32
  }
  func.func @transform_5(%arg0: i32) -> (i32, i32) {
    %c0_i32 = arith.constant 0 : i32
    %c0_i32_0 = arith.constant 0 : i32
    %c0_i32_1 = arith.constant 0 : i32
    return %c0_i32, %c0_i32_0 : i32, i32
  }
  func.func @transform_6(%arg0: i32) -> (i32, i32) {
    %c0_i32 = arith.constant 0 : i32
    %c0_i32_0 = arith.constant 0 : i32
    return %arg0, %c0_i32 : i32, i32
  }
  func.func @transform_7(%arg0: i32) -> (i32, i32) {
    %c0_i32 = arith.constant 0 : i32
    %c0_i32_0 = arith.constant 0 : i32
    return %arg0, %c0_i32 : i32, i32
  }
}

module attributes {stable_mosaic.version = 14 : i64} {
  func.func @_upd_body(%arg0: i32, %arg1: memref<1000x128xf32, #tpu.memory_space<vmem>>, %arg2: memref<2x1000x128xbf16, #tpu.memory_space<vmem>>, %arg3: memref<128x128xf32, #tpu.memory_space<vmem>>, %arg4: memref<1x128xf32, #tpu.memory_space<vmem>>, %arg5: memref<1000x128xf32, #tpu.memory_space<vmem>>) attributes {dimension_semantics = [#tpu.dimension_semantics<arbitrary>], iteration_bounds = array<i64: 10>, scalar_prefetch = 0 : i64, scratch_operands = 0 : i64, tpu.core_type = #tpu.core_type<tc>, window_params = [{transform_indices = @transform_0, window_bounds = array<i64: 1000, 128>}, {transform_indices = @transform_1, window_bounds = array<i64: 2, 1000, 128>}, {pipeline_mode = #tpu.pipeline_mode<synchronous>, transform_indices = @transform_2, window_bounds = array<i64: 128, 128>}, {pipeline_mode = #tpu.pipeline_mode<synchronous>, transform_indices = @transform_3, window_bounds = array<i64: 1, 128>}, {transform_indices = @transform_4, window_bounds = array<i64: 1000, 128>}]} {
    %get3A = arith.constant 0 : index
    %get3A_0 = arith.constant 0 : index
    %get3A_1 = arith.constant 0 : index
    %get3A_2 = vector.load %arg2[%get3A, %get3A_0, %get3A_1] : memref<2x1000x128xbf16, #tpu.memory_space<vmem>>, vector<1x1000x128xbf16>
    %get3A_3 = vector.shape_cast %get3A_2 : vector<1x1000x128xbf16> to vector<1000x128xbf16>
    %convert_element_type3A = arith.extf %get3A_3 : vector<1000x128xbf16> to vector<1000x128xf32>
    %get3A_4 = arith.constant 1 : index
    %get3A_5 = arith.constant 0 : index
    %get3A_6 = arith.constant 0 : index
    %get3A_7 = vector.load %arg2[%get3A_4, %get3A_5, %get3A_6] : memref<2x1000x128xbf16, #tpu.memory_space<vmem>>, vector<1x1000x128xbf16>
    %get3A_8 = vector.shape_cast %get3A_7 : vector<1x1000x128xbf16> to vector<1000x128xbf16>
    %convert_element_type3A_9 = arith.extf %get3A_8 : vector<1000x128xbf16> to vector<1000x128xf32>
    %add3A = arith.addf %convert_element_type3A, %convert_element_type3A_9 : vector<1000x128xf32>
    %custom_jvp_call3A = arith.constant 0.000000e+00 : f32
    %max3A = vector.broadcast %custom_jvp_call3A : f32 to vector<1000x128xf32>
    %max3A_10 = arith.maximumf %add3A, %max3A : vector<1000x128xf32>
    %sub3A = vector.broadcast %custom_jvp_call3A : f32 to vector<1000x128xf32>
    %sub3A_11 = arith.subf %add3A, %sub3A : vector<1000x128xf32>
    %ne3A = arith.cmpf one, %sub3A_11, %sub3A_11 : vector<1000x128xf32>
    %add3A_12 = vector.broadcast %custom_jvp_call3A : f32 to vector<1000x128xf32>
    %add3A_13 = arith.addf %add3A, %add3A_12 : vector<1000x128xf32>
    %abs3A = math.absf %sub3A_11 : vector<1000x128xf32>
    %neg3A = arith.constant 0.000000e+00 : f32
    %neg3A_14 = vector.broadcast %neg3A : f32 to vector<1000x128xf32>
    %neg3A_15 = arith.subf %neg3A_14, %abs3A : vector<1000x128xf32>
    %exp3A = math.exp %neg3A_15 : vector<1000x128xf32>
    %log1p3A = math.log1p %exp3A : vector<1000x128xf32>
    %add3A_16 = arith.addf %max3A_10, %log1p3A : vector<1000x128xf32>
    %select_n3A = arith.select %ne3A, %add3A_13, %add3A_16 : vector<1000x128xi1>, vector<1000x128xf32>
    %sub3A_17 = arith.constant 0.693147182 : f32
    %sub3A_18 = vector.broadcast %sub3A_17 : f32 to vector<1000x128xf32>
    %sub3A_19 = arith.subf %select_n3A, %sub3A_18 : vector<1000x128xf32>
    %get3A_20 = arith.constant 0 : index
    %get3A_21 = arith.constant 0 : index
    %get3A_22 = vector.load %arg1[%get3A_20, %get3A_21] : memref<1000x128xf32, #tpu.memory_space<vmem>>, vector<1000x128xf32>
    %get3A_23 = arith.constant 0 : index
    %get3A_24 = arith.constant 0 : index
    %get3A_25 = vector.load %arg3[%get3A_23, %get3A_24] : memref<128x128xf32, #tpu.memory_space<vmem>>, vector<128x128xf32>
    %dot_general3A = arith.constant dense<0.000000e+00> : vector<1000x128xf32>
    %dot_general3A_26 = tpu.matmul %sub3A_19, %get3A_25, %dot_general3A {dimension_numbers = #tpu.dot_dimension_numbers<[1], [0], [0], [1], [0, 0, 1, 1], [], []>, transpose_lhs_hint = false} : vector<1000x128xf32>, vector<128x128xf32>, vector<1000x128xf32> -> vector<1000x128xf32>
    %add3A_27 = arith.addf %get3A_22, %dot_general3A_26 : vector<1000x128xf32>
    %get3A_28 = arith.constant 0 : index
    %get3A_29 = arith.constant 0 : index
    %get3A_30 = vector.load %arg4[%get3A_28, %get3A_29] : memref<1x128xf32, #tpu.memory_space<vmem>>, vector<1x128xf32>
    %get3A_31 = vector.shape_cast %get3A_30 : vector<1x128xf32> to vector<128xf32>
    %broadcast_in_dim3A = vector.shape_cast %get3A_31 : vector<128xf32> to vector<1x128xf32>
    %add3A_32 = vector.broadcast %broadcast_in_dim3A : vector<1x128xf32> to vector<1000x128xf32>
    %add3A_33 = arith.addf %add3A_27, %add3A_32 : vector<1000x128xf32>
    %swap3A = arith.constant 0 : index
    %swap3A_34 = arith.constant 0 : index
    %swap3A_35 = vector.load %arg5[%swap3A, %swap3A_34] : memref<1000x128xf32, #tpu.memory_space<vmem>>, vector<1000x128xf32>
    tpu.vector_store %arg5[%swap3A, %swap3A_34], %add3A_33 {strides = array<i32>} : memref<1000x128xf32, #tpu.memory_space<vmem>>, vector<1000x128xf32>,
    return
  }
  func.func @transform_0(%arg0: i32) -> (i32, i32) {
    %c0_i32 = arith.constant 0 : i32
    %c0_i32_0 = arith.constant 0 : i32
    return %arg0, %c0_i32 : i32, i32
  }
  func.func @transform_1(%arg0: i32) -> (i32, i32, i32) {
    %c0_i32 = arith.constant 0 : i32
    %c0_i32_0 = arith.constant 0 : i32
    %c0_i32_1 = arith.constant 0 : i32
    return %c0_i32, %arg0, %c0_i32_0 : i32, i32, i32
  }
  func.func @transform_2(%arg0: i32) -> (i32, i32) {
    %c0_i32 = arith.constant 0 : i32
    %c0_i32_0 = arith.constant 0 : i32
    %c0_i32_1 = arith.constant 0 : i32
    return %c0_i32, %c0_i32_0 : i32, i32
  }
  func.func @transform_3(%arg0: i32) -> (i32, i32) {
    %c0_i32 = arith.constant 0 : i32
    %c0_i32_0 = arith.constant 0 : i32
    %c0_i32_1 = arith.constant 0 : i32
    return %c0_i32, %c0_i32_0 : i32, i32
  }
  func.func @transform_4(%arg0: i32) -> (i32, i32) {
    %c0_i32 = arith.constant 0 : i32
    %c0_i32_0 = arith.constant 0 : i32
    return %arg0, %c0_i32 : i32, i32
  }
}

module attributes {stable_mosaic.version = 14 : i64} {
  func.func @_readout_body(%arg0: memref<400x3200xf32, #tpu.memory_space<vmem>>, %arg1: memref<1x400xf32, #tpu.memory_space<vmem>>, %arg2: memref<128x192xf32, #tpu.memory_space<vmem>>, %arg3: memref<1x192xf32, #tpu.memory_space<vmem>>, %arg4: memref<192x256xf32, #tpu.memory_space<vmem>>, %arg5: memref<1x256xf32, #tpu.memory_space<vmem>>, %arg6: memref<256x128xf32, #tpu.memory_space<vmem>>, %arg7: memref<1x128xf32, #tpu.memory_space<vmem>>, %arg8: memref<128x1xf32, #tpu.memory_space<vmem>>, %arg9: memref<1x1xf32, #tpu.memory_space<vmem>>, %arg10: memref<40x1xf32, #tpu.memory_space<vmem>>) attributes {dimension_semantics = [], scalar_prefetch = 0 : i64, scratch_operands = 0 : i64, tpu.core_type = #tpu.core_type<tc>} {
    %iota3A = tpu.iota {dimensions = array<i32: 0>} : vector<3200x128xi32>
    %iota3A_0 = tpu.iota {dimensions = array<i32: 1>} : vector<3200x128xi32>
    %and3A = arith.constant 127 : i32
    %and3A_1 = vector.broadcast %and3A : i32 to vector<3200x128xi32>
    %and3A_2 = arith.andi %iota3A, %and3A_1 : vector<3200x128xi32>
    %eq3A = arith.cmpi eq, %and3A_2, %iota3A_0 : vector<3200x128xi32>
    %convert_element_type3A = arith.extui %eq3A : vector<3200x128xi1> to vector<3200x128xi32>
    %convert_element_type3A_3 = arith.sitofp %convert_element_type3A : vector<3200x128xi32> to vector<3200x128xf32>
    %get3A = arith.constant 0 : index
    %get3A_4 = arith.constant 0 : index
    %get3A_5 = vector.load %arg0[%get3A, %get3A_4] : memref<400x3200xf32, #tpu.memory_space<vmem>>, vector<400x3200xf32>
    %dot_general3A = arith.constant dense<0.000000e+00> : vector<400x128xf32>
    %dot_general3A_6 = tpu.matmul %get3A_5, %convert_element_type3A_3, %dot_general3A {dimension_numbers = #tpu.dot_dimension_numbers<[1], [0], [0], [1], [0, 0, 1, 1], [], []>, transpose_lhs_hint = false} : vector<400x3200xf32>, vector<3200x128xf32>, vector<400x128xf32> -> vector<400x128xf32>
    %get3A_7 = arith.constant 0 : index
    %get3A_8 = arith.constant 0 : index
    %get3A_9 = vector.load %arg2[%get3A_7, %get3A_8] : memref<128x192xf32, #tpu.memory_space<vmem>>, vector<128x192xf32>
    %dot_general3A_10 = arith.constant dense<0.000000e+00> : vector<400x192xf32>
    %dot_general3A_11 = tpu.matmul %dot_general3A_6, %get3A_9, %dot_general3A_10 {dimension_numbers = #tpu.dot_dimension_numbers<[1], [0], [0], [1], [0, 0, 1, 1], [], []>, transpose_lhs_hint = false} : vector<400x128xf32>, vector<128x192xf32>, vector<400x192xf32> -> vector<400x192xf32>
    %get3A_12 = arith.constant 0 : index
    %get3A_13 = arith.constant 0 : index
    %get3A_14 = vector.load %arg3[%get3A_12, %get3A_13] : memref<1x192xf32, #tpu.memory_space<vmem>>, vector<1x192xf32>
    %get3A_15 = vector.shape_cast %get3A_14 : vector<1x192xf32> to vector<192xf32>
    %broadcast_in_dim3A = vector.shape_cast %get3A_15 : vector<192xf32> to vector<1x192xf32>
    %add3A = vector.broadcast %broadcast_in_dim3A : vector<1x192xf32> to vector<400x192xf32>
    %add3A_16 = arith.addf %dot_general3A_11, %add3A : vector<400x192xf32>
    %custom_jvp_call3A = arith.constant 0.000000e+00 : f32
    %max3A = vector.broadcast %custom_jvp_call3A : f32 to vector<400x192xf32>
    %max3A_17 = arith.maximumf %add3A_16, %max3A : vector<400x192xf32>
    %sub3A = vector.broadcast %custom_jvp_call3A : f32 to vector<400x192xf32>
    %sub3A_18 = arith.subf %add3A_16, %sub3A : vector<400x192xf32>
    %ne3A = arith.cmpf one, %sub3A_18, %sub3A_18 : vector<400x192xf32>
    %add3A_19 = vector.broadcast %custom_jvp_call3A : f32 to vector<400x192xf32>
    %add3A_20 = arith.addf %add3A_16, %add3A_19 : vector<400x192xf32>
    %abs3A = math.absf %sub3A_18 : vector<400x192xf32>
    %neg3A = arith.constant 0.000000e+00 : f32
    %neg3A_21 = vector.broadcast %neg3A : f32 to vector<400x192xf32>
    %neg3A_22 = arith.subf %neg3A_21, %abs3A : vector<400x192xf32>
    %exp3A = math.exp %neg3A_22 : vector<400x192xf32>
    %log1p3A = math.log1p %exp3A : vector<400x192xf32>
    %add3A_23 = arith.addf %max3A_17, %log1p3A : vector<400x192xf32>
    %select_n3A = arith.select %ne3A, %add3A_20, %add3A_23 : vector<400x192xi1>, vector<400x192xf32>
    %sub3A_24 = arith.constant 0.693147182 : f32
    %sub3A_25 = vector.broadcast %sub3A_24 : f32 to vector<400x192xf32>
    %sub3A_26 = arith.subf %select_n3A, %sub3A_25 : vector<400x192xf32>
    %get3A_27 = arith.constant 0 : index
    %get3A_28 = arith.constant 0 : index
    %get3A_29 = vector.load %arg4[%get3A_27, %get3A_28] : memref<192x256xf32, #tpu.memory_space<vmem>>, vector<192x256xf32>
    %dot_general3A_30 = arith.constant dense<0.000000e+00> : vector<400x256xf32>
    %dot_general3A_31 = tpu.matmul %sub3A_26, %get3A_29, %dot_general3A_30 {dimension_numbers = #tpu.dot_dimension_numbers<[1], [0], [0], [1], [0, 0, 1, 1], [], []>, transpose_lhs_hint = false} : vector<400x192xf32>, vector<192x256xf32>, vector<400x256xf32> -> vector<400x256xf32>
    %get3A_32 = arith.constant 0 : index
    %get3A_33 = arith.constant 0 : index
    %get3A_34 = vector.load %arg5[%get3A_32, %get3A_33] : memref<1x256xf32, #tpu.memory_space<vmem>>, vector<1x256xf32>
    %get3A_35 = vector.shape_cast %get3A_34 : vector<1x256xf32> to vector<256xf32>
    %broadcast_in_dim3A_36 = vector.shape_cast %get3A_35 : vector<256xf32> to vector<1x256xf32>
    %add3A_37 = vector.broadcast %broadcast_in_dim3A_36 : vector<1x256xf32> to vector<400x256xf32>
    %add3A_38 = arith.addf %dot_general3A_31, %add3A_37 : vector<400x256xf32>
    %iota3A_39 = tpu.iota {dimensions = array<i32: 0>} : vector<40x400xi32>
    %iota3A_40 = tpu.iota {dimensions = array<i32: 1>} : vector<40x400xi32>
    %mul3A = arith.constant 10 : i32
    %mul3A_41 = vector.broadcast %mul3A : i32 to vector<40x400xi32>
    %mul3A_42 = arith.muli %mul3A_41, %iota3A_39 : vector<40x400xi32>
    %sub3A_43 = arith.subi %iota3A_40, %mul3A_42 : vector<40x400xi32>
    %ge3A = arith.constant 0 : i32
    %ge3A_44 = vector.broadcast %ge3A : i32 to vector<40x400xi32>
    %ge3A_45 = arith.cmpi sge, %sub3A_43, %ge3A_44 : vector<40x400xi32>
    %lt3A = arith.constant 10 : i32
    %lt3A_46 = vector.broadcast %lt3A : i32 to vector<40x400xi32>
    %lt3A_47 = arith.cmpi slt, %sub3A_43, %lt3A_46 : vector<40x400xi32>
    %and3A_48 = arith.andi %ge3A_45, %lt3A_47 : vector<40x400xi1>
    %get3A_49 = arith.constant 0 : index
    %get3A_50 = arith.constant 0 : index
    %get3A_51 = vector.load %arg1[%get3A_49, %get3A_50] : memref<1x400xf32, #tpu.memory_space<vmem>>, vector<1x400xf32>
    %jit3A = arith.constant 0.000000e+00 : f32
    %broadcast_in_dim3A_52 = vector.shape_cast %get3A_51 : vector<1x400xf32> to vector<1x400xf32>
    %broadcast_in_dim3A_53 = vector.broadcast %broadcast_in_dim3A_52 : vector<1x400xf32> to vector<40x400xf32>
    %broadcast_in_dim3A_54 = vector.broadcast %jit3A : f32 to vector<40x400xf32>
    %select_n3A_55 = arith.select %and3A_48, %broadcast_in_dim3A_53, %broadcast_in_dim3A_54 : vector<40x400xi1>, vector<40x400xf32>
    %dot_general3A_56 = arith.constant dense<0.000000e+00> : vector<40x256xf32>
    %dot_general3A_57 = tpu.matmul %select_n3A_55, %add3A_38, %dot_general3A_56 {dimension_numbers = #tpu.dot_dimension_numbers<[1], [0], [0], [1], [0, 0, 1, 1], [], []>, transpose_lhs_hint = false} : vector<40x400xf32>, vector<400x256xf32>, vector<40x256xf32> -> vector<40x256xf32>
    %get3A_58 = arith.constant 0 : index
    %get3A_59 = arith.constant 0 : index
    %get3A_60 = vector.load %arg6[%get3A_58, %get3A_59] : memref<256x128xf32, #tpu.memory_space<vmem>>, vector<256x128xf32>
    %dot_general3A_61 = arith.constant dense<0.000000e+00> : vector<40x128xf32>
    %dot_general3A_62 = tpu.matmul %dot_general3A_57, %get3A_60, %dot_general3A_61 {dimension_numbers = #tpu.dot_dimension_numbers<[1], [0], [0], [1], [0, 0, 1, 1], [], []>, transpose_lhs_hint = false} : vector<40x256xf32>, vector<256x128xf32>, vector<40x128xf32> -> vector<40x128xf32>
    %get3A_63 = arith.constant 0 : index
    %get3A_64 = arith.constant 0 : index
    %get3A_65 = vector.load %arg7[%get3A_63, %get3A_64] : memref<1x128xf32, #tpu.memory_space<vmem>>, vector<1x128xf32>
    %get3A_66 = vector.shape_cast %get3A_65 : vector<1x128xf32> to vector<128xf32>
    %broadcast_in_dim3A_67 = vector.shape_cast %get3A_66 : vector<128xf32> to vector<1x128xf32>
    %add3A_68 = vector.broadcast %broadcast_in_dim3A_67 : vector<1x128xf32> to vector<40x128xf32>
    %add3A_69 = arith.addf %dot_general3A_62, %add3A_68 : vector<40x128xf32>
    %custom_jvp_call3A_70 = arith.constant 0.000000e+00 : f32
    %max3A_71 = vector.broadcast %custom_jvp_call3A_70 : f32 to vector<40x128xf32>
    %max3A_72 = arith.maximumf %add3A_69, %max3A_71 : vector<40x128xf32>
    %sub3A_73 = vector.broadcast %custom_jvp_call3A_70 : f32 to vector<40x128xf32>
    %sub3A_74 = arith.subf %add3A_69, %sub3A_73 : vector<40x128xf32>
    %ne3A_75 = arith.cmpf one, %sub3A_74, %sub3A_74 : vector<40x128xf32>
    %add3A_76 = vector.broadcast %custom_jvp_call3A_70 : f32 to vector<40x128xf32>
    %add3A_77 = arith.addf %add3A_69, %add3A_76 : vector<40x128xf32>
    %abs3A_78 = math.absf %sub3A_74 : vector<40x128xf32>
    %neg3A_79 = arith.constant 0.000000e+00 : f32
    %neg3A_80 = vector.broadcast %neg3A_79 : f32 to vector<40x128xf32>
    %neg3A_81 = arith.subf %neg3A_80, %abs3A_78 : vector<40x128xf32>
    %exp3A_82 = math.exp %neg3A_81 : vector<40x128xf32>
    %log1p3A_83 = math.log1p %exp3A_82 : vector<40x128xf32>
    %add3A_84 = arith.addf %max3A_72, %log1p3A_83 : vector<40x128xf32>
    %select_n3A_85 = arith.select %ne3A_75, %add3A_77, %add3A_84 : vector<40x128xi1>, vector<40x128xf32>
    %sub3A_86 = arith.constant 0.693147182 : f32
    %sub3A_87 = vector.broadcast %sub3A_86 : f32 to vector<40x128xf32>
    %sub3A_88 = arith.subf %select_n3A_85, %sub3A_87 : vector<40x128xf32>
    %get3A_89 = arith.constant 0 : index
    %get3A_90 = arith.constant 0 : index
    %get3A_91 = vector.load %arg8[%get3A_89, %get3A_90] : memref<128x1xf32, #tpu.memory_space<vmem>>, vector<128x1xf32>
    %dot_general3A_92 = arith.constant dense<0.000000e+00> : vector<40x1xf32>
    %dot_general3A_93 = tpu.matmul %sub3A_88, %get3A_91, %dot_general3A_92 {dimension_numbers = #tpu.dot_dimension_numbers<[1], [0], [0], [1], [0, 0, 1, 1], [], []>, transpose_lhs_hint = false} : vector<40x128xf32>, vector<128x1xf32>, vector<40x1xf32> -> vector<40x1xf32>
    %get3A_94 = arith.constant 0 : index
    %get3A_95 = arith.constant 0 : index
    %get3A_96 = vector.load %arg9[%get3A_94, %get3A_95] : memref<1x1xf32, #tpu.memory_space<vmem>>, vector<1x1xf32>
    %get3A_97 = vector.shape_cast %get3A_96 : vector<1x1xf32> to vector<1xf32>
    %broadcast_in_dim3A_98 = vector.shape_cast %get3A_97 : vector<1xf32> to vector<1x1xf32>
    %add3A_99 = vector.broadcast %broadcast_in_dim3A_98 : vector<1x1xf32> to vector<40x1xf32>
    %add3A_100 = arith.addf %dot_general3A_93, %add3A_99 : vector<40x1xf32>
    %logistic3A = arith.negf %add3A_100 : vector<40x1xf32>
    %logistic3A_101 = math.exp %logistic3A : vector<40x1xf32>
    %logistic3A_102 = arith.constant 1.000000e+00 : f32
    %logistic3A_103 = vector.broadcast %logistic3A_102 : f32 to vector<40x1xf32>
    %logistic3A_104 = arith.addf %logistic3A_103, %logistic3A_101 : vector<40x1xf32>
    %logistic3A_105 = arith.divf %logistic3A_103, %logistic3A_104 : vector<40x1xf32>
    %swap3A = arith.constant 0 : index
    %swap3A_106 = arith.constant 0 : index
    %swap3A_107 = vector.load %arg10[%swap3A, %swap3A_106] : memref<40x1xf32, #tpu.memory_space<vmem>>, vector<40x1xf32>
    tpu.vector_store %arg10[%swap3A, %swap3A_106], %logistic3A_105 {strides = array<i32>} : memref<40x1xf32, #tpu.memory_space<vmem>>, vector<40x1xf32>,
    return
  }
}

</mosaic_0001>

<sc_bundles>
// kernel: kernel.14.cloned.1.call-start
scs
__scs_entry_jumppad:
0x0: {  	(pc) =	sbr.rel $0x88, $3  }
0x1: {  	(tag) =	ssettag $0x0;
	lr =	simm.s32 $0x1  }
0x2: {  	[smem:$0x3F8C] =	sst lr;
	_ =	strace $0xD0000000  }
0x3: {  	_ = 	snop  }
0x4: {  	_ = 	snop  }
0x5: {  	_ = 	snop  }
0x6: {  	_ = 	snop  }
0x7: {  	_ = 	snop  }
__scs_overlays_trampoline_lowered:
0x8: {  	[smem:$0x3F9B] =	sst s0  }
0x9: {  	[smem:$0x3F9C] =	sst s1  }
0xa: {  	[smem:$0x3F9D] =	sst s2  }
0xb: {  	[smem:$0x3F9E] =	sst s3  }
0xc: {  	[smem:$0x3F9F] =	sst s4  }
0xd: {  	[smem:$0x3FA0] =	sst s5  }
0xe: {  	[smem:$0x3FA1] =	sst s6  }
0xf: {  	[smem:$0x3FA2] =	sst s7  }
0x10: {  	[smem:$0x3FA3] =	sst s8  }
0x11: {  	[smem:$0x3FA4] =	sst s9;
	s0 =	simm.s32 @!p0 $0x0  }
0x12: {  	s1 =	sld [smem:$0x3F8A];
	s0 =	simm.s32 @p0 $0x1  }
0x13: {  	[smem:$0x3FA5] =	sst s0;
	s0 =	simm.s32 @!p1 $0x0  }
0x14: {  	s2 =	sld [smem:$0x3F89];
	s0 =	simm.s32 @p1 $0x1  }
0x15: {  	[smem:$0x3FA6] =	sst s0;
	s0 =	simm.s32 @!p2 $0x0  }
0x16: {  	s3 =	sld [smem:$0x3FDB];
	s0 =	simm.s32 @p2 $0x1  }
0x17: {  	s4 =	simm.s32 $0x1BF5;
	[smem:$0x3FA8] =	sst s0  }
0x18: {  	s0 =	sld [smem:$0x3F8B];
	_ =	swait.ge [sflag:s4], $0x0  }
0x19: {  	s7 =	sld [smem:$0x3F8C]  }
0x1a: {  	s8 =	sadd.s32 $0xFFFFE003, lr  }
0x1b: {  	s9 =	sadd.s32 $0xFFFFFEF7, lr;
	s5 =	simm.s32 $0xFFFFFFFF;
	p2 =	slt.u32 s8, $0xFFFFF086  }
0x1c: {  	p1 =	slt.u32 s9, $0xF7A;
	s5 =	simm.s32 @!p2 $0x0  }
0x1d: {  	s5 =	simm.s32 @p1 $0x1;
	p0 =	seq.s32 s7, s2  }
0x1e: {  	s7 =	smul.u32 @!p0 $0xF7A, s2;
	p2 =	seq.s32 @!p0 s5, $0x0  }
0x1f: {  	s9 =	smul.u32 $0xF7A, s1;
	s8 =	simm.s32 @!p0 $0x1BF5;
	p2 =	por !p2, p0  }
0x20: {  	[sflag:s8] =	ssyncset.s32 @!p0 $0xFFFFF086;
	s6 =	sadd.s32 @!p0 s3, s7;
	s7 =	simm.s32 @!p0 $0x108  }
0x21: {  	s3 =	sadd.s32 s3, s9;
	s6 =	sadd.s32 @!p0 $0x88, s6;
	s7 =	simm.s32 @p2 $0x1082  }
0x22: {  	[simem:s7], [sflag:s8] =	dma.local @!p0 [hbm:s6], $0xF7A  }
0x23: {  	s9 =	sor.u32 $0xD0000000, s2;
	s6 =	simm.s32 $0x108;
	_ =	swait.ge @!p0 [sflag:s8], $0x0  }
0x24: {  	s3 =	sadd.s32 $0x88, s3;
	s6 =	simm.s32 @!p1 $0x1082;
	[sflag:s4] =	ssyncset.s32 $0xFFFFF086  }
0x25: {  	[simem:s6], [sflag:s4] =	dma.local [hbm:s3], $0xF7A  }
0x26: {  	[smem:$0x3F8C] =	sst s1;
	(tag) =	ssettag s2;
	_ =	strace s9  }
0x27: {  	s1 =	sld [smem:$0x3F9C]  }
0x28: {  	s2 =	sld [smem:$0x3F9D]  }
0x29: {  	s4 =	sld [smem:$0x3F9F]  }
0x2a: {  	p0 =	seq.s32 s5, $0x0;
	s5 =	sld [smem:$0x3FA0]  }
0x2b: {  	s6 =	sld [smem:$0x3FA1]  }
0x2c: {  	s7 =	sld [smem:$0x3FA2]  }
0x2d: {  	s3 =	simm.s32 $0x108;
	s8 =	sld [smem:$0x3FA3]  }
0x2e: {  	s3 =	simm.s32 @!p0 $0x1082;
	s9 =	sld [smem:$0x3FA4]  }
0x2f: {  	lr =	sadd.s32 s0, s3;
	s0 =	sld [smem:$0x3F9B]  }
0x30: {  	s3 =	sld [smem:$0x3F9E]  }
0x31: {  	[smem:$0x3FA7] =	sst s10  }
0x32: {  	s10 =	sld [smem:$0x3FA5];
	_ =	sdelay $0x3  }
0x33: {  	p0 =	seq.s32 s10, $0x1;
	s10 =	sld [smem:$0x3FA7];
	_ =	sdelay $0x3  }
0x34: {  	[smem:$0x3FA7] =	sst s10  }
0x35: {  	s10 =	sld [smem:$0x3FA6];
	_ =	sdelay $0x3  }
0x36: {  	p1 =	seq.s32 s10, $0x1;
	s10 =	sld [smem:$0x3FA7];
	_ =	sdelay $0x3  }
0x37: {  	[smem:$0x3FA7] =	sst s10  }
0x38: {  	s10 =	sld [smem:$0x3FA8]  }
0x39: {  	_ = 	snop;
	(pc) =	sbr.ind lr, $3  }
0x3a: {  	_ = 	snop  }
0x3b: {  	_ = 	snop  }
0x3c: {  	p2 =	seq.s32 s10, $0x1;
	s10 =	sld [smem:$0x3FA7]  }
0x3d: {  	_ =	shalt  }
0x3e: {  	_ =	shalt  }
0x3f: {  	_ =	shalt  }
0x40: {  	_ =	shalt  }
0x41: {  	_ =	shalt  }
0x42: {  	_ =	shalt  }
0x43: {  	_ =	shalt  }
0x44: {  	_ =	shalt  }
0x45: {  	_ =	shalt  }
0x46: {  	_ =	shalt  }
0x47: {  	_ =	shalt  }
0x48: {  	_ =	shalt  }
0x49: {  	_ =	shalt  }
0x4a: {  	_ =	shalt  }
0x4b: {  	_ =	shalt  }
0x4c: {  	_ =	shalt  }
0x4d: {  	_ =	shalt  }
0x4e: {  	_ =	shalt  }
0x4f: {  	_ =	shalt  }
0x50: {  	_ =	shalt  }
0x51: {  	_ =	shalt  }
0x52: {  	_ =	shalt  }
0x53: {  	_ =	shalt  }
0x54: {  	_ =	shalt  }
0x55: {  	_ =	shalt  }
0x56: {  	_ =	shalt  }
0x57: {  	_ =	shalt  }
0x58: {  	_ =	shalt  }
0x59: {  	_ =	shalt  }
0x5a: {  	_ =	shalt  }
0x5b: {  	_ =	shalt  }
0x5c: {  	_ =	shalt  }
0x5d: {  	_ =	shalt  }
0x5e: {  	_ =	shalt  }
0x5f: {  	_ =	shalt  }
0x60: {  	_ =	shalt  }
0x61: {  	_ =	shalt  }
0x62: {  	_ =	shalt  }
0x63: {  	_ =	shalt  }
0x64: {  	_ =	shalt  }
0x65: {  	_ =	shalt  }
0x66: {  	_ =	shalt  }
0x67: {  	_ =	shalt  }
0x68: {  	_ =	shalt  }
0x69: {  	_ =	shalt  }
0x6a: {  	_ =	shalt  }
0x6b: {  	_ =	shalt  }
0x6c: {  	_ =	shalt  }
0x6d: {  	_ =	shalt  }
0x6e: {  	_ =	shalt  }
0x6f: {  	_ =	shalt  }
0x70: {  	_ =	shalt  }
0x71: {  	_ =	shalt  }
0x72: {  	_ =	shalt  }
0x73: {  	_ =	shalt  }
0x74: {  	_ =	shalt  }
0x75: {  	_ =	shalt  }
0x76: {  	_ =	shalt  }
0x77: {  	_ =	shalt  }
0x78: {  	_ =	shalt  }
0x79: {  	_ =	shalt  }
0x7a: {  	_ =	shalt  }
0x7b: {  	_ =	shalt  }
0x7c: {  	_ =	shalt  }
0x7d: {  	_ =	shalt  }
0x7e: {  	_ =	shalt  }
0x7f: {  	_ =	shalt  }
0x80: {  	_ =	shalt  }
0x81: {  	_ =	shalt  }
0x82: {  	_ =	shalt  }
0x83: {  	_ =	shalt  }
0x84: {  	_ =	shalt  }
0x85: {  	_ =	shalt  }
0x86: {  	_ =	shalt  }
0x87: {  	_ =	shalt  }
.Lfunc_end0:
.L_simem_size_0:
called_computation_lowered:
.L_overlay_start_0:
0x88: {  	s2 =	sld [smem:$0x3FD9]  }
0x89: {  	s3 =	sld [smem:$0x3FFE];
	_ =	sdelay $0x1  }
0x8a: {  	s1 =	srdreg.scid  }
0x8b: {  	s0 =	sand.u32 $0x1, s1  }
0x8c: {  	s16 =	sshll.u32 s0, $0xA;
	s2 =	sadd.s32 s3, s2  }
0x8d: {  	s2 =	sadd.s32 s2, s16  }
0x8e: {  	[smem:$0x3FB3] =	sst s2  }
0x8f: {  	_ = 	snop  }
0x90: {  	(tm) =	ssettm $0x1  }
0x91: {  	s17 =	sld [smem:$0x3FFB];
	_ =	sdelay $0x3  }
0x92: {  	_ =	strace s17  }
0x93: {  	s2 =	sld [smem:$0x3FFC];
	_ =	sdelay $0x3  }
0x94: {  	_ =	strace s2  }
0x95: {  	s2 =	sld [smem:$0x3FFD];
	_ =	sdelay $0x3  }
0x96: {  	_ =	strace s2  }
0x97: {  	_ =	strace $0x8FFFFFFF  }
0x98: {  	s18 =	sld [smem:$0x3FDB];
	_ =	sdelay $0x1  }
0x99: {  	s19 =	simm.s32 $_scs_section_size  }
0x9a: {  	s4 =	simm.s32 $_size__tile_overlayer_lowered;
	s5 =	simm.s32 $_tile_overlayer_lowered  }
0x9b: {  	s22 =	simm.s32 $0x1BFF;
	s21 =	sshll.u32 s5, $0x1;
	s2 =	sadd.s32 s19, s18  }
0x9c: {  	s6 =	simm.s32 $0x0;
	s20 =	sshll.u32 s4, $0x1;
	s4 =	sadd.s32 s21, s2  }
0x9d: {  	[timem:s6], [sflag:s22] =	dma.local [hbm:s4], s20  }
0x9e: {  	_ =	swait.ge [sflag:s22], s20  }
0x9f: {  	s3 =	ssub.s32 $0x0, s20;
	[sflag:s22] =	ssyncset.done $0x0  }
0xa0: {  	[sflag:s22] =	ssyncadd.s32 s3;
	_ =	sdelay $0x1  }
0xa1: {  	s23 =	simm.s32 $0x1B8B  }
0xa2: {  	_ =	swait.ge [sflag:s23], $0x1  }
0xa3: {  	[sflag:s23] =	ssyncset.done $0x0  }
0xa4: {  	s25 =	simm.s32 $0x1B8E;
	s24 =	sld [smem:$0x3FFE];
	[sflag:s23] =	ssyncadd.s32 $0xFFFFFFFF  }
0xa5: {  	s26 =	simm.s32 $execute0_lowered;
	[smem:$0x3FD2] =	sst s25  }
0xa6: {  	s4 =	sshll.u32 s26, $0x1;
	_ =	strace $0x80000046;
	[dreg:$0x1] =	wrdreg $0xFFFFFFFF  }
0xa7: {  	s28 =	simm.s32 $_size_execute0_lowered;
	s2 =	sadd.s32 s2, s4;
	[dreg:$0x0] =	wrdreg $0x0  }
0xa8: {  	s4 =	sshll.u32 s28, $0x1;
	[dreg:$0x2] =	wrdreg s2  }
0xa9: {  	[dreg:$0x3] =	wrdreg s4  }
0xaa: {  	[dreg:$0x4] =	wrdreg $0xC0  }
0xab: {  	_ =	task [dreg:s6], $0x5FFFF  }
0xac: {  	[dreg:$0x1] =	wrdreg $0xFFFFFFFF  }
0xad: {  	[dreg:$0x0] =	wrdreg $0x60  }
0xae: {  	[dreg:$0x2] =	wrdreg s24  }
0xaf: {  	[dreg:$0x3] =	wrdreg $0x9  }
0xb0: {  	_ =	task.clear_ibuf [dreg:s6], $0x4FFFF;
	_ =	strace $0x90000046  }
0xb1: {  	s29 =	simm.s32 $0x9;
	_ =	strace $0x80000048  }
0xb2: {  	_ =	swait.ge [sflag:s29], $0x1  }
0xb3: {  	[sflag:s29] =	ssyncadd.s32 $0xFFFFFFFF  }
0xb4: {  	_ =	strace $0x90000048  }
0xb5: {  	_ =	sfence  }
0xb6: {  	s30 =	sld [smem:$0x0];
	_ =	sdelay $0x2  }
0xb7: {  	s31 =	sshll.u32 s1, $0xD;
	s1 =	sshrl.u32 s1, $0x2  }
0xb8: {  	s3 =	sand.u32 $0x4000, s31;
	s1 =	sadd.s32 s1, s30  }
0xb9: {  	s0 =	sor.u32 s3, s0;
	s1 =	sshll.u32 s1, $0x11  }
0xba: {  	s0 =	sor.u32 s1, s0  }
0xbb: {  	s0 =	sadd.s32 $0x8F2B, s0  }
0xbc: {  	[sflag:s0] =	ssyncadd.remote.s32 $0x1  }
0xbd: {  	_ =	sfence.sel $0xFFFF  }
0xbe: {  	[dreg:$0x0] =	wrdreg $0xFFFFFFFF;
	(pc) =	sbr.abs _section_cstart, $3  }
0xbf: {  	[dreg:$0x1] =	wrdreg $0xFFFFFFFF  }
0xc0: {  	_ =	task.clear_ibuf [dreg:s6], $0x2FFFF;
	_ =	strace $0x9FFFFFFF  }
0xc1: {  	(tm) =	ssettm $0x7FFFFFFF  }
tec
execute0_lowered:
.L_overlay_start_1:
0x0: {  	(tag) =	ssettag $0x1  }
0x1: {  	s1 =	srdreg.scid  }
0x2: {  	s0 =	stileid.u32;
	s4 =	rddreg [dreg:$0x0];
	s2 =	simm.s32 $0x0  }
0x3: {  	s9 =	simm.s32 $0x7530;
	s3 =	sand.u32 $0x1, s1;
	s5 =	sshll.u32 s0, $0x1  }
0x4: {  	s10 =	simm.s32 $0x9C40;
	s11 =	simm.s32 $0xC350;
	s5 =	sor.u32 s3, s5  }
0x5: {  	s1 =	rddreg [dreg:$0x1];
	s6 =	ssub.s32 $0x2, s3;
	s5 =	smul.u32 $0x4E2, s5  }
0x6: {  	s12 =	simm.s32 $0x0;
	[smem:$0x7FF] =	sst s2;
	s7 =	sshrl.u32 s6, $0x1  }
0x7: {  	_ =	strace $0x80000047;
	s7 =	ssub.s32 s6, s7;
	s8 =	sadd.s32 s5, s4  }
0x8: {  	s3 =	sadd.s32 $0x5400, s4;
	s7 =	smax.u32 s7, $0x1;
	s4 =	sadd.s32 $0x10200, s8  }
0x9: {  	s5 =	sadd.s32 $0x6400, s8;
	s6 =	sadd.s32 $0x1A000, s8;
	s8 =	simm.s32 $0x1  }
.LBB2_1:
0xa: {  	[tilespmem:s2], [sflag:$0x1] =	stream.linear.gather [hbm4b:s3+s2], $0x7530, $0x38;
	[tilespmem:$0xEA60] =	vst v63  }
0xb: {  	_ =	swait.ge [sflag:s8], $0x7530  }
0xc: {  	[sflag:s8] =	ssyncset.done $0x0  }
0xd: {  	[sflag:s8] =	ssyncadd.s32 $0xFFFF8AD0  }
0xe: {  	[tilespmem:s9], [sflag:$0x1] =	stream.linear.gather [hbm4b:s4+s2], $0x2710, $0x38;
	[tilespmem:$0xEA60] =	vst v63  }
0xf: {  	_ =	swait.ge [sflag:s8], $0x2710  }
0x10: {  	[sflag:s8] =	ssyncset.done $0x0  }
0x11: {  	[sflag:s8] =	ssyncadd.s32 $0xFFFFD8F0  }
0x12: {  	[tilespmem:s10], [sflag:$0x1] =	stream.linear.gather [hbm4b:s5+s2], $0x2710, $0x38;
	[tilespmem:$0xEA60] =	vst v63  }
0x13: {  	_ =	swait.ge [sflag:s8], $0x2710  }
0x14: {  	[sflag:s8] =	ssyncset.done $0x0  }
0x15: {  	s13 =	simm.s32 $0x0;
	[sflag:s8] =	ssyncadd.s32 $0xFFFFD8F0  }
0x16: {  	v0 =	vld [tilespmem:s13+$0x9C40]  }
0x17: {  	v1 =	vld [tilespmem:s13+$0x7530];
	_ =	sdelay $0x3  }
0x18: {  	v2 =	vmul.u32 $0x3, v0  }
0x19: {  	v1 =	vmul.u32 $0x3, v1;
	_ =	sdelay $0x1  }
0x1a: {  	v3 =	vadd.s32 $0x1, v1  }
0x1b: {  	v4 =	vadd.s32 $0x1, v2  }
0x1c: {  	v6 =	vadd.s32 $0x2, v1  }
0x1d: {  	v7 =	vadd.s32 $0x2, v2;
	v0 =	vld.idx.msk [tilespmem:v2+s2+$0x0], $0xffff  }
0x1e: {  	v2 =	vld.idx.msk [tilespmem:v1+s2+$0x0], $0xffff  }
0x1f: {  	v3 =	vld.idx.msk [tilespmem:v3+s2+$0x0], $0xffff  }
0x20: {  	v5 =	vld.idx.msk [tilespmem:v4+s2+$0x0], $0xffff  }
0x21: {  	v1 =	vld.idx.msk [tilespmem:v6+s2+$0x0], $0xffff  }
0x22: {  	s14 =	simm.s32 $0x10;
	v4 =	vld.idx.msk [tilespmem:v7+s2+$0x0], $0xffff  }
0x23: {  	v6 =	vld [tilespmem:s14+$0x9C40]  }
0x24: {  	s15 =	simm.s32 $0x80;
	v7 =	vld [tilespmem:s14+$0x7530]  }
.LBB2_2:
0x25: {  	p0 =	sne.s32 s15, $0x9C00;
	v0 =	vsub.f32 v2, v0;
	v2 =	vsub.f32 v3, v5;
	_ =	sdelay $0x1  }
0x26: {  	v1 =	vsub.f32 v1, v4;
	v0 =	vmul.f32 v0, v0;
	v2 =	vmul.f32 v2, v2  }
0x27: {  	v3 =	vmul.u32 $0x3, v6  }
0x28: {  	v1 =	vmul.f32 v1, v1;
	v4 =	vmul.u32 $0x3, v7;
	v0 =	vadd.f32 v2, v0;
	_ =	sdelay $0x1  }
0x29: {  	v5 =	vadd.s32 $0x1, v4;
	v0 =	vadd.f32 v1, v0  }
0x2a: {  	v1 =	vadd.s32 $0x1, v3  }
0x2b: {  	v6 =	vadd.s32 $0x2, v4;
	[tilespmem:s13+$0xC350] =	vst v0;
	s13 =	smov.u32 s14  }
0x2c: {  	v7 =	vadd.s32 $0x2, v3;
	v0 =	vld.idx.msk [tilespmem:v3+s2+$0x0], $0xffff  }
0x2d: {  	v2 =	vld.idx.msk [tilespmem:v4+s2+$0x0], $0xffff  }
0x2e: {  	v3 =	vld.idx.msk [tilespmem:v5+s2+$0x0], $0xffff  }
0x2f: {  	v5 =	vld.idx.msk [tilespmem:v1+s2+$0x0], $0xffff  }
.Ltmp0:
0x30: {  	v1 =	vld.idx.msk [tilespmem:v6+s2+$0x0], $0xffff;
	(pc) =	sbr.rel @p0 .LBB2_2-.Ltmp0, $4  }
0x31: {  	v4 =	vld.idx.msk [tilespmem:v7+s2+$0x0], $0xffff  }
0x32: {  	s14 =	sshra.s32 s15, $0x2  }
0x33: {  	v6 =	vld [tilespmem:s14+$0x9C40]  }
0x34: {  	s15 =	sadd.s32 $0x40, s15;
	v7 =	vld [tilespmem:s14+$0x7530]  }
0x35: {  	v0 =	vsub.f32 v2, v0;
	v56 =	vsub.f32 v3, v5;
	_ =	sdelay $0x1  }
0x36: {  	v1 =	vsub.f32 v1, v4;
	v0 =	vmul.f32 v0, v0;
	v2 =	vmul.f32 v56, v56  }
0x37: {  	v57 =	vmul.u32 $0x3, v6  }
0x38: {  	v1 =	vmul.f32 v1, v1;
	v58 =	vmul.u32 $0x3, v7;
	v0 =	vadd.f32 v2, v0;
	_ =	sdelay $0x1  }
0x39: {  	v60 =	vadd.s32 $0x1, v57;
	v0 =	vadd.f32 v1, v0  }
0x3a: {  	v59 =	vadd.s32 $0x1, v58  }
0x3b: {  	v3 =	vadd.s32 $0x2, v57;
	[tilespmem:s13+$0xC350] =	vst v0  }
0x3c: {  	v61 =	vadd.s32 $0x2, v58;
	v0 =	vld.idx.msk [tilespmem:v57+s2+$0x0], $0xffff  }
0x3d: {  	v4 =	vld.idx.msk [tilespmem:v58+s2+$0x0], $0xffff  }
0x3e: {  	v1 =	vld.idx.msk [tilespmem:v60+s2+$0x0], $0xffff  }
0x3f: {  	v2 =	vld.idx.msk [tilespmem:v59+s2+$0x0], $0xffff  }
0x40: {  	v3 =	vld.idx.msk [tilespmem:v3+s2+$0x0], $0xffff  }
0x41: {  	v5 =	vld.idx.msk [tilespmem:v61+s2+$0x0], $0xffff;
	_ =	sdelay $0x2  }
0x42: {  	v0 =	vsub.f32 v4, v0;
	v1 =	vsub.f32 v2, v1;
	_ =	sdelay $0x1  }
0x43: {  	v62 =	vsub.f32 v5, v3;
	v0 =	vmul.f32 v0, v0;
	v1 =	vmul.f32 v1, v1;
	_ =	sdelay $0x1  }
0x44: {  	v63 =	vmul.f32 v62, v62;
	v0 =	vadd.f32 v1, v0;
	_ =	sdelay $0x1  }
0x45: {  	s12 =	sadd.s32 $0x1, s12;
	v0 =	vadd.f32 v63, v0  }
0x46: {  	p0 =	sne.s32 s12, s7  }
.Ltmp1:
0x47: {  	[tilespmem:s14+$0xC350] =	vst v0;
	(pc) =	sbr.rel @p0 .LBB2_1-.Ltmp1, $4  }
0x48: {  	[hbm4b:s6+s2] =	stream.linear.scatter [tilespmem:s11], [sflag:$0x1], $0x2710, $0x38;
	[tilespmem:$0xEA60] =	vst v63  }
0x49: {  	_ =	swait.ge [sflag:s8], $0x2710  }
0x4a: {  	[sflag:s8] =	ssyncset.done $0x0  }
0x4b: {  	[sflag:s8] =	ssyncadd.s32 $0xFFFFD8F0  }
0x4c: {  	_ =	sfence.sel $0x180000  }
0x4d: {  	[bflag:$0x0] =	sbarrier.arrive $0xFFFF  }
0x4e: {  	p0 =	sne.s32 s0, $0x0;
	_ =	strace $0x90000047  }
0x4f: {  	s0 =	sadd.s32 @!p0 $0x100000, s1;
	[bflag:$0x2] =	sbarrier.arrive $0xFFFF  }
0x50: {  	[sflag:s0] =	ssyncadd.tile.s32 @!p0 $0x1;
	_ =	shalt  }
.Lfunc_end2:
_tile_overlayer_lowered:
.L_overlay_start_2:
0x51: {  	(tag) =	ssettag $0x2  }
0x52: {  	s0 =	rddreg [dreg:$0x0];
	s2 =	stileid.u32  }
0x53: {  	s1 =	rddreg [dreg:$0x1];
	p0 =	sne.s32 s2, $0x0  }
0x54: {  	s3 =	rddreg [dreg:$0x2];
	[bflag:$0x3] =	sbarrier.arrive $0xFFFF;
	s2 =	simm.s32 @!p0 $0x1C01  }
0x55: {  	[timem:s3], [sflag:s2] =	dma.local @!p0 [hbm:s0], s1  }
0x56: {  	s0 =	simm.s32 @!p0 $0x1  }
0x57: {  	_ =	swait.ge @!p0 [sflag:s0], s1  }
0x58: {  	s1 =	ssub.s32 @!p0 $0x0, s1;
	[sflag:s0] =	ssyncset.done @!p0 $0x0  }
0x59: {  	[sflag:s0] =	ssyncadd.s32 @!p0 s1  }
0x5a: {  	[bflag:$0x3] =	sbarrier.arrive $0xFFFF  }
0x5b: {  	_ =	shalt  }

// kernel: kernel.17.cloned.1.call-start
scs
__scs_entry_jumppad:
0x0: {  	(pc) =	sbr.rel $0x88, $3  }
0x1: {  	(tag) =	ssettag $0x0;
	lr =	simm.s32 $0x1  }
0x2: {  	[smem:$0x3F8C] =	sst lr;
	_ =	strace $0xD0000000  }
0x3: {  	_ = 	snop  }
0x4: {  	_ = 	snop  }
0x5: {  	_ = 	snop  }
0x6: {  	_ = 	snop  }
0x7: {  	_ = 	snop  }
__scs_overlays_trampoline_lowered:
0x8: {  	[smem:$0x3F9B] =	sst s0  }
0x9: {  	[smem:$0x3F9C] =	sst s1  }
0xa: {  	[smem:$0x3F9D] =	sst s2  }
0xb: {  	[smem:$0x3F9E] =	sst s3  }
0xc: {  	[smem:$0x3F9F] =	sst s4  }
0xd: {  	[smem:$0x3FA0] =	sst s5  }
0xe: {  	[smem:$0x3FA1] =	sst s6  }
0xf: {  	[smem:$0x3FA2] =	sst s7  }
0x10: {  	[smem:$0x3FA3] =	sst s8  }
0x11: {  	[smem:$0x3FA4] =	sst s9;
	s0 =	simm.s32 @!p0 $0x0  }
0x12: {  	s1 =	sld [smem:$0x3F8A];
	s0 =	simm.s32 @p0 $0x1  }
0x13: {  	[smem:$0x3FA5] =	sst s0;
	s0 =	simm.s32 @!p1 $0x0  }
0x14: {  	s2 =	sld [smem:$0x3F89];
	s0 =	simm.s32 @p1 $0x1  }
0x15: {  	[smem:$0x3FA6] =	sst s0;
	s0 =	simm.s32 @!p2 $0x0  }
0x16: {  	s3 =	sld [smem:$0x3FDB];
	s0 =	simm.s32 @p2 $0x1  }
0x17: {  	s4 =	simm.s32 $0x1BF5;
	[smem:$0x3FA8] =	sst s0  }
0x18: {  	s0 =	sld [smem:$0x3F8B];
	_ =	swait.ge [sflag:s4], $0x0  }
0x19: {  	s7 =	sld [smem:$0x3F8C]  }
0x1a: {  	s8 =	sadd.s32 $0xFFFFE003, lr  }
0x1b: {  	s9 =	sadd.s32 $0xFFFFFEF7, lr;
	s5 =	simm.s32 $0xFFFFFFFF;
	p2 =	slt.u32 s8, $0xFFFFF086  }
0x1c: {  	p1 =	slt.u32 s9, $0xF7A;
	s5 =	simm.s32 @!p2 $0x0  }
0x1d: {  	s5 =	simm.s32 @p1 $0x1;
	p0 =	seq.s32 s7, s2  }
0x1e: {  	s7 =	smul.u32 @!p0 $0xF7A, s2;
	p2 =	seq.s32 @!p0 s5, $0x0  }
0x1f: {  	s9 =	smul.u32 $0xF7A, s1;
	s8 =	simm.s32 @!p0 $0x1BF5;
	p2 =	por !p2, p0  }
0x20: {  	[sflag:s8] =	ssyncset.s32 @!p0 $0xFFFFF086;
	s6 =	sadd.s32 @!p0 s3, s7;
	s7 =	simm.s32 @!p0 $0x108  }
0x21: {  	s3 =	sadd.s32 s3, s9;
	s6 =	sadd.s32 @!p0 $0x88, s6;
	s7 =	simm.s32 @p2 $0x1082  }
0x22: {  	[simem:s7], [sflag:s8] =	dma.local @!p0 [hbm:s6], $0xF7A  }
0x23: {  	s9 =	sor.u32 $0xD0000000, s2;
	s6 =	simm.s32 $0x108;
	_ =	swait.ge @!p0 [sflag:s8], $0x0  }
0x24: {  	s3 =	sadd.s32 $0x88, s3;
	s6 =	simm.s32 @!p1 $0x1082;
	[sflag:s4] =	ssyncset.s32 $0xFFFFF086  }
0x25: {  	[simem:s6], [sflag:s4] =	dma.local [hbm:s3], $0xF7A  }
0x26: {  	[smem:$0x3F8C] =	sst s1;
	(tag) =	ssettag s2;
	_ =	strace s9  }
0x27: {  	s1 =	sld [smem:$0x3F9C]  }
0x28: {  	s2 =	sld [smem:$0x3F9D]  }
0x29: {  	s4 =	sld [smem:$0x3F9F]  }
0x2a: {  	p0 =	seq.s32 s5, $0x0;
	s5 =	sld [smem:$0x3FA0]  }
0x2b: {  	s6 =	sld [smem:$0x3FA1]  }
0x2c: {  	s7 =	sld [smem:$0x3FA2]  }
0x2d: {  	s3 =	simm.s32 $0x108;
	s8 =	sld [smem:$0x3FA3]  }
0x2e: {  	s3 =	simm.s32 @!p0 $0x1082;
	s9 =	sld [smem:$0x3FA4]  }
0x2f: {  	lr =	sadd.s32 s0, s3;
	s0 =	sld [smem:$0x3F9B]  }
0x30: {  	s3 =	sld [smem:$0x3F9E]  }
0x31: {  	[smem:$0x3FA7] =	sst s10  }
0x32: {  	s10 =	sld [smem:$0x3FA5];
	_ =	sdelay $0x3  }
0x33: {  	p0 =	seq.s32 s10, $0x1;
	s10 =	sld [smem:$0x3FA7];
	_ =	sdelay $0x3  }
0x34: {  	[smem:$0x3FA7] =	sst s10  }
0x35: {  	s10 =	sld [smem:$0x3FA6];
	_ =	sdelay $0x3  }
0x36: {  	p1 =	seq.s32 s10, $0x1;
	s10 =	sld [smem:$0x3FA7];
	_ =	sdelay $0x3  }
0x37: {  	[smem:$0x3FA7] =	sst s10  }
0x38: {  	s10 =	sld [smem:$0x3FA8]  }
0x39: {  	_ = 	snop;
	(pc) =	sbr.ind lr, $3  }
0x3a: {  	_ = 	snop  }
0x3b: {  	_ = 	snop  }
0x3c: {  	p2 =	seq.s32 s10, $0x1;
	s10 =	sld [smem:$0x3FA7]  }
0x3d: {  	_ =	shalt  }
0x3e: {  	_ =	shalt  }
0x3f: {  	_ =	shalt  }
0x40: {  	_ =	shalt  }
0x41: {  	_ =	shalt  }
0x42: {  	_ =	shalt  }
0x43: {  	_ =	shalt  }
0x44: {  	_ =	shalt  }
0x45: {  	_ =	shalt  }
0x46: {  	_ =	shalt  }
0x47: {  	_ =	shalt  }
0x48: {  	_ =	shalt  }
0x49: {  	_ =	shalt  }
0x4a: {  	_ =	shalt  }
0x4b: {  	_ =	shalt  }
0x4c: {  	_ =	shalt  }
0x4d: {  	_ =	shalt  }
0x4e: {  	_ =	shalt  }
0x4f: {  	_ =	shalt  }
0x50: {  	_ =	shalt  }
0x51: {  	_ =	shalt  }
0x52: {  	_ =	shalt  }
0x53: {  	_ =	shalt  }
0x54: {  	_ =	shalt  }
0x55: {  	_ =	shalt  }
0x56: {  	_ =	shalt  }
0x57: {  	_ =	shalt  }
0x58: {  	_ =	shalt  }
0x59: {  	_ =	shalt  }
0x5a: {  	_ =	shalt  }
0x5b: {  	_ =	shalt  }
0x5c: {  	_ =	shalt  }
0x5d: {  	_ =	shalt  }
0x5e: {  	_ =	shalt  }
0x5f: {  	_ =	shalt  }
0x60: {  	_ =	shalt  }
0x61: {  	_ =	shalt  }
0x62: {  	_ =	shalt  }
0x63: {  	_ =	shalt  }
0x64: {  	_ =	shalt  }
0x65: {  	_ =	shalt  }
0x66: {  	_ =	shalt  }
0x67: {  	_ =	shalt  }
0x68: {  	_ =	shalt  }
0x69: {  	_ =	shalt  }
0x6a: {  	_ =	shalt  }
0x6b: {  	_ =	shalt  }
0x6c: {  	_ =	shalt  }
0x6d: {  	_ =	shalt  }
0x6e: {  	_ =	shalt  }
0x6f: {  	_ =	shalt  }
0x70: {  	_ =	shalt  }
0x71: {  	_ =	shalt  }
0x72: {  	_ =	shalt  }
0x73: {  	_ =	shalt  }
0x74: {  	_ =	shalt  }
0x75: {  	_ =	shalt  }
0x76: {  	_ =	shalt  }
0x77: {  	_ =	shalt  }
0x78: {  	_ =	shalt  }
0x79: {  	_ =	shalt  }
0x7a: {  	_ =	shalt  }
0x7b: {  	_ =	shalt  }
0x7c: {  	_ =	shalt  }
0x7d: {  	_ =	shalt  }
0x7e: {  	_ =	shalt  }
0x7f: {  	_ =	shalt  }
0x80: {  	_ =	shalt  }
0x81: {  	_ =	shalt  }
0x82: {  	_ =	shalt  }
0x83: {  	_ =	shalt  }
0x84: {  	_ =	shalt  }
0x85: {  	_ =	shalt  }
0x86: {  	_ =	shalt  }
0x87: {  	_ =	shalt  }
.Lfunc_end0:
.L_simem_size_0:
called_computation.1_lowered:
.L_overlay_start_0:
0x88: {  	s2 =	sld [smem:$0x3FD9]  }
0x89: {  	s3 =	sld [smem:$0x3FFE];
	_ =	sdelay $0x1  }
0x8a: {  	s1 =	srdreg.scid  }
0x8b: {  	s0 =	sand.u32 $0x1, s1  }
0x8c: {  	s16 =	sshll.u32 s0, $0xA;
	s2 =	sadd.s32 s3, s2  }
0x8d: {  	s2 =	sadd.s32 s2, s16  }
0x8e: {  	[smem:$0x3FB3] =	sst s2  }
0x8f: {  	_ = 	snop  }
0x90: {  	(tm) =	ssettm $0x1  }
0x91: {  	s17 =	sld [smem:$0x3FFB];
	_ =	sdelay $0x3  }
0x92: {  	_ =	strace s17  }
0x93: {  	s2 =	sld [smem:$0x3FFC];
	_ =	sdelay $0x3  }
0x94: {  	_ =	strace s2  }
0x95: {  	s2 =	sld [smem:$0x3FFD];
	_ =	sdelay $0x3  }
0x96: {  	_ =	strace s2  }
0x97: {  	_ =	strace $0x8FFFFFFF  }
0x98: {  	s18 =	sld [smem:$0x3FDB];
	_ =	sdelay $0x1  }
0x99: {  	s19 =	simm.s32 $_scs_section_size  }
0x9a: {  	s4 =	simm.s32 $_size__tile_overlayer_lowered;
	s5 =	simm.s32 $_tile_overlayer_lowered  }
0x9b: {  	s22 =	simm.s32 $0x1BFF;
	s21 =	sshll.u32 s5, $0x1;
	s2 =	sadd.s32 s19, s18  }
0x9c: {  	s6 =	simm.s32 $0x0;
	s20 =	sshll.u32 s4, $0x1;
	s4 =	sadd.s32 s21, s2  }
0x9d: {  	[timem:s6], [sflag:s22] =	dma.local [hbm:s4], s20  }
0x9e: {  	_ =	swait.ge [sflag:s22], s20  }
0x9f: {  	s3 =	ssub.s32 $0x0, s20;
	[sflag:s22] =	ssyncset.done $0x0  }
0xa0: {  	[sflag:s22] =	ssyncadd.s32 s3;
	_ =	sdelay $0x1  }
0xa1: {  	s23 =	simm.s32 $0x1B8B  }
0xa2: {  	_ =	swait.ge [sflag:s23], $0x1  }
0xa3: {  	[sflag:s23] =	ssyncset.done $0x0  }
0xa4: {  	s25 =	simm.s32 $0x1B8E;
	s24 =	sld [smem:$0x3FFE];
	[sflag:s23] =	ssyncadd.s32 $0xFFFFFFFF  }
0xa5: {  	s26 =	simm.s32 $execute0_lowered;
	[smem:$0x3FD2] =	sst s25  }
0xa6: {  	s4 =	sshll.u32 s26, $0x1;
	_ =	strace $0x80000049;
	[dreg:$0x1] =	wrdreg $0xFFFFFFFF  }
0xa7: {  	s28 =	simm.s32 $_size_execute0_lowered;
	s2 =	sadd.s32 s2, s4;
	[dreg:$0x0] =	wrdreg $0x0  }
0xa8: {  	s4 =	sshll.u32 s28, $0x1;
	[dreg:$0x2] =	wrdreg s2  }
0xa9: {  	[dreg:$0x3] =	wrdreg s4  }
0xaa: {  	[dreg:$0x4] =	wrdreg $0xC0  }
0xab: {  	_ =	task [dreg:s6], $0x5FFFF  }
0xac: {  	[dreg:$0x1] =	wrdreg $0xFFFFFFFF  }
0xad: {  	[dreg:$0x0] =	wrdreg $0x60  }
0xae: {  	[dreg:$0x2] =	wrdreg s24  }
0xaf: {  	[dreg:$0x3] =	wrdreg $0x0  }
0xb0: {  	[dreg:$0x4] =	wrdreg $0x9  }
0xb1: {  	_ =	task.clear_ibuf [dreg:s6], $0x5FFFF;
	_ =	strace $0x90000049  }
0xb2: {  	s29 =	simm.s32 $0x9;
	_ =	strace $0x8000004B  }
0xb3: {  	_ =	swait.ge [sflag:s29], $0x1  }
0xb4: {  	[sflag:s29] =	ssyncadd.s32 $0xFFFFFFFF  }
0xb5: {  	_ =	strace $0x9000004B  }
0xb6: {  	_ =	sfence  }
0xb7: {  	s30 =	sld [smem:$0x0];
	_ =	sdelay $0x2  }
0xb8: {  	s31 =	sshll.u32 s1, $0xD;
	s1 =	sshrl.u32 s1, $0x2  }
0xb9: {  	s3 =	sand.u32 $0x4000, s31;
	s1 =	sadd.s32 s1, s30  }
0xba: {  	s0 =	sor.u32 s3, s0;
	s1 =	sshll.u32 s1, $0x11  }
0xbb: {  	s0 =	sor.u32 s1, s0  }
0xbc: {  	s0 =	sadd.s32 $0x8F2B, s0  }
0xbd: {  	[sflag:s0] =	ssyncadd.remote.s32 $0x1  }
0xbe: {  	_ =	sfence.sel $0xFFFF  }
0xbf: {  	[dreg:$0x0] =	wrdreg $0xFFFFFFFF;
	(pc) =	sbr.abs _section_cstart, $3  }
0xc0: {  	[dreg:$0x1] =	wrdreg $0xFFFFFFFF  }
0xc1: {  	_ =	task.clear_ibuf [dreg:s6], $0x2FFFF;
	_ =	strace $0x9FFFFFFF  }
0xc2: {  	(tm) =	ssettm $0x7FFFFFFF  }
0xc3: {  	_ =	shalt  }
tec
execute0_lowered:
.L_overlay_start_1:
0x0: {  	(tag) =	ssettag $0x1  }
0x1: {  	s0 =	srdreg.scid  }
0x2: {  	s14 =	stileid.u32;
	s1 =	rddreg [dreg:$0x0]  }
0x3: {  	s2 =	rddreg [dreg:$0x1];
	s15 =	simm.s32 $0x7;
	s28 =	simm.s32 $0x3  }
0x4: {  	s29 =	simm.s32 $0x2;
	s30 =	simm.s32 $0x4;
	s31 =	simm.s32 $0x14E60  }
0x5: {  	s0 =	sand.u32 $0x1, s0;
	s3 =	sshll.u32 s14, $0x1;
	s8 =	smul.u32 $0x13880, s14  }
0x6: {  	s4 =	sadd.s32 $0x24A00, s1;
	s9 =	sadd.s32 $0x39200, s1;
	s25 =	smul.u32 $0x27100, s14  }
0x7: {  	s10 =	sshrl.u32 s14, $0x3;
	s14 =	simm.s32 $0x13A60;
	s7 =	smul.u32 $0x138800, s0  }
0x8: {  	s6 =	sor.u32 s0, s3;
	s3 =	simm.s32 $0x0;
	s16 =	smul.u32 $0xFFFD8F00, s10  }
0x9: {  	s0 =	ssub.s32 $0x2, s0;
	p0 =	seq.s32 s10, $0x0;
	s5 =	smul.u32 $0x4E2, s6  }
0xa: {  	[smem:$0x7FF] =	sst s3;
	s11 =	smul.u32 $0x2710, s6;
	s18 =	sshrl.u32 s0, $0x1  }
0xb: {  	s23 =	smul.u32 $0x27100, s6;
	s26 =	sshrl.u32 s25, $0x2;
	s25 =	simm.s32 $0x12660  }
0xc: {  	_ =	strace $0x8000004A;
	s7 =	sadd.s32 s8, s7;
	s0 =	ssub.s32 s0, s18  }
0xd: {  	s8 =	sadd.s32 $0x39208, s1;
	s18 =	simm.s32 $0x50;
	s12 =	sadd.s32 s5, s1  }
0xe: {  	s17 =	sshrl.u32 s7, $0x4;
	s5 =	sadd.s32 s16, s11;
	s0 =	smax.u32 s0, $0x1  }
0xf: {  	s13 =	sadd.s32 s17, s1;
	s19 =	sadd.s32 $0x10200, s12;
	s20 =	sadd.s32 $0x6400, s12  }
0x10: {  	s21 =	sshll.u32 s5, $0x4;
	s1 =	sadd.s32 s9, s23;
	[dreg:$0x7] =	wrdreg s0  }
0x11: {  	s12 =	sadd.s32 s26, s2;
	s26 =	simm.s32 $0x1;
	[dreg:$0x3] =	wrdreg s19  }
0x12: {  	[dreg:$0x4] =	wrdreg s20;
	s22 =	sand.u32 $0x1FFFFF00, s21;
	s24 =	sadd.s32 $0x500, s21  }
0x13: {  	s13 =	sadd.s32 $0x2AA200, s13;
	s19 =	simm.s32 $0xEA60;
	s20 =	simm.s32 $0x40  }
0x14: {  	s21 =	simm.s32 $0x80;
	s10 =	sadd.s32 s22, s8;
	s6 =	sand.u32 $0x1FFFFF00, s24  }
0x15: {  	s11 =	sadd.s32 s6, s8;
	s6 =	sadd.s32 $0x500, s1;
	s10 =	smov.u32 @p0 s1  }
0x16: {  	s22 =	simm.s32 $0x11260;
	[dreg:$0x5] =	wrdreg s10;
	s11 =	smov.u32 @p0 s6  }
0x17: {  	v0 =	vimm.bf16 $0.0e+00;
	s8 =	smov.u32 @p0 s9;
	s1 =	simm.s32 $0x0;
	[dreg:$0x6] =	wrdreg s11  }
.LBB2_1:
0x18: {  	[dreg:$0x8] =	wrdreg s1;
	s0 =	simm.s32 $0x0  }
.LBB2_2:
0x19: {  	p0 =	sne.s32 s0, $0x1800  }
.Ltmp0:
0x1a: {  	s1 =	sshra.s32 s0, $0x2;
	(pc) =	sbr.rel @p0 .LBB2_2-.Ltmp0, $4  }
0x1b: {  	[tilespmem:s1+$0x13A60] =	vst v0  }
0x1c: {  	[tilespmem:s1+$0x13A70] =	vst v0  }
0x1d: {  	[tilespmem:s1+$0x13A80] =	vst v0  }
0x1e: {  	s0 =	sadd.s32 $0x100, s0;
	[tilespmem:s1+$0x13A90] =	vst v0  }
0x1f: {  	s0 =	sadd.s32 $0x0, s12  }
0x20: {  	[spmem:s0] =	stream.linear.scatter [tilespmem:s14], [sflag:$0x7], $0x640, $0x38;
	[tilespmem:$0x16260] =	vst v63  }
0x21: {  	s0 =	simm.s32 $0x1900;
	_ =	swait.ge [sflag:s15], $0x640  }
.LBB2_4:
0x22: {  	s1 =	sshra.s32 s0, $0x2;
	[sflag:s15] =	ssyncset.done $0x0;
	p0 =	sne.s32 s0, $0x25800  }
.Ltmp1:
0x23: {  	s1 =	sadd.s32 s1, s12;
	[sflag:s15] =	ssyncadd.s32 $0xFFFFF9C0;
	(pc) =	sbr.rel @p0 .LBB2_4-.Ltmp1, $3  }
0x24: {  	[spmem:s1] =	stream.linear.scatter [tilespmem:s14], [sflag:$0x7], $0x640, $0x38;
	[tilespmem:$0x16260] =	vst v63  }
0x25: {  	s0 =	sadd.s32 $0x1900, s0;
	_ =	sdelay $0x1  }
0x26: {  	_ =	swait.ge [sflag:s15], $0x640  }
0x27: {  	[sflag:s15] =	ssyncset.done $0x0;
	s0 =	simm.s32 $0x0  }
0x28: {  	s1 =	rddreg [dreg:$0x3];
	s6 =	simm.s32 $0x9C40;
	[sflag:s15] =	ssyncadd.s32 $0xFFFFF9C0  }
0x29: {  	[tilespmem:s6], [sflag:$0x7] =	stream.linear.gather [hbm4b:s1+s0], $0x2710, $0x38;
	[tilespmem:$0x16260] =	vst v63  }
0x2a: {  	_ =	swait.ge [sflag:s15], $0x2710  }
0x2b: {  	[sflag:s15] =	ssyncset.done $0x0  }
0x2c: {  	s11 =	simm.s32 $0xC350;
	s10 =	rddreg [dreg:$0x4];
	[sflag:s15] =	ssyncadd.s32 $0xFFFFD8F0  }
0x2d: {  	[tilespmem:s11], [sflag:$0x7] =	stream.linear.gather [hbm4b:s10+s0], $0x2710, $0x38;
	[tilespmem:$0x16260] =	vst v63  }
0x2e: {  	_ =	swait.ge [sflag:s15], $0x2710  }
0x2f: {  	[sflag:s15] =	ssyncset.done $0x0  }
0x30: {  	[sflag:s15] =	ssyncadd.s32 $0xFFFFD8F0  }
0x31: {  	[bflag:$0x0] =	sbarrier.arrive $0xFFFF  }
0x32: {  	[tilespmem:s19], [sflag:$0x1] =	stream.indirect.gather [hbm4b:s4+s18], $0x40, s11, s18, $0xb8;
	[tilespmem:$0x16260] =	vst v63  }
0x33: {  	s16 =	rddreg [dreg:$0x5]  }
0x34: {  	[tilespmem:s22], [sflag:$0x3] =	stream.strided.gather [hbm4b:s16+s20], $0x1400, s21, s20, $0x38;
	[tilespmem:$0x16260] =	vst v63  }
0x35: {  	s17 =	simm.s32 $0xC3A0;
	s23 =	simm.s32 $0xFE60  }
0x36: {  	[tilespmem:s23], [sflag:$0x2] =	stream.indirect.gather [hbm4b:s4+s18], $0x40, s17, s18, $0xb8;
	[tilespmem:$0x16260] =	vst v63  }
0x37: {  	s24 =	rddreg [dreg:$0x6]  }
0x38: {  	[tilespmem:s25], [sflag:$0x4] =	stream.strided.gather [hbm4b:s24+s20], $0x1400, s21, s20, $0x38;
	[tilespmem:$0x16260] =	vst v63  }
.LBB2_6:
0x39: {  	_ =	swait.ge [sflag:s26], $0x1400  }
0x3a: {  	[sflag:s26] =	ssyncset.done $0x0  }
0x3b: {  	[sflag:s26] =	ssyncadd.s32 $0xFFFFEC00  }
0x3c: {  	_ =	swait.ge [sflag:s28], $0x1400  }
0x3d: {  	p0 =	seq.s32 s0, $0x0;
	[sflag:s28] =	ssyncset.done $0x0  }
0x3e: {  	s1 =	simm.s32 @!p0 $0x5;
	[sflag:s28] =	ssyncadd.s32 $0xFFFFEC00  }
0x3f: {  	_ =	swait.ge @!p0 [sflag:s1], $0x1400  }
0x40: {  	[sflag:s1] =	ssyncset.done @!p0 $0x0  }
0x41: {  	s6 =	simm.s32 $0xEAE0;
	[sflag:s1] =	ssyncadd.s32 @!p0 $0xFFFFEC00  }
0x42: {  	s9 =	simm.s32 $0x112E0;
	v1 =	vld [tilespmem:s6+$0x40]  }
0x43: {  	v2 =	vld [tilespmem:s9+$0x40]  }
0x44: {  	v3 =	vld [tilespmem:s9+$0xFFFFFF80]  }
0x45: {  	v4 =	vld [tilespmem:s6+$0xFFFFFFC0]  }
0x46: {  	v5 =	vld [tilespmem:s9+$0xFFFFFFC0]  }
0x47: {  	v6 =	vld [tilespmem:s6+$0x0]  }
0x48: {  	v7 =	vld [tilespmem:s9+$0x0];
	v1 =	vmul.bf16 v2, v1  }
0x49: {  	s7 =	simm.s32 $0x13AE0;
	v2 =	vld [tilespmem:s6+$0xFFFFFF80]  }
0x4a: {  	[tilespmem:s7+$0x40] =	vst v1  }
0x4b: {  	v1 =	vmul.bf16 v5, v4;
	v4 =	vld [tilespmem:s6+$0x50]  }
0x4c: {  	v5 =	vld [tilespmem:s9+$0x50]  }
0x4d: {  	[tilespmem:s7+$0xFFFFFFC0] =	vst v1;
	v1 =	vmul.bf16 v7, v6  }
0x4e: {  	v2 =	vmul.bf16 v3, v2;
	v3 =	vld [tilespmem:s6+$0xFFFFFFD0]  }
0x4f: {  	v6 =	vld [tilespmem:s9+$0xFFFFFFD0];
	[tilespmem:s7+$0x0] =	vst v1  }
0x50: {  	[tilespmem:s7+$0xFFFFFF80] =	vst v2;
	v1 =	vld [tilespmem:s6+$0x10]  }
0x51: {  	v2 =	vld [tilespmem:s6+$0xFFFFFF90];
	v4 =	vmul.bf16 v5, v4  }
0x52: {  	v5 =	vld [tilespmem:s9+$0xFFFFFF90]  }
0x53: {  	v7 =	vld [tilespmem:s9+$0x10];
	[tilespmem:s7+$0x50] =	vst v4  }
0x54: {  	v3 =	vmul.bf16 v6, v3;
	v4 =	vld [tilespmem:s6+$0x60]  }
0x55: {  	v6 =	vld [tilespmem:s9+$0x60]  }
0x56: {  	[tilespmem:s7+$0xFFFFFFD0] =	vst v3  }
0x57: {  	v2 =	vmul.bf16 v5, v2;
	v3 =	vld [tilespmem:s6+$0xFFFFFFE0]  }
0x58: {  	v5 =	vld [tilespmem:s9+$0xFFFFFFE0]  }
0x59: {  	v1 =	vmul.bf16 v7, v1;
	[tilespmem:s7+$0xFFFFFF90] =	vst v2  }
0x5a: {  	v7 =	vld [tilespmem:s6+$0xFFFFFFA0];
	v2 =	vmul.bf16 v6, v4  }
0x5b: {  	[tilespmem:s7+$0x10] =	vst v1;
	v8 =	vld [tilespmem:s9+$0xFFFFFFA0]  }
0x5c: {  	v1 =	vld [tilespmem:s6+$0x20];
	[tilespmem:s7+$0x60] =	vst v2  }
0x5d: {  	v4 =	vmul.bf16 v5, v3;
	v2 =	vld [tilespmem:s6+$0x70]  }
0x5e: {  	v3 =	vld [tilespmem:s9+$0x70]  }
0x5f: {  	v6 =	vld [tilespmem:s9+$0x20];
	[tilespmem:s7+$0xFFFFFFE0] =	vst v4  }
0x60: {  	s16 =	simm.s32 $0xEBE0;
	v4 =	vld [tilespmem:s6+$0xFFFFFFF0];
	v7 =	vmul.bf16 v8, v7  }
0x61: {  	s11 =	simm.s32 $0x112E0;
	s10 =	simm.s32 $0x13AE0;
	s1 =	simm.s32 $0x0;
	v5 =	vld [tilespmem:s9+$0xFFFFFFF0]  }
.LBB2_7:
0x62: {  	v8 =	vld [tilespmem:s16+$0x40];
	[tilespmem:s7+$0xFFFFFFA0] =	vst v7;
	s9 =	sadd.s32 $0x100, s9  }
0x63: {  	v7 =	vld [tilespmem:s9+$0x40];
	v2 =	vmul.bf16 v3, v2  }
0x64: {  	v3 =	vld [tilespmem:s9+$0xFFFFFF80];
	v1 =	vmul.bf16 v6, v1  }
0x65: {  	v6 =	vld [tilespmem:s16+$0xFFFFFFC0];
	[tilespmem:s7+$0x70] =	vst v2  }
0x66: {  	s1 =	sadd.s32 $0x4, s1;
	v2 =	vld [tilespmem:s9+$0xFFFFFFC0];
	v4 =	vmul.bf16 v5, v4;
	[tilespmem:s7+$0x20] =	vst v1  }
0x67: {  	p1 =	slt.u32 s1, $0x4C;
	v1 =	vld [tilespmem:s16+$0x0]  }
0x68: {  	v5 =	vld [tilespmem:s9+$0x0];
	v7 =	vmul.bf16 v7, v8;
	[tilespmem:s7+$0xFFFFFFF0] =	vst v4  }
0x69: {  	s7 =	sadd.s32 $0x100, s7;
	v4 =	vld [tilespmem:s16+$0xFFFFFF80]  }
0x6a: {  	[tilespmem:s7+$0x40] =	vst v7;
	v7 =	vld [tilespmem:s6+$0xFFFFFFB0]  }
0x6b: {  	v2 =	vmul.bf16 v2, v6;
	v6 =	vld [tilespmem:s16+$0x50]  }
0x6c: {  	v8 =	vld [tilespmem:s9+$0x50]  }
0x6d: {  	[tilespmem:s7+$0xFFFFFFC0] =	vst v2;
	v1 =	vmul.bf16 v5, v1;
	v2 =	vld [tilespmem:s11+$0xFFFFFFB0]  }
0x6e: {  	v3 =	vmul.bf16 v3, v4;
	v4 =	vld [tilespmem:s16+$0xFFFFFFD0]  }
0x6f: {  	v5 =	vld [tilespmem:s9+$0xFFFFFFD0];
	[tilespmem:s7+$0x0] =	vst v1  }
0x70: {  	[tilespmem:s7+$0xFFFFFF80] =	vst v3;
	v1 =	vld [tilespmem:s16+$0x10]  }
0x71: {  	v3 =	vld [tilespmem:s16+$0xFFFFFF90];
	v6 =	vmul.bf16 v8, v6  }
0x72: {  	v8 =	vld [tilespmem:s9+$0xFFFFFF90];
	v2 =	vmul.bf16 v2, v7  }
0x73: {  	v7 =	vld [tilespmem:s9+$0x10];
	[tilespmem:s7+$0x50] =	vst v6  }
0x74: {  	v4 =	vmul.bf16 v5, v4;
	v5 =	vld [tilespmem:s16+$0x60];
	[tilespmem:s10+$0xFFFFFFB0] =	vst v2  }
0x75: {  	v2 =	vld [tilespmem:s9+$0x60]  }
0x76: {  	[tilespmem:s7+$0xFFFFFFD0] =	vst v4;
	v4 =	vld [tilespmem:s6+$0x30];
	s6 =	smov.u32 s16  }
0x77: {  	v3 =	vmul.bf16 v8, v3;
	v6 =	vld [tilespmem:s16+$0xFFFFFFE0]  }
0x78: {  	v8 =	vld [tilespmem:s9+$0xFFFFFFE0];
	v1 =	vmul.bf16 v7, v1  }
0x79: {  	[tilespmem:s7+$0xFFFFFF90] =	vst v3;
	v7 =	vld [tilespmem:s11+$0x30];
	s11 =	smov.u32 s9  }
0x7a: {  	v9 =	vld [tilespmem:s16+$0xFFFFFFA0];
	[tilespmem:s7+$0x10] =	vst v1;
	v2 =	vmul.bf16 v2, v5  }
0x7b: {  	v5 =	vld [tilespmem:s9+$0xFFFFFFA0]  }
0x7c: {  	v1 =	vld [tilespmem:s16+$0x20];
	[tilespmem:s7+$0x60] =	vst v2  }
.Ltmp2:
0x7d: {  	v6 =	vmul.bf16 v8, v6;
	v2 =	vld [tilespmem:s16+$0x70];
	(pc) =	sbr.rel @p1 .LBB2_7-.Ltmp2, $4  }
0x7e: {  	v3 =	vld [tilespmem:s9+$0x70];
	v8 =	vmul.bf16 v7, v4  }
0x7f: {  	[tilespmem:s7+$0xFFFFFFE0] =	vst v6;
	v6 =	vld [tilespmem:s9+$0x20]  }
0x80: {  	v7 =	vmul.bf16 v5, v9;
	v4 =	vld [tilespmem:s16+$0xFFFFFFF0];
	[tilespmem:s10+$0x30] =	vst v8;
	s10 =	smov.u32 s7  }
0x81: {  	s16 =	sadd.s32 $0x100, s16;
	v5 =	vld [tilespmem:s9+$0xFFFFFFF0]  }
0x82: {  	_ =	sdelay $0x1  }
0x83: {  	[tilespmem:s7+$0xFFFFFFA0] =	vst v7;
	v1 =	vmul.bf16 v6, v1  }
0x84: {  	v6 =	vld [tilespmem:s6+$0xFFFFFFB0]  }
0x85: {  	[tilespmem:s7+$0x20] =	vst v1;
	v1 =	vld [tilespmem:s11+$0xFFFFFFB0]  }
0x86: {  	v7 =	vld [tilespmem:s6+$0x30]  }
0x87: {  	v8 =	vld [tilespmem:s11+$0x30];
	_ =	sdelay $0x1  }
0x88: {  	v2 =	vmul.bf16 v3, v2;
	s6 =	smul.u32 $0xA0, s0  }
0x89: {  	v3 =	vmul.bf16 v5, v4  }
0x8a: {  	[tilespmem:s7+$0x70] =	vst v2;
	s1 =	sadd.s32 s5, s6;
	v1 =	vmul.bf16 v1, v6  }
0x8b: {  	[tilespmem:s7+$0xFFFFFFF0] =	vst v3;
	s7 =	sshll.u32 s1, $0x4;
	v2 =	vmul.bf16 v8, v7  }
0x8c: {  	s1 =	sadd.s32 $0xA00, s7;
	[tilespmem:s10+$0xFFFFFFB0] =	vst v1  }
0x8d: {  	s9 =	smul.u32 $0x280, s0;
	s23 =	sadd.s32 $0xC3F0, s6;
	s1 =	sand.u32 $0x1FFFFF00, s1;
	[tilespmem:s10+$0x30] =	vst v2  }
0x8e: {  	[tilespmem:s19], [sflag:$0x1] =	stream.indirect.gather [hbm4b:s4+s18], $0x40, s23, s18, $0xb8;
	[tilespmem:$0x16260] =	vst v63  }
0x8f: {  	s17 =	sshra.s32 s9, $0x2;
	s1 =	sadd.s32 s8, s1  }
0x90: {  	[tilespmem:s22], [sflag:$0x3] =	stream.strided.gather [hbm4b:s1+s20], $0x1400, s21, s20, $0x38;
	[tilespmem:$0x16260] =	vst v63  }
0x91: {  	s24 =	sadd.s32 $0x9C40, s17  }
0x92: {  	[spmem:s2] =	stream.indirect.scatter.add.bf16 [tilespmem:s14], [sflag:$0x5], $0x40, s24, s18, $0xb8;
	[tilespmem:$0x16260] =	vst v63  }
0x93: {  	_ =	swait.ge [sflag:s29], $0x1400  }
0x94: {  	[sflag:s29] =	ssyncset.done $0x0  }
0x95: {  	[sflag:s29] =	ssyncadd.s32 $0xFFFFEC00  }
0x96: {  	_ =	swait.ge [sflag:s30], $0x1400  }
0x97: {  	[sflag:s30] =	ssyncset.done $0x0  }
0x98: {  	s1 =	simm.s32 @!p0 $0x6;
	[sflag:s30] =	ssyncadd.s32 $0xFFFFEC00  }
0x99: {  	_ =	swait.ge @!p0 [sflag:s1], $0x1400  }
0x9a: {  	[sflag:s1] =	ssyncset.done @!p0 $0x0  }
0x9b: {  	s11 =	simm.s32 $0xFEE0;
	[sflag:s1] =	ssyncadd.s32 @!p0 $0xFFFFEC00  }
0x9c: {  	s10 =	simm.s32 $0x126E0;
	v1 =	vld [tilespmem:s11+$0x40]  }
0x9d: {  	v2 =	vld [tilespmem:s10+$0x40]  }
0x9e: {  	v3 =	vld [tilespmem:s10+$0xFFFFFF80]  }
0x9f: {  	v4 =	vld [tilespmem:s11+$0xFFFFFFC0]  }
0xa0: {  	v5 =	vld [tilespmem:s10+$0xFFFFFFC0]  }
0xa1: {  	v6 =	vld [tilespmem:s11+$0x0]  }
0xa2: {  	v7 =	vld [tilespmem:s10+$0x0];
	v1 =	vmul.bf16 v2, v1  }
0xa3: {  	s9 =	simm.s32 $0x14EE0;
	v2 =	vld [tilespmem:s11+$0xFFFFFF80]  }
0xa4: {  	[tilespmem:s9+$0x40] =	vst v1  }
0xa5: {  	v1 =	vmul.bf16 v5, v4;
	v4 =	vld [tilespmem:s11+$0x50]  }
0xa6: {  	v5 =	vld [tilespmem:s10+$0x50]  }
0xa7: {  	[tilespmem:s9+$0xFFFFFFC0] =	vst v1;
	v1 =	vmul.bf16 v7, v6  }
0xa8: {  	v2 =	vmul.bf16 v3, v2;
	v3 =	vld [tilespmem:s11+$0xFFFFFFD0]  }
0xa9: {  	v6 =	vld [tilespmem:s10+$0xFFFFFFD0];
	[tilespmem:s9+$0x0] =	vst v1  }
0xaa: {  	[tilespmem:s9+$0xFFFFFF80] =	vst v2;
	v1 =	vld [tilespmem:s11+$0x10]  }
0xab: {  	v2 =	vld [tilespmem:s11+$0xFFFFFF90];
	v4 =	vmul.bf16 v5, v4  }
0xac: {  	v5 =	vld [tilespmem:s10+$0xFFFFFF90]  }
0xad: {  	v7 =	vld [tilespmem:s10+$0x10];
	[tilespmem:s9+$0x50] =	vst v4  }
0xae: {  	v3 =	vmul.bf16 v6, v3;
	v4 =	vld [tilespmem:s11+$0x60]  }
0xaf: {  	v6 =	vld [tilespmem:s10+$0x60]  }
0xb0: {  	[tilespmem:s9+$0xFFFFFFD0] =	vst v3  }
0xb1: {  	v2 =	vmul.bf16 v5, v2;
	v3 =	vld [tilespmem:s11+$0xFFFFFFE0]  }
0xb2: {  	v5 =	vld [tilespmem:s10+$0xFFFFFFE0]  }
0xb3: {  	v1 =	vmul.bf16 v7, v1;
	[tilespmem:s9+$0xFFFFFF90] =	vst v2  }
0xb4: {  	v7 =	vld [tilespmem:s11+$0xFFFFFFA0];
	v2 =	vmul.bf16 v6, v4  }
0xb5: {  	[tilespmem:s9+$0x10] =	vst v1;
	v8 =	vld [tilespmem:s10+$0xFFFFFFA0]  }
0xb6: {  	v1 =	vld [tilespmem:s11+$0x20];
	[tilespmem:s9+$0x60] =	vst v2  }
0xb7: {  	v4 =	vmul.bf16 v5, v3;
	v2 =	vld [tilespmem:s11+$0x70]  }
0xb8: {  	v3 =	vld [tilespmem:s10+$0x70]  }
0xb9: {  	v6 =	vld [tilespmem:s10+$0x20];
	[tilespmem:s9+$0xFFFFFFE0] =	vst v4  }
0xba: {  	s16 =	simm.s32 $0x14EE0;
	v4 =	vld [tilespmem:s11+$0xFFFFFFF0];
	v7 =	vmul.bf16 v8, v7  }
0xbb: {  	s23 =	simm.s32 $0x0;
	s24 =	simm.s32 $0xFFE0;
	s1 =	simm.s32 $0x126E0;
	v5 =	vld [tilespmem:s10+$0xFFFFFFF0]  }
.LBB2_9:
0xbc: {  	v8 =	vld [tilespmem:s24+$0x40];
	[tilespmem:s9+$0xFFFFFFA0] =	vst v7;
	s10 =	sadd.s32 $0x100, s10  }
0xbd: {  	v7 =	vld [tilespmem:s10+$0x40];
	v2 =	vmul.bf16 v3, v2  }
0xbe: {  	v3 =	vld [tilespmem:s10+$0xFFFFFF80];
	v1 =	vmul.bf16 v6, v1  }
0xbf: {  	v6 =	vld [tilespmem:s24+$0xFFFFFFC0];
	[tilespmem:s9+$0x70] =	vst v2  }
0xc0: {  	s23 =	sadd.s32 $0x4, s23;
	v2 =	vld [tilespmem:s10+$0xFFFFFFC0];
	v4 =	vmul.bf16 v5, v4;
	[tilespmem:s9+$0x20] =	vst v1  }
0xc1: {  	p0 =	slt.u32 s23, $0x4C;
	v1 =	vld [tilespmem:s24+$0x0]  }
0xc2: {  	v5 =	vld [tilespmem:s10+$0x0];
	v7 =	vmul.bf16 v7, v8;
	[tilespmem:s9+$0xFFFFFFF0] =	vst v4  }
0xc3: {  	s9 =	sadd.s32 $0x100, s9;
	v4 =	vld [tilespmem:s24+$0xFFFFFF80]  }
0xc4: {  	[tilespmem:s9+$0x40] =	vst v7;
	v7 =	vld [tilespmem:s11+$0xFFFFFFB0]  }
0xc5: {  	v2 =	vmul.bf16 v2, v6;
	v6 =	vld [tilespmem:s24+$0x50]  }
0xc6: {  	v8 =	vld [tilespmem:s10+$0x50]  }
0xc7: {  	[tilespmem:s9+$0xFFFFFFC0] =	vst v2;
	v1 =	vmul.bf16 v5, v1;
	v2 =	vld [tilespmem:s1+$0xFFFFFFB0]  }
0xc8: {  	v3 =	vmul.bf16 v3, v4;
	v4 =	vld [tilespmem:s24+$0xFFFFFFD0]  }
0xc9: {  	v5 =	vld [tilespmem:s10+$0xFFFFFFD0];
	[tilespmem:s9+$0x0] =	vst v1  }
0xca: {  	[tilespmem:s9+$0xFFFFFF80] =	vst v3;
	v1 =	vld [tilespmem:s24+$0x10]  }
0xcb: {  	v3 =	vld [tilespmem:s24+$0xFFFFFF90];
	v6 =	vmul.bf16 v8, v6  }
0xcc: {  	v8 =	vld [tilespmem:s10+$0xFFFFFF90];
	v2 =	vmul.bf16 v2, v7  }
0xcd: {  	v7 =	vld [tilespmem:s10+$0x10];
	[tilespmem:s9+$0x50] =	vst v6  }
0xce: {  	v4 =	vmul.bf16 v5, v4;
	v5 =	vld [tilespmem:s24+$0x60];
	[tilespmem:s16+$0xFFFFFFB0] =	vst v2  }
0xcf: {  	v2 =	vld [tilespmem:s10+$0x60]  }
0xd0: {  	[tilespmem:s9+$0xFFFFFFD0] =	vst v4;
	v4 =	vld [tilespmem:s11+$0x30];
	s11 =	smov.u32 s24  }
0xd1: {  	v3 =	vmul.bf16 v8, v3;
	v6 =	vld [tilespmem:s24+$0xFFFFFFE0]  }
0xd2: {  	v8 =	vld [tilespmem:s10+$0xFFFFFFE0];
	v1 =	vmul.bf16 v7, v1  }
0xd3: {  	[tilespmem:s9+$0xFFFFFF90] =	vst v3;
	v7 =	vld [tilespmem:s1+$0x30];
	s1 =	smov.u32 s10  }
0xd4: {  	v9 =	vld [tilespmem:s24+$0xFFFFFFA0];
	[tilespmem:s9+$0x10] =	vst v1;
	v2 =	vmul.bf16 v2, v5  }
0xd5: {  	v5 =	vld [tilespmem:s10+$0xFFFFFFA0]  }
0xd6: {  	v1 =	vld [tilespmem:s24+$0x20];
	[tilespmem:s9+$0x60] =	vst v2  }
.Ltmp3:
0xd7: {  	v6 =	vmul.bf16 v8, v6;
	v2 =	vld [tilespmem:s24+$0x70];
	(pc) =	sbr.rel @p0 .LBB2_9-.Ltmp3, $4  }
0xd8: {  	v3 =	vld [tilespmem:s10+$0x70];
	v8 =	vmul.bf16 v7, v4  }
0xd9: {  	[tilespmem:s9+$0xFFFFFFE0] =	vst v6;
	v6 =	vld [tilespmem:s10+$0x20]  }
0xda: {  	v7 =	vmul.bf16 v5, v9;
	v4 =	vld [tilespmem:s24+$0xFFFFFFF0];
	[tilespmem:s16+$0x30] =	vst v8;
	s16 =	smov.u32 s9  }
0xdb: {  	s24 =	sadd.s32 $0x100, s24;
	v5 =	vld [tilespmem:s10+$0xFFFFFFF0]  }
0xdc: {  	_ =	sdelay $0x1  }
0xdd: {  	[tilespmem:s9+$0xFFFFFFA0] =	vst v7;
	v1 =	vmul.bf16 v6, v1  }
0xde: {  	v62 =	vld [tilespmem:s11+$0xFFFFFFB0]  }
0xdf: {  	[tilespmem:s9+$0x20] =	vst v1;
	v1 =	vld [tilespmem:s1+$0xFFFFFFB0]  }
0xe0: {  	v63 =	vld [tilespmem:s11+$0x30]  }
0xe1: {  	v8 =	vld [tilespmem:s1+$0x30];
	_ =	sdelay $0x1  }
0xe2: {  	p0 =	seq.s32 s0, $0x3D;
	v2 =	vmul.bf16 v3, v2  }
.Ltmp4:
0xe3: {  	v3 =	vmul.bf16 v5, v4;
	(pc) =	sbr.rel @p0 .LBB2_12-.Ltmp4, $4  }
0xe4: {  	[tilespmem:s9+$0x70] =	vst v2;
	v1 =	vmul.bf16 v1, v62  }
0xe5: {  	[tilespmem:s9+$0xFFFFFFF0] =	vst v3;
	v2 =	vmul.bf16 v8, v63  }
0xe6: {  	[tilespmem:s16+$0xFFFFFFB0] =	vst v1  }
0xe7: {  	s1 =	sadd.s32 $0x9C90, s17;
	[tilespmem:s16+$0x30] =	vst v2  }
0xe8: {  	s6 =	sadd.s32 $0xC440, s6;
	s9 =	simm.s32 $0xFE60;
	s24 =	sadd.s32 $0xF00, s7  }
0xe9: {  	[tilespmem:s9], [sflag:$0x2] =	stream.indirect.gather [hbm4b:s4+s18], $0x40, s6, s18, $0xb8;
	[tilespmem:$0x16260] =	vst v63  }
.Ltmp5:
0xea: {  	s6 =	sand.u32 $0x1FFFFF00, s24;
	(pc) =	sbr.rel .LBB2_6-.Ltmp5, $4  }
0xeb: {  	s6 =	sadd.s32 s8, s6  }
0xec: {  	[tilespmem:s25], [sflag:$0x4] =	stream.strided.gather [hbm4b:s6+s20], $0x1400, s21, s20, $0x38;
	[tilespmem:$0x16260] =	vst v63  }
0xed: {  	s0 =	sadd.s32 $0x1, s0  }
0xee: {  	[spmem:s2] =	stream.indirect.scatter.add.bf16 [tilespmem:s31], [sflag:$0x6], $0x40, s1, s18, $0xb8;
	[tilespmem:$0x16260] =	vst v63  }
.LBB2_12:
0xef: {  	[spmem:s2] =	stream.indirect.scatter.add.bf16 [tilespmem:s31], [sflag:$0x6], $0x40, s1, s18, $0xb8;
	[tilespmem:$0x16260] =	vst v63  }
0xf0: {  	_ =	swait.ge [sflag:s26], $0x1400  }
0xf1: {  	[sflag:s26] =	ssyncset.done $0x0  }
0xf2: {  	[sflag:s26] =	ssyncadd.s32 $0xFFFFEC00  }
0xf3: {  	_ =	swait.ge [sflag:s28], $0x1400  }
0xf4: {  	[sflag:s28] =	ssyncset.done $0x0  }
0xf5: {  	s16 =	simm.s32 $0x5;
	[sflag:s28] =	ssyncadd.s32 $0xFFFFEC00  }
0xf6: {  	_ =	swait.ge [sflag:s16], $0x1400  }
0xf7: {  	[sflag:s16] =	ssyncset.done $0x0  }
0xf8: {  	s0 =	simm.s32 $0xEAE0;
	[sflag:s16] =	ssyncadd.s32 $0xFFFFEC00  }
0xf9: {  	s7 =	simm.s32 $0x112E0;
	v1 =	vld [tilespmem:s0+$0x40]  }
0xfa: {  	v2 =	vld [tilespmem:s7+$0x40]  }
0xfb: {  	v3 =	vld [tilespmem:s7+$0xFFFFFF80]  }
0xfc: {  	v4 =	vld [tilespmem:s0+$0xFFFFFFC0]  }
0xfd: {  	v5 =	vld [tilespmem:s7+$0xFFFFFFC0]  }
0xfe: {  	v6 =	vld [tilespmem:s0+$0x0]  }
0xff: {  	v7 =	vld [tilespmem:s7+$0x0];
	v1 =	vmul.bf16 v2, v1  }
0x100: {  	s6 =	simm.s32 $0x13AE0;
	v2 =	vld [tilespmem:s0+$0xFFFFFF80]  }
0x101: {  	[tilespmem:s6+$0x40] =	vst v1  }
0x102: {  	v1 =	vmul.bf16 v5, v4;
	v4 =	vld [tilespmem:s0+$0x50]  }
0x103: {  	v5 =	vld [tilespmem:s7+$0x50]  }
0x104: {  	[tilespmem:s6+$0xFFFFFFC0] =	vst v1;
	v1 =	vmul.bf16 v7, v6  }
0x105: {  	v2 =	vmul.bf16 v3, v2;
	v3 =	vld [tilespmem:s0+$0xFFFFFFD0]  }
0x106: {  	v6 =	vld [tilespmem:s7+$0xFFFFFFD0];
	[tilespmem:s6+$0x0] =	vst v1  }
0x107: {  	[tilespmem:s6+$0xFFFFFF80] =	vst v2;
	v1 =	vld [tilespmem:s0+$0x10]  }
0x108: {  	v2 =	vld [tilespmem:s0+$0xFFFFFF90];
	v4 =	vmul.bf16 v5, v4  }
0x109: {  	v5 =	vld [tilespmem:s7+$0xFFFFFF90]  }
0x10a: {  	v7 =	vld [tilespmem:s7+$0x10];
	[tilespmem:s6+$0x50] =	vst v4  }
0x10b: {  	v3 =	vmul.bf16 v6, v3;
	v4 =	vld [tilespmem:s0+$0x60]  }
0x10c: {  	v6 =	vld [tilespmem:s7+$0x60]  }
0x10d: {  	[tilespmem:s6+$0xFFFFFFD0] =	vst v3  }
0x10e: {  	v2 =	vmul.bf16 v5, v2;
	v3 =	vld [tilespmem:s0+$0xFFFFFFE0]  }
0x10f: {  	v5 =	vld [tilespmem:s7+$0xFFFFFFE0]  }
0x110: {  	v1 =	vmul.bf16 v7, v1;
	[tilespmem:s6+$0xFFFFFF90] =	vst v2  }
0x111: {  	v7 =	vld [tilespmem:s0+$0xFFFFFFA0];
	v2 =	vmul.bf16 v6, v4  }
0x112: {  	[tilespmem:s6+$0x10] =	vst v1;
	v8 =	vld [tilespmem:s7+$0xFFFFFFA0]  }
0x113: {  	v1 =	vld [tilespmem:s0+$0x20];
	[tilespmem:s6+$0x60] =	vst v2  }
0x114: {  	v4 =	vmul.bf16 v5, v3;
	v2 =	vld [tilespmem:s0+$0x70]  }
0x115: {  	v3 =	vld [tilespmem:s7+$0x70]  }
0x116: {  	v6 =	vld [tilespmem:s7+$0x20];
	[tilespmem:s6+$0xFFFFFFE0] =	vst v4  }
0x117: {  	s10 =	simm.s32 $0x0;
	v4 =	vld [tilespmem:s0+$0xFFFFFFF0];
	v7 =	vmul.bf16 v8, v7  }
0x118: {  	s11 =	simm.s32 $0xEBE0;
	s1 =	simm.s32 $0x112E0;
	s9 =	simm.s32 $0x13AE0;
	v5 =	vld [tilespmem:s7+$0xFFFFFFF0]  }
.LBB2_13:
0x119: {  	v8 =	vld [tilespmem:s11+$0x40];
	[tilespmem:s6+$0xFFFFFFA0] =	vst v7;
	s7 =	sadd.s32 $0x100, s7  }
0x11a: {  	v7 =	vld [tilespmem:s7+$0x40];
	v2 =	vmul.bf16 v3, v2  }
0x11b: {  	v3 =	vld [tilespmem:s7+$0xFFFFFF80];
	v1 =	vmul.bf16 v6, v1  }
0x11c: {  	v6 =	vld [tilespmem:s11+$0xFFFFFFC0];
	[tilespmem:s6+$0x70] =	vst v2  }
0x11d: {  	s10 =	sadd.s32 $0x4, s10;
	v2 =	vld [tilespmem:s7+$0xFFFFFFC0];
	v4 =	vmul.bf16 v5, v4;
	[tilespmem:s6+$0x20] =	vst v1  }
0x11e: {  	p0 =	slt.u32 s10, $0x4C;
	v1 =	vld [tilespmem:s11+$0x0]  }
0x11f: {  	v5 =	vld [tilespmem:s7+$0x0];
	v7 =	vmul.bf16 v7, v8;
	[tilespmem:s6+$0xFFFFFFF0] =	vst v4  }
0x120: {  	s6 =	sadd.s32 $0x100, s6;
	v4 =	vld [tilespmem:s11+$0xFFFFFF80]  }
0x121: {  	[tilespmem:s6+$0x40] =	vst v7;
	v7 =	vld [tilespmem:s0+$0xFFFFFFB0]  }
0x122: {  	v2 =	vmul.bf16 v2, v6;
	v6 =	vld [tilespmem:s11+$0x50]  }
0x123: {  	v8 =	vld [tilespmem:s7+$0x50]  }
0x124: {  	[tilespmem:s6+$0xFFFFFFC0] =	vst v2;
	v1 =	vmul.bf16 v5, v1;
	v2 =	vld [tilespmem:s1+$0xFFFFFFB0]  }
0x125: {  	v3 =	vmul.bf16 v3, v4;
	v4 =	vld [tilespmem:s11+$0xFFFFFFD0]  }
0x126: {  	v5 =	vld [tilespmem:s7+$0xFFFFFFD0];
	[tilespmem:s6+$0x0] =	vst v1  }
0x127: {  	[tilespmem:s6+$0xFFFFFF80] =	vst v3;
	v1 =	vld [tilespmem:s11+$0x10]  }
0x128: {  	v3 =	vld [tilespmem:s11+$0xFFFFFF90];
	v6 =	vmul.bf16 v8, v6  }
0x129: {  	v8 =	vld [tilespmem:s7+$0xFFFFFF90];
	v2 =	vmul.bf16 v2, v7  }
0x12a: {  	v7 =	vld [tilespmem:s7+$0x10];
	[tilespmem:s6+$0x50] =	vst v6  }
0x12b: {  	v4 =	vmul.bf16 v5, v4;
	v5 =	vld [tilespmem:s11+$0x60];
	[tilespmem:s9+$0xFFFFFFB0] =	vst v2  }
0x12c: {  	v2 =	vld [tilespmem:s7+$0x60]  }
0x12d: {  	[tilespmem:s6+$0xFFFFFFD0] =	vst v4;
	v4 =	vld [tilespmem:s0+$0x30];
	s0 =	smov.u32 s11  }
0x12e: {  	v3 =	vmul.bf16 v8, v3;
	v6 =	vld [tilespmem:s11+$0xFFFFFFE0]  }
0x12f: {  	v8 =	vld [tilespmem:s7+$0xFFFFFFE0];
	v1 =	vmul.bf16 v7, v1  }
0x130: {  	[tilespmem:s6+$0xFFFFFF90] =	vst v3;
	v7 =	vld [tilespmem:s1+$0x30];
	s1 =	smov.u32 s7  }
0x131: {  	v9 =	vld [tilespmem:s11+$0xFFFFFFA0];
	[tilespmem:s6+$0x10] =	vst v1;
	v2 =	vmul.bf16 v2, v5  }
0x132: {  	v5 =	vld [tilespmem:s7+$0xFFFFFFA0]  }
0x133: {  	v1 =	vld [tilespmem:s11+$0x20];
	[tilespmem:s6+$0x60] =	vst v2  }
.Ltmp6:
0x134: {  	v6 =	vmul.bf16 v8, v6;
	v2 =	vld [tilespmem:s11+$0x70];
	(pc) =	sbr.rel @p0 .LBB2_13-.Ltmp6, $4  }
0x135: {  	v3 =	vld [tilespmem:s7+$0x70];
	v8 =	vmul.bf16 v7, v4  }
0x136: {  	[tilespmem:s6+$0xFFFFFFE0] =	vst v6;
	v6 =	vld [tilespmem:s7+$0x20]  }
0x137: {  	v7 =	vmul.bf16 v5, v9;
	v4 =	vld [tilespmem:s11+$0xFFFFFFF0];
	[tilespmem:s9+$0x30] =	vst v8;
	s9 =	smov.u32 s6  }
0x138: {  	s11 =	sadd.s32 $0x100, s11;
	v5 =	vld [tilespmem:s7+$0xFFFFFFF0]  }
0x139: {  	_ =	sdelay $0x1  }
0x13a: {  	[tilespmem:s6+$0xFFFFFFA0] =	vst v7;
	v1 =	vmul.bf16 v6, v1  }
0x13b: {  	v62 =	vld [tilespmem:s0+$0xFFFFFFB0]  }
0x13c: {  	[tilespmem:s6+$0x20] =	vst v1;
	v1 =	vld [tilespmem:s1+$0xFFFFFFB0]  }
0x13d: {  	v63 =	vld [tilespmem:s0+$0x30]  }
0x13e: {  	v8 =	vld [tilespmem:s1+$0x30];
	_ =	sdelay $0x1  }
0x13f: {  	v2 =	vmul.bf16 v3, v2  }
0x140: {  	v3 =	vmul.bf16 v5, v4  }
0x141: {  	[tilespmem:s6+$0x70] =	vst v2;
	v1 =	vmul.bf16 v1, v62  }
0x142: {  	[tilespmem:s6+$0xFFFFFFF0] =	vst v3;
	v2 =	vmul.bf16 v8, v63  }
0x143: {  	[tilespmem:s9+$0xFFFFFFB0] =	vst v1  }
0x144: {  	s17 =	simm.s32 $0xC300;
	s23 =	simm.s32 $0x6;
	[tilespmem:s9+$0x30] =	vst v2  }
0x145: {  	[spmem:s2] =	stream.indirect.scatter.add.bf16 [tilespmem:s14], [sflag:$0x5], $0x40, s17, s18, $0xb8;
	[tilespmem:$0x16260] =	vst v63  }
0x146: {  	_ =	swait.ge [sflag:s23], $0x1400  }
0x147: {  	[sflag:s23] =	ssyncset.done $0x0  }
0x148: {  	[sflag:s23] =	ssyncadd.s32 $0xFFFFEC00  }
0x149: {  	_ =	swait.ge [sflag:s16], $0x1400  }
0x14a: {  	[sflag:s16] =	ssyncset.done $0x0  }
0x14b: {  	[sflag:s16] =	ssyncadd.s32 $0xFFFFEC00  }
0x14c: {  	[bflag:$0x0] =	sbarrier.arrive $0xFFFF  }
0x14d: {  	[tilespmem:s14], [sflag:$0x7] =	stream.linear.gather [spmem:s12], $0x640, $0x38;
	[tilespmem:$0x16260] =	vst v63  }
0x14e: {  	_ =	swait.ge [sflag:s15], $0x640  }
0x14f: {  	[sflag:s15] =	ssyncset.done $0x0  }
0x150: {  	s24 =	sadd.s32 $0x0, s13;
	[sflag:s15] =	ssyncadd.s32 $0xFFFFF9C0  }
0x151: {  	[hbm4b:s24+s3] =	stream.linear.scatter [tilespmem:s14], [sflag:$0x7], $0x640, $0x38;
	[tilespmem:$0x16260] =	vst v63  }
0x152: {  	_ =	swait.ge [sflag:s15], $0x640  }
0x153: {  	s0 =	simm.s32 $0xC8;
	s1 =	smov.u32 s12;
	[sflag:s15] =	ssyncset.done $0x0  }
.LBB2_15:
0x154: {  	p0 =	sne.s32 s0, $0x12C0;
	[sflag:s15] =	ssyncadd.s32 $0xFFFFF9C0;
	s1 =	sadd.s32 $0x640, s1  }
0x155: {  	[tilespmem:s14], [sflag:$0x7] =	stream.linear.gather [spmem:s1], $0x640, $0x38;
	[tilespmem:$0x16260] =	vst v63  }
0x156: {  	s6 =	smov.u32 s0;
	s0 =	sadd.s32 $0xC8, s0;
	_ =	swait.ge [sflag:s15], $0x640  }
.Ltmp7:
0x157: {  	[sflag:s15] =	ssyncset.done $0x0;
	(pc) =	sbr.rel @p0 .LBB2_15-.Ltmp7, $4  }
0x158: {  	s6 =	sadd.s32 s6, s13;
	[sflag:s15] =	ssyncadd.s32 $0xFFFFF9C0  }
0x159: {  	[hbm4b:s6+s3] =	stream.linear.scatter [tilespmem:s14], [sflag:$0x7], $0x640, $0x38;
	[tilespmem:$0x16260] =	vst v63  }
0x15a: {  	_ =	swait.ge [sflag:s15], $0x640  }
0x15b: {  	[sflag:s15] =	ssyncset.done $0x0  }
0x15c: {  	s1 =	rddreg [dreg:$0x8]  }
0x15d: {  	s0 =	rddreg [dreg:$0x7];
	s1 =	sadd.s32 $0x1, s1  }
0x15e: {  	p0 =	sne.s32 s1, s0  }
.Ltmp8:
0x15f: {  	_ = 	snop;
	(pc) =	sbr.rel @p0 .LBB2_1-.Ltmp8, $2  }
0x160: {  	_ =	sdelay $0x2  }
0x161: {  	[sflag:s15] =	ssyncadd.s32 $0xFFFFF9C0  }
0x162: {  	_ =	sfence.sel $0x180000  }
0x163: {  	[bflag:$0x0] =	sbarrier.arrive $0xFFFF  }
0x164: {  	_ =	strace $0x9000004A  }
0x165: {  	s0 =	stileid.u32;
	[bflag:$0x2] =	sbarrier.arrive $0xFFFF  }
0x166: {  	p0 =	sne.s32 s0, $0x0;
	s0 =	rddreg [dreg:$0x2]  }
0x167: {  	s0 =	sadd.s32 @!p0 $0x100000, s0  }
0x168: {  	[sflag:s0] =	ssyncadd.tile.s32 @!p0 $0x1;
	_ =	shalt  }
.Lfunc_end2:
_tile_overlayer_lowered:
.L_overlay_start_2:
0x169: {  	(tag) =	ssettag $0x2  }
0x16a: {  	s0 =	rddreg [dreg:$0x0];
	s2 =	stileid.u32  }
0x16b: {  	s1 =	rddreg [dreg:$0x1];
	p0 =	sne.s32 s2, $0x0  }
0x16c: {  	s3 =	rddreg [dreg:$0x2];
	[bflag:$0x3] =	sbarrier.arrive $0xFFFF;
	s2 =	simm.s32 @!p0 $0x1C07  }
0x16d: {  	[timem:s3], [sflag:s2] =	dma.local @!p0 [hbm:s0], s1  }
0x16e: {  	s0 =	simm.s32 @!p0 $0x7  }
0x16f: {  	_ =	swait.ge @!p0 [sflag:s0], s1  }
0x170: {  	s1 =	ssub.s32 @!p0 $0x0, s1;
	[sflag:s0] =	ssyncset.done @!p0 $0x0  }
0x171: {  	[sflag:s0] =	ssyncadd.s32 @!p0 s1  }
0x172: {  	[bflag:$0x3] =	sbarrier.arrive $0xFFFF  }
0x173: {  	_ =	shalt  }

// kernel: kernel.20.cloned.1.call-start
scs
__scs_entry_jumppad:
0x0: {  	(pc) =	sbr.rel $0x88, $3  }
0x1: {  	(tag) =	ssettag $0x0;
	lr =	simm.s32 $0x1  }
0x2: {  	[smem:$0x3F8C] =	sst lr;
	_ =	strace $0xD0000000  }
0x3: {  	_ = 	snop  }
0x4: {  	_ = 	snop  }
0x5: {  	_ = 	snop  }
0x6: {  	_ = 	snop  }
0x7: {  	_ = 	snop  }
__scs_overlays_trampoline_lowered:
0x8: {  	[smem:$0x3F9B] =	sst s0  }
0x9: {  	[smem:$0x3F9C] =	sst s1  }
0xa: {  	[smem:$0x3F9D] =	sst s2  }
0xb: {  	[smem:$0x3F9E] =	sst s3  }
0xc: {  	[smem:$0x3F9F] =	sst s4  }
0xd: {  	[smem:$0x3FA0] =	sst s5  }
0xe: {  	[smem:$0x3FA1] =	sst s6  }
0xf: {  	[smem:$0x3FA2] =	sst s7  }
0x10: {  	[smem:$0x3FA3] =	sst s8  }
0x11: {  	[smem:$0x3FA4] =	sst s9;
	s0 =	simm.s32 @!p0 $0x0  }
0x12: {  	s1 =	sld [smem:$0x3F8A];
	s0 =	simm.s32 @p0 $0x1  }
0x13: {  	[smem:$0x3FA5] =	sst s0;
	s0 =	simm.s32 @!p1 $0x0  }
0x14: {  	s2 =	sld [smem:$0x3F89];
	s0 =	simm.s32 @p1 $0x1  }
0x15: {  	[smem:$0x3FA6] =	sst s0;
	s0 =	simm.s32 @!p2 $0x0  }
0x16: {  	s3 =	sld [smem:$0x3FDB];
	s0 =	simm.s32 @p2 $0x1  }
0x17: {  	s4 =	simm.s32 $0x1BF5;
	[smem:$0x3FA8] =	sst s0  }
0x18: {  	s0 =	sld [smem:$0x3F8B];
	_ =	swait.ge [sflag:s4], $0x0  }
0x19: {  	s7 =	sld [smem:$0x3F8C]  }
0x1a: {  	s8 =	sadd.s32 $0xFFFFE003, lr  }
0x1b: {  	s9 =	sadd.s32 $0xFFFFFEF7, lr;
	s5 =	simm.s32 $0xFFFFFFFF;
	p2 =	slt.u32 s8, $0xFFFFF086  }
0x1c: {  	p1 =	slt.u32 s9, $0xF7A;
	s5 =	simm.s32 @!p2 $0x0  }
0x1d: {  	s5 =	simm.s32 @p1 $0x1;
	p0 =	seq.s32 s7, s2  }
0x1e: {  	s7 =	smul.u32 @!p0 $0xF7A, s2;
	p2 =	seq.s32 @!p0 s5, $0x0  }
0x1f: {  	s9 =	smul.u32 $0xF7A, s1;
	s8 =	simm.s32 @!p0 $0x1BF5;
	p2 =	por !p2, p0  }
0x20: {  	[sflag:s8] =	ssyncset.s32 @!p0 $0xFFFFF086;
	s6 =	sadd.s32 @!p0 s3, s7;
	s7 =	simm.s32 @!p0 $0x108  }
0x21: {  	s3 =	sadd.s32 s3, s9;
	s6 =	sadd.s32 @!p0 $0x88, s6;
	s7 =	simm.s32 @p2 $0x1082  }
0x22: {  	[simem:s7], [sflag:s8] =	dma.local @!p0 [hbm:s6], $0xF7A  }
0x23: {  	s9 =	sor.u32 $0xD0000000, s2;
	s6 =	simm.s32 $0x108;
	_ =	swait.ge @!p0 [sflag:s8], $0x0  }
0x24: {  	s3 =	sadd.s32 $0x88, s3;
	s6 =	simm.s32 @!p1 $0x1082;
	[sflag:s4] =	ssyncset.s32 $0xFFFFF086  }
0x25: {  	[simem:s6], [sflag:s4] =	dma.local [hbm:s3], $0xF7A  }
0x26: {  	[smem:$0x3F8C] =	sst s1;
	(tag) =	ssettag s2;
	_ =	strace s9  }
0x27: {  	s1 =	sld [smem:$0x3F9C]  }
0x28: {  	s2 =	sld [smem:$0x3F9D]  }
0x29: {  	s4 =	sld [smem:$0x3F9F]  }
0x2a: {  	p0 =	seq.s32 s5, $0x0;
	s5 =	sld [smem:$0x3FA0]  }
0x2b: {  	s6 =	sld [smem:$0x3FA1]  }
0x2c: {  	s7 =	sld [smem:$0x3FA2]  }
0x2d: {  	s3 =	simm.s32 $0x108;
	s8 =	sld [smem:$0x3FA3]  }
0x2e: {  	s3 =	simm.s32 @!p0 $0x1082;
	s9 =	sld [smem:$0x3FA4]  }
0x2f: {  	lr =	sadd.s32 s0, s3;
	s0 =	sld [smem:$0x3F9B]  }
0x30: {  	s3 =	sld [smem:$0x3F9E]  }
0x31: {  	[smem:$0x3FA7] =	sst s10  }
0x32: {  	s10 =	sld [smem:$0x3FA5];
	_ =	sdelay $0x3  }
0x33: {  	p0 =	seq.s32 s10, $0x1;
	s10 =	sld [smem:$0x3FA7];
	_ =	sdelay $0x3  }
0x34: {  	[smem:$0x3FA7] =	sst s10  }
0x35: {  	s10 =	sld [smem:$0x3FA6];
	_ =	sdelay $0x3  }
0x36: {  	p1 =	seq.s32 s10, $0x1;
	s10 =	sld [smem:$0x3FA7];
	_ =	sdelay $0x3  }
0x37: {  	[smem:$0x3FA7] =	sst s10  }
0x38: {  	s10 =	sld [smem:$0x3FA8]  }
0x39: {  	_ = 	snop;
	(pc) =	sbr.ind lr, $3  }
0x3a: {  	_ = 	snop  }
0x3b: {  	_ = 	snop  }
0x3c: {  	p2 =	seq.s32 s10, $0x1;
	s10 =	sld [smem:$0x3FA7]  }
0x3d: {  	_ =	shalt  }
0x3e: {  	_ =	shalt  }
0x3f: {  	_ =	shalt  }
0x40: {  	_ =	shalt  }
0x41: {  	_ =	shalt  }
0x42: {  	_ =	shalt  }
0x43: {  	_ =	shalt  }
0x44: {  	_ =	shalt  }
0x45: {  	_ =	shalt  }
0x46: {  	_ =	shalt  }
0x47: {  	_ =	shalt  }
0x48: {  	_ =	shalt  }
0x49: {  	_ =	shalt  }
0x4a: {  	_ =	shalt  }
0x4b: {  	_ =	shalt  }
0x4c: {  	_ =	shalt  }
0x4d: {  	_ =	shalt  }
0x4e: {  	_ =	shalt  }
0x4f: {  	_ =	shalt  }
0x50: {  	_ =	shalt  }
0x51: {  	_ =	shalt  }
0x52: {  	_ =	shalt  }
0x53: {  	_ =	shalt  }
0x54: {  	_ =	shalt  }
0x55: {  	_ =	shalt  }
0x56: {  	_ =	shalt  }
0x57: {  	_ =	shalt  }
0x58: {  	_ =	shalt  }
0x59: {  	_ =	shalt  }
0x5a: {  	_ =	shalt  }
0x5b: {  	_ =	shalt  }
0x5c: {  	_ =	shalt  }
0x5d: {  	_ =	shalt  }
0x5e: {  	_ =	shalt  }
0x5f: {  	_ =	shalt  }
0x60: {  	_ =	shalt  }
0x61: {  	_ =	shalt  }
0x62: {  	_ =	shalt  }
0x63: {  	_ =	shalt  }
0x64: {  	_ =	shalt  }
0x65: {  	_ =	shalt  }
0x66: {  	_ =	shalt  }
0x67: {  	_ =	shalt  }
0x68: {  	_ =	shalt  }
0x69: {  	_ =	shalt  }
0x6a: {  	_ =	shalt  }
0x6b: {  	_ =	shalt  }
0x6c: {  	_ =	shalt  }
0x6d: {  	_ =	shalt  }
0x6e: {  	_ =	shalt  }
0x6f: {  	_ =	shalt  }
0x70: {  	_ =	shalt  }
0x71: {  	_ =	shalt  }
0x72: {  	_ =	shalt  }
0x73: {  	_ =	shalt  }
0x74: {  	_ =	shalt  }
0x75: {  	_ =	shalt  }
0x76: {  	_ =	shalt  }
0x77: {  	_ =	shalt  }
0x78: {  	_ =	shalt  }
0x79: {  	_ =	shalt  }
0x7a: {  	_ =	shalt  }
0x7b: {  	_ =	shalt  }
0x7c: {  	_ =	shalt  }
0x7d: {  	_ =	shalt  }
0x7e: {  	_ =	shalt  }
0x7f: {  	_ =	shalt  }
0x80: {  	_ =	shalt  }
0x81: {  	_ =	shalt  }
0x82: {  	_ =	shalt  }
0x83: {  	_ =	shalt  }
0x84: {  	_ =	shalt  }
0x85: {  	_ =	shalt  }
0x86: {  	_ =	shalt  }
0x87: {  	_ =	shalt  }
.Lfunc_end0:
.L_simem_size_0:
called_computation.2_lowered:
.L_overlay_start_0:
0x88: {  	s2 =	sld [smem:$0x3FD9]  }
0x89: {  	s3 =	sld [smem:$0x3FFE];
	_ =	sdelay $0x1  }
0x8a: {  	s1 =	srdreg.scid  }
0x8b: {  	s0 =	sand.u32 $0x1, s1  }
0x8c: {  	s16 =	sshll.u32 s0, $0xA;
	s2 =	sadd.s32 s3, s2  }
0x8d: {  	s2 =	sadd.s32 s2, s16  }
0x8e: {  	[smem:$0x3FB3] =	sst s2  }
0x8f: {  	_ = 	snop  }
0x90: {  	(tm) =	ssettm $0x1  }
0x91: {  	s17 =	sld [smem:$0x3FFB];
	_ =	sdelay $0x3  }
0x92: {  	_ =	strace s17  }
0x93: {  	s2 =	sld [smem:$0x3FFC];
	_ =	sdelay $0x3  }
0x94: {  	_ =	strace s2  }
0x95: {  	s2 =	sld [smem:$0x3FFD];
	_ =	sdelay $0x3  }
0x96: {  	_ =	strace s2  }
0x97: {  	_ =	strace $0x8FFFFFFF  }
0x98: {  	s18 =	sld [smem:$0x3FDB];
	_ =	sdelay $0x1  }
0x99: {  	s19 =	simm.s32 $_scs_section_size  }
0x9a: {  	s4 =	simm.s32 $_size__tile_overlayer_lowered;
	s5 =	simm.s32 $_tile_overlayer_lowered  }
0x9b: {  	s22 =	simm.s32 $0x1BFF;
	s21 =	sshll.u32 s5, $0x1;
	s2 =	sadd.s32 s19, s18  }
0x9c: {  	s6 =	simm.s32 $0x0;
	s20 =	sshll.u32 s4, $0x1;
	s4 =	sadd.s32 s21, s2  }
0x9d: {  	[timem:s6], [sflag:s22] =	dma.local [hbm:s4], s20  }
0x9e: {  	_ =	swait.ge [sflag:s22], s20  }
0x9f: {  	s3 =	ssub.s32 $0x0, s20;
	[sflag:s22] =	ssyncset.done $0x0  }
0xa0: {  	[sflag:s22] =	ssyncadd.s32 s3;
	_ =	sdelay $0x1  }
0xa1: {  	s23 =	simm.s32 $0x1B8B  }
0xa2: {  	_ =	swait.ge [sflag:s23], $0x1  }
0xa3: {  	[sflag:s23] =	ssyncset.done $0x0  }
0xa4: {  	s25 =	simm.s32 $0x1B8E;
	s24 =	sld [smem:$0x3FFE];
	[sflag:s23] =	ssyncadd.s32 $0xFFFFFFFF  }
0xa5: {  	s26 =	simm.s32 $execute0_lowered;
	[smem:$0x3FD2] =	sst s25  }
0xa6: {  	s4 =	sshll.u32 s26, $0x1;
	_ =	strace $0x8000004C;
	[dreg:$0x1] =	wrdreg $0xFFFFFFFF  }
0xa7: {  	s28 =	simm.s32 $_size_execute0_lowered;
	s2 =	sadd.s32 s2, s4;
	[dreg:$0x0] =	wrdreg $0x0  }
0xa8: {  	s4 =	sshll.u32 s28, $0x1;
	[dreg:$0x2] =	wrdreg s2  }
0xa9: {  	[dreg:$0x3] =	wrdreg s4  }
0xaa: {  	[dreg:$0x4] =	wrdreg $0xC0  }
0xab: {  	_ =	task [dreg:s6], $0x5FFFF  }
0xac: {  	[dreg:$0x1] =	wrdreg $0xFFFFFFFF  }
0xad: {  	[dreg:$0x0] =	wrdreg $0x60  }
0xae: {  	[dreg:$0x2] =	wrdreg s24  }
0xaf: {  	[dreg:$0x3] =	wrdreg $0x0  }
0xb0: {  	[dreg:$0x4] =	wrdreg $0x9  }
0xb1: {  	_ =	task.clear_ibuf [dreg:s6], $0x5FFFF;
	_ =	strace $0x9000004C  }
0xb2: {  	s29 =	simm.s32 $0x9;
	_ =	strace $0x8000004E  }
0xb3: {  	_ =	swait.ge [sflag:s29], $0x1  }
0xb4: {  	[sflag:s29] =	ssyncadd.s32 $0xFFFFFFFF  }
0xb5: {  	_ =	strace $0x9000004E  }
0xb6: {  	_ =	sfence  }
0xb7: {  	s30 =	sld [smem:$0x0];
	_ =	sdelay $0x2  }
0xb8: {  	s31 =	sshll.u32 s1, $0xD;
	s1 =	sshrl.u32 s1, $0x2  }
0xb9: {  	s3 =	sand.u32 $0x4000, s31;
	s1 =	sadd.s32 s1, s30  }
0xba: {  	s0 =	sor.u32 s3, s0;
	s1 =	sshll.u32 s1, $0x11  }
0xbb: {  	s0 =	sor.u32 s1, s0  }
0xbc: {  	s0 =	sadd.s32 $0x8F2B, s0  }
0xbd: {  	[sflag:s0] =	ssyncadd.remote.s32 $0x1  }
0xbe: {  	_ =	sfence.sel $0xFFFF  }
0xbf: {  	[dreg:$0x0] =	wrdreg $0xFFFFFFFF;
	(pc) =	sbr.abs _section_cstart, $3  }
0xc0: {  	[dreg:$0x1] =	wrdreg $0xFFFFFFFF  }
0xc1: {  	_ =	task.clear_ibuf [dreg:s6], $0x2FFFF;
	_ =	strace $0x9FFFFFFF  }
0xc2: {  	(tm) =	ssettm $0x7FFFFFFF  }
0xc3: {  	_ =	shalt  }
tec
execute0_lowered:
.L_overlay_start_1:
0x0: {  	(tag) =	ssettag $0x1  }
0x1: {  	s0 =	srdreg.scid  }
0x2: {  	s14 =	stileid.u32;
	s6 =	rddreg [dreg:$0x0]  }
0x3: {  	s2 =	rddreg [dreg:$0x1];
	s3 =	simm.s32 $0x0;
	s15 =	simm.s32 $0x7  }
0x4: {  	s18 =	simm.s32 $0x50;
	s28 =	simm.s32 $0x3;
	s29 =	simm.s32 $0x2  }
0x5: {  	s30 =	simm.s32 $0x4;
	s31 =	simm.s32 $0x14E60;
	s8 =	smul.u32 $0x13880, s14  }
0x6: {  	s0 =	sand.u32 $0x1, s0;
	s1 =	sshll.u32 s14, $0x1;
	s25 =	smul.u32 $0x27100, s14  }
0x7: {  	[smem:$0x7FF] =	sst s3;
	s9 =	sshrl.u32 s14, $0x3;
	s7 =	smul.u32 $0x138800, s0  }
0x8: {  	s4 =	sadd.s32 $0x24A00, s6;
	s1 =	sor.u32 s0, s1;
	s11 =	smul.u32 $0xFFFD8F00, s9  }
0x9: {  	s12 =	sadd.s32 $0x2D1400, s6;
	s14 =	simm.s32 $0x13A60;
	s5 =	smul.u32 $0x4E2, s1  }
0xa: {  	_ =	strace $0x8000004D;
	s0 =	ssub.s32 $0x2, s0;
	s10 =	smul.u32 $0x2710, s1  }
0xb: {  	p0 =	seq.s32 s9, $0x0;
	s20 =	sshrl.u32 s0, $0x1;
	s1 =	smul.u32 $0x27100, s1  }
0xc: {  	s26 =	sshrl.u32 s25, $0x2;
	s25 =	simm.s32 $0x12660;
	s19 =	sadd.s32 s8, s7  }
0xd: {  	s0 =	ssub.s32 s0, s20;
	s8 =	sadd.s32 $0x2D1408, s6;
	s20 =	simm.s32 $0x40  }
0xe: {  	s13 =	sadd.s32 s5, s6;
	s7 =	sshrl.u32 s19, $0x4;
	s5 =	sadd.s32 s11, s10  }
0xf: {  	s1 =	sadd.s32 s12, s1;
	s0 =	smax.u32 s0, $0x1;
	s19 =	simm.s32 $0xEA60  }
0x10: {  	s7 =	sadd.s32 s7, s6;
	s21 =	sadd.s32 $0x10200, s13;
	[dreg:$0x7] =	wrdreg s0  }
0x11: {  	s10 =	sshll.u32 s5, $0x4;
	s23 =	sadd.s32 $0x6400, s13;
	[dreg:$0x3] =	wrdreg s21  }
0x12: {  	s22 =	sand.u32 $0x1FFFFF00, s10;
	[dreg:$0x4] =	wrdreg s23;
	s24 =	sadd.s32 $0x500, s10  }
0x13: {  	s13 =	sadd.s32 $0x39200, s7;
	s21 =	simm.s32 $0x80;
	s6 =	sand.u32 $0x1FFFFF00, s24  }
0x14: {  	s11 =	sadd.s32 s22, s8;
	s22 =	simm.s32 $0x11260;
	s10 =	sadd.s32 s6, s8  }
0x15: {  	s6 =	sadd.s32 $0x500, s1;
	s11 =	smov.u32 @p0 s1;
	s8 =	smov.u32 @p0 s12  }
0x16: {  	s12 =	sadd.s32 s26, s2;
	[dreg:$0x5] =	wrdreg s11;
	s10 =	smov.u32 @p0 s6  }
0x17: {  	v0 =	vimm.bf16 $0.0e+00;
	s26 =	simm.s32 $0x1;
	s1 =	simm.s32 $0x0;
	[dreg:$0x6] =	wrdreg s10  }
.LBB2_1:
0x18: {  	[dreg:$0x8] =	wrdreg s1;
	s0 =	simm.s32 $0x0  }
.LBB2_2:
0x19: {  	p0 =	sne.s32 s0, $0x1800  }
.Ltmp0:
0x1a: {  	s1 =	sshra.s32 s0, $0x2;
	(pc) =	sbr.rel @p0 .LBB2_2-.Ltmp0, $4  }
0x1b: {  	[tilespmem:s1+$0x13A60] =	vst v0  }
0x1c: {  	[tilespmem:s1+$0x13A70] =	vst v0  }
0x1d: {  	[tilespmem:s1+$0x13A80] =	vst v0  }
0x1e: {  	s0 =	sadd.s32 $0x100, s0;
	[tilespmem:s1+$0x13A90] =	vst v0  }
0x1f: {  	s0 =	sadd.s32 $0x0, s12  }
0x20: {  	[spmem:s0] =	stream.linear.scatter [tilespmem:s14], [sflag:$0x7], $0x640, $0x38;
	[tilespmem:$0x16260] =	vst v63  }
0x21: {  	s0 =	simm.s32 $0x1900;
	_ =	swait.ge [sflag:s15], $0x640  }
.LBB2_4:
0x22: {  	s1 =	sshra.s32 s0, $0x2;
	[sflag:s15] =	ssyncset.done $0x0;
	p0 =	sne.s32 s0, $0x25800  }
.Ltmp1:
0x23: {  	s1 =	sadd.s32 s1, s12;
	[sflag:s15] =	ssyncadd.s32 $0xFFFFF9C0;
	(pc) =	sbr.rel @p0 .LBB2_4-.Ltmp1, $3  }
0x24: {  	[spmem:s1] =	stream.linear.scatter [tilespmem:s14], [sflag:$0x7], $0x640, $0x38;
	[tilespmem:$0x16260] =	vst v63  }
0x25: {  	s0 =	sadd.s32 $0x1900, s0;
	_ =	sdelay $0x1  }
0x26: {  	_ =	swait.ge [sflag:s15], $0x640  }
0x27: {  	[sflag:s15] =	ssyncset.done $0x0;
	s0 =	simm.s32 $0x0  }
0x28: {  	s1 =	rddreg [dreg:$0x3];
	s6 =	simm.s32 $0x9C40;
	[sflag:s15] =	ssyncadd.s32 $0xFFFFF9C0  }
0x29: {  	[tilespmem:s6], [sflag:$0x7] =	stream.linear.gather [hbm4b:s1+s0], $0x2710, $0x38;
	[tilespmem:$0x16260] =	vst v63  }
0x2a: {  	_ =	swait.ge [sflag:s15], $0x2710  }
0x2b: {  	[sflag:s15] =	ssyncset.done $0x0  }
0x2c: {  	s11 =	simm.s32 $0xC350;
	s10 =	rddreg [dreg:$0x4];
	[sflag:s15] =	ssyncadd.s32 $0xFFFFD8F0  }
0x2d: {  	[tilespmem:s11], [sflag:$0x7] =	stream.linear.gather [hbm4b:s10+s0], $0x2710, $0x38;
	[tilespmem:$0x16260] =	vst v63  }
0x2e: {  	_ =	swait.ge [sflag:s15], $0x2710  }
0x2f: {  	[sflag:s15] =	ssyncset.done $0x0  }
0x30: {  	[sflag:s15] =	ssyncadd.s32 $0xFFFFD8F0  }
0x31: {  	[bflag:$0x0] =	sbarrier.arrive $0xFFFF  }
0x32: {  	[tilespmem:s19], [sflag:$0x1] =	stream.indirect.gather [hbm4b:s4+s18], $0x40, s11, s18, $0xb8;
	[tilespmem:$0x16260] =	vst v63  }
0x33: {  	s16 =	rddreg [dreg:$0x5]  }
0x34: {  	[tilespmem:s22], [sflag:$0x3] =	stream.strided.gather [hbm4b:s16+s20], $0x1400, s21, s20, $0x38;
	[tilespmem:$0x16260] =	vst v63  }
0x35: {  	s17 =	simm.s32 $0xC3A0;
	s23 =	simm.s32 $0xFE60  }
0x36: {  	[tilespmem:s23], [sflag:$0x2] =	stream.indirect.gather [hbm4b:s4+s18], $0x40, s17, s18, $0xb8;
	[tilespmem:$0x16260] =	vst v63  }
0x37: {  	s24 =	rddreg [dreg:$0x6]  }
0x38: {  	[tilespmem:s25], [sflag:$0x4] =	stream.strided.gather [hbm4b:s24+s20], $0x1400, s21, s20, $0x38;
	[tilespmem:$0x16260] =	vst v63  }
.LBB2_6:
0x39: {  	_ =	swait.ge [sflag:s26], $0x1400  }
0x3a: {  	[sflag:s26] =	ssyncset.done $0x0  }
0x3b: {  	[sflag:s26] =	ssyncadd.s32 $0xFFFFEC00  }
0x3c: {  	_ =	swait.ge [sflag:s28], $0x1400  }
0x3d: {  	p0 =	seq.s32 s0, $0x0;
	[sflag:s28] =	ssyncset.done $0x0  }
0x3e: {  	s1 =	simm.s32 @!p0 $0x5;
	[sflag:s28] =	ssyncadd.s32 $0xFFFFEC00  }
0x3f: {  	_ =	swait.ge @!p0 [sflag:s1], $0x1400  }
0x40: {  	[sflag:s1] =	ssyncset.done @!p0 $0x0  }
0x41: {  	s6 =	simm.s32 $0xEAE0;
	[sflag:s1] =	ssyncadd.s32 @!p0 $0xFFFFEC00  }
0x42: {  	s9 =	simm.s32 $0x112E0;
	v1 =	vld [tilespmem:s6+$0x40]  }
0x43: {  	v2 =	vld [tilespmem:s9+$0x40]  }
0x44: {  	v3 =	vld [tilespmem:s9+$0xFFFFFF80]  }
0x45: {  	v4 =	vld [tilespmem:s6+$0xFFFFFFC0]  }
0x46: {  	v5 =	vld [tilespmem:s9+$0xFFFFFFC0]  }
0x47: {  	v6 =	vld [tilespmem:s6+$0x0]  }
0x48: {  	v7 =	vld [tilespmem:s9+$0x0];
	v1 =	vmul.bf16 v2, v1  }
0x49: {  	s7 =	simm.s32 $0x13AE0;
	v2 =	vld [tilespmem:s6+$0xFFFFFF80]  }
0x4a: {  	[tilespmem:s7+$0x40] =	vst v1  }
0x4b: {  	v1 =	vmul.bf16 v5, v4;
	v4 =	vld [tilespmem:s6+$0x50]  }
0x4c: {  	v5 =	vld [tilespmem:s9+$0x50]  }
0x4d: {  	[tilespmem:s7+$0xFFFFFFC0] =	vst v1;
	v1 =	vmul.bf16 v7, v6  }
0x4e: {  	v2 =	vmul.bf16 v3, v2;
	v3 =	vld [tilespmem:s6+$0xFFFFFFD0]  }
0x4f: {  	v6 =	vld [tilespmem:s9+$0xFFFFFFD0];
	[tilespmem:s7+$0x0] =	vst v1  }
0x50: {  	[tilespmem:s7+$0xFFFFFF80] =	vst v2;
	v1 =	vld [tilespmem:s6+$0x10]  }
0x51: {  	v2 =	vld [tilespmem:s6+$0xFFFFFF90];
	v4 =	vmul.bf16 v5, v4  }
0x52: {  	v5 =	vld [tilespmem:s9+$0xFFFFFF90]  }
0x53: {  	v7 =	vld [tilespmem:s9+$0x10];
	[tilespmem:s7+$0x50] =	vst v4  }
0x54: {  	v3 =	vmul.bf16 v6, v3;
	v4 =	vld [tilespmem:s6+$0x60]  }
0x55: {  	v6 =	vld [tilespmem:s9+$0x60]  }
0x56: {  	[tilespmem:s7+$0xFFFFFFD0] =	vst v3  }
0x57: {  	v2 =	vmul.bf16 v5, v2;
	v3 =	vld [tilespmem:s6+$0xFFFFFFE0]  }
0x58: {  	v5 =	vld [tilespmem:s9+$0xFFFFFFE0]  }
0x59: {  	v1 =	vmul.bf16 v7, v1;
	[tilespmem:s7+$0xFFFFFF90] =	vst v2  }
0x5a: {  	v7 =	vld [tilespmem:s6+$0xFFFFFFA0];
	v2 =	vmul.bf16 v6, v4  }
0x5b: {  	[tilespmem:s7+$0x10] =	vst v1;
	v8 =	vld [tilespmem:s9+$0xFFFFFFA0]  }
0x5c: {  	v1 =	vld [tilespmem:s6+$0x20];
	[tilespmem:s7+$0x60] =	vst v2  }
0x5d: {  	v4 =	vmul.bf16 v5, v3;
	v2 =	vld [tilespmem:s6+$0x70]  }
0x5e: {  	v3 =	vld [tilespmem:s9+$0x70]  }
0x5f: {  	v6 =	vld [tilespmem:s9+$0x20];
	[tilespmem:s7+$0xFFFFFFE0] =	vst v4  }
0x60: {  	s16 =	simm.s32 $0xEBE0;
	v4 =	vld [tilespmem:s6+$0xFFFFFFF0];
	v7 =	vmul.bf16 v8, v7  }
0x61: {  	s11 =	simm.s32 $0x112E0;
	s10 =	simm.s32 $0x13AE0;
	s1 =	simm.s32 $0x0;
	v5 =	vld [tilespmem:s9+$0xFFFFFFF0]  }
.LBB2_7:
0x62: {  	v8 =	vld [tilespmem:s16+$0x40];
	[tilespmem:s7+$0xFFFFFFA0] =	vst v7;
	s9 =	sadd.s32 $0x100, s9  }
0x63: {  	v7 =	vld [tilespmem:s9+$0x40];
	v2 =	vmul.bf16 v3, v2  }
0x64: {  	v3 =	vld [tilespmem:s9+$0xFFFFFF80];
	v1 =	vmul.bf16 v6, v1  }
0x65: {  	v6 =	vld [tilespmem:s16+$0xFFFFFFC0];
	[tilespmem:s7+$0x70] =	vst v2  }
0x66: {  	s1 =	sadd.s32 $0x4, s1;
	v2 =	vld [tilespmem:s9+$0xFFFFFFC0];
	v4 =	vmul.bf16 v5, v4;
	[tilespmem:s7+$0x20] =	vst v1  }
0x67: {  	p1 =	slt.u32 s1, $0x4C;
	v1 =	vld [tilespmem:s16+$0x0]  }
0x68: {  	v5 =	vld [tilespmem:s9+$0x0];
	v7 =	vmul.bf16 v7, v8;
	[tilespmem:s7+$0xFFFFFFF0] =	vst v4  }
0x69: {  	s7 =	sadd.s32 $0x100, s7;
	v4 =	vld [tilespmem:s16+$0xFFFFFF80]  }
0x6a: {  	[tilespmem:s7+$0x40] =	vst v7;
	v7 =	vld [tilespmem:s6+$0xFFFFFFB0]  }
0x6b: {  	v2 =	vmul.bf16 v2, v6;
	v6 =	vld [tilespmem:s16+$0x50]  }
0x6c: {  	v8 =	vld [tilespmem:s9+$0x50]  }
0x6d: {  	[tilespmem:s7+$0xFFFFFFC0] =	vst v2;
	v1 =	vmul.bf16 v5, v1;
	v2 =	vld [tilespmem:s11+$0xFFFFFFB0]  }
0x6e: {  	v3 =	vmul.bf16 v3, v4;
	v4 =	vld [tilespmem:s16+$0xFFFFFFD0]  }
0x6f: {  	v5 =	vld [tilespmem:s9+$0xFFFFFFD0];
	[tilespmem:s7+$0x0] =	vst v1  }
0x70: {  	[tilespmem:s7+$0xFFFFFF80] =	vst v3;
	v1 =	vld [tilespmem:s16+$0x10]  }
0x71: {  	v3 =	vld [tilespmem:s16+$0xFFFFFF90];
	v6 =	vmul.bf16 v8, v6  }
0x72: {  	v8 =	vld [tilespmem:s9+$0xFFFFFF90];
	v2 =	vmul.bf16 v2, v7  }
0x73: {  	v7 =	vld [tilespmem:s9+$0x10];
	[tilespmem:s7+$0x50] =	vst v6  }
0x74: {  	v4 =	vmul.bf16 v5, v4;
	v5 =	vld [tilespmem:s16+$0x60];
	[tilespmem:s10+$0xFFFFFFB0] =	vst v2  }
0x75: {  	v2 =	vld [tilespmem:s9+$0x60]  }
0x76: {  	[tilespmem:s7+$0xFFFFFFD0] =	vst v4;
	v4 =	vld [tilespmem:s6+$0x30];
	s6 =	smov.u32 s16  }
0x77: {  	v3 =	vmul.bf16 v8, v3;
	v6 =	vld [tilespmem:s16+$0xFFFFFFE0]  }
0x78: {  	v8 =	vld [tilespmem:s9+$0xFFFFFFE0];
	v1 =	vmul.bf16 v7, v1  }
0x79: {  	[tilespmem:s7+$0xFFFFFF90] =	vst v3;
	v7 =	vld [tilespmem:s11+$0x30];
	s11 =	smov.u32 s9  }
0x7a: {  	v9 =	vld [tilespmem:s16+$0xFFFFFFA0];
	[tilespmem:s7+$0x10] =	vst v1;
	v2 =	vmul.bf16 v2, v5  }
0x7b: {  	v5 =	vld [tilespmem:s9+$0xFFFFFFA0]  }
0x7c: {  	v1 =	vld [tilespmem:s16+$0x20];
	[tilespmem:s7+$0x60] =	vst v2  }
.Ltmp2:
0x7d: {  	v6 =	vmul.bf16 v8, v6;
	v2 =	vld [tilespmem:s16+$0x70];
	(pc) =	sbr.rel @p1 .LBB2_7-.Ltmp2, $4  }
0x7e: {  	v3 =	vld [tilespmem:s9+$0x70];
	v8 =	vmul.bf16 v7, v4  }
0x7f: {  	[tilespmem:s7+$0xFFFFFFE0] =	vst v6;
	v6 =	vld [tilespmem:s9+$0x20]  }
0x80: {  	v7 =	vmul.bf16 v5, v9;
	v4 =	vld [tilespmem:s16+$0xFFFFFFF0];
	[tilespmem:s10+$0x30] =	vst v8;
	s10 =	smov.u32 s7  }
0x81: {  	s16 =	sadd.s32 $0x100, s16;
	v5 =	vld [tilespmem:s9+$0xFFFFFFF0]  }
0x82: {  	_ =	sdelay $0x1  }
0x83: {  	[tilespmem:s7+$0xFFFFFFA0] =	vst v7;
	v1 =	vmul.bf16 v6, v1  }
0x84: {  	v6 =	vld [tilespmem:s6+$0xFFFFFFB0]  }
0x85: {  	[tilespmem:s7+$0x20] =	vst v1;
	v1 =	vld [tilespmem:s11+$0xFFFFFFB0]  }
0x86: {  	v7 =	vld [tilespmem:s6+$0x30]  }
0x87: {  	v8 =	vld [tilespmem:s11+$0x30];
	_ =	sdelay $0x1  }
0x88: {  	v2 =	vmul.bf16 v3, v2;
	s6 =	smul.u32 $0xA0, s0  }
0x89: {  	v3 =	vmul.bf16 v5, v4  }
0x8a: {  	[tilespmem:s7+$0x70] =	vst v2;
	s1 =	sadd.s32 s5, s6;
	v1 =	vmul.bf16 v1, v6  }
0x8b: {  	[tilespmem:s7+$0xFFFFFFF0] =	vst v3;
	s7 =	sshll.u32 s1, $0x4;
	v2 =	vmul.bf16 v8, v7  }
0x8c: {  	s1 =	sadd.s32 $0xA00, s7;
	[tilespmem:s10+$0xFFFFFFB0] =	vst v1  }
0x8d: {  	s9 =	smul.u32 $0x280, s0;
	s23 =	sadd.s32 $0xC3F0, s6;
	s1 =	sand.u32 $0x1FFFFF00, s1;
	[tilespmem:s10+$0x30] =	vst v2  }
0x8e: {  	[tilespmem:s19], [sflag:$0x1] =	stream.indirect.gather [hbm4b:s4+s18], $0x40, s23, s18, $0xb8;
	[tilespmem:$0x16260] =	vst v63  }
0x8f: {  	s17 =	sshra.s32 s9, $0x2;
	s1 =	sadd.s32 s8, s1  }
0x90: {  	[tilespmem:s22], [sflag:$0x3] =	stream.strided.gather [hbm4b:s1+s20], $0x1400, s21, s20, $0x38;
	[tilespmem:$0x16260] =	vst v63  }
0x91: {  	s24 =	sadd.s32 $0x9C40, s17  }
0x92: {  	[spmem:s2] =	stream.indirect.scatter.add.bf16 [tilespmem:s14], [sflag:$0x5], $0x40, s24, s18, $0xb8;
	[tilespmem:$0x16260] =	vst v63  }
0x93: {  	_ =	swait.ge [sflag:s29], $0x1400  }
0x94: {  	[sflag:s29] =	ssyncset.done $0x0  }
0x95: {  	[sflag:s29] =	ssyncadd.s32 $0xFFFFEC00  }
0x96: {  	_ =	swait.ge [sflag:s30], $0x1400  }
0x97: {  	[sflag:s30] =	ssyncset.done $0x0  }
0x98: {  	s1 =	simm.s32 @!p0 $0x6;
	[sflag:s30] =	ssyncadd.s32 $0xFFFFEC00  }
0x99: {  	_ =	swait.ge @!p0 [sflag:s1], $0x1400  }
0x9a: {  	[sflag:s1] =	ssyncset.done @!p0 $0x0  }
0x9b: {  	s11 =	simm.s32 $0xFEE0;
	[sflag:s1] =	ssyncadd.s32 @!p0 $0xFFFFEC00  }
0x9c: {  	s10 =	simm.s32 $0x126E0;
	v1 =	vld [tilespmem:s11+$0x40]  }
0x9d: {  	v2 =	vld [tilespmem:s10+$0x40]  }
0x9e: {  	v3 =	vld [tilespmem:s10+$0xFFFFFF80]  }
0x9f: {  	v4 =	vld [tilespmem:s11+$0xFFFFFFC0]  }
0xa0: {  	v5 =	vld [tilespmem:s10+$0xFFFFFFC0]  }
0xa1: {  	v6 =	vld [tilespmem:s11+$0x0]  }
0xa2: {  	v7 =	vld [tilespmem:s10+$0x0];
	v1 =	vmul.bf16 v2, v1  }
0xa3: {  	s9 =	simm.s32 $0x14EE0;
	v2 =	vld [tilespmem:s11+$0xFFFFFF80]  }
0xa4: {  	[tilespmem:s9+$0x40] =	vst v1  }
0xa5: {  	v1 =	vmul.bf16 v5, v4;
	v4 =	vld [tilespmem:s11+$0x50]  }
0xa6: {  	v5 =	vld [tilespmem:s10+$0x50]  }
0xa7: {  	[tilespmem:s9+$0xFFFFFFC0] =	vst v1;
	v1 =	vmul.bf16 v7, v6  }
0xa8: {  	v2 =	vmul.bf16 v3, v2;
	v3 =	vld [tilespmem:s11+$0xFFFFFFD0]  }
0xa9: {  	v6 =	vld [tilespmem:s10+$0xFFFFFFD0];
	[tilespmem:s9+$0x0] =	vst v1  }
0xaa: {  	[tilespmem:s9+$0xFFFFFF80] =	vst v2;
	v1 =	vld [tilespmem:s11+$0x10]  }
0xab: {  	v2 =	vld [tilespmem:s11+$0xFFFFFF90];
	v4 =	vmul.bf16 v5, v4  }
0xac: {  	v5 =	vld [tilespmem:s10+$0xFFFFFF90]  }
0xad: {  	v7 =	vld [tilespmem:s10+$0x10];
	[tilespmem:s9+$0x50] =	vst v4  }
0xae: {  	v3 =	vmul.bf16 v6, v3;
	v4 =	vld [tilespmem:s11+$0x60]  }
0xaf: {  	v6 =	vld [tilespmem:s10+$0x60]  }
0xb0: {  	[tilespmem:s9+$0xFFFFFFD0] =	vst v3  }
0xb1: {  	v2 =	vmul.bf16 v5, v2;
	v3 =	vld [tilespmem:s11+$0xFFFFFFE0]  }
0xb2: {  	v5 =	vld [tilespmem:s10+$0xFFFFFFE0]  }
0xb3: {  	v1 =	vmul.bf16 v7, v1;
	[tilespmem:s9+$0xFFFFFF90] =	vst v2  }
0xb4: {  	v7 =	vld [tilespmem:s11+$0xFFFFFFA0];
	v2 =	vmul.bf16 v6, v4  }
0xb5: {  	[tilespmem:s9+$0x10] =	vst v1;
	v8 =	vld [tilespmem:s10+$0xFFFFFFA0]  }
0xb6: {  	v1 =	vld [tilespmem:s11+$0x20];
	[tilespmem:s9+$0x60] =	vst v2  }
0xb7: {  	v4 =	vmul.bf16 v5, v3;
	v2 =	vld [tilespmem:s11+$0x70]  }
0xb8: {  	v3 =	vld [tilespmem:s10+$0x70]  }
0xb9: {  	v6 =	vld [tilespmem:s10+$0x20];
	[tilespmem:s9+$0xFFFFFFE0] =	vst v4  }
0xba: {  	s16 =	simm.s32 $0x14EE0;
	v4 =	vld [tilespmem:s11+$0xFFFFFFF0];
	v7 =	vmul.bf16 v8, v7  }
0xbb: {  	s23 =	simm.s32 $0x0;
	s24 =	simm.s32 $0xFFE0;
	s1 =	simm.s32 $0x126E0;
	v5 =	vld [tilespmem:s10+$0xFFFFFFF0]  }
.LBB2_9:
0xbc: {  	v8 =	vld [tilespmem:s24+$0x40];
	[tilespmem:s9+$0xFFFFFFA0] =	vst v7;
	s10 =	sadd.s32 $0x100, s10  }
0xbd: {  	v7 =	vld [tilespmem:s10+$0x40];
	v2 =	vmul.bf16 v3, v2  }
0xbe: {  	v3 =	vld [tilespmem:s10+$0xFFFFFF80];
	v1 =	vmul.bf16 v6, v1  }
0xbf: {  	v6 =	vld [tilespmem:s24+$0xFFFFFFC0];
	[tilespmem:s9+$0x70] =	vst v2  }
0xc0: {  	s23 =	sadd.s32 $0x4, s23;
	v2 =	vld [tilespmem:s10+$0xFFFFFFC0];
	v4 =	vmul.bf16 v5, v4;
	[tilespmem:s9+$0x20] =	vst v1  }
0xc1: {  	p0 =	slt.u32 s23, $0x4C;
	v1 =	vld [tilespmem:s24+$0x0]  }
0xc2: {  	v5 =	vld [tilespmem:s10+$0x0];
	v7 =	vmul.bf16 v7, v8;
	[tilespmem:s9+$0xFFFFFFF0] =	vst v4  }
0xc3: {  	s9 =	sadd.s32 $0x100, s9;
	v4 =	vld [tilespmem:s24+$0xFFFFFF80]  }
0xc4: {  	[tilespmem:s9+$0x40] =	vst v7;
	v7 =	vld [tilespmem:s11+$0xFFFFFFB0]  }
0xc5: {  	v2 =	vmul.bf16 v2, v6;
	v6 =	vld [tilespmem:s24+$0x50]  }
0xc6: {  	v8 =	vld [tilespmem:s10+$0x50]  }
0xc7: {  	[tilespmem:s9+$0xFFFFFFC0] =	vst v2;
	v1 =	vmul.bf16 v5, v1;
	v2 =	vld [tilespmem:s1+$0xFFFFFFB0]  }
0xc8: {  	v3 =	vmul.bf16 v3, v4;
	v4 =	vld [tilespmem:s24+$0xFFFFFFD0]  }
0xc9: {  	v5 =	vld [tilespmem:s10+$0xFFFFFFD0];
	[tilespmem:s9+$0x0] =	vst v1  }
0xca: {  	[tilespmem:s9+$0xFFFFFF80] =	vst v3;
	v1 =	vld [tilespmem:s24+$0x10]  }
0xcb: {  	v3 =	vld [tilespmem:s24+$0xFFFFFF90];
	v6 =	vmul.bf16 v8, v6  }
0xcc: {  	v8 =	vld [tilespmem:s10+$0xFFFFFF90];
	v2 =	vmul.bf16 v2, v7  }
0xcd: {  	v7 =	vld [tilespmem:s10+$0x10];
	[tilespmem:s9+$0x50] =	vst v6  }
0xce: {  	v4 =	vmul.bf16 v5, v4;
	v5 =	vld [tilespmem:s24+$0x60];
	[tilespmem:s16+$0xFFFFFFB0] =	vst v2  }
0xcf: {  	v2 =	vld [tilespmem:s10+$0x60]  }
0xd0: {  	[tilespmem:s9+$0xFFFFFFD0] =	vst v4;
	v4 =	vld [tilespmem:s11+$0x30];
	s11 =	smov.u32 s24  }
0xd1: {  	v3 =	vmul.bf16 v8, v3;
	v6 =	vld [tilespmem:s24+$0xFFFFFFE0]  }
0xd2: {  	v8 =	vld [tilespmem:s10+$0xFFFFFFE0];
	v1 =	vmul.bf16 v7, v1  }
0xd3: {  	[tilespmem:s9+$0xFFFFFF90] =	vst v3;
	v7 =	vld [tilespmem:s1+$0x30];
	s1 =	smov.u32 s10  }
0xd4: {  	v9 =	vld [tilespmem:s24+$0xFFFFFFA0];
	[tilespmem:s9+$0x10] =	vst v1;
	v2 =	vmul.bf16 v2, v5  }
0xd5: {  	v5 =	vld [tilespmem:s10+$0xFFFFFFA0]  }
0xd6: {  	v1 =	vld [tilespmem:s24+$0x20];
	[tilespmem:s9+$0x60] =	vst v2  }
.Ltmp3:
0xd7: {  	v6 =	vmul.bf16 v8, v6;
	v2 =	vld [tilespmem:s24+$0x70];
	(pc) =	sbr.rel @p0 .LBB2_9-.Ltmp3, $4  }
0xd8: {  	v3 =	vld [tilespmem:s10+$0x70];
	v8 =	vmul.bf16 v7, v4  }
0xd9: {  	[tilespmem:s9+$0xFFFFFFE0] =	vst v6;
	v6 =	vld [tilespmem:s10+$0x20]  }
0xda: {  	v7 =	vmul.bf16 v5, v9;
	v4 =	vld [tilespmem:s24+$0xFFFFFFF0];
	[tilespmem:s16+$0x30] =	vst v8;
	s16 =	smov.u32 s9  }
0xdb: {  	s24 =	sadd.s32 $0x100, s24;
	v5 =	vld [tilespmem:s10+$0xFFFFFFF0]  }
0xdc: {  	_ =	sdelay $0x1  }
0xdd: {  	[tilespmem:s9+$0xFFFFFFA0] =	vst v7;
	v1 =	vmul.bf16 v6, v1  }
0xde: {  	v62 =	vld [tilespmem:s11+$0xFFFFFFB0]  }
0xdf: {  	[tilespmem:s9+$0x20] =	vst v1;
	v1 =	vld [tilespmem:s1+$0xFFFFFFB0]  }
0xe0: {  	v63 =	vld [tilespmem:s11+$0x30]  }
0xe1: {  	v8 =	vld [tilespmem:s1+$0x30];
	_ =	sdelay $0x1  }
0xe2: {  	p0 =	seq.s32 s0, $0x3D;
	v2 =	vmul.bf16 v3, v2  }
.Ltmp4:
0xe3: {  	v3 =	vmul.bf16 v5, v4;
	(pc) =	sbr.rel @p0 .LBB2_12-.Ltmp4, $4  }
0xe4: {  	[tilespmem:s9+$0x70] =	vst v2;
	v1 =	vmul.bf16 v1, v62  }
0xe5: {  	[tilespmem:s9+$0xFFFFFFF0] =	vst v3;
	v2 =	vmul.bf16 v8, v63  }
0xe6: {  	[tilespmem:s16+$0xFFFFFFB0] =	vst v1  }
0xe7: {  	s1 =	sadd.s32 $0x9C90, s17;
	[tilespmem:s16+$0x30] =	vst v2  }
0xe8: {  	s6 =	sadd.s32 $0xC440, s6;
	s9 =	simm.s32 $0xFE60;
	s24 =	sadd.s32 $0xF00, s7  }
0xe9: {  	[tilespmem:s9], [sflag:$0x2] =	stream.indirect.gather [hbm4b:s4+s18], $0x40, s6, s18, $0xb8;
	[tilespmem:$0x16260] =	vst v63  }
.Ltmp5:
0xea: {  	s6 =	sand.u32 $0x1FFFFF00, s24;
	(pc) =	sbr.rel .LBB2_6-.Ltmp5, $4  }
0xeb: {  	s6 =	sadd.s32 s8, s6  }
0xec: {  	[tilespmem:s25], [sflag:$0x4] =	stream.strided.gather [hbm4b:s6+s20], $0x1400, s21, s20, $0x38;
	[tilespmem:$0x16260] =	vst v63  }
0xed: {  	s0 =	sadd.s32 $0x1, s0  }
0xee: {  	[spmem:s2] =	stream.indirect.scatter.add.bf16 [tilespmem:s31], [sflag:$0x6], $0x40, s1, s18, $0xb8;
	[tilespmem:$0x16260] =	vst v63  }
.LBB2_12:
0xef: {  	[spmem:s2] =	stream.indirect.scatter.add.bf16 [tilespmem:s31], [sflag:$0x6], $0x40, s1, s18, $0xb8;
	[tilespmem:$0x16260] =	vst v63  }
0xf0: {  	_ =	swait.ge [sflag:s26], $0x1400  }
0xf1: {  	[sflag:s26] =	ssyncset.done $0x0  }
0xf2: {  	[sflag:s26] =	ssyncadd.s32 $0xFFFFEC00  }
0xf3: {  	_ =	swait.ge [sflag:s28], $0x1400  }
0xf4: {  	[sflag:s28] =	ssyncset.done $0x0  }
0xf5: {  	s16 =	simm.s32 $0x5;
	[sflag:s28] =	ssyncadd.s32 $0xFFFFEC00  }
0xf6: {  	_ =	swait.ge [sflag:s16], $0x1400  }
0xf7: {  	[sflag:s16] =	ssyncset.done $0x0  }
0xf8: {  	s0 =	simm.s32 $0xEAE0;
	[sflag:s16] =	ssyncadd.s32 $0xFFFFEC00  }
0xf9: {  	s7 =	simm.s32 $0x112E0;
	v1 =	vld [tilespmem:s0+$0x40]  }
0xfa: {  	v2 =	vld [tilespmem:s7+$0x40]  }
0xfb: {  	v3 =	vld [tilespmem:s7+$0xFFFFFF80]  }
0xfc: {  	v4 =	vld [tilespmem:s0+$0xFFFFFFC0]  }
0xfd: {  	v5 =	vld [tilespmem:s7+$0xFFFFFFC0]  }
0xfe: {  	v6 =	vld [tilespmem:s0+$0x0]  }
0xff: {  	v7 =	vld [tilespmem:s7+$0x0];
	v1 =	vmul.bf16 v2, v1  }
0x100: {  	s6 =	simm.s32 $0x13AE0;
	v2 =	vld [tilespmem:s0+$0xFFFFFF80]  }
0x101: {  	[tilespmem:s6+$0x40] =	vst v1  }
0x102: {  	v1 =	vmul.bf16 v5, v4;
	v4 =	vld [tilespmem:s0+$0x50]  }
0x103: {  	v5 =	vld [tilespmem:s7+$0x50]  }
0x104: {  	[tilespmem:s6+$0xFFFFFFC0] =	vst v1;
	v1 =	vmul.bf16 v7, v6  }
0x105: {  	v2 =	vmul.bf16 v3, v2;
	v3 =	vld [tilespmem:s0+$0xFFFFFFD0]  }
0x106: {  	v6 =	vld [tilespmem:s7+$0xFFFFFFD0];
	[tilespmem:s6+$0x0] =	vst v1  }
0x107: {  	[tilespmem:s6+$0xFFFFFF80] =	vst v2;
	v1 =	vld [tilespmem:s0+$0x10]  }
0x108: {  	v2 =	vld [tilespmem:s0+$0xFFFFFF90];
	v4 =	vmul.bf16 v5, v4  }
0x109: {  	v5 =	vld [tilespmem:s7+$0xFFFFFF90]  }
0x10a: {  	v7 =	vld [tilespmem:s7+$0x10];
	[tilespmem:s6+$0x50] =	vst v4  }
0x10b: {  	v3 =	vmul.bf16 v6, v3;
	v4 =	vld [tilespmem:s0+$0x60]  }
0x10c: {  	v6 =	vld [tilespmem:s7+$0x60]  }
0x10d: {  	[tilespmem:s6+$0xFFFFFFD0] =	vst v3  }
0x10e: {  	v2 =	vmul.bf16 v5, v2;
	v3 =	vld [tilespmem:s0+$0xFFFFFFE0]  }
0x10f: {  	v5 =	vld [tilespmem:s7+$0xFFFFFFE0]  }
0x110: {  	v1 =	vmul.bf16 v7, v1;
	[tilespmem:s6+$0xFFFFFF90] =	vst v2  }
0x111: {  	v7 =	vld [tilespmem:s0+$0xFFFFFFA0];
	v2 =	vmul.bf16 v6, v4  }
0x112: {  	[tilespmem:s6+$0x10] =	vst v1;
	v8 =	vld [tilespmem:s7+$0xFFFFFFA0]  }
0x113: {  	v1 =	vld [tilespmem:s0+$0x20];
	[tilespmem:s6+$0x60] =	vst v2  }
0x114: {  	v4 =	vmul.bf16 v5, v3;
	v2 =	vld [tilespmem:s0+$0x70]  }
0x115: {  	v3 =	vld [tilespmem:s7+$0x70]  }
0x116: {  	v6 =	vld [tilespmem:s7+$0x20];
	[tilespmem:s6+$0xFFFFFFE0] =	vst v4  }
0x117: {  	s10 =	simm.s32 $0x0;
	v4 =	vld [tilespmem:s0+$0xFFFFFFF0];
	v7 =	vmul.bf16 v8, v7  }
0x118: {  	s11 =	simm.s32 $0xEBE0;
	s1 =	simm.s32 $0x112E0;
	s9 =	simm.s32 $0x13AE0;
	v5 =	vld [tilespmem:s7+$0xFFFFFFF0]  }
.LBB2_13:
0x119: {  	v8 =	vld [tilespmem:s11+$0x40];
	[tilespmem:s6+$0xFFFFFFA0] =	vst v7;
	s7 =	sadd.s32 $0x100, s7  }
0x11a: {  	v7 =	vld [tilespmem:s7+$0x40];
	v2 =	vmul.bf16 v3, v2  }
0x11b: {  	v3 =	vld [tilespmem:s7+$0xFFFFFF80];
	v1 =	vmul.bf16 v6, v1  }
0x11c: {  	v6 =	vld [tilespmem:s11+$0xFFFFFFC0];
	[tilespmem:s6+$0x70] =	vst v2  }
0x11d: {  	s10 =	sadd.s32 $0x4, s10;
	v2 =	vld [tilespmem:s7+$0xFFFFFFC0];
	v4 =	vmul.bf16 v5, v4;
	[tilespmem:s6+$0x20] =	vst v1  }
0x11e: {  	p0 =	slt.u32 s10, $0x4C;
	v1 =	vld [tilespmem:s11+$0x0]  }
0x11f: {  	v5 =	vld [tilespmem:s7+$0x0];
	v7 =	vmul.bf16 v7, v8;
	[tilespmem:s6+$0xFFFFFFF0] =	vst v4  }
0x120: {  	s6 =	sadd.s32 $0x100, s6;
	v4 =	vld [tilespmem:s11+$0xFFFFFF80]  }
0x121: {  	[tilespmem:s6+$0x40] =	vst v7;
	v7 =	vld [tilespmem:s0+$0xFFFFFFB0]  }
0x122: {  	v2 =	vmul.bf16 v2, v6;
	v6 =	vld [tilespmem:s11+$0x50]  }
0x123: {  	v8 =	vld [tilespmem:s7+$0x50]  }
0x124: {  	[tilespmem:s6+$0xFFFFFFC0] =	vst v2;
	v1 =	vmul.bf16 v5, v1;
	v2 =	vld [tilespmem:s1+$0xFFFFFFB0]  }
0x125: {  	v3 =	vmul.bf16 v3, v4;
	v4 =	vld [tilespmem:s11+$0xFFFFFFD0]  }
0x126: {  	v5 =	vld [tilespmem:s7+$0xFFFFFFD0];
	[tilespmem:s6+$0x0] =	vst v1  }
0x127: {  	[tilespmem:s6+$0xFFFFFF80] =	vst v3;
	v1 =	vld [tilespmem:s11+$0x10]  }
0x128: {  	v3 =	vld [tilespmem:s11+$0xFFFFFF90];
	v6 =	vmul.bf16 v8, v6  }
0x129: {  	v8 =	vld [tilespmem:s7+$0xFFFFFF90];
	v2 =	vmul.bf16 v2, v7  }
0x12a: {  	v7 =	vld [tilespmem:s7+$0x10];
	[tilespmem:s6+$0x50] =	vst v6  }
0x12b: {  	v4 =	vmul.bf16 v5, v4;
	v5 =	vld [tilespmem:s11+$0x60];
	[tilespmem:s9+$0xFFFFFFB0] =	vst v2  }
0x12c: {  	v2 =	vld [tilespmem:s7+$0x60]  }
0x12d: {  	[tilespmem:s6+$0xFFFFFFD0] =	vst v4;
	v4 =	vld [tilespmem:s0+$0x30];
	s0 =	smov.u32 s11  }
0x12e: {  	v3 =	vmul.bf16 v8, v3;
	v6 =	vld [tilespmem:s11+$0xFFFFFFE0]  }
0x12f: {  	v8 =	vld [tilespmem:s7+$0xFFFFFFE0];
	v1 =	vmul.bf16 v7, v1  }
0x130: {  	[tilespmem:s6+$0xFFFFFF90] =	vst v3;
	v7 =	vld [tilespmem:s1+$0x30];
	s1 =	smov.u32 s7  }
0x131: {  	v9 =	vld [tilespmem:s11+$0xFFFFFFA0];
	[tilespmem:s6+$0x10] =	vst v1;
	v2 =	vmul.bf16 v2, v5  }
0x132: {  	v5 =	vld [tilespmem:s7+$0xFFFFFFA0]  }
0x133: {  	v1 =	vld [tilespmem:s11+$0x20];
	[tilespmem:s6+$0x60] =	vst v2  }
.Ltmp6:
0x134: {  	v6 =	vmul.bf16 v8, v6;
	v2 =	vld [tilespmem:s11+$0x70];
	(pc) =	sbr.rel @p0 .LBB2_13-.Ltmp6, $4  }
0x135: {  	v3 =	vld [tilespmem:s7+$0x70];
	v8 =	vmul.bf16 v7, v4  }
0x136: {  	[tilespmem:s6+$0xFFFFFFE0] =	vst v6;
	v6 =	vld [tilespmem:s7+$0x20]  }
0x137: {  	v7 =	vmul.bf16 v5, v9;
	v4 =	vld [tilespmem:s11+$0xFFFFFFF0];
	[tilespmem:s9+$0x30] =	vst v8;
	s9 =	smov.u32 s6  }
0x138: {  	s11 =	sadd.s32 $0x100, s11;
	v5 =	vld [tilespmem:s7+$0xFFFFFFF0]  }
0x139: {  	_ =	sdelay $0x1  }
0x13a: {  	[tilespmem:s6+$0xFFFFFFA0] =	vst v7;
	v1 =	vmul.bf16 v6, v1  }
0x13b: {  	v62 =	vld [tilespmem:s0+$0xFFFFFFB0]  }
0x13c: {  	[tilespmem:s6+$0x20] =	vst v1;
	v1 =	vld [tilespmem:s1+$0xFFFFFFB0]  }
0x13d: {  	v63 =	vld [tilespmem:s0+$0x30]  }
0x13e: {  	v8 =	vld [tilespmem:s1+$0x30];
	_ =	sdelay $0x1  }
0x13f: {  	v2 =	vmul.bf16 v3, v2  }
0x140: {  	v3 =	vmul.bf16 v5, v4  }
0x141: {  	[tilespmem:s6+$0x70] =	vst v2;
	v1 =	vmul.bf16 v1, v62  }
0x142: {  	[tilespmem:s6+$0xFFFFFFF0] =	vst v3;
	v2 =	vmul.bf16 v8, v63  }
0x143: {  	[tilespmem:s9+$0xFFFFFFB0] =	vst v1  }
0x144: {  	s17 =	simm.s32 $0xC300;
	s23 =	simm.s32 $0x6;
	[tilespmem:s9+$0x30] =	vst v2  }
0x145: {  	[spmem:s2] =	stream.indirect.scatter.add.bf16 [tilespmem:s14], [sflag:$0x5], $0x40, s17, s18, $0xb8;
	[tilespmem:$0x16260] =	vst v63  }
0x146: {  	_ =	swait.ge [sflag:s23], $0x1400  }
0x147: {  	[sflag:s23] =	ssyncset.done $0x0  }
0x148: {  	[sflag:s23] =	ssyncadd.s32 $0xFFFFEC00  }
0x149: {  	_ =	swait.ge [sflag:s16], $0x1400  }
0x14a: {  	[sflag:s16] =	ssyncset.done $0x0  }
0x14b: {  	[sflag:s16] =	ssyncadd.s32 $0xFFFFEC00  }
0x14c: {  	[bflag:$0x0] =	sbarrier.arrive $0xFFFF  }
0x14d: {  	[tilespmem:s14], [sflag:$0x7] =	stream.linear.gather [spmem:s12], $0x640, $0x38;
	[tilespmem:$0x16260] =	vst v63  }
0x14e: {  	_ =	swait.ge [sflag:s15], $0x640  }
0x14f: {  	[sflag:s15] =	ssyncset.done $0x0  }
0x150: {  	s24 =	sadd.s32 $0x0, s13;
	[sflag:s15] =	ssyncadd.s32 $0xFFFFF9C0  }
0x151: {  	[hbm4b:s24+s3] =	stream.linear.scatter [tilespmem:s14], [sflag:$0x7], $0x640, $0x38;
	[tilespmem:$0x16260] =	vst v63  }
0x152: {  	_ =	swait.ge [sflag:s15], $0x640  }
0x153: {  	s0 =	simm.s32 $0xC8;
	s1 =	smov.u32 s12;
	[sflag:s15] =	ssyncset.done $0x0  }
.LBB2_15:
0x154: {  	p0 =	sne.s32 s0, $0x12C0;
	[sflag:s15] =	ssyncadd.s32 $0xFFFFF9C0;
	s1 =	sadd.s32 $0x640, s1  }
0x155: {  	[tilespmem:s14], [sflag:$0x7] =	stream.linear.gather [spmem:s1], $0x640, $0x38;
	[tilespmem:$0x16260] =	vst v63  }
0x156: {  	s6 =	smov.u32 s0;
	s0 =	sadd.s32 $0xC8, s0;
	_ =	swait.ge [sflag:s15], $0x640  }
.Ltmp7:
0x157: {  	[sflag:s15] =	ssyncset.done $0x0;
	(pc) =	sbr.rel @p0 .LBB2_15-.Ltmp7, $4  }
0x158: {  	s6 =	sadd.s32 s6, s13;
	[sflag:s15] =	ssyncadd.s32 $0xFFFFF9C0  }
0x159: {  	[hbm4b:s6+s3] =	stream.linear.scatter [tilespmem:s14], [sflag:$0x7], $0x640, $0x38;
	[tilespmem:$0x16260] =	vst v63  }
0x15a: {  	_ =	swait.ge [sflag:s15], $0x640  }
0x15b: {  	[sflag:s15] =	ssyncset.done $0x0  }
0x15c: {  	s1 =	rddreg [dreg:$0x8]  }
0x15d: {  	s0 =	rddreg [dreg:$0x7];
	s1 =	sadd.s32 $0x1, s1  }
0x15e: {  	p0 =	sne.s32 s1, s0  }
.Ltmp8:
0x15f: {  	_ = 	snop;
	(pc) =	sbr.rel @p0 .LBB2_1-.Ltmp8, $2  }
0x160: {  	_ =	sdelay $0x2  }
0x161: {  	[sflag:s15] =	ssyncadd.s32 $0xFFFFF9C0  }
0x162: {  	_ =	sfence.sel $0x180000  }
0x163: {  	[bflag:$0x0] =	sbarrier.arrive $0xFFFF  }
0x164: {  	_ =	strace $0x9000004D  }
0x165: {  	s0 =	stileid.u32;
	[bflag:$0x2] =	sbarrier.arrive $0xFFFF  }
0x166: {  	p0 =	sne.s32 s0, $0x0;
	s0 =	rddreg [dreg:$0x2]  }
0x167: {  	s0 =	sadd.s32 @!p0 $0x100000, s0  }
0x168: {  	[sflag:s0] =	ssyncadd.tile.s32 @!p0 $0x1;
	_ =	shalt  }
.Lfunc_end2:
_tile_overlayer_lowered:
.L_overlay_start_2:
0x169: {  	(tag) =	ssettag $0x2  }
0x16a: {  	s0 =	rddreg [dreg:$0x0];
	s2 =	stileid.u32  }
0x16b: {  	s1 =	rddreg [dreg:$0x1];
	p0 =	sne.s32 s2, $0x0  }
0x16c: {  	s3 =	rddreg [dreg:$0x2];
	[bflag:$0x3] =	sbarrier.arrive $0xFFFF;
	s2 =	simm.s32 @!p0 $0x1C07  }
0x16d: {  	[timem:s3], [sflag:s2] =	dma.local @!p0 [hbm:s0], s1  }
0x16e: {  	s0 =	simm.s32 @!p0 $0x7  }
0x16f: {  	_ =	swait.ge @!p0 [sflag:s0], s1  }
0x170: {  	s1 =	ssub.s32 @!p0 $0x0, s1;
	[sflag:s0] =	ssyncset.done @!p0 $0x0  }
0x171: {  	[sflag:s0] =	ssyncadd.s32 @!p0 s1  }
0x172: {  	[bflag:$0x3] =	sbarrier.arrive $0xFFFF  }
0x173: {  	_ =	shalt  }

// kernel: kernel.23.cloned.1.call-start
scs
__scs_entry_jumppad:
0x0: {  	(pc) =	sbr.rel $0x88, $3  }
0x1: {  	(tag) =	ssettag $0x0;
	lr =	simm.s32 $0x1  }
0x2: {  	[smem:$0x3F8C] =	sst lr;
	_ =	strace $0xD0000000  }
0x3: {  	_ = 	snop  }
0x4: {  	_ = 	snop  }
0x5: {  	_ = 	snop  }
0x6: {  	_ = 	snop  }
0x7: {  	_ = 	snop  }
__scs_overlays_trampoline_lowered:
0x8: {  	[smem:$0x3F9B] =	sst s0  }
0x9: {  	[smem:$0x3F9C] =	sst s1  }
0xa: {  	[smem:$0x3F9D] =	sst s2  }
0xb: {  	[smem:$0x3F9E] =	sst s3  }
0xc: {  	[smem:$0x3F9F] =	sst s4  }
0xd: {  	[smem:$0x3FA0] =	sst s5  }
0xe: {  	[smem:$0x3FA1] =	sst s6  }
0xf: {  	[smem:$0x3FA2] =	sst s7  }
0x10: {  	[smem:$0x3FA3] =	sst s8  }
0x11: {  	[smem:$0x3FA4] =	sst s9;
	s0 =	simm.s32 @!p0 $0x0  }
0x12: {  	s1 =	sld [smem:$0x3F8A];
	s0 =	simm.s32 @p0 $0x1  }
0x13: {  	[smem:$0x3FA5] =	sst s0;
	s0 =	simm.s32 @!p1 $0x0  }
0x14: {  	s2 =	sld [smem:$0x3F89];
	s0 =	simm.s32 @p1 $0x1  }
0x15: {  	[smem:$0x3FA6] =	sst s0;
	s0 =	simm.s32 @!p2 $0x0  }
0x16: {  	s3 =	sld [smem:$0x3FDB];
	s0 =	simm.s32 @p2 $0x1  }
0x17: {  	s4 =	simm.s32 $0x1BF5;
	[smem:$0x3FA8] =	sst s0  }
0x18: {  	s0 =	sld [smem:$0x3F8B];
	_ =	swait.ge [sflag:s4], $0x0  }
0x19: {  	s7 =	sld [smem:$0x3F8C]  }
0x1a: {  	s8 =	sadd.s32 $0xFFFFE003, lr  }
0x1b: {  	s9 =	sadd.s32 $0xFFFFFEF7, lr;
	s5 =	simm.s32 $0xFFFFFFFF;
	p2 =	slt.u32 s8, $0xFFFFF086  }
0x1c: {  	p1 =	slt.u32 s9, $0xF7A;
	s5 =	simm.s32 @!p2 $0x0  }
0x1d: {  	s5 =	simm.s32 @p1 $0x1;
	p0 =	seq.s32 s7, s2  }
0x1e: {  	s7 =	smul.u32 @!p0 $0xF7A, s2;
	p2 =	seq.s32 @!p0 s5, $0x0  }
0x1f: {  	s9 =	smul.u32 $0xF7A, s1;
	s8 =	simm.s32 @!p0 $0x1BF5;
	p2 =	por !p2, p0  }
0x20: {  	[sflag:s8] =	ssyncset.s32 @!p0 $0xFFFFF086;
	s6 =	sadd.s32 @!p0 s3, s7;
	s7 =	simm.s32 @!p0 $0x108  }
0x21: {  	s3 =	sadd.s32 s3, s9;
	s6 =	sadd.s32 @!p0 $0x88, s6;
	s7 =	simm.s32 @p2 $0x1082  }
0x22: {  	[simem:s7], [sflag:s8] =	dma.local @!p0 [hbm:s6], $0xF7A  }
0x23: {  	s9 =	sor.u32 $0xD0000000, s2;
	s6 =	simm.s32 $0x108;
	_ =	swait.ge @!p0 [sflag:s8], $0x0  }
0x24: {  	s3 =	sadd.s32 $0x88, s3;
	s6 =	simm.s32 @!p1 $0x1082;
	[sflag:s4] =	ssyncset.s32 $0xFFFFF086  }
0x25: {  	[simem:s6], [sflag:s4] =	dma.local [hbm:s3], $0xF7A  }
0x26: {  	[smem:$0x3F8C] =	sst s1;
	(tag) =	ssettag s2;
	_ =	strace s9  }
0x27: {  	s1 =	sld [smem:$0x3F9C]  }
0x28: {  	s2 =	sld [smem:$0x3F9D]  }
0x29: {  	s4 =	sld [smem:$0x3F9F]  }
0x2a: {  	p0 =	seq.s32 s5, $0x0;
	s5 =	sld [smem:$0x3FA0]  }
0x2b: {  	s6 =	sld [smem:$0x3FA1]  }
0x2c: {  	s7 =	sld [smem:$0x3FA2]  }
0x2d: {  	s3 =	simm.s32 $0x108;
	s8 =	sld [smem:$0x3FA3]  }
0x2e: {  	s3 =	simm.s32 @!p0 $0x1082;
	s9 =	sld [smem:$0x3FA4]  }
0x2f: {  	lr =	sadd.s32 s0, s3;
	s0 =	sld [smem:$0x3F9B]  }
0x30: {  	s3 =	sld [smem:$0x3F9E]  }
0x31: {  	[smem:$0x3FA7] =	sst s10  }
0x32: {  	s10 =	sld [smem:$0x3FA5];
	_ =	sdelay $0x3  }
0x33: {  	p0 =	seq.s32 s10, $0x1;
	s10 =	sld [smem:$0x3FA7];
	_ =	sdelay $0x3  }
0x34: {  	[smem:$0x3FA7] =	sst s10  }
0x35: {  	s10 =	sld [smem:$0x3FA6];
	_ =	sdelay $0x3  }
0x36: {  	p1 =	seq.s32 s10, $0x1;
	s10 =	sld [smem:$0x3FA7];
	_ =	sdelay $0x3  }
0x37: {  	[smem:$0x3FA7] =	sst s10  }
0x38: {  	s10 =	sld [smem:$0x3FA8]  }
0x39: {  	_ = 	snop;
	(pc) =	sbr.ind lr, $3  }
0x3a: {  	_ = 	snop  }
0x3b: {  	_ = 	snop  }
0x3c: {  	p2 =	seq.s32 s10, $0x1;
	s10 =	sld [smem:$0x3FA7]  }
0x3d: {  	_ =	shalt  }
0x3e: {  	_ =	shalt  }
0x3f: {  	_ =	shalt  }
0x40: {  	_ =	shalt  }
0x41: {  	_ =	shalt  }
0x42: {  	_ =	shalt  }
0x43: {  	_ =	shalt  }
0x44: {  	_ =	shalt  }
0x45: {  	_ =	shalt  }
0x46: {  	_ =	shalt  }
0x47: {  	_ =	shalt  }
0x48: {  	_ =	shalt  }
0x49: {  	_ =	shalt  }
0x4a: {  	_ =	shalt  }
0x4b: {  	_ =	shalt  }
0x4c: {  	_ =	shalt  }
0x4d: {  	_ =	shalt  }
0x4e: {  	_ =	shalt  }
0x4f: {  	_ =	shalt  }
0x50: {  	_ =	shalt  }
0x51: {  	_ =	shalt  }
0x52: {  	_ =	shalt  }
0x53: {  	_ =	shalt  }
0x54: {  	_ =	shalt  }
0x55: {  	_ =	shalt  }
0x56: {  	_ =	shalt  }
0x57: {  	_ =	shalt  }
0x58: {  	_ =	shalt  }
0x59: {  	_ =	shalt  }
0x5a: {  	_ =	shalt  }
0x5b: {  	_ =	shalt  }
0x5c: {  	_ =	shalt  }
0x5d: {  	_ =	shalt  }
0x5e: {  	_ =	shalt  }
0x5f: {  	_ =	shalt  }
0x60: {  	_ =	shalt  }
0x61: {  	_ =	shalt  }
0x62: {  	_ =	shalt  }
0x63: {  	_ =	shalt  }
0x64: {  	_ =	shalt  }
0x65: {  	_ =	shalt  }
0x66: {  	_ =	shalt  }
0x67: {  	_ =	shalt  }
0x68: {  	_ =	shalt  }
0x69: {  	_ =	shalt  }
0x6a: {  	_ =	shalt  }
0x6b: {  	_ =	shalt  }
0x6c: {  	_ =	shalt  }
0x6d: {  	_ =	shalt  }
0x6e: {  	_ =	shalt  }
0x6f: {  	_ =	shalt  }
0x70: {  	_ =	shalt  }
0x71: {  	_ =	shalt  }
0x72: {  	_ =	shalt  }
0x73: {  	_ =	shalt  }
0x74: {  	_ =	shalt  }
0x75: {  	_ =	shalt  }
0x76: {  	_ =	shalt  }
0x77: {  	_ =	shalt  }
0x78: {  	_ =	shalt  }
0x79: {  	_ =	shalt  }
0x7a: {  	_ =	shalt  }
0x7b: {  	_ =	shalt  }
0x7c: {  	_ =	shalt  }
0x7d: {  	_ =	shalt  }
0x7e: {  	_ =	shalt  }
0x7f: {  	_ =	shalt  }
0x80: {  	_ =	shalt  }
0x81: {  	_ =	shalt  }
0x82: {  	_ =	shalt  }
0x83: {  	_ =	shalt  }
0x84: {  	_ =	shalt  }
0x85: {  	_ =	shalt  }
0x86: {  	_ =	shalt  }
0x87: {  	_ =	shalt  }
.Lfunc_end0:
.L_simem_size_0:
called_computation.3_lowered:
.L_overlay_start_0:
0x88: {  	s2 =	sld [smem:$0x3FD9]  }
0x89: {  	s3 =	sld [smem:$0x3FFE];
	_ =	sdelay $0x1  }
0x8a: {  	s1 =	srdreg.scid  }
0x8b: {  	s0 =	sand.u32 $0x1, s1  }
0x8c: {  	s16 =	sshll.u32 s0, $0xA;
	s2 =	sadd.s32 s3, s2  }
0x8d: {  	s2 =	sadd.s32 s2, s16  }
0x8e: {  	[smem:$0x3FB3] =	sst s2  }
0x8f: {  	_ = 	snop  }
0x90: {  	(tm) =	ssettm $0x1  }
0x91: {  	s17 =	sld [smem:$0x3FFB];
	_ =	sdelay $0x3  }
0x92: {  	_ =	strace s17  }
0x93: {  	s2 =	sld [smem:$0x3FFC];
	_ =	sdelay $0x3  }
0x94: {  	_ =	strace s2  }
0x95: {  	s2 =	sld [smem:$0x3FFD];
	_ =	sdelay $0x3  }
0x96: {  	_ =	strace s2  }
0x97: {  	_ =	strace $0x8FFFFFFF  }
0x98: {  	s18 =	sld [smem:$0x3FDB];
	_ =	sdelay $0x1  }
0x99: {  	s19 =	simm.s32 $_scs_section_size  }
0x9a: {  	s4 =	simm.s32 $_size__tile_overlayer_lowered;
	s5 =	simm.s32 $_tile_overlayer_lowered  }
0x9b: {  	s22 =	simm.s32 $0x1BFF;
	s21 =	sshll.u32 s5, $0x1;
	s2 =	sadd.s32 s19, s18  }
0x9c: {  	s6 =	simm.s32 $0x0;
	s20 =	sshll.u32 s4, $0x1;
	s4 =	sadd.s32 s21, s2  }
0x9d: {  	[timem:s6], [sflag:s22] =	dma.local [hbm:s4], s20  }
0x9e: {  	_ =	swait.ge [sflag:s22], s20  }
0x9f: {  	s3 =	ssub.s32 $0x0, s20;
	[sflag:s22] =	ssyncset.done $0x0  }
0xa0: {  	[sflag:s22] =	ssyncadd.s32 s3;
	_ =	sdelay $0x1  }
0xa1: {  	s23 =	simm.s32 $0x1B8B  }
0xa2: {  	_ =	swait.ge [sflag:s23], $0x1  }
0xa3: {  	[sflag:s23] =	ssyncset.done $0x0  }
0xa4: {  	s25 =	simm.s32 $0x1B8E;
	s24 =	sld [smem:$0x3FFE];
	[sflag:s23] =	ssyncadd.s32 $0xFFFFFFFF  }
0xa5: {  	s26 =	simm.s32 $execute0_lowered;
	[smem:$0x3FD2] =	sst s25  }
0xa6: {  	s4 =	sshll.u32 s26, $0x1;
	_ =	strace $0x8000004F;
	[dreg:$0x1] =	wrdreg $0xFFFFFFFF  }
0xa7: {  	s28 =	simm.s32 $_size_execute0_lowered;
	s2 =	sadd.s32 s2, s4;
	[dreg:$0x0] =	wrdreg $0x0  }
0xa8: {  	s4 =	sshll.u32 s28, $0x1;
	[dreg:$0x2] =	wrdreg s2  }
0xa9: {  	[dreg:$0x3] =	wrdreg s4  }
0xaa: {  	[dreg:$0x4] =	wrdreg $0xC0  }
0xab: {  	_ =	task [dreg:s6], $0x5FFFF  }
0xac: {  	[dreg:$0x1] =	wrdreg $0xFFFFFFFF  }
0xad: {  	[dreg:$0x0] =	wrdreg $0x60  }
0xae: {  	[dreg:$0x2] =	wrdreg s24  }
0xaf: {  	[dreg:$0x3] =	wrdreg $0x0  }
0xb0: {  	[dreg:$0x4] =	wrdreg $0x9  }
0xb1: {  	_ =	task.clear_ibuf [dreg:s6], $0x5FFFF;
	_ =	strace $0x9000004F  }
0xb2: {  	s29 =	simm.s32 $0x9;
	_ =	strace $0x80000051  }
0xb3: {  	_ =	swait.ge [sflag:s29], $0x1  }
0xb4: {  	[sflag:s29] =	ssyncadd.s32 $0xFFFFFFFF  }
0xb5: {  	_ =	strace $0x90000051  }
0xb6: {  	_ =	sfence  }
0xb7: {  	s30 =	sld [smem:$0x0];
	_ =	sdelay $0x2  }
0xb8: {  	s31 =	sshll.u32 s1, $0xD;
	s1 =	sshrl.u32 s1, $0x2  }
0xb9: {  	s3 =	sand.u32 $0x4000, s31;
	s1 =	sadd.s32 s1, s30  }
0xba: {  	s0 =	sor.u32 s3, s0;
	s1 =	sshll.u32 s1, $0x11  }
0xbb: {  	s0 =	sor.u32 s1, s0  }
0xbc: {  	s0 =	sadd.s32 $0x8F2B, s0  }
0xbd: {  	[sflag:s0] =	ssyncadd.remote.s32 $0x1  }
0xbe: {  	_ =	sfence.sel $0xFFFF  }
0xbf: {  	[dreg:$0x0] =	wrdreg $0xFFFFFFFF;
	(pc) =	sbr.abs _section_cstart, $3  }
0xc0: {  	[dreg:$0x1] =	wrdreg $0xFFFFFFFF  }
0xc1: {  	_ =	task.clear_ibuf [dreg:s6], $0x2FFFF;
	_ =	strace $0x9FFFFFFF  }
0xc2: {  	(tm) =	ssettm $0x7FFFFFFF  }
0xc3: {  	_ =	shalt  }
tec
execute0_lowered:
.L_overlay_start_1:
0x0: {  	(tag) =	ssettag $0x1  }
0x1: {  	s0 =	srdreg.scid  }
0x2: {  	s14 =	stileid.u32;
	s6 =	rddreg [dreg:$0x0]  }
0x3: {  	s2 =	rddreg [dreg:$0x1];
	s3 =	simm.s32 $0x0;
	s15 =	simm.s32 $0x7  }
0x4: {  	s18 =	simm.s32 $0x50;
	s28 =	simm.s32 $0x3;
	s29 =	simm.s32 $0x2  }
0x5: {  	s30 =	simm.s32 $0x4;
	s31 =	simm.s32 $0x14E60;
	s8 =	smul.u32 $0x13880, s14  }
0x6: {  	s0 =	sand.u32 $0x1, s0;
	s1 =	sshll.u32 s14, $0x1;
	s25 =	smul.u32 $0x27100, s14  }
0x7: {  	[smem:$0x7FF] =	sst s3;
	s9 =	sshrl.u32 s14, $0x3;
	s7 =	smul.u32 $0x138800, s0  }
0x8: {  	s4 =	sadd.s32 $0x1A000, s6;
	s1 =	sor.u32 s0, s1;
	s11 =	smul.u32 $0xFFFD8F00, s9  }
0x9: {  	s12 =	sadd.s32 $0x542400, s6;
	s14 =	simm.s32 $0x13A60;
	s5 =	smul.u32 $0x4E2, s1  }
0xa: {  	_ =	strace $0x80000050;
	s0 =	ssub.s32 $0x2, s0;
	s10 =	smul.u32 $0x2710, s1  }
0xb: {  	p0 =	seq.s32 s9, $0x0;
	s20 =	sshrl.u32 s0, $0x1;
	s1 =	smul.u32 $0x27100, s1  }
0xc: {  	s26 =	sshrl.u32 s25, $0x2;
	s25 =	simm.s32 $0x12660;
	s19 =	sadd.s32 s8, s7  }
0xd: {  	s0 =	ssub.s32 s0, s20;
	s8 =	sadd.s32 $0x542408, s6;
	s20 =	simm.s32 $0x40  }
0xe: {  	s13 =	sadd.s32 s5, s6;
	s7 =	sshrl.u32 s19, $0x4;
	s5 =	sadd.s32 s11, s10  }
0xf: {  	s1 =	sadd.s32 s12, s1;
	s0 =	smax.u32 s0, $0x1;
	s19 =	simm.s32 $0xEA60  }
0x10: {  	s7 =	sadd.s32 s7, s6;
	s21 =	sadd.s32 $0x10200, s13;
	[dreg:$0x7] =	wrdreg s0  }
0x11: {  	s10 =	sshll.u32 s5, $0x4;
	s23 =	sadd.s32 $0x6400, s13;
	[dreg:$0x3] =	wrdreg s21  }
0x12: {  	s22 =	sand.u32 $0x1FFFFF00, s10;
	[dreg:$0x4] =	wrdreg s23;
	s24 =	sadd.s32 $0x500, s10  }
0x13: {  	s13 =	sadd.s32 $0x2DA00, s7;
	s21 =	simm.s32 $0x80;
	s6 =	sand.u32 $0x1FFFFF00, s24  }
0x14: {  	s11 =	sadd.s32 s22, s8;
	s22 =	simm.s32 $0x11260;
	s10 =	sadd.s32 s6, s8  }
0x15: {  	s6 =	sadd.s32 $0x500, s1;
	s11 =	smov.u32 @p0 s1;
	s8 =	smov.u32 @p0 s12  }
0x16: {  	s12 =	sadd.s32 s26, s2;
	[dreg:$0x5] =	wrdreg s11;
	s10 =	smov.u32 @p0 s6  }
0x17: {  	v0 =	vimm.bf16 $0.0e+00;
	s26 =	simm.s32 $0x1;
	s1 =	simm.s32 $0x0;
	[dreg:$0x6] =	wrdreg s10  }
.LBB2_1:
0x18: {  	[dreg:$0x8] =	wrdreg s1;
	s0 =	simm.s32 $0x0  }
.LBB2_2:
0x19: {  	p0 =	sne.s32 s0, $0x1800  }
.Ltmp0:
0x1a: {  	s1 =	sshra.s32 s0, $0x2;
	(pc) =	sbr.rel @p0 .LBB2_2-.Ltmp0, $4  }
0x1b: {  	[tilespmem:s1+$0x13A60] =	vst v0  }
0x1c: {  	[tilespmem:s1+$0x13A70] =	vst v0  }
0x1d: {  	[tilespmem:s1+$0x13A80] =	vst v0  }
0x1e: {  	s0 =	sadd.s32 $0x100, s0;
	[tilespmem:s1+$0x13A90] =	vst v0  }
0x1f: {  	s0 =	sadd.s32 $0x0, s12  }
0x20: {  	[spmem:s0] =	stream.linear.scatter [tilespmem:s14], [sflag:$0x7], $0x640, $0x38;
	[tilespmem:$0x16260] =	vst v63  }
0x21: {  	s0 =	simm.s32 $0x1900;
	_ =	swait.ge [sflag:s15], $0x640  }
.LBB2_4:
0x22: {  	s1 =	sshra.s32 s0, $0x2;
	[sflag:s15] =	ssyncset.done $0x0;
	p0 =	sne.s32 s0, $0x25800  }
.Ltmp1:
0x23: {  	s1 =	sadd.s32 s1, s12;
	[sflag:s15] =	ssyncadd.s32 $0xFFFFF9C0;
	(pc) =	sbr.rel @p0 .LBB2_4-.Ltmp1, $3  }
0x24: {  	[spmem:s1] =	stream.linear.scatter [tilespmem:s14], [sflag:$0x7], $0x640, $0x38;
	[tilespmem:$0x16260] =	vst v63  }
0x25: {  	s0 =	sadd.s32 $0x1900, s0;
	_ =	sdelay $0x1  }
0x26: {  	_ =	swait.ge [sflag:s15], $0x640  }
0x27: {  	[sflag:s15] =	ssyncset.done $0x0;
	s0 =	simm.s32 $0x0  }
0x28: {  	s1 =	rddreg [dreg:$0x3];
	s6 =	simm.s32 $0x9C40;
	[sflag:s15] =	ssyncadd.s32 $0xFFFFF9C0  }
0x29: {  	[tilespmem:s6], [sflag:$0x7] =	stream.linear.gather [hbm4b:s1+s0], $0x2710, $0x38;
	[tilespmem:$0x16260] =	vst v63  }
0x2a: {  	_ =	swait.ge [sflag:s15], $0x2710  }
0x2b: {  	[sflag:s15] =	ssyncset.done $0x0  }
0x2c: {  	s11 =	simm.s32 $0xC350;
	s10 =	rddreg [dreg:$0x4];
	[sflag:s15] =	ssyncadd.s32 $0xFFFFD8F0  }
0x2d: {  	[tilespmem:s11], [sflag:$0x7] =	stream.linear.gather [hbm4b:s10+s0], $0x2710, $0x38;
	[tilespmem:$0x16260] =	vst v63  }
0x2e: {  	_ =	swait.ge [sflag:s15], $0x2710  }
0x2f: {  	[sflag:s15] =	ssyncset.done $0x0  }
0x30: {  	[sflag:s15] =	ssyncadd.s32 $0xFFFFD8F0  }
0x31: {  	[bflag:$0x0] =	sbarrier.arrive $0xFFFF  }
0x32: {  	[tilespmem:s19], [sflag:$0x1] =	stream.indirect.gather [hbm4b:s4+s18], $0x40, s11, s18, $0xb8;
	[tilespmem:$0x16260] =	vst v63  }
0x33: {  	s16 =	rddreg [dreg:$0x5]  }
0x34: {  	[tilespmem:s22], [sflag:$0x3] =	stream.strided.gather [hbm4b:s16+s20], $0x1400, s21, s20, $0x38;
	[tilespmem:$0x16260] =	vst v63  }
0x35: {  	s17 =	simm.s32 $0xC3A0;
	s23 =	simm.s32 $0xFE60  }
0x36: {  	[tilespmem:s23], [sflag:$0x2] =	stream.indirect.gather [hbm4b:s4+s18], $0x40, s17, s18, $0xb8;
	[tilespmem:$0x16260] =	vst v63  }
0x37: {  	s24 =	rddreg [dreg:$0x6]  }
0x38: {  	[tilespmem:s25], [sflag:$0x4] =	stream.strided.gather [hbm4b:s24+s20], $0x1400, s21, s20, $0x38;
	[tilespmem:$0x16260] =	vst v63  }
.LBB2_6:
0x39: {  	_ =	swait.ge [sflag:s26], $0x1400  }
0x3a: {  	[sflag:s26] =	ssyncset.done $0x0  }
0x3b: {  	[sflag:s26] =	ssyncadd.s32 $0xFFFFEC00  }
0x3c: {  	_ =	swait.ge [sflag:s28], $0x1400  }
0x3d: {  	p0 =	seq.s32 s0, $0x0;
	[sflag:s28] =	ssyncset.done $0x0  }
0x3e: {  	s1 =	simm.s32 @!p0 $0x5;
	[sflag:s28] =	ssyncadd.s32 $0xFFFFEC00  }
0x3f: {  	_ =	swait.ge @!p0 [sflag:s1], $0x1400  }
0x40: {  	[sflag:s1] =	ssyncset.done @!p0 $0x0  }
0x41: {  	s6 =	simm.s32 $0xEAE0;
	[sflag:s1] =	ssyncadd.s32 @!p0 $0xFFFFEC00  }
0x42: {  	s9 =	simm.s32 $0x112E0;
	v1 =	vld [tilespmem:s6+$0x40]  }
0x43: {  	v2 =	vld [tilespmem:s9+$0x40]  }
0x44: {  	v3 =	vld [tilespmem:s9+$0xFFFFFF80]  }
0x45: {  	v4 =	vld [tilespmem:s6+$0xFFFFFFC0]  }
0x46: {  	v5 =	vld [tilespmem:s9+$0xFFFFFFC0]  }
0x47: {  	v6 =	vld [tilespmem:s6+$0x0]  }
0x48: {  	v7 =	vld [tilespmem:s9+$0x0];
	v1 =	vmul.bf16 v2, v1  }
0x49: {  	s7 =	simm.s32 $0x13AE0;
	v2 =	vld [tilespmem:s6+$0xFFFFFF80]  }
0x4a: {  	[tilespmem:s7+$0x40] =	vst v1  }
0x4b: {  	v1 =	vmul.bf16 v5, v4;
	v4 =	vld [tilespmem:s6+$0x50]  }
0x4c: {  	v5 =	vld [tilespmem:s9+$0x50]  }
0x4d: {  	[tilespmem:s7+$0xFFFFFFC0] =	vst v1;
	v1 =	vmul.bf16 v7, v6  }
0x4e: {  	v2 =	vmul.bf16 v3, v2;
	v3 =	vld [tilespmem:s6+$0xFFFFFFD0]  }
0x4f: {  	v6 =	vld [tilespmem:s9+$0xFFFFFFD0];
	[tilespmem:s7+$0x0] =	vst v1  }
0x50: {  	[tilespmem:s7+$0xFFFFFF80] =	vst v2;
	v1 =	vld [tilespmem:s6+$0x10]  }
0x51: {  	v2 =	vld [tilespmem:s6+$0xFFFFFF90];
	v4 =	vmul.bf16 v5, v4  }
0x52: {  	v5 =	vld [tilespmem:s9+$0xFFFFFF90]  }
0x53: {  	v7 =	vld [tilespmem:s9+$0x10];
	[tilespmem:s7+$0x50] =	vst v4  }
0x54: {  	v3 =	vmul.bf16 v6, v3;
	v4 =	vld [tilespmem:s6+$0x60]  }
0x55: {  	v6 =	vld [tilespmem:s9+$0x60]  }
0x56: {  	[tilespmem:s7+$0xFFFFFFD0] =	vst v3  }
0x57: {  	v2 =	vmul.bf16 v5, v2;
	v3 =	vld [tilespmem:s6+$0xFFFFFFE0]  }
0x58: {  	v5 =	vld [tilespmem:s9+$0xFFFFFFE0]  }
0x59: {  	v1 =	vmul.bf16 v7, v1;
	[tilespmem:s7+$0xFFFFFF90] =	vst v2  }
0x5a: {  	v7 =	vld [tilespmem:s6+$0xFFFFFFA0];
	v2 =	vmul.bf16 v6, v4  }
0x5b: {  	[tilespmem:s7+$0x10] =	vst v1;
	v8 =	vld [tilespmem:s9+$0xFFFFFFA0]  }
0x5c: {  	v1 =	vld [tilespmem:s6+$0x20];
	[tilespmem:s7+$0x60] =	vst v2  }
0x5d: {  	v4 =	vmul.bf16 v5, v3;
	v2 =	vld [tilespmem:s6+$0x70]  }
0x5e: {  	v3 =	vld [tilespmem:s9+$0x70]  }
0x5f: {  	v6 =	vld [tilespmem:s9+$0x20];
	[tilespmem:s7+$0xFFFFFFE0] =	vst v4  }
0x60: {  	s16 =	simm.s32 $0xEBE0;
	v4 =	vld [tilespmem:s6+$0xFFFFFFF0];
	v7 =	vmul.bf16 v8, v7  }
0x61: {  	s11 =	simm.s32 $0x112E0;
	s10 =	simm.s32 $0x13AE0;
	s1 =	simm.s32 $0x0;
	v5 =	vld [tilespmem:s9+$0xFFFFFFF0]  }
.LBB2_7:
0x62: {  	v8 =	vld [tilespmem:s16+$0x40];
	[tilespmem:s7+$0xFFFFFFA0] =	vst v7;
	s9 =	sadd.s32 $0x100, s9  }
0x63: {  	v7 =	vld [tilespmem:s9+$0x40];
	v2 =	vmul.bf16 v3, v2  }
0x64: {  	v3 =	vld [tilespmem:s9+$0xFFFFFF80];
	v1 =	vmul.bf16 v6, v1  }
0x65: {  	v6 =	vld [tilespmem:s16+$0xFFFFFFC0];
	[tilespmem:s7+$0x70] =	vst v2  }
0x66: {  	s1 =	sadd.s32 $0x4, s1;
	v2 =	vld [tilespmem:s9+$0xFFFFFFC0];
	v4 =	vmul.bf16 v5, v4;
	[tilespmem:s7+$0x20] =	vst v1  }
0x67: {  	p1 =	slt.u32 s1, $0x4C;
	v1 =	vld [tilespmem:s16+$0x0]  }
0x68: {  	v5 =	vld [tilespmem:s9+$0x0];
	v7 =	vmul.bf16 v7, v8;
	[tilespmem:s7+$0xFFFFFFF0] =	vst v4  }
0x69: {  	s7 =	sadd.s32 $0x100, s7;
	v4 =	vld [tilespmem:s16+$0xFFFFFF80]  }
0x6a: {  	[tilespmem:s7+$0x40] =	vst v7;
	v7 =	vld [tilespmem:s6+$0xFFFFFFB0]  }
0x6b: {  	v2 =	vmul.bf16 v2, v6;
	v6 =	vld [tilespmem:s16+$0x50]  }
0x6c: {  	v8 =	vld [tilespmem:s9+$0x50]  }
0x6d: {  	[tilespmem:s7+$0xFFFFFFC0] =	vst v2;
	v1 =	vmul.bf16 v5, v1;
	v2 =	vld [tilespmem:s11+$0xFFFFFFB0]  }
0x6e: {  	v3 =	vmul.bf16 v3, v4;
	v4 =	vld [tilespmem:s16+$0xFFFFFFD0]  }
0x6f: {  	v5 =	vld [tilespmem:s9+$0xFFFFFFD0];
	[tilespmem:s7+$0x0] =	vst v1  }
0x70: {  	[tilespmem:s7+$0xFFFFFF80] =	vst v3;
	v1 =	vld [tilespmem:s16+$0x10]  }
0x71: {  	v3 =	vld [tilespmem:s16+$0xFFFFFF90];
	v6 =	vmul.bf16 v8, v6  }
0x72: {  	v8 =	vld [tilespmem:s9+$0xFFFFFF90];
	v2 =	vmul.bf16 v2, v7  }
0x73: {  	v7 =	vld [tilespmem:s9+$0x10];
	[tilespmem:s7+$0x50] =	vst v6  }
0x74: {  	v4 =	vmul.bf16 v5, v4;
	v5 =	vld [tilespmem:s16+$0x60];
	[tilespmem:s10+$0xFFFFFFB0] =	vst v2  }
0x75: {  	v2 =	vld [tilespmem:s9+$0x60]  }
0x76: {  	[tilespmem:s7+$0xFFFFFFD0] =	vst v4;
	v4 =	vld [tilespmem:s6+$0x30];
	s6 =	smov.u32 s16  }
0x77: {  	v3 =	vmul.bf16 v8, v3;
	v6 =	vld [tilespmem:s16+$0xFFFFFFE0]  }
0x78: {  	v8 =	vld [tilespmem:s9+$0xFFFFFFE0];
	v1 =	vmul.bf16 v7, v1  }
0x79: {  	[tilespmem:s7+$0xFFFFFF90] =	vst v3;
	v7 =	vld [tilespmem:s11+$0x30];
	s11 =	smov.u32 s9  }
0x7a: {  	v9 =	vld [tilespmem:s16+$0xFFFFFFA0];
	[tilespmem:s7+$0x10] =	vst v1;
	v2 =	vmul.bf16 v2, v5  }
0x7b: {  	v5 =	vld [tilespmem:s9+$0xFFFFFFA0]  }
0x7c: {  	v1 =	vld [tilespmem:s16+$0x20];
	[tilespmem:s7+$0x60] =	vst v2  }
.Ltmp2:
0x7d: {  	v6 =	vmul.bf16 v8, v6;
	v2 =	vld [tilespmem:s16+$0x70];
	(pc) =	sbr.rel @p1 .LBB2_7-.Ltmp2, $4  }
0x7e: {  	v3 =	vld [tilespmem:s9+$0x70];
	v8 =	vmul.bf16 v7, v4  }
0x7f: {  	[tilespmem:s7+$0xFFFFFFE0] =	vst v6;
	v6 =	vld [tilespmem:s9+$0x20]  }
0x80: {  	v7 =	vmul.bf16 v5, v9;
	v4 =	vld [tilespmem:s16+$0xFFFFFFF0];
	[tilespmem:s10+$0x30] =	vst v8;
	s10 =	smov.u32 s7  }
0x81: {  	s16 =	sadd.s32 $0x100, s16;
	v5 =	vld [tilespmem:s9+$0xFFFFFFF0]  }
0x82: {  	_ =	sdelay $0x1  }
0x83: {  	[tilespmem:s7+$0xFFFFFFA0] =	vst v7;
	v1 =	vmul.bf16 v6, v1  }
0x84: {  	v6 =	vld [tilespmem:s6+$0xFFFFFFB0]  }
0x85: {  	[tilespmem:s7+$0x20] =	vst v1;
	v1 =	vld [tilespmem:s11+$0xFFFFFFB0]  }
0x86: {  	v7 =	vld [tilespmem:s6+$0x30]  }
0x87: {  	v8 =	vld [tilespmem:s11+$0x30];
	_ =	sdelay $0x1  }
0x88: {  	v2 =	vmul.bf16 v3, v2;
	s6 =	smul.u32 $0xA0, s0  }
0x89: {  	v3 =	vmul.bf16 v5, v4  }
0x8a: {  	[tilespmem:s7+$0x70] =	vst v2;
	s1 =	sadd.s32 s5, s6;
	v1 =	vmul.bf16 v1, v6  }
0x8b: {  	[tilespmem:s7+$0xFFFFFFF0] =	vst v3;
	s7 =	sshll.u32 s1, $0x4;
	v2 =	vmul.bf16 v8, v7  }
0x8c: {  	s1 =	sadd.s32 $0xA00, s7;
	[tilespmem:s10+$0xFFFFFFB0] =	vst v1  }
0x8d: {  	s9 =	smul.u32 $0x280, s0;
	s23 =	sadd.s32 $0xC3F0, s6;
	s1 =	sand.u32 $0x1FFFFF00, s1;
	[tilespmem:s10+$0x30] =	vst v2  }
0x8e: {  	[tilespmem:s19], [sflag:$0x1] =	stream.indirect.gather [hbm4b:s4+s18], $0x40, s23, s18, $0xb8;
	[tilespmem:$0x16260] =	vst v63  }
0x8f: {  	s17 =	sshra.s32 s9, $0x2;
	s1 =	sadd.s32 s8, s1  }
0x90: {  	[tilespmem:s22], [sflag:$0x3] =	stream.strided.gather [hbm4b:s1+s20], $0x1400, s21, s20, $0x38;
	[tilespmem:$0x16260] =	vst v63  }
0x91: {  	s24 =	sadd.s32 $0x9C40, s17  }
0x92: {  	[spmem:s2] =	stream.indirect.scatter.add.bf16 [tilespmem:s14], [sflag:$0x5], $0x40, s24, s18, $0xb8;
	[tilespmem:$0x16260] =	vst v63  }
0x93: {  	_ =	swait.ge [sflag:s29], $0x1400  }
0x94: {  	[sflag:s29] =	ssyncset.done $0x0  }
0x95: {  	[sflag:s29] =	ssyncadd.s32 $0xFFFFEC00  }
0x96: {  	_ =	swait.ge [sflag:s30], $0x1400  }
0x97: {  	[sflag:s30] =	ssyncset.done $0x0  }
0x98: {  	s1 =	simm.s32 @!p0 $0x6;
	[sflag:s30] =	ssyncadd.s32 $0xFFFFEC00  }
0x99: {  	_ =	swait.ge @!p0 [sflag:s1], $0x1400  }
0x9a: {  	[sflag:s1] =	ssyncset.done @!p0 $0x0  }
0x9b: {  	s11 =	simm.s32 $0xFEE0;
	[sflag:s1] =	ssyncadd.s32 @!p0 $0xFFFFEC00  }
0x9c: {  	s10 =	simm.s32 $0x126E0;
	v1 =	vld [tilespmem:s11+$0x40]  }
0x9d: {  	v2 =	vld [tilespmem:s10+$0x40]  }
0x9e: {  	v3 =	vld [tilespmem:s10+$0xFFFFFF80]  }
0x9f: {  	v4 =	vld [tilespmem:s11+$0xFFFFFFC0]  }
0xa0: {  	v5 =	vld [tilespmem:s10+$0xFFFFFFC0]  }
0xa1: {  	v6 =	vld [tilespmem:s11+$0x0]  }
0xa2: {  	v7 =	vld [tilespmem:s10+$0x0];
	v1 =	vmul.bf16 v2, v1  }
0xa3: {  	s9 =	simm.s32 $0x14EE0;
	v2 =	vld [tilespmem:s11+$0xFFFFFF80]  }
0xa4: {  	[tilespmem:s9+$0x40] =	vst v1  }
0xa5: {  	v1 =	vmul.bf16 v5, v4;
	v4 =	vld [tilespmem:s11+$0x50]  }
0xa6: {  	v5 =	vld [tilespmem:s10+$0x50]  }
0xa7: {  	[tilespmem:s9+$0xFFFFFFC0] =	vst v1;
	v1 =	vmul.bf16 v7, v6  }
0xa8: {  	v2 =	vmul.bf16 v3, v2;
	v3 =	vld [tilespmem:s11+$0xFFFFFFD0]  }
0xa9: {  	v6 =	vld [tilespmem:s10+$0xFFFFFFD0];
	[tilespmem:s9+$0x0] =	vst v1  }
0xaa: {  	[tilespmem:s9+$0xFFFFFF80] =	vst v2;
	v1 =	vld [tilespmem:s11+$0x10]  }
0xab: {  	v2 =	vld [tilespmem:s11+$0xFFFFFF90];
	v4 =	vmul.bf16 v5, v4  }
0xac: {  	v5 =	vld [tilespmem:s10+$0xFFFFFF90]  }
0xad: {  	v7 =	vld [tilespmem:s10+$0x10];
	[tilespmem:s9+$0x50] =	vst v4  }
0xae: {  	v3 =	vmul.bf16 v6, v3;
	v4 =	vld [tilespmem:s11+$0x60]  }
0xaf: {  	v6 =	vld [tilespmem:s10+$0x60]  }
0xb0: {  	[tilespmem:s9+$0xFFFFFFD0] =	vst v3  }
0xb1: {  	v2 =	vmul.bf16 v5, v2;
	v3 =	vld [tilespmem:s11+$0xFFFFFFE0]  }
0xb2: {  	v5 =	vld [tilespmem:s10+$0xFFFFFFE0]  }
0xb3: {  	v1 =	vmul.bf16 v7, v1;
	[tilespmem:s9+$0xFFFFFF90] =	vst v2  }
0xb4: {  	v7 =	vld [tilespmem:s11+$0xFFFFFFA0];
	v2 =	vmul.bf16 v6, v4  }
0xb5: {  	[tilespmem:s9+$0x10] =	vst v1;
	v8 =	vld [tilespmem:s10+$0xFFFFFFA0]  }
0xb6: {  	v1 =	vld [tilespmem:s11+$0x20];
	[tilespmem:s9+$0x60] =	vst v2  }
0xb7: {  	v4 =	vmul.bf16 v5, v3;
	v2 =	vld [tilespmem:s11+$0x70]  }
0xb8: {  	v3 =	vld [tilespmem:s10+$0x70]  }
0xb9: {  	v6 =	vld [tilespmem:s10+$0x20];
	[tilespmem:s9+$0xFFFFFFE0] =	vst v4  }
0xba: {  	s16 =	simm.s32 $0x14EE0;
	v4 =	vld [tilespmem:s11+$0xFFFFFFF0];
	v7 =	vmul.bf16 v8, v7  }
0xbb: {  	s23 =	simm.s32 $0x0;
	s24 =	simm.s32 $0xFFE0;
	s1 =	simm.s32 $0x126E0;
	v5 =	vld [tilespmem:s10+$0xFFFFFFF0]  }
.LBB2_9:
0xbc: {  	v8 =	vld [tilespmem:s24+$0x40];
	[tilespmem:s9+$0xFFFFFFA0] =	vst v7;
	s10 =	sadd.s32 $0x100, s10  }
0xbd: {  	v7 =	vld [tilespmem:s10+$0x40];
	v2 =	vmul.bf16 v3, v2  }
0xbe: {  	v3 =	vld [tilespmem:s10+$0xFFFFFF80];
	v1 =	vmul.bf16 v6, v1  }
0xbf: {  	v6 =	vld [tilespmem:s24+$0xFFFFFFC0];
	[tilespmem:s9+$0x70] =	vst v2  }
0xc0: {  	s23 =	sadd.s32 $0x4, s23;
	v2 =	vld [tilespmem:s10+$0xFFFFFFC0];
	v4 =	vmul.bf16 v5, v4;
	[tilespmem:s9+$0x20] =	vst v1  }
0xc1: {  	p0 =	slt.u32 s23, $0x4C;
	v1 =	vld [tilespmem:s24+$0x0]  }
0xc2: {  	v5 =	vld [tilespmem:s10+$0x0];
	v7 =	vmul.bf16 v7, v8;
	[tilespmem:s9+$0xFFFFFFF0] =	vst v4  }
0xc3: {  	s9 =	sadd.s32 $0x100, s9;
	v4 =	vld [tilespmem:s24+$0xFFFFFF80]  }
0xc4: {  	[tilespmem:s9+$0x40] =	vst v7;
	v7 =	vld [tilespmem:s11+$0xFFFFFFB0]  }
0xc5: {  	v2 =	vmul.bf16 v2, v6;
	v6 =	vld [tilespmem:s24+$0x50]  }
0xc6: {  	v8 =	vld [tilespmem:s10+$0x50]  }
0xc7: {  	[tilespmem:s9+$0xFFFFFFC0] =	vst v2;
	v1 =	vmul.bf16 v5, v1;
	v2 =	vld [tilespmem:s1+$0xFFFFFFB0]  }
0xc8: {  	v3 =	vmul.bf16 v3, v4;
	v4 =	vld [tilespmem:s24+$0xFFFFFFD0]  }
0xc9: {  	v5 =	vld [tilespmem:s10+$0xFFFFFFD0];
	[tilespmem:s9+$0x0] =	vst v1  }
0xca: {  	[tilespmem:s9+$0xFFFFFF80] =	vst v3;
	v1 =	vld [tilespmem:s24+$0x10]  }
0xcb: {  	v3 =	vld [tilespmem:s24+$0xFFFFFF90];
	v6 =	vmul.bf16 v8, v6  }
0xcc: {  	v8 =	vld [tilespmem:s10+$0xFFFFFF90];
	v2 =	vmul.bf16 v2, v7  }
0xcd: {  	v7 =	vld [tilespmem:s10+$0x10];
	[tilespmem:s9+$0x50] =	vst v6  }
0xce: {  	v4 =	vmul.bf16 v5, v4;
	v5 =	vld [tilespmem:s24+$0x60];
	[tilespmem:s16+$0xFFFFFFB0] =	vst v2  }
0xcf: {  	v2 =	vld [tilespmem:s10+$0x60]  }
0xd0: {  	[tilespmem:s9+$0xFFFFFFD0] =	vst v4;
	v4 =	vld [tilespmem:s11+$0x30];
	s11 =	smov.u32 s24  }
0xd1: {  	v3 =	vmul.bf16 v8, v3;
	v6 =	vld [tilespmem:s24+$0xFFFFFFE0]  }
0xd2: {  	v8 =	vld [tilespmem:s10+$0xFFFFFFE0];
	v1 =	vmul.bf16 v7, v1  }
0xd3: {  	[tilespmem:s9+$0xFFFFFF90] =	vst v3;
	v7 =	vld [tilespmem:s1+$0x30];
	s1 =	smov.u32 s10  }
0xd4: {  	v9 =	vld [tilespmem:s24+$0xFFFFFFA0];
	[tilespmem:s9+$0x10] =	vst v1;
	v2 =	vmul.bf16 v2, v5  }
0xd5: {  	v5 =	vld [tilespmem:s10+$0xFFFFFFA0]  }
0xd6: {  	v1 =	vld [tilespmem:s24+$0x20];
	[tilespmem:s9+$0x60] =	vst v2  }
.Ltmp3:
0xd7: {  	v6 =	vmul.bf16 v8, v6;
	v2 =	vld [tilespmem:s24+$0x70];
	(pc) =	sbr.rel @p0 .LBB2_9-.Ltmp3, $4  }
0xd8: {  	v3 =	vld [tilespmem:s10+$0x70];
	v8 =	vmul.bf16 v7, v4  }
0xd9: {  	[tilespmem:s9+$0xFFFFFFE0] =	vst v6;
	v6 =	vld [tilespmem:s10+$0x20]  }
0xda: {  	v7 =	vmul.bf16 v5, v9;
	v4 =	vld [tilespmem:s24+$0xFFFFFFF0];
	[tilespmem:s16+$0x30] =	vst v8;
	s16 =	smov.u32 s9  }
0xdb: {  	s24 =	sadd.s32 $0x100, s24;
	v5 =	vld [tilespmem:s10+$0xFFFFFFF0]  }
0xdc: {  	_ =	sdelay $0x1  }
0xdd: {  	[tilespmem:s9+$0xFFFFFFA0] =	vst v7;
	v1 =	vmul.bf16 v6, v1  }
0xde: {  	v62 =	vld [tilespmem:s11+$0xFFFFFFB0]  }
0xdf: {  	[tilespmem:s9+$0x20] =	vst v1;
	v1 =	vld [tilespmem:s1+$0xFFFFFFB0]  }
0xe0: {  	v63 =	vld [tilespmem:s11+$0x30]  }
0xe1: {  	v8 =	vld [tilespmem:s1+$0x30];
	_ =	sdelay $0x1  }
0xe2: {  	p0 =	seq.s32 s0, $0x3D;
	v2 =	vmul.bf16 v3, v2  }
.Ltmp4:
0xe3: {  	v3 =	vmul.bf16 v5, v4;
	(pc) =	sbr.rel @p0 .LBB2_12-.Ltmp4, $4  }
0xe4: {  	[tilespmem:s9+$0x70] =	vst v2;
	v1 =	vmul.bf16 v1, v62  }
0xe5: {  	[tilespmem:s9+$0xFFFFFFF0] =	vst v3;
	v2 =	vmul.bf16 v8, v63  }
0xe6: {  	[tilespmem:s16+$0xFFFFFFB0] =	vst v1  }
0xe7: {  	s1 =	sadd.s32 $0x9C90, s17;
	[tilespmem:s16+$0x30] =	vst v2  }
0xe8: {  	s6 =	sadd.s32 $0xC440, s6;
	s9 =	simm.s32 $0xFE60;
	s24 =	sadd.s32 $0xF00, s7  }
0xe9: {  	[tilespmem:s9], [sflag:$0x2] =	stream.indirect.gather [hbm4b:s4+s18], $0x40, s6, s18, $0xb8;
	[tilespmem:$0x16260] =	vst v63  }
.Ltmp5:
0xea: {  	s6 =	sand.u32 $0x1FFFFF00, s24;
	(pc) =	sbr.rel .LBB2_6-.Ltmp5, $4  }
0xeb: {  	s6 =	sadd.s32 s8, s6  }
0xec: {  	[tilespmem:s25], [sflag:$0x4] =	stream.strided.gather [hbm4b:s6+s20], $0x1400, s21, s20, $0x38;
	[tilespmem:$0x16260] =	vst v63  }
0xed: {  	s0 =	sadd.s32 $0x1, s0  }
0xee: {  	[spmem:s2] =	stream.indirect.scatter.add.bf16 [tilespmem:s31], [sflag:$0x6], $0x40, s1, s18, $0xb8;
	[tilespmem:$0x16260] =	vst v63  }
.LBB2_12:
0xef: {  	[spmem:s2] =	stream.indirect.scatter.add.bf16 [tilespmem:s31], [sflag:$0x6], $0x40, s1, s18, $0xb8;
	[tilespmem:$0x16260] =	vst v63  }
0xf0: {  	_ =	swait.ge [sflag:s26], $0x1400  }
0xf1: {  	[sflag:s26] =	ssyncset.done $0x0  }
0xf2: {  	[sflag:s26] =	ssyncadd.s32 $0xFFFFEC00  }
0xf3: {  	_ =	swait.ge [sflag:s28], $0x1400  }
0xf4: {  	[sflag:s28] =	ssyncset.done $0x0  }
0xf5: {  	s16 =	simm.s32 $0x5;
	[sflag:s28] =	ssyncadd.s32 $0xFFFFEC00  }
0xf6: {  	_ =	swait.ge [sflag:s16], $0x1400  }
0xf7: {  	[sflag:s16] =	ssyncset.done $0x0  }
0xf8: {  	s0 =	simm.s32 $0xEAE0;
	[sflag:s16] =	ssyncadd.s32 $0xFFFFEC00  }
0xf9: {  	s7 =	simm.s32 $0x112E0;
	v1 =	vld [tilespmem:s0+$0x40]  }
0xfa: {  	v2 =	vld [tilespmem:s7+$0x40]  }
0xfb: {  	v3 =	vld [tilespmem:s7+$0xFFFFFF80]  }
0xfc: {  	v4 =	vld [tilespmem:s0+$0xFFFFFFC0]  }
0xfd: {  	v5 =	vld [tilespmem:s7+$0xFFFFFFC0]  }
0xfe: {  	v6 =	vld [tilespmem:s0+$0x0]  }
0xff: {  	v7 =	vld [tilespmem:s7+$0x0];
	v1 =	vmul.bf16 v2, v1  }
0x100: {  	s6 =	simm.s32 $0x13AE0;
	v2 =	vld [tilespmem:s0+$0xFFFFFF80]  }
0x101: {  	[tilespmem:s6+$0x40] =	vst v1  }
0x102: {  	v1 =	vmul.bf16 v5, v4;
	v4 =	vld [tilespmem:s0+$0x50]  }
0x103: {  	v5 =	vld [tilespmem:s7+$0x50]  }
0x104: {  	[tilespmem:s6+$0xFFFFFFC0] =	vst v1;
	v1 =	vmul.bf16 v7, v6  }
0x105: {  	v2 =	vmul.bf16 v3, v2;
	v3 =	vld [tilespmem:s0+$0xFFFFFFD0]  }
0x106: {  	v6 =	vld [tilespmem:s7+$0xFFFFFFD0];
	[tilespmem:s6+$0x0] =	vst v1  }
0x107: {  	[tilespmem:s6+$0xFFFFFF80] =	vst v2;
	v1 =	vld [tilespmem:s0+$0x10]  }
0x108: {  	v2 =	vld [tilespmem:s0+$0xFFFFFF90];
	v4 =	vmul.bf16 v5, v4  }
0x109: {  	v5 =	vld [tilespmem:s7+$0xFFFFFF90]  }
0x10a: {  	v7 =	vld [tilespmem:s7+$0x10];
	[tilespmem:s6+$0x50] =	vst v4  }
0x10b: {  	v3 =	vmul.bf16 v6, v3;
	v4 =	vld [tilespmem:s0+$0x60]  }
0x10c: {  	v6 =	vld [tilespmem:s7+$0x60]  }
0x10d: {  	[tilespmem:s6+$0xFFFFFFD0] =	vst v3  }
0x10e: {  	v2 =	vmul.bf16 v5, v2;
	v3 =	vld [tilespmem:s0+$0xFFFFFFE0]  }
0x10f: {  	v5 =	vld [tilespmem:s7+$0xFFFFFFE0]  }
0x110: {  	v1 =	vmul.bf16 v7, v1;
	[tilespmem:s6+$0xFFFFFF90] =	vst v2  }
0x111: {  	v7 =	vld [tilespmem:s0+$0xFFFFFFA0];
	v2 =	vmul.bf16 v6, v4  }
0x112: {  	[tilespmem:s6+$0x10] =	vst v1;
	v8 =	vld [tilespmem:s7+$0xFFFFFFA0]  }
0x113: {  	v1 =	vld [tilespmem:s0+$0x20];
	[tilespmem:s6+$0x60] =	vst v2  }
0x114: {  	v4 =	vmul.bf16 v5, v3;
	v2 =	vld [tilespmem:s0+$0x70]  }
0x115: {  	v3 =	vld [tilespmem:s7+$0x70]  }
0x116: {  	v6 =	vld [tilespmem:s7+$0x20];
	[tilespmem:s6+$0xFFFFFFE0] =	vst v4  }
0x117: {  	s10 =	simm.s32 $0x0;
	v4 =	vld [tilespmem:s0+$0xFFFFFFF0];
	v7 =	vmul.bf16 v8, v7  }
0x118: {  	s11 =	simm.s32 $0xEBE0;
	s1 =	simm.s32 $0x112E0;
	s9 =	simm.s32 $0x13AE0;
	v5 =	vld [tilespmem:s7+$0xFFFFFFF0]  }
.LBB2_13:
0x119: {  	v8 =	vld [tilespmem:s11+$0x40];
	[tilespmem:s6+$0xFFFFFFA0] =	vst v7;
	s7 =	sadd.s32 $0x100, s7  }
0x11a: {  	v7 =	vld [tilespmem:s7+$0x40];
	v2 =	vmul.bf16 v3, v2  }
0x11b: {  	v3 =	vld [tilespmem:s7+$0xFFFFFF80];
	v1 =	vmul.bf16 v6, v1  }
0x11c: {  	v6 =	vld [tilespmem:s11+$0xFFFFFFC0];
	[tilespmem:s6+$0x70] =	vst v2  }
0x11d: {  	s10 =	sadd.s32 $0x4, s10;
	v2 =	vld [tilespmem:s7+$0xFFFFFFC0];
	v4 =	vmul.bf16 v5, v4;
	[tilespmem:s6+$0x20] =	vst v1  }
0x11e: {  	p0 =	slt.u32 s10, $0x4C;
	v1 =	vld [tilespmem:s11+$0x0]  }
0x11f: {  	v5 =	vld [tilespmem:s7+$0x0];
	v7 =	vmul.bf16 v7, v8;
	[tilespmem:s6+$0xFFFFFFF0] =	vst v4  }
0x120: {  	s6 =	sadd.s32 $0x100, s6;
	v4 =	vld [tilespmem:s11+$0xFFFFFF80]  }
0x121: {  	[tilespmem:s6+$0x40] =	vst v7;
	v7 =	vld [tilespmem:s0+$0xFFFFFFB0]  }
0x122: {  	v2 =	vmul.bf16 v2, v6;
	v6 =	vld [tilespmem:s11+$0x50]  }
0x123: {  	v8 =	vld [tilespmem:s7+$0x50]  }
0x124: {  	[tilespmem:s6+$0xFFFFFFC0] =	vst v2;
	v1 =	vmul.bf16 v5, v1;
	v2 =	vld [tilespmem:s1+$0xFFFFFFB0]  }
0x125: {  	v3 =	vmul.bf16 v3, v4;
	v4 =	vld [tilespmem:s11+$0xFFFFFFD0]  }
0x126: {  	v5 =	vld [tilespmem:s7+$0xFFFFFFD0];
	[tilespmem:s6+$0x0] =	vst v1  }
0x127: {  	[tilespmem:s6+$0xFFFFFF80] =	vst v3;
	v1 =	vld [tilespmem:s11+$0x10]  }
0x128: {  	v3 =	vld [tilespmem:s11+$0xFFFFFF90];
	v6 =	vmul.bf16 v8, v6  }
0x129: {  	v8 =	vld [tilespmem:s7+$0xFFFFFF90];
	v2 =	vmul.bf16 v2, v7  }
0x12a: {  	v7 =	vld [tilespmem:s7+$0x10];
	[tilespmem:s6+$0x50] =	vst v6  }
0x12b: {  	v4 =	vmul.bf16 v5, v4;
	v5 =	vld [tilespmem:s11+$0x60];
	[tilespmem:s9+$0xFFFFFFB0] =	vst v2  }
0x12c: {  	v2 =	vld [tilespmem:s7+$0x60]  }
0x12d: {  	[tilespmem:s6+$0xFFFFFFD0] =	vst v4;
	v4 =	vld [tilespmem:s0+$0x30];
	s0 =	smov.u32 s11  }
0x12e: {  	v3 =	vmul.bf16 v8, v3;
	v6 =	vld [tilespmem:s11+$0xFFFFFFE0]  }
0x12f: {  	v8 =	vld [tilespmem:s7+$0xFFFFFFE0];
	v1 =	vmul.bf16 v7, v1  }
0x130: {  	[tilespmem:s6+$0xFFFFFF90] =	vst v3;
	v7 =	vld [tilespmem:s1+$0x30];
	s1 =	smov.u32 s7  }
0x131: {  	v9 =	vld [tilespmem:s11+$0xFFFFFFA0];
	[tilespmem:s6+$0x10] =	vst v1;
	v2 =	vmul.bf16 v2, v5  }
0x132: {  	v5 =	vld [tilespmem:s7+$0xFFFFFFA0]  }
0x133: {  	v1 =	vld [tilespmem:s11+$0x20];
	[tilespmem:s6+$0x60] =	vst v2  }
.Ltmp6:
0x134: {  	v6 =	vmul.bf16 v8, v6;
	v2 =	vld [tilespmem:s11+$0x70];
	(pc) =	sbr.rel @p0 .LBB2_13-.Ltmp6, $4  }
0x135: {  	v3 =	vld [tilespmem:s7+$0x70];
	v8 =	vmul.bf16 v7, v4  }
0x136: {  	[tilespmem:s6+$0xFFFFFFE0] =	vst v6;
	v6 =	vld [tilespmem:s7+$0x20]  }
0x137: {  	v7 =	vmul.bf16 v5, v9;
	v4 =	vld [tilespmem:s11+$0xFFFFFFF0];
	[tilespmem:s9+$0x30] =	vst v8;
	s9 =	smov.u32 s6  }
0x138: {  	s11 =	sadd.s32 $0x100, s11;
	v5 =	vld [tilespmem:s7+$0xFFFFFFF0]  }
0x139: {  	_ =	sdelay $0x1  }
0x13a: {  	[tilespmem:s6+$0xFFFFFFA0] =	vst v7;
	v1 =	vmul.bf16 v6, v1  }
0x13b: {  	v62 =	vld [tilespmem:s0+$0xFFFFFFB0]  }
0x13c: {  	[tilespmem:s6+$0x20] =	vst v1;
	v1 =	vld [tilespmem:s1+$0xFFFFFFB0]  }
0x13d: {  	v63 =	vld [tilespmem:s0+$0x30]  }
0x13e: {  	v8 =	vld [tilespmem:s1+$0x30];
	_ =	sdelay $0x1  }
0x13f: {  	v2 =	vmul.bf16 v3, v2  }
0x140: {  	v3 =	vmul.bf16 v5, v4  }
0x141: {  	[tilespmem:s6+$0x70] =	vst v2;
	v1 =	vmul.bf16 v1, v62  }
0x142: {  	[tilespmem:s6+$0xFFFFFFF0] =	vst v3;
	v2 =	vmul.bf16 v8, v63  }
0x143: {  	[tilespmem:s9+$0xFFFFFFB0] =	vst v1  }
0x144: {  	s17 =	simm.s32 $0xC300;
	s23 =	simm.s32 $0x6;
	[tilespmem:s9+$0x30] =	vst v2  }
0x145: {  	[spmem:s2] =	stream.indirect.scatter.add.bf16 [tilespmem:s14], [sflag:$0x5], $0x40, s17, s18, $0xb8;
	[tilespmem:$0x16260] =	vst v63  }
0x146: {  	_ =	swait.ge [sflag:s23], $0x1400  }
0x147: {  	[sflag:s23] =	ssyncset.done $0x0  }
0x148: {  	[sflag:s23] =	ssyncadd.s32 $0xFFFFEC00  }
0x149: {  	_ =	swait.ge [sflag:s16], $0x1400  }
0x14a: {  	[sflag:s16] =	ssyncset.done $0x0  }
0x14b: {  	[sflag:s16] =	ssyncadd.s32 $0xFFFFEC00  }
0x14c: {  	[bflag:$0x0] =	sbarrier.arrive $0xFFFF  }
0x14d: {  	[tilespmem:s14], [sflag:$0x7] =	stream.linear.gather [spmem:s12], $0x640, $0x38;
	[tilespmem:$0x16260] =	vst v63  }
0x14e: {  	_ =	swait.ge [sflag:s15], $0x640  }
0x14f: {  	[sflag:s15] =	ssyncset.done $0x0  }
0x150: {  	s24 =	sadd.s32 $0x0, s13;
	[sflag:s15] =	ssyncadd.s32 $0xFFFFF9C0  }
0x151: {  	[hbm4b:s24+s3] =	stream.linear.scatter [tilespmem:s14], [sflag:$0x7], $0x640, $0x38;
	[tilespmem:$0x16260] =	vst v63  }
0x152: {  	_ =	swait.ge [sflag:s15], $0x640  }
0x153: {  	s0 =	simm.s32 $0xC8;
	s1 =	smov.u32 s12;
	[sflag:s15] =	ssyncset.done $0x0  }
.LBB2_15:
0x154: {  	p0 =	sne.s32 s0, $0x12C0;
	[sflag:s15] =	ssyncadd.s32 $0xFFFFF9C0;
	s1 =	sadd.s32 $0x640, s1  }
0x155: {  	[tilespmem:s14], [sflag:$0x7] =	stream.linear.gather [spmem:s1], $0x640, $0x38;
	[tilespmem:$0x16260] =	vst v63  }
0x156: {  	s6 =	smov.u32 s0;
	s0 =	sadd.s32 $0xC8, s0;
	_ =	swait.ge [sflag:s15], $0x640  }
.Ltmp7:
0x157: {  	[sflag:s15] =	ssyncset.done $0x0;
	(pc) =	sbr.rel @p0 .LBB2_15-.Ltmp7, $4  }
0x158: {  	s6 =	sadd.s32 s6, s13;
	[sflag:s15] =	ssyncadd.s32 $0xFFFFF9C0  }
0x159: {  	[hbm4b:s6+s3] =	stream.linear.scatter [tilespmem:s14], [sflag:$0x7], $0x640, $0x38;
	[tilespmem:$0x16260] =	vst v63  }
0x15a: {  	_ =	swait.ge [sflag:s15], $0x640  }
0x15b: {  	[sflag:s15] =	ssyncset.done $0x0  }
0x15c: {  	s1 =	rddreg [dreg:$0x8]  }
0x15d: {  	s0 =	rddreg [dreg:$0x7];
	s1 =	sadd.s32 $0x1, s1  }
0x15e: {  	p0 =	sne.s32 s1, s0  }
.Ltmp8:
0x15f: {  	_ = 	snop;
	(pc) =	sbr.rel @p0 .LBB2_1-.Ltmp8, $2  }
0x160: {  	_ =	sdelay $0x2  }
0x161: {  	[sflag:s15] =	ssyncadd.s32 $0xFFFFF9C0  }
0x162: {  	_ =	sfence.sel $0x180000  }
0x163: {  	[bflag:$0x0] =	sbarrier.arrive $0xFFFF  }
0x164: {  	_ =	strace $0x90000050  }
0x165: {  	s0 =	stileid.u32;
	[bflag:$0x2] =	sbarrier.arrive $0xFFFF  }
0x166: {  	p0 =	sne.s32 s0, $0x0;
	s0 =	rddreg [dreg:$0x2]  }
0x167: {  	s0 =	sadd.s32 @!p0 $0x100000, s0  }
0x168: {  	[sflag:s0] =	ssyncadd.tile.s32 @!p0 $0x1;
	_ =	shalt  }
.Lfunc_end2:
_tile_overlayer_lowered:
.L_overlay_start_2:
0x169: {  	(tag) =	ssettag $0x2  }
0x16a: {  	s0 =	rddreg [dreg:$0x0];
	s2 =	stileid.u32  }
0x16b: {  	s1 =	rddreg [dreg:$0x1];
	p0 =	sne.s32 s2, $0x0  }
0x16c: {  	s3 =	rddreg [dreg:$0x2];
	[bflag:$0x3] =	sbarrier.arrive $0xFFFF;
	s2 =	simm.s32 @!p0 $0x1C07  }
0x16d: {  	[timem:s3], [sflag:s2] =	dma.local @!p0 [hbm:s0], s1  }
0x16e: {  	s0 =	simm.s32 @!p0 $0x7  }
0x16f: {  	_ =	swait.ge @!p0 [sflag:s0], s1  }
0x170: {  	s1 =	ssub.s32 @!p0 $0x0, s1;
	[sflag:s0] =	ssyncset.done @!p0 $0x0  }
0x171: {  	[sflag:s0] =	ssyncadd.s32 @!p0 s1  }
0x172: {  	[bflag:$0x3] =	sbarrier.arrive $0xFFFF  }
0x173: {  	_ =	shalt  }

</sc_bundles>
